<compile_context>
chip_gen: v7x
topology: tpu7x:2x2x1
jax: 0.10.2.dev20260603
libtpu: 0.0.44.dev20260713+nightly
codegen_flags: <defaults>
</compile_context>

<pallas_src>
import functools

import jax
import jax.numpy as jnp
from jax import lax
from jax.experimental import pallas as pl
from jax.experimental.pallas import tpu as pltpu
from jax.experimental.pallas import tpu_sc as plsc

_B, _C, _H, _W = 8, 19, 512, 512
_N = _B * _H * _W
_K = max(int(0.3 * _N), min(100000, _N))
_KF = float(_K)

_BH = 256
_ROWS = _B * _H

_NS = 16
_CHUNK = _N // _NS
_NCH = 4
_CV = _CHUNK // _NCH
_T = 128
_LO0, _HI0 = 0.0, 16.0
_D1 = (_HI0 - _LO0) / _T
_HW = _T * 16
_NH = 1
_SUB = 2 * _HW


def _ce_body(logits_ref, labels_ref, out_ref):
    lab = labels_ref[0]
    s = jnp.zeros((_BH, _W), jnp.float32)
    picked = jnp.zeros((_BH, _W), jnp.float32)
    for c in range(_C):
        xc = logits_ref[0, c]
        s = s + jnp.exp(xc)
        picked = picked + jnp.where(lab == c, xc, 0.0)
    out_ref[...] = jnp.log(s) - picked


def _sc_sel_body(nll_hbm, nllb_hbm, out_hbm, buf, hist, mrg, tmp, acc, stage,
                 sh_all, sh_mrg, sem0, sem1):
    s = lax.axis_index("s")
    c = lax.axis_index("c")
    base = s * (_CHUNK // 2)
    lane = lax.iota(jnp.int32, 16)
    ones = jnp.full((16,), 1.0, jnp.float32)
    sems = (sem0, sem1)

    lane_offs = [lane + h * _SUB for h in range(_NH)]

    def zero_hist():
        @plsc.parallel_loop(0, _NH * _SUB // 64, unroll=4)
        def _z(j):
            for q in range(4):
                hist[pl.ds(j * 64 + q * 16, 16)] = jnp.zeros((16,),
                                                             jnp.float32)

    def hist_pass(lo, scale, with_sum):
        def src(ch):
            ref = nll_hbm if ch < _NCH // 2 else nllb_hbm
            off = base + (ch % (_NCH // 2)) * _CV
            return ref.at[pl.ds(off, _CV)]

        cps = [pltpu.async_copy(src(0), buf.at[pl.ds(0, _CV)], sems[0])]
        for ch in range(_NCH):
            if ch + 1 < _NCH:
                nxt = (ch + 1) % 2
                cps.append(pltpu.async_copy(
                    src(ch + 1), buf.at[pl.ds(nxt * _CV, _CV)], sems[nxt]))
            cps[ch].wait()
            boff = (ch % 2) * _CV

            @plsc.parallel_loop(0, _CV // (16 * _NH), unroll=4)
            def _c(i):
                for h in range(_NH):
                    v = buf[pl.ds(boff + (i * _NH + h) * 16, 16)]
                    t = (v - lo) * scale
                    idx = jnp.minimum(t.astype(jnp.int32), _T - 1)
                    fidx = idx * 16 + lane_offs[h]
                    if with_sum:
                        msk = v >= lo
                        plsc.addupdate_scatter(hist, [fidx], ones, mask=msk)
                        plsc.addupdate_scatter(hist, [fidx + _HW], v,
                                               mask=msk)
                    else:
                        plsc.addupdate_scatter(hist, [fidx], ones)

    def reduce_subhists(nwords):
        @plsc.parallel_loop(0, nwords // 16, unroll=4)
        def _r(j):
            o = j * 16
            acc16 = hist[pl.ds(o, 16)]
            for h in range(1, _NH):
                acc16 = acc16 + hist[pl.ds(h * _SUB + o, 16)]
            hist[pl.ds(o, 16)] = acc16

    def merge(nwords):
        share = nwords // _NS
        pltpu.sync_copy(hist.at[pl.ds(0, nwords)],
                        sh_all.at[pl.ds(s * _SUB, nwords)])
        plsc.subcore_barrier()
        for t in range(_NS):
            if t == 0:
                pltpu.sync_copy(sh_all.at[pl.ds(s * share, share)],
                                acc.at[pl.ds(0, share)])
            else:
                pltpu.sync_copy(sh_all.at[pl.ds(t * _SUB + s * share,
                                                share)],
                                tmp.at[pl.ds(0, share)])

                def abody(r, _):
                    o = r * 16
                    acc[pl.ds(o, 16)] = acc[pl.ds(o, 16)] + tmp[pl.ds(o, 16)]
                    return 0
                lax.fori_loop(0, share // 16, abody, 0)
        pltpu.sync_copy(acc.at[pl.ds(0, share)],
                        sh_mrg.at[pl.ds(s * share, share)])
        plsc.subcore_barrier()
        pltpu.sync_copy(sh_mrg.at[pl.ds(0, nwords)], mrg.at[pl.ds(0, nwords)])

    zero_hist()
    hist_pass(_LO0, 1.0 / _D1, False)
    reduce_subhists(_HW)
    merge(_HW)

    def scan1(tt, carry):
        run, jstar = carry
        j = _T - 1 - tt
        run = run + jnp.sum(mrg[pl.ds(j * 16, 16)])
        hit = jnp.logical_and(run >= _KF, jstar < 0)
        jstar = jnp.where(hit, j, jstar)
        return run, jstar
    _, j1 = lax.fori_loop(0, _T, scan1, (jnp.float32(0.0), jnp.int32(-1)))

    lo2 = _LO0 + j1.astype(jnp.float32) * _D1
    d2 = _D1 / _T

    zero_hist()
    hist_pass(lo2, 1.0 / d2, True)
    reduce_subhists(2 * _HW)
    merge(2 * _HW)

    def scan2(tt, carry):
        runc, runs, jstar, keptc, kepts = carry
        j = _T - 1 - tt
        runc = runc + jnp.sum(mrg[pl.ds(j * 16, 16)])
        runs = runs + jnp.sum(mrg[pl.ds(_HW + j * 16, 16)])
        hit = jnp.logical_and(runc >= _KF, jstar < 0)
        jstar = jnp.where(hit, j, jstar)
        keptc = jnp.where(hit, runc, keptc)
        kepts = jnp.where(hit, runs, kepts)
        return runc, runs, jstar, keptc, kepts
    _, _, _, keptc, kepts = lax.fori_loop(
        0, _T, scan2,
        (jnp.float32(0.0), jnp.float32(0.0), jnp.int32(-1),
         jnp.float32(1.0), jnp.float32(0.0)))

    @pl.when(jnp.logical_and(c == 0, s == 0))
    def _():
        stage[...] = (jnp.full((16,), kepts, jnp.float32)
                      / jnp.full((16,), keptc, jnp.float32))
        pltpu.sync_copy(stage, out_hbm)


def kernel(logits, labels):
    logits32 = logits.astype(jnp.float32)
    hb = _H // _BH

    def ce_half(b_off):
        return pl.pallas_call(
            _ce_body,
            grid=(_B // 2, hb),
            in_specs=[
                pl.BlockSpec((1, _C, _BH, _W),
                             lambda b, h, o=b_off: (b + o, 0, h, 0)),
                pl.BlockSpec((1, _BH, _W),
                             lambda b, h, o=b_off: (b + o, h, 0)),
            ],
            out_specs=pl.BlockSpec((_BH, _W), lambda b, h: (b * hb + h, 0)),
            out_shape=jax.ShapeDtypeStruct((_ROWS // 2, _W), jnp.float32),
        )(logits32, labels)

    nll_a = ce_half(0)
    nll_b = ce_half(_B // 2)

    sel = pl.kernel(
        _sc_sel_body,
        out_type=jax.ShapeDtypeStruct((16,), jnp.float32),
        mesh=plsc.VectorSubcoreMesh(core_axis_name="c", subcore_axis_name="s"),
        compiler_params=pltpu.CompilerParams(needs_layout_passes=False),
        scratch_types=[
            pltpu.VMEM((2 * _CV,), jnp.float32),
            pltpu.VMEM((_NH * _SUB,), jnp.float32),
            pltpu.VMEM((2 * _HW,), jnp.float32),
            pltpu.VMEM((2 * _HW // _NS,), jnp.float32),
            pltpu.VMEM((2 * _HW // _NS,), jnp.float32),
            pltpu.VMEM((16,), jnp.float32),
            pltpu.VMEM_SHARED((_NS * _SUB,), jnp.float32),
            pltpu.VMEM_SHARED((2 * _HW,), jnp.float32),
            pltpu.SemaphoreType.DMA,
            pltpu.SemaphoreType.DMA,
        ],
    )(nll_a.reshape(_N // 2), nll_b.reshape(_N // 2))
    return sel[0]

# --- scband reference (transcript-rebuilt; emitter-appended) ---
"""Pipeline reference for scband-ohemloss-48962627175137 (READ-ONLY COPY).

The authoritative reference and input builder live on the scoring server;
editing this copy changes nothing except your own understanding.
"""

import jax, jax.numpy as jnp
import numpy as np

IGNORE_INDEX = 255
KEEP_RATIO = 0.3
MIN_KEPT = 100000

B, C, H, W = 8, 19, 512, 512


def setup_inputs(seed: int = 0) -> dict:
    key = jax.random.key(seed)
    k1, k2 = jax.random.split(key)
    logits = jax.random.normal(k1, (B, C, H, W), dtype=jnp.float32)
    labels = jax.random.randint(k2, (B, H, W), 0, C, dtype=jnp.int32)
    return {"logits": logits, "labels": labels}


def reference(logits, labels):
    logits_f = logits.astype(jnp.float32)
    # per-pixel cross entropy, reduction='none', class axis = 1
    logp = jax.nn.log_softmax(logits_f, axis=1)
    labels_safe = jnp.where(labels == IGNORE_INDEX, 0, labels)
    nll = -jnp.take_along_axis(logp, labels_safe[:, None, :, :], axis=1)[:, 0]
    loss_pixel = nll.reshape(-1)
    valid_mask = labels.reshape(-1) != IGNORE_INDEX
    n_valid = valid_mask.size
    if n_valid == 0:
        return logits.sum() * 0
    # thresh is None -> keep_ratio / min_kept branch
    n_keep = max(int(KEEP_RATIO * n_valid), min(MIN_KEPT, n_valid))
    n_keep = min(n_keep, n_valid)
    if n_keep < n_valid:
        sort_vals = jnp.where(valid_mask, loss_pixel, -jnp.inf)
        sorted_desc = jnp.sort(sort_vals)[::-1]
        threshold = jax.lax.stop_gradient(sorted_desc[n_keep - 1])
        keep = valid_mask & (loss_pixel >= threshold)
    else:
        keep = valid_mask
    kept_sum = jnp.sum(jnp.where(keep, loss_pixel, 0.0))
    kept_cnt = jnp.sum(keep).astype(jnp.float32)
    return kept_sum / kept_cnt

if __name__ == "__main__":
    import jax
    _d = setup_inputs()
    print(jax.jit(kernel)(*tuple(_d.values())))

</pallas_src>

<mosaic_0001>
#map = affine_map<(d0, d1) -> (0)>
module attributes {stable_mosaic.version = 14 : i64} {
  func.func @_sc_sel_body(%arg0: i32, %arg1: i32, %arg2: memref<1048576xf32, #tpu.memory_space<hbm>>, %arg3: memref<1048576xf32, #tpu.memory_space<hbm>>, %arg4: memref<16xf32, #tpu.memory_space<hbm>>, %arg5: memref<65536xf32, #tpu.memory_space<vmem>>, %arg6: memref<4096xf32, #tpu.memory_space<vmem>>, %arg7: memref<4096xf32, #tpu.memory_space<vmem>>, %arg8: memref<256xf32, #tpu.memory_space<vmem>>, %arg9: memref<256xf32, #tpu.memory_space<vmem>>, %arg10: memref<16xf32, #tpu.memory_space<vmem>>, %arg11: memref<65536xf32, #tpu.memory_space<vmem_shared>>, %arg12: memref<4096xf32, #tpu.memory_space<vmem_shared>>, %arg13: memref<!tpu.dma_semaphore, #tpu.memory_space<semaphore_mem>>, %arg14: memref<!tpu.dma_semaphore, #tpu.memory_space<semaphore_mem>>) attributes {dimension_semantics = [#tpu.dimension_semantics<core_parallel>, #tpu.dimension_semantics<subcore_parallel>], iteration_bounds = array<i64: 2, 16>, scalar_prefetch = 0 : i64, scratch_operands = 10 : i64, tpu.core_type = #tpu.core_type<sc_vector_subcore>, window_params = [{transform_indices = #map}, {transform_indices = #map}, {transform_indices = #map}]} {
    %mul3A = arith.constant 65536 : i32
    %mul3A_0 = arith.muli %arg1, %mul3A : i32
    %iota3A = tpu.iota {dimensions = array<i32: 0>} : vector<16xi32>
    %broadcast_in_dim3A = arith.constant 1.000000e+00 : f32
    %broadcast_in_dim3A_1 = vector.broadcast %broadcast_in_dim3A : f32 to vector<16xf32>
    %add3A = arith.constant 0 : i32
    %add3A_2 = vector.broadcast %add3A : i32 to vector<16xi32>
    %add3A_3 = arith.addi %iota3A, %add3A_2 : vector<16xi32>
    %parallel_loop3A = arith.constant 0 : i32
    %parallel_loop3A_4 = arith.constant 64 : i32
    %parallel_loop3A_5 = arith.constant 1 : i32
    scf.for %parallel_loop3A_521 = %parallel_loop3A to %parallel_loop3A_4 step %parallel_loop3A_5  : i32 {
      %parallel_loop3A_522 = arith.constant 0.000000e+00 : f32
      %parallel_loop3A_523 = vector.broadcast %parallel_loop3A_522 : f32 to vector<16xf32>
      %parallel_loop3A_524 = arith.constant 64 : i32
      %parallel_loop3A_525 = arith.muli %parallel_loop3A_521, %parallel_loop3A_524 : i32
      %parallel_loop3A_526 = arith.constant 0 : i32
      %parallel_loop3A_527 = arith.addi %parallel_loop3A_525, %parallel_loop3A_526 : i32
      %parallel_loop3A_528 = arith.index_cast %parallel_loop3A_527 : i32 to index
      %parallel_loop3A_529 = tpu.vector_load %arg6[%parallel_loop3A_528] {strides = array<i32>} : memref<4096xf32, #tpu.memory_space<vmem>>, vector<16xf32>,
      tpu.vector_store %arg6[%parallel_loop3A_528], %parallel_loop3A_523 {strides = array<i32>} : memref<4096xf32, #tpu.memory_space<vmem>>, vector<16xf32>,
      %parallel_loop3A_530 = arith.constant 0.000000e+00 : f32
      %parallel_loop3A_531 = vector.broadcast %parallel_loop3A_530 : f32 to vector<16xf32>
      %parallel_loop3A_532 = arith.constant 64 : i32
      %parallel_loop3A_533 = arith.muli %parallel_loop3A_521, %parallel_loop3A_532 : i32
      %parallel_loop3A_534 = arith.constant 16 : i32
      %parallel_loop3A_535 = arith.addi %parallel_loop3A_533, %parallel_loop3A_534 : i32
      %parallel_loop3A_536 = arith.index_cast %parallel_loop3A_535 : i32 to index
      %parallel_loop3A_537 = tpu.vector_load %arg6[%parallel_loop3A_536] {strides = array<i32>} : memref<4096xf32, #tpu.memory_space<vmem>>, vector<16xf32>,
      tpu.vector_store %arg6[%parallel_loop3A_536], %parallel_loop3A_531 {strides = array<i32>} : memref<4096xf32, #tpu.memory_space<vmem>>, vector<16xf32>,
      %parallel_loop3A_538 = arith.constant 0.000000e+00 : f32
      %parallel_loop3A_539 = vector.broadcast %parallel_loop3A_538 : f32 to vector<16xf32>
      %parallel_loop3A_540 = arith.constant 64 : i32
      %parallel_loop3A_541 = arith.muli %parallel_loop3A_521, %parallel_loop3A_540 : i32
      %parallel_loop3A_542 = arith.constant 32 : i32
      %parallel_loop3A_543 = arith.addi %parallel_loop3A_541, %parallel_loop3A_542 : i32
      %parallel_loop3A_544 = arith.index_cast %parallel_loop3A_543 : i32 to index
      %parallel_loop3A_545 = tpu.vector_load %arg6[%parallel_loop3A_544] {strides = array<i32>} : memref<4096xf32, #tpu.memory_space<vmem>>, vector<16xf32>,
      tpu.vector_store %arg6[%parallel_loop3A_544], %parallel_loop3A_539 {strides = array<i32>} : memref<4096xf32, #tpu.memory_space<vmem>>, vector<16xf32>,
      %parallel_loop3A_546 = arith.constant 0.000000e+00 : f32
      %parallel_loop3A_547 = vector.broadcast %parallel_loop3A_546 : f32 to vector<16xf32>
      %parallel_loop3A_548 = arith.constant 64 : i32
      %parallel_loop3A_549 = arith.muli %parallel_loop3A_521, %parallel_loop3A_548 : i32
      %parallel_loop3A_550 = arith.constant 48 : i32
      %parallel_loop3A_551 = arith.addi %parallel_loop3A_549, %parallel_loop3A_550 : i32
      %parallel_loop3A_552 = arith.index_cast %parallel_loop3A_551 : i32 to index
      %parallel_loop3A_553 = tpu.vector_load %arg6[%parallel_loop3A_552] {strides = array<i32>} : memref<4096xf32, #tpu.memory_space<vmem>>, vector<16xf32>,
      tpu.vector_store %arg6[%parallel_loop3A_552], %parallel_loop3A_547 {strides = array<i32>} : memref<4096xf32, #tpu.memory_space<vmem>>, vector<16xf32>,
    } {sc.loop_unroll_factor = 4 : i64, sc.parallel_access}
    %add3A_6 = arith.constant 0 : i32
    %add3A_7 = arith.addi %mul3A_0, %add3A_6 : i32
    %dma_start3A = arith.constant 0 : i32
    %dma_start3A_8 = tpu.memref_slice %arg5[%dma_start3A] : memref<65536xf32, #tpu.memory_space<vmem>> -> memref<32768xf32, #tpu.memory_space<vmem>>
    %dma_start3A_9 = tpu.memref_slice %arg2[%add3A_7] : memref<1048576xf32, #tpu.memory_space<hbm>> -> memref<32768xf32, #tpu.memory_space<hbm>>
    %dma_start3A_10 = arith.constant 0 : i32
    %dma_start3A_11 = tpu.memref_slice %arg5[%dma_start3A_10] : memref<65536xf32, #tpu.memory_space<vmem>> -> memref<32768xf32, #tpu.memory_space<vmem>>
    %dma_start3A_12 = tpu.memref_slice %arg2[%add3A_7] : memref<1048576xf32, #tpu.memory_space<hbm>> -> memref<32768xf32, #tpu.memory_space<hbm>>
    tpu.enqueue_dma source(%dma_start3A_12 : memref<32768xf32, #tpu.memory_space<hbm>>) target(%dma_start3A_11 : memref<32768xf32, #tpu.memory_space<vmem>>) target_semaphore(%arg13 : memref<!tpu.dma_semaphore, #tpu.memory_space<semaphore_mem>>)
    %add3A_13 = arith.constant 32768 : i32
    %add3A_14 = arith.addi %mul3A_0, %add3A_13 : i32
    %dma_start3A_15 = arith.constant 32768 : i32
    %dma_start3A_16 = tpu.memref_slice %arg5[%dma_start3A_15] : memref<65536xf32, #tpu.memory_space<vmem>> -> memref<32768xf32, #tpu.memory_space<vmem>>
    %dma_start3A_17 = tpu.memref_slice %arg2[%add3A_14] : memref<1048576xf32, #tpu.memory_space<hbm>> -> memref<32768xf32, #tpu.memory_space<hbm>>
    %dma_start3A_18 = arith.constant 32768 : i32
    %dma_start3A_19 = tpu.memref_slice %arg5[%dma_start3A_18] : memref<65536xf32, #tpu.memory_space<vmem>> -> memref<32768xf32, #tpu.memory_space<vmem>>
    %dma_start3A_20 = tpu.memref_slice %arg2[%add3A_14] : memref<1048576xf32, #tpu.memory_space<hbm>> -> memref<32768xf32, #tpu.memory_space<hbm>>
    tpu.enqueue_dma source(%dma_start3A_20 : memref<32768xf32, #tpu.memory_space<hbm>>) target(%dma_start3A_19 : memref<32768xf32, #tpu.memory_space<vmem>>) target_semaphore(%arg14 : memref<!tpu.dma_semaphore, #tpu.memory_space<semaphore_mem>>)
    %dma_wait3A = arith.constant 0 : i32
    %dma_wait3A_21 = tpu.memref_slice %arg5[%dma_wait3A] : memref<65536xf32, #tpu.memory_space<vmem>> -> memref<32768xf32, #tpu.memory_space<vmem>>
    %dma_wait3A_22 = tpu.memref_slice %arg2[%add3A_7] : memref<1048576xf32, #tpu.memory_space<hbm>> -> memref<32768xf32, #tpu.memory_space<hbm>>
    %dma_wait3A_23 = arith.constant 0 : i32
    %dma_wait3A_24 = tpu.memref_slice %arg5[%dma_wait3A_23] : memref<65536xf32, #tpu.memory_space<vmem>> -> memref<32768xf32, #tpu.memory_space<vmem>>
    %dma_wait3A_25 = tpu.memref_slice %arg2[%add3A_7] : memref<1048576xf32, #tpu.memory_space<hbm>> -> memref<32768xf32, #tpu.memory_space<hbm>>
    tpu.wait_dma2 semaphore(%arg13 : memref<!tpu.dma_semaphore, #tpu.memory_space<semaphore_mem>>) src(%dma_wait3A_25 : memref<32768xf32, #tpu.memory_space<hbm>>) dst(%dma_wait3A_24 : memref<32768xf32, #tpu.memory_space<vmem>>)
    %parallel_loop3A_26 = arith.constant 0 : i32
    %parallel_loop3A_27 = arith.constant 2048 : i32
    %parallel_loop3A_28 = arith.constant 1 : i32
    scf.for %parallel_loop3A_521 = %parallel_loop3A_26 to %parallel_loop3A_27 step %parallel_loop3A_28  : i32 {
      %parallel_loop3A_522 = arith.constant 1 : i32
      %parallel_loop3A_523 = arith.muli %parallel_loop3A_521, %parallel_loop3A_522 : i32
      %parallel_loop3A_524 = arith.constant 0 : i32
      %parallel_loop3A_525 = arith.addi %parallel_loop3A_523, %parallel_loop3A_524 : i32
      %parallel_loop3A_526 = arith.constant 16 : i32
      %parallel_loop3A_527 = arith.muli %parallel_loop3A_525, %parallel_loop3A_526 : i32
      %parallel_loop3A_528 = arith.constant 0 : i32
      %parallel_loop3A_529 = arith.addi %parallel_loop3A_528, %parallel_loop3A_527 : i32
      %parallel_loop3A_530 = arith.index_cast %parallel_loop3A_529 : i32 to index
      %parallel_loop3A_531 = tpu.vector_load %arg5[%parallel_loop3A_530] {strides = array<i32>} : memref<65536xf32, #tpu.memory_space<vmem>>, vector<16xf32>,
      %parallel_loop3A_532 = arith.constant 0.000000e+00 : f32
      %parallel_loop3A_533 = vector.broadcast %parallel_loop3A_532 : f32 to vector<16xf32>
      %parallel_loop3A_534 = arith.subf %parallel_loop3A_531, %parallel_loop3A_533 : vector<16xf32>
      %parallel_loop3A_535 = arith.constant 8.000000e+00 : f32
      %parallel_loop3A_536 = vector.broadcast %parallel_loop3A_535 : f32 to vector<16xf32>
      %parallel_loop3A_537 = arith.mulf %parallel_loop3A_534, %parallel_loop3A_536 : vector<16xf32>
      %parallel_loop3A_538 = arith.fptosi %parallel_loop3A_537 : vector<16xf32> to vector<16xi32>
      %parallel_loop3A_539 = arith.constant 127 : i32
      %parallel_loop3A_540 = vector.broadcast %parallel_loop3A_539 : i32 to vector<16xi32>
      %parallel_loop3A_541 = arith.minsi %parallel_loop3A_538, %parallel_loop3A_540 : vector<16xi32>
      %parallel_loop3A_542 = arith.constant 16 : i32
      %parallel_loop3A_543 = vector.broadcast %parallel_loop3A_542 : i32 to vector<16xi32>
      %parallel_loop3A_544 = arith.muli %parallel_loop3A_541, %parallel_loop3A_543 : vector<16xi32>
      %parallel_loop3A_545 = arith.addi %parallel_loop3A_544, %add3A_3 : vector<16xi32>
      tpu.vector_store_idx %arg6[%parallel_loop3A_545], %broadcast_in_dim3A_1 {add = true} : memref<4096xf32, #tpu.memory_space<vmem>>[vector<16xi32>], vector<16xf32>,
    } {sc.loop_unroll_factor = 4 : i64, sc.parallel_access}
    %add3A_29 = arith.constant 0 : i32
    %add3A_30 = arith.addi %mul3A_0, %add3A_29 : i32
    %dma_start3A_31 = arith.constant 0 : i32
    %dma_start3A_32 = tpu.memref_slice %arg5[%dma_start3A_31] : memref<65536xf32, #tpu.memory_space<vmem>> -> memref<32768xf32, #tpu.memory_space<vmem>>
    %dma_start3A_33 = tpu.memref_slice %arg3[%add3A_30] : memref<1048576xf32, #tpu.memory_space<hbm>> -> memref<32768xf32, #tpu.memory_space<hbm>>
    %dma_start3A_34 = arith.constant 0 : i32
    %dma_start3A_35 = tpu.memref_slice %arg5[%dma_start3A_34] : memref<65536xf32, #tpu.memory_space<vmem>> -> memref<32768xf32, #tpu.memory_space<vmem>>
    %dma_start3A_36 = tpu.memref_slice %arg3[%add3A_30] : memref<1048576xf32, #tpu.memory_space<hbm>> -> memref<32768xf32, #tpu.memory_space<hbm>>
    tpu.enqueue_dma source(%dma_start3A_36 : memref<32768xf32, #tpu.memory_space<hbm>>) target(%dma_start3A_35 : memref<32768xf32, #tpu.memory_space<vmem>>) target_semaphore(%arg13 : memref<!tpu.dma_semaphore, #tpu.memory_space<semaphore_mem>>)
    %dma_wait3A_37 = arith.constant 32768 : i32
    %dma_wait3A_38 = tpu.memref_slice %arg5[%dma_wait3A_37] : memref<65536xf32, #tpu.memory_space<vmem>> -> memref<32768xf32, #tpu.memory_space<vmem>>
    %dma_wait3A_39 = tpu.memref_slice %arg2[%add3A_14] : memref<1048576xf32, #tpu.memory_space<hbm>> -> memref<32768xf32, #tpu.memory_space<hbm>>
    %dma_wait3A_40 = arith.constant 32768 : i32
    %dma_wait3A_41 = tpu.memref_slice %arg5[%dma_wait3A_40] : memref<65536xf32, #tpu.memory_space<vmem>> -> memref<32768xf32, #tpu.memory_space<vmem>>
    %dma_wait3A_42 = tpu.memref_slice %arg2[%add3A_14] : memref<1048576xf32, #tpu.memory_space<hbm>> -> memref<32768xf32, #tpu.memory_space<hbm>>
    tpu.wait_dma2 semaphore(%arg14 : memref<!tpu.dma_semaphore, #tpu.memory_space<semaphore_mem>>) src(%dma_wait3A_42 : memref<32768xf32, #tpu.memory_space<hbm>>) dst(%dma_wait3A_41 : memref<32768xf32, #tpu.memory_space<vmem>>)
    %parallel_loop3A_43 = arith.constant 0 : i32
    %parallel_loop3A_44 = arith.constant 2048 : i32
    %parallel_loop3A_45 = arith.constant 1 : i32
    scf.for %parallel_loop3A_521 = %parallel_loop3A_43 to %parallel_loop3A_44 step %parallel_loop3A_45  : i32 {
      %parallel_loop3A_522 = arith.constant 1 : i32
      %parallel_loop3A_523 = arith.muli %parallel_loop3A_521, %parallel_loop3A_522 : i32
      %parallel_loop3A_524 = arith.constant 0 : i32
      %parallel_loop3A_525 = arith.addi %parallel_loop3A_523, %parallel_loop3A_524 : i32
      %parallel_loop3A_526 = arith.constant 16 : i32
      %parallel_loop3A_527 = arith.muli %parallel_loop3A_525, %parallel_loop3A_526 : i32
      %parallel_loop3A_528 = arith.constant 32768 : i32
      %parallel_loop3A_529 = arith.addi %parallel_loop3A_528, %parallel_loop3A_527 : i32
      %parallel_loop3A_530 = arith.index_cast %parallel_loop3A_529 : i32 to index
      %parallel_loop3A_531 = tpu.vector_load %arg5[%parallel_loop3A_530] {strides = array<i32>} : memref<65536xf32, #tpu.memory_space<vmem>>, vector<16xf32>,
      %parallel_loop3A_532 = arith.constant 0.000000e+00 : f32
      %parallel_loop3A_533 = vector.broadcast %parallel_loop3A_532 : f32 to vector<16xf32>
      %parallel_loop3A_534 = arith.subf %parallel_loop3A_531, %parallel_loop3A_533 : vector<16xf32>
      %parallel_loop3A_535 = arith.constant 8.000000e+00 : f32
      %parallel_loop3A_536 = vector.broadcast %parallel_loop3A_535 : f32 to vector<16xf32>
      %parallel_loop3A_537 = arith.mulf %parallel_loop3A_534, %parallel_loop3A_536 : vector<16xf32>
      %parallel_loop3A_538 = arith.fptosi %parallel_loop3A_537 : vector<16xf32> to vector<16xi32>
      %parallel_loop3A_539 = arith.constant 127 : i32
      %parallel_loop3A_540 = vector.broadcast %parallel_loop3A_539 : i32 to vector<16xi32>
      %parallel_loop3A_541 = arith.minsi %parallel_loop3A_538, %parallel_loop3A_540 : vector<16xi32>
      %parallel_loop3A_542 = arith.constant 16 : i32
      %parallel_loop3A_543 = vector.broadcast %parallel_loop3A_542 : i32 to vector<16xi32>
      %parallel_loop3A_544 = arith.muli %parallel_loop3A_541, %parallel_loop3A_543 : vector<16xi32>
      %parallel_loop3A_545 = arith.addi %parallel_loop3A_544, %add3A_3 : vector<16xi32>
      tpu.vector_store_idx %arg6[%parallel_loop3A_545], %broadcast_in_dim3A_1 {add = true} : memref<4096xf32, #tpu.memory_space<vmem>>[vector<16xi32>], vector<16xf32>,
    } {sc.loop_unroll_factor = 4 : i64, sc.parallel_access}
    %add3A_46 = arith.constant 32768 : i32
    %add3A_47 = arith.addi %mul3A_0, %add3A_46 : i32
    %dma_start3A_48 = arith.constant 32768 : i32
    %dma_start3A_49 = tpu.memref_slice %arg5[%dma_start3A_48] : memref<65536xf32, #tpu.memory_space<vmem>> -> memref<32768xf32, #tpu.memory_space<vmem>>
    %dma_start3A_50 = tpu.memref_slice %arg3[%add3A_47] : memref<1048576xf32, #tpu.memory_space<hbm>> -> memref<32768xf32, #tpu.memory_space<hbm>>
    %dma_start3A_51 = arith.constant 32768 : i32
    %dma_start3A_52 = tpu.memref_slice %arg5[%dma_start3A_51] : memref<65536xf32, #tpu.memory_space<vmem>> -> memref<32768xf32, #tpu.memory_space<vmem>>
    %dma_start3A_53 = tpu.memref_slice %arg3[%add3A_47] : memref<1048576xf32, #tpu.memory_space<hbm>> -> memref<32768xf32, #tpu.memory_space<hbm>>
    tpu.enqueue_dma source(%dma_start3A_53 : memref<32768xf32, #tpu.memory_space<hbm>>) target(%dma_start3A_52 : memref<32768xf32, #tpu.memory_space<vmem>>) target_semaphore(%arg14 : memref<!tpu.dma_semaphore, #tpu.memory_space<semaphore_mem>>)
    %dma_wait3A_54 = arith.constant 0 : i32
    %dma_wait3A_55 = tpu.memref_slice %arg5[%dma_wait3A_54] : memref<65536xf32, #tpu.memory_space<vmem>> -> memref<32768xf32, #tpu.memory_space<vmem>>
    %dma_wait3A_56 = tpu.memref_slice %arg3[%add3A_30] : memref<1048576xf32, #tpu.memory_space<hbm>> -> memref<32768xf32, #tpu.memory_space<hbm>>
    %dma_wait3A_57 = arith.constant 0 : i32
    %dma_wait3A_58 = tpu.memref_slice %arg5[%dma_wait3A_57] : memref<65536xf32, #tpu.memory_space<vmem>> -> memref<32768xf32, #tpu.memory_space<vmem>>
    %dma_wait3A_59 = tpu.memref_slice %arg3[%add3A_30] : memref<1048576xf32, #tpu.memory_space<hbm>> -> memref<32768xf32, #tpu.memory_space<hbm>>
    tpu.wait_dma2 semaphore(%arg13 : memref<!tpu.dma_semaphore, #tpu.memory_space<semaphore_mem>>) src(%dma_wait3A_59 : memref<32768xf32, #tpu.memory_space<hbm>>) dst(%dma_wait3A_58 : memref<32768xf32, #tpu.memory_space<vmem>>)
    %parallel_loop3A_60 = arith.constant 0 : i32
    %parallel_loop3A_61 = arith.constant 2048 : i32
    %parallel_loop3A_62 = arith.constant 1 : i32
    scf.for %parallel_loop3A_521 = %parallel_loop3A_60 to %parallel_loop3A_61 step %parallel_loop3A_62  : i32 {
      %parallel_loop3A_522 = arith.constant 1 : i32
      %parallel_loop3A_523 = arith.muli %parallel_loop3A_521, %parallel_loop3A_522 : i32
      %parallel_loop3A_524 = arith.constant 0 : i32
      %parallel_loop3A_525 = arith.addi %parallel_loop3A_523, %parallel_loop3A_524 : i32
      %parallel_loop3A_526 = arith.constant 16 : i32
      %parallel_loop3A_527 = arith.muli %parallel_loop3A_525, %parallel_loop3A_526 : i32
      %parallel_loop3A_528 = arith.constant 0 : i32
      %parallel_loop3A_529 = arith.addi %parallel_loop3A_528, %parallel_loop3A_527 : i32
      %parallel_loop3A_530 = arith.index_cast %parallel_loop3A_529 : i32 to index
      %parallel_loop3A_531 = tpu.vector_load %arg5[%parallel_loop3A_530] {strides = array<i32>} : memref<65536xf32, #tpu.memory_space<vmem>>, vector<16xf32>,
      %parallel_loop3A_532 = arith.constant 0.000000e+00 : f32
      %parallel_loop3A_533 = vector.broadcast %parallel_loop3A_532 : f32 to vector<16xf32>
      %parallel_loop3A_534 = arith.subf %parallel_loop3A_531, %parallel_loop3A_533 : vector<16xf32>
      %parallel_loop3A_535 = arith.constant 8.000000e+00 : f32
      %parallel_loop3A_536 = vector.broadcast %parallel_loop3A_535 : f32 to vector<16xf32>
      %parallel_loop3A_537 = arith.mulf %parallel_loop3A_534, %parallel_loop3A_536 : vector<16xf32>
      %parallel_loop3A_538 = arith.fptosi %parallel_loop3A_537 : vector<16xf32> to vector<16xi32>
      %parallel_loop3A_539 = arith.constant 127 : i32
      %parallel_loop3A_540 = vector.broadcast %parallel_loop3A_539 : i32 to vector<16xi32>
      %parallel_loop3A_541 = arith.minsi %parallel_loop3A_538, %parallel_loop3A_540 : vector<16xi32>
      %parallel_loop3A_542 = arith.constant 16 : i32
      %parallel_loop3A_543 = vector.broadcast %parallel_loop3A_542 : i32 to vector<16xi32>
      %parallel_loop3A_544 = arith.muli %parallel_loop3A_541, %parallel_loop3A_543 : vector<16xi32>
      %parallel_loop3A_545 = arith.addi %parallel_loop3A_544, %add3A_3 : vector<16xi32>
      tpu.vector_store_idx %arg6[%parallel_loop3A_545], %broadcast_in_dim3A_1 {add = true} : memref<4096xf32, #tpu.memory_space<vmem>>[vector<16xi32>], vector<16xf32>,
    } {sc.loop_unroll_factor = 4 : i64, sc.parallel_access}
    %dma_wait3A_63 = arith.constant 32768 : i32
    %dma_wait3A_64 = tpu.memref_slice %arg5[%dma_wait3A_63] : memref<65536xf32, #tpu.memory_space<vmem>> -> memref<32768xf32, #tpu.memory_space<vmem>>
    %dma_wait3A_65 = tpu.memref_slice %arg3[%add3A_47] : memref<1048576xf32, #tpu.memory_space<hbm>> -> memref<32768xf32, #tpu.memory_space<hbm>>
    %dma_wait3A_66 = arith.constant 32768 : i32
    %dma_wait3A_67 = tpu.memref_slice %arg5[%dma_wait3A_66] : memref<65536xf32, #tpu.memory_space<vmem>> -> memref<32768xf32, #tpu.memory_space<vmem>>
    %dma_wait3A_68 = tpu.memref_slice %arg3[%add3A_47] : memref<1048576xf32, #tpu.memory_space<hbm>> -> memref<32768xf32, #tpu.memory_space<hbm>>
    tpu.wait_dma2 semaphore(%arg14 : memref<!tpu.dma_semaphore, #tpu.memory_space<semaphore_mem>>) src(%dma_wait3A_68 : memref<32768xf32, #tpu.memory_space<hbm>>) dst(%dma_wait3A_67 : memref<32768xf32, #tpu.memory_space<vmem>>)
    %parallel_loop3A_69 = arith.constant 0 : i32
    %parallel_loop3A_70 = arith.constant 2048 : i32
    %parallel_loop3A_71 = arith.constant 1 : i32
    scf.for %parallel_loop3A_521 = %parallel_loop3A_69 to %parallel_loop3A_70 step %parallel_loop3A_71  : i32 {
      %parallel_loop3A_522 = arith.constant 1 : i32
      %parallel_loop3A_523 = arith.muli %parallel_loop3A_521, %parallel_loop3A_522 : i32
      %parallel_loop3A_524 = arith.constant 0 : i32
      %parallel_loop3A_525 = arith.addi %parallel_loop3A_523, %parallel_loop3A_524 : i32
      %parallel_loop3A_526 = arith.constant 16 : i32
      %parallel_loop3A_527 = arith.muli %parallel_loop3A_525, %parallel_loop3A_526 : i32
      %parallel_loop3A_528 = arith.constant 32768 : i32
      %parallel_loop3A_529 = arith.addi %parallel_loop3A_528, %parallel_loop3A_527 : i32
      %parallel_loop3A_530 = arith.index_cast %parallel_loop3A_529 : i32 to index
      %parallel_loop3A_531 = tpu.vector_load %arg5[%parallel_loop3A_530] {strides = array<i32>} : memref<65536xf32, #tpu.memory_space<vmem>>, vector<16xf32>,
      %parallel_loop3A_532 = arith.constant 0.000000e+00 : f32
      %parallel_loop3A_533 = vector.broadcast %parallel_loop3A_532 : f32 to vector<16xf32>
      %parallel_loop3A_534 = arith.subf %parallel_loop3A_531, %parallel_loop3A_533 : vector<16xf32>
      %parallel_loop3A_535 = arith.constant 8.000000e+00 : f32
      %parallel_loop3A_536 = vector.broadcast %parallel_loop3A_535 : f32 to vector<16xf32>
      %parallel_loop3A_537 = arith.mulf %parallel_loop3A_534, %parallel_loop3A_536 : vector<16xf32>
      %parallel_loop3A_538 = arith.fptosi %parallel_loop3A_537 : vector<16xf32> to vector<16xi32>
      %parallel_loop3A_539 = arith.constant 127 : i32
      %parallel_loop3A_540 = vector.broadcast %parallel_loop3A_539 : i32 to vector<16xi32>
      %parallel_loop3A_541 = arith.minsi %parallel_loop3A_538, %parallel_loop3A_540 : vector<16xi32>
      %parallel_loop3A_542 = arith.constant 16 : i32
      %parallel_loop3A_543 = vector.broadcast %parallel_loop3A_542 : i32 to vector<16xi32>
      %parallel_loop3A_544 = arith.muli %parallel_loop3A_541, %parallel_loop3A_543 : vector<16xi32>
      %parallel_loop3A_545 = arith.addi %parallel_loop3A_544, %add3A_3 : vector<16xi32>
      tpu.vector_store_idx %arg6[%parallel_loop3A_545], %broadcast_in_dim3A_1 {add = true} : memref<4096xf32, #tpu.memory_space<vmem>>[vector<16xi32>], vector<16xf32>,
    } {sc.loop_unroll_factor = 4 : i64, sc.parallel_access}
    %parallel_loop3A_72 = arith.constant 0 : i32
    %parallel_loop3A_73 = arith.constant 128 : i32
    %parallel_loop3A_74 = arith.constant 1 : i32
    scf.for %parallel_loop3A_521 = %parallel_loop3A_72 to %parallel_loop3A_73 step %parallel_loop3A_74  : i32 {
      %parallel_loop3A_522 = arith.constant 16 : i32
      %parallel_loop3A_523 = arith.muli %parallel_loop3A_521, %parallel_loop3A_522 : i32
      %parallel_loop3A_524 = arith.index_cast %parallel_loop3A_523 : i32 to index
      %parallel_loop3A_525 = tpu.vector_load %arg6[%parallel_loop3A_524] {strides = array<i32>} : memref<4096xf32, #tpu.memory_space<vmem>>, vector<16xf32>,
      %parallel_loop3A_526 = arith.index_cast %parallel_loop3A_523 : i32 to index
      %parallel_loop3A_527 = tpu.vector_load %arg6[%parallel_loop3A_526] {strides = array<i32>} : memref<4096xf32, #tpu.memory_space<vmem>>, vector<16xf32>,
      tpu.vector_store %arg6[%parallel_loop3A_526], %parallel_loop3A_525 {strides = array<i32>} : memref<4096xf32, #tpu.memory_space<vmem>>, vector<16xf32>,
    } {sc.loop_unroll_factor = 4 : i64, sc.parallel_access}
    %mul3A_75 = arith.constant 4096 : i32
    %mul3A_76 = arith.muli %arg1, %mul3A_75 : i32
    "tpu.region"() ({
      %run_scoped3A = tpu.sem_alloc : memref<!tpu.dma_semaphore, #tpu.memory_space<semaphore_mem>>
      %dma_start3A_521 = arith.constant 0 : i32
      %dma_start3A_522 = tpu.memref_slice %arg6[%dma_start3A_521] : memref<4096xf32, #tpu.memory_space<vmem>> -> memref<2048xf32, #tpu.memory_space<vmem>>
      %dma_start3A_523 = tpu.memref_slice %arg11[%mul3A_76] : memref<65536xf32, #tpu.memory_space<vmem_shared>> -> memref<2048xf32, #tpu.memory_space<vmem_shared>>
      %dma_start3A_524 = tpu.memref_slice %arg11[%mul3A_76] : memref<65536xf32, #tpu.memory_space<vmem_shared>> -> memref<2048xf32, #tpu.memory_space<vmem_shared>>
      %dma_start3A_525 = arith.constant 0 : i32
      %dma_start3A_526 = tpu.memref_slice %arg6[%dma_start3A_525] : memref<4096xf32, #tpu.memory_space<vmem>> -> memref<2048xf32, #tpu.memory_space<vmem>>
      tpu.enqueue_dma source(%dma_start3A_526 : memref<2048xf32, #tpu.memory_space<vmem>>) target(%dma_start3A_524 : memref<2048xf32, #tpu.memory_space<vmem_shared>>) target_semaphore(%run_scoped3A : memref<!tpu.dma_semaphore, #tpu.memory_space<semaphore_mem>>)
      %dma_wait3A_527 = arith.constant 0 : i32
      %dma_wait3A_528 = tpu.memref_slice %arg6[%dma_wait3A_527] : memref<4096xf32, #tpu.memory_space<vmem>> -> memref<2048xf32, #tpu.memory_space<vmem>>
      %dma_wait3A_529 = tpu.memref_slice %arg11[%mul3A_76] : memref<65536xf32, #tpu.memory_space<vmem_shared>> -> memref<2048xf32, #tpu.memory_space<vmem_shared>>
      %dma_wait3A_530 = tpu.memref_slice %arg11[%mul3A_76] : memref<65536xf32, #tpu.memory_space<vmem_shared>> -> memref<2048xf32, #tpu.memory_space<vmem_shared>>
      %dma_wait3A_531 = arith.constant 0 : i32
      %dma_wait3A_532 = tpu.memref_slice %arg6[%dma_wait3A_531] : memref<4096xf32, #tpu.memory_space<vmem>> -> memref<2048xf32, #tpu.memory_space<vmem>>
      tpu.wait_dma2 semaphore(%run_scoped3A : memref<!tpu.dma_semaphore, #tpu.memory_space<semaphore_mem>>) src(%dma_wait3A_532 : memref<2048xf32, #tpu.memory_space<vmem>>) dst(%dma_wait3A_530 : memref<2048xf32, #tpu.memory_space<vmem_shared>>)
      tpu.yield
    }) : () -> ()
    %barrier3A = arith.constant 0 : index
    tpu.barrier barrier_id(%barrier3A)
    %mul3A_77 = arith.constant 128 : i32
    %mul3A_78 = arith.muli %arg1, %mul3A_77 : i32
    "tpu.region"() ({
      %run_scoped3A = tpu.sem_alloc : memref<!tpu.dma_semaphore, #tpu.memory_space<semaphore_mem>>
      %dma_start3A_521 = arith.constant 0 : i32
      %dma_start3A_522 = tpu.memref_slice %arg9[%dma_start3A_521] : memref<256xf32, #tpu.memory_space<vmem>> -> memref<128xf32, #tpu.memory_space<vmem>>
      %dma_start3A_523 = tpu.memref_slice %arg11[%mul3A_78] : memref<65536xf32, #tpu.memory_space<vmem_shared>> -> memref<128xf32, #tpu.memory_space<vmem_shared>>
      %dma_start3A_524 = arith.constant 0 : i32
      %dma_start3A_525 = tpu.memref_slice %arg9[%dma_start3A_524] : memref<256xf32, #tpu.memory_space<vmem>> -> memref<128xf32, #tpu.memory_space<vmem>>
      %dma_start3A_526 = tpu.memref_slice %arg11[%mul3A_78] : memref<65536xf32, #tpu.memory_space<vmem_shared>> -> memref<128xf32, #tpu.memory_space<vmem_shared>>
      tpu.enqueue_dma source(%dma_start3A_526 : memref<128xf32, #tpu.memory_space<vmem_shared>>) target(%dma_start3A_525 : memref<128xf32, #tpu.memory_space<vmem>>) target_semaphore(%run_scoped3A : memref<!tpu.dma_semaphore, #tpu.memory_space<semaphore_mem>>)
      %dma_wait3A_527 = arith.constant 0 : i32
      %dma_wait3A_528 = tpu.memref_slice %arg9[%dma_wait3A_527] : memref<256xf32, #tpu.memory_space<vmem>> -> memref<128xf32, #tpu.memory_space<vmem>>
      %dma_wait3A_529 = tpu.memref_slice %arg11[%mul3A_78] : memref<65536xf32, #tpu.memory_space<vmem_shared>> -> memref<128xf32, #tpu.memory_space<vmem_shared>>
      %dma_wait3A_530 = arith.constant 0 : i32
      %dma_wait3A_531 = tpu.memref_slice %arg9[%dma_wait3A_530] : memref<256xf32, #tpu.memory_space<vmem>> -> memref<128xf32, #tpu.memory_space<vmem>>
      %dma_wait3A_532 = tpu.memref_slice %arg11[%mul3A_78] : memref<65536xf32, #tpu.memory_space<vmem_shared>> -> memref<128xf32, #tpu.memory_space<vmem_shared>>
      tpu.wait_dma2 semaphore(%run_scoped3A : memref<!tpu.dma_semaphore, #tpu.memory_space<semaphore_mem>>) src(%dma_wait3A_532 : memref<128xf32, #tpu.memory_space<vmem_shared>>) dst(%dma_wait3A_531 : memref<128xf32, #tpu.memory_space<vmem>>)
      tpu.yield
    }) : () -> ()
    %mul3A_79 = arith.constant 128 : i32
    %mul3A_80 = arith.muli %arg1, %mul3A_79 : i32
    %add3A_81 = arith.constant 4096 : i32
    %add3A_82 = arith.addi %add3A_81, %mul3A_80 : i32
    "tpu.region"() ({
      %run_scoped3A = tpu.sem_alloc : memref<!tpu.dma_semaphore, #tpu.memory_space<semaphore_mem>>
      %dma_start3A_521 = arith.constant 0 : i32
      %dma_start3A_522 = tpu.memref_slice %arg8[%dma_start3A_521] : memref<256xf32, #tpu.memory_space<vmem>> -> memref<128xf32, #tpu.memory_space<vmem>>
      %dma_start3A_523 = tpu.memref_slice %arg11[%add3A_82] : memref<65536xf32, #tpu.memory_space<vmem_shared>> -> memref<128xf32, #tpu.memory_space<vmem_shared>>
      %dma_start3A_524 = arith.constant 0 : i32
      %dma_start3A_525 = tpu.memref_slice %arg8[%dma_start3A_524] : memref<256xf32, #tpu.memory_space<vmem>> -> memref<128xf32, #tpu.memory_space<vmem>>
      %dma_start3A_526 = tpu.memref_slice %arg11[%add3A_82] : memref<65536xf32, #tpu.memory_space<vmem_shared>> -> memref<128xf32, #tpu.memory_space<vmem_shared>>
      tpu.enqueue_dma source(%dma_start3A_526 : memref<128xf32, #tpu.memory_space<vmem_shared>>) target(%dma_start3A_525 : memref<128xf32, #tpu.memory_space<vmem>>) target_semaphore(%run_scoped3A : memref<!tpu.dma_semaphore, #tpu.memory_space<semaphore_mem>>)
      %dma_wait3A_527 = arith.constant 0 : i32
      %dma_wait3A_528 = tpu.memref_slice %arg8[%dma_wait3A_527] : memref<256xf32, #tpu.memory_space<vmem>> -> memref<128xf32, #tpu.memory_space<vmem>>
      %dma_wait3A_529 = tpu.memref_slice %arg11[%add3A_82] : memref<65536xf32, #tpu.memory_space<vmem_shared>> -> memref<128xf32, #tpu.memory_space<vmem_shared>>
      %dma_wait3A_530 = arith.constant 0 : i32
      %dma_wait3A_531 = tpu.memref_slice %arg8[%dma_wait3A_530] : memref<256xf32, #tpu.memory_space<vmem>> -> memref<128xf32, #tpu.memory_space<vmem>>
      %dma_wait3A_532 = tpu.memref_slice %arg11[%add3A_82] : memref<65536xf32, #tpu.memory_space<vmem_shared>> -> memref<128xf32, #tpu.memory_space<vmem_shared>>
      tpu.wait_dma2 semaphore(%run_scoped3A : memref<!tpu.dma_semaphore, #tpu.memory_space<semaphore_mem>>) src(%dma_wait3A_532 : memref<128xf32, #tpu.memory_space<vmem_shared>>) dst(%dma_wait3A_531 : memref<128xf32, #tpu.memory_space<vmem>>)
      tpu.yield
    }) : () -> ()
    %scan3A = arith.constant 0 : i32
    %scan3A_83 = arith.constant 0 : i32
    %scan3A_84 = arith.constant 8 : i32
    %scan3A_85 = arith.addi %scan3A_83, %scan3A_84 : i32
    %scan3A_86 = arith.constant 1 : i32
    %scan3A_87 = scf.for %scan3A_521 = %scan3A_83 to %scan3A_85 step %scan3A_86 iter_args(%scan3A_522 = %scan3A) -> (i32)  : i32 {
      %mul3A_523 = arith.constant 16 : i32
      %mul3A_524 = arith.muli %scan3A_521, %mul3A_523 : i32
      %get3A = arith.index_cast %mul3A_524 : i32 to index
      %get3A_525 = tpu.vector_load %arg9[%get3A] {strides = array<i32>} : memref<256xf32, #tpu.memory_space<vmem>>, vector<16xf32>,
      %get3A_526 = arith.index_cast %mul3A_524 : i32 to index
      %get3A_527 = tpu.vector_load %arg8[%get3A_526] {strides = array<i32>} : memref<256xf32, #tpu.memory_space<vmem>>, vector<16xf32>,
      %add3A_528 = arith.addf %get3A_525, %get3A_527 : vector<16xf32>
      %swap3A = arith.index_cast %mul3A_524 : i32 to index
      %swap3A_529 = tpu.vector_load %arg9[%swap3A] {strides = array<i32>} : memref<256xf32, #tpu.memory_space<vmem>>, vector<16xf32>,
      tpu.vector_store %arg9[%swap3A], %add3A_528 {strides = array<i32>} : memref<256xf32, #tpu.memory_space<vmem>>, vector<16xf32>,
      %scan3A_530 = arith.constant 0 : i32
      scf.yield %scan3A_530 : i32
    }
    %scan3A_88 = arith.constant 8 : i32
    %mul3A_89 = arith.constant 128 : i32
    %mul3A_90 = arith.muli %arg1, %mul3A_89 : i32
    %add3A_91 = arith.constant 8192 : i32
    %add3A_92 = arith.addi %add3A_91, %mul3A_90 : i32
    "tpu.region"() ({
      %run_scoped3A = tpu.sem_alloc : memref<!tpu.dma_semaphore, #tpu.memory_space<semaphore_mem>>
      %dma_start3A_521 = arith.constant 0 : i32
      %dma_start3A_522 = tpu.memref_slice %arg8[%dma_start3A_521] : memref<256xf32, #tpu.memory_space<vmem>> -> memref<128xf32, #tpu.memory_space<vmem>>
      %dma_start3A_523 = tpu.memref_slice %arg11[%add3A_92] : memref<65536xf32, #tpu.memory_space<vmem_shared>> -> memref<128xf32, #tpu.memory_space<vmem_shared>>
      %dma_start3A_524 = arith.constant 0 : i32
      %dma_start3A_525 = tpu.memref_slice %arg8[%dma_start3A_524] : memref<256xf32, #tpu.memory_space<vmem>> -> memref<128xf32, #tpu.memory_space<vmem>>
      %dma_start3A_526 = tpu.memref_slice %arg11[%add3A_92] : memref<65536xf32, #tpu.memory_space<vmem_shared>> -> memref<128xf32, #tpu.memory_space<vmem_shared>>
      tpu.enqueue_dma source(%dma_start3A_526 : memref<128xf32, #tpu.memory_space<vmem_shared>>) target(%dma_start3A_525 : memref<128xf32, #tpu.memory_space<vmem>>) target_semaphore(%run_scoped3A : memref<!tpu.dma_semaphore, #tpu.memory_space<semaphore_mem>>)
      %dma_wait3A_527 = arith.constant 0 : i32
      %dma_wait3A_528 = tpu.memref_slice %arg8[%dma_wait3A_527] : memref<256xf32, #tpu.memory_space<vmem>> -> memref<128xf32, #tpu.memory_space<vmem>>
      %dma_wait3A_529 = tpu.memref_slice %arg11[%add3A_92] : memref<65536xf32, #tpu.memory_space<vmem_shared>> -> memref<128xf32, #tpu.memory_space<vmem_shared>>
      %dma_wait3A_530 = arith.constant 0 : i32
      %dma_wait3A_531 = tpu.memref_slice %arg8[%dma_wait3A_530] : memref<256xf32, #tpu.memory_space<vmem>> -> memref<128xf32, #tpu.memory_space<vmem>>
      %dma_wait3A_532 = tpu.memref_slice %arg11[%add3A_92] : memref<65536xf32, #tpu.memory_space<vmem_shared>> -> memref<128xf32, #tpu.memory_space<vmem_shared>>
      tpu.wait_dma2 semaphore(%run_scoped3A : memref<!tpu.dma_semaphore, #tpu.memory_space<semaphore_mem>>) src(%dma_wait3A_532 : memref<128xf32, #tpu.memory_space<vmem_shared>>) dst(%dma_wait3A_531 : memref<128xf32, #tpu.memory_space<vmem>>)
      tpu.yield
    }) : () -> ()
    %scan3A_93 = arith.constant 0 : i32
    %scan3A_94 = arith.constant 0 : i32
    %scan3A_95 = arith.constant 8 : i32
    %scan3A_96 = arith.addi %scan3A_94, %scan3A_95 : i32
    %scan3A_97 = arith.constant 1 : i32
    %scan3A_98 = scf.for %scan3A_521 = %scan3A_94 to %scan3A_96 step %scan3A_97 iter_args(%scan3A_522 = %scan3A_93) -> (i32)  : i32 {
      %mul3A_523 = arith.constant 16 : i32
      %mul3A_524 = arith.muli %scan3A_521, %mul3A_523 : i32
      %get3A = arith.index_cast %mul3A_524 : i32 to index
      %get3A_525 = tpu.vector_load %arg9[%get3A] {strides = array<i32>} : memref<256xf32, #tpu.memory_space<vmem>>, vector<16xf32>,
      %get3A_526 = arith.index_cast %mul3A_524 : i32 to index
      %get3A_527 = tpu.vector_load %arg8[%get3A_526] {strides = array<i32>} : memref<256xf32, #tpu.memory_space<vmem>>, vector<16xf32>,
      %add3A_528 = arith.addf %get3A_525, %get3A_527 : vector<16xf32>
      %swap3A = arith.index_cast %mul3A_524 : i32 to index
      %swap3A_529 = tpu.vector_load %arg9[%swap3A] {strides = array<i32>} : memref<256xf32, #tpu.memory_space<vmem>>, vector<16xf32>,
      tpu.vector_store %arg9[%swap3A], %add3A_528 {strides = array<i32>} : memref<256xf32, #tpu.memory_space<vmem>>, vector<16xf32>,
      %scan3A_530 = arith.constant 0 : i32
      scf.yield %scan3A_530 : i32
    }
    %scan3A_99 = arith.constant 8 : i32
    %mul3A_100 = arith.constant 128 : i32
    %mul3A_101 = arith.muli %arg1, %mul3A_100 : i32
    %add3A_102 = arith.constant 12288 : i32
    %add3A_103 = arith.addi %add3A_102, %mul3A_101 : i32
    "tpu.region"() ({
      %run_scoped3A = tpu.sem_alloc : memref<!tpu.dma_semaphore, #tpu.memory_space<semaphore_mem>>
      %dma_start3A_521 = arith.constant 0 : i32
      %dma_start3A_522 = tpu.memref_slice %arg8[%dma_start3A_521] : memref<256xf32, #tpu.memory_space<vmem>> -> memref<128xf32, #tpu.memory_space<vmem>>
      %dma_start3A_523 = tpu.memref_slice %arg11[%add3A_103] : memref<65536xf32, #tpu.memory_space<vmem_shared>> -> memref<128xf32, #tpu.memory_space<vmem_shared>>
      %dma_start3A_524 = arith.constant 0 : i32
      %dma_start3A_525 = tpu.memref_slice %arg8[%dma_start3A_524] : memref<256xf32, #tpu.memory_space<vmem>> -> memref<128xf32, #tpu.memory_space<vmem>>
      %dma_start3A_526 = tpu.memref_slice %arg11[%add3A_103] : memref<65536xf32, #tpu.memory_space<vmem_shared>> -> memref<128xf32, #tpu.memory_space<vmem_shared>>
      tpu.enqueue_dma source(%dma_start3A_526 : memref<128xf32, #tpu.memory_space<vmem_shared>>) target(%dma_start3A_525 : memref<128xf32, #tpu.memory_space<vmem>>) target_semaphore(%run_scoped3A : memref<!tpu.dma_semaphore, #tpu.memory_space<semaphore_mem>>)
      %dma_wait3A_527 = arith.constant 0 : i32
      %dma_wait3A_528 = tpu.memref_slice %arg8[%dma_wait3A_527] : memref<256xf32, #tpu.memory_space<vmem>> -> memref<128xf32, #tpu.memory_space<vmem>>
      %dma_wait3A_529 = tpu.memref_slice %arg11[%add3A_103] : memref<65536xf32, #tpu.memory_space<vmem_shared>> -> memref<128xf32, #tpu.memory_space<vmem_shared>>
      %dma_wait3A_530 = arith.constant 0 : i32
      %dma_wait3A_531 = tpu.memref_slice %arg8[%dma_wait3A_530] : memref<256xf32, #tpu.memory_space<vmem>> -> memref<128xf32, #tpu.memory_space<vmem>>
      %dma_wait3A_532 = tpu.memref_slice %arg11[%add3A_103] : memref<65536xf32, #tpu.memory_space<vmem_shared>> -> memref<128xf32, #tpu.memory_space<vmem_shared>>
      tpu.wait_dma2 semaphore(%run_scoped3A : memref<!tpu.dma_semaphore, #tpu.memory_space<semaphore_mem>>) src(%dma_wait3A_532 : memref<128xf32, #tpu.memory_space<vmem_shared>>) dst(%dma_wait3A_531 : memref<128xf32, #tpu.memory_space<vmem>>)
      tpu.yield
    }) : () -> ()
    %scan3A_104 = arith.constant 0 : i32
    %scan3A_105 = arith.constant 0 : i32
    %scan3A_106 = arith.constant 8 : i32
    %scan3A_107 = arith.addi %scan3A_105, %scan3A_106 : i32
    %scan3A_108 = arith.constant 1 : i32
    %scan3A_109 = scf.for %scan3A_521 = %scan3A_105 to %scan3A_107 step %scan3A_108 iter_args(%scan3A_522 = %scan3A_104) -> (i32)  : i32 {
      %mul3A_523 = arith.constant 16 : i32
      %mul3A_524 = arith.muli %scan3A_521, %mul3A_523 : i32
      %get3A = arith.index_cast %mul3A_524 : i32 to index
      %get3A_525 = tpu.vector_load %arg9[%get3A] {strides = array<i32>} : memref<256xf32, #tpu.memory_space<vmem>>, vector<16xf32>,
      %get3A_526 = arith.index_cast %mul3A_524 : i32 to index
      %get3A_527 = tpu.vector_load %arg8[%get3A_526] {strides = array<i32>} : memref<256xf32, #tpu.memory_space<vmem>>, vector<16xf32>,
      %add3A_528 = arith.addf %get3A_525, %get3A_527 : vector<16xf32>
      %swap3A = arith.index_cast %mul3A_524 : i32 to index
      %swap3A_529 = tpu.vector_load %arg9[%swap3A] {strides = array<i32>} : memref<256xf32, #tpu.memory_space<vmem>>, vector<16xf32>,
      tpu.vector_store %arg9[%swap3A], %add3A_528 {strides = array<i32>} : memref<256xf32, #tpu.memory_space<vmem>>, vector<16xf32>,
      %scan3A_530 = arith.constant 0 : i32
      scf.yield %scan3A_530 : i32
    }
    %scan3A_110 = arith.constant 8 : i32
    %mul3A_111 = arith.constant 128 : i32
    %mul3A_112 = arith.muli %arg1, %mul3A_111 : i32
    %add3A_113 = arith.constant 16384 : i32
    %add3A_114 = arith.addi %add3A_113, %mul3A_112 : i32
    "tpu.region"() ({
      %run_scoped3A = tpu.sem_alloc : memref<!tpu.dma_semaphore, #tpu.memory_space<semaphore_mem>>
      %dma_start3A_521 = arith.constant 0 : i32
      %dma_start3A_522 = tpu.memref_slice %arg8[%dma_start3A_521] : memref<256xf32, #tpu.memory_space<vmem>> -> memref<128xf32, #tpu.memory_space<vmem>>
      %dma_start3A_523 = tpu.memref_slice %arg11[%add3A_114] : memref<65536xf32, #tpu.memory_space<vmem_shared>> -> memref<128xf32, #tpu.memory_space<vmem_shared>>
      %dma_start3A_524 = arith.constant 0 : i32
      %dma_start3A_525 = tpu.memref_slice %arg8[%dma_start3A_524] : memref<256xf32, #tpu.memory_space<vmem>> -> memref<128xf32, #tpu.memory_space<vmem>>
      %dma_start3A_526 = tpu.memref_slice %arg11[%add3A_114] : memref<65536xf32, #tpu.memory_space<vmem_shared>> -> memref<128xf32, #tpu.memory_space<vmem_shared>>
      tpu.enqueue_dma source(%dma_start3A_526 : memref<128xf32, #tpu.memory_space<vmem_shared>>) target(%dma_start3A_525 : memref<128xf32, #tpu.memory_space<vmem>>) target_semaphore(%run_scoped3A : memref<!tpu.dma_semaphore, #tpu.memory_space<semaphore_mem>>)
      %dma_wait3A_527 = arith.constant 0 : i32
      %dma_wait3A_528 = tpu.memref_slice %arg8[%dma_wait3A_527] : memref<256xf32, #tpu.memory_space<vmem>> -> memref<128xf32, #tpu.memory_space<vmem>>
      %dma_wait3A_529 = tpu.memref_slice %arg11[%add3A_114] : memref<65536xf32, #tpu.memory_space<vmem_shared>> -> memref<128xf32, #tpu.memory_space<vmem_shared>>
      %dma_wait3A_530 = arith.constant 0 : i32
      %dma_wait3A_531 = tpu.memref_slice %arg8[%dma_wait3A_530] : memref<256xf32, #tpu.memory_space<vmem>> -> memref<128xf32, #tpu.memory_space<vmem>>
      %dma_wait3A_532 = tpu.memref_slice %arg11[%add3A_114] : memref<65536xf32, #tpu.memory_space<vmem_shared>> -> memref<128xf32, #tpu.memory_space<vmem_shared>>
      tpu.wait_dma2 semaphore(%run_scoped3A : memref<!tpu.dma_semaphore, #tpu.memory_space<semaphore_mem>>) src(%dma_wait3A_532 : memref<128xf32, #tpu.memory_space<vmem_shared>>) dst(%dma_wait3A_531 : memref<128xf32, #tpu.memory_space<vmem>>)
      tpu.yield
    }) : () -> ()
    %scan3A_115 = arith.constant 0 : i32
    %scan3A_116 = arith.constant 0 : i32
    %scan3A_117 = arith.constant 8 : i32
    %scan3A_118 = arith.addi %scan3A_116, %scan3A_117 : i32
    %scan3A_119 = arith.constant 1 : i32
    %scan3A_120 = scf.for %scan3A_521 = %scan3A_116 to %scan3A_118 step %scan3A_119 iter_args(%scan3A_522 = %scan3A_115) -> (i32)  : i32 {
      %mul3A_523 = arith.constant 16 : i32
      %mul3A_524 = arith.muli %scan3A_521, %mul3A_523 : i32
      %get3A = arith.index_cast %mul3A_524 : i32 to index
      %get3A_525 = tpu.vector_load %arg9[%get3A] {strides = array<i32>} : memref<256xf32, #tpu.memory_space<vmem>>, vector<16xf32>,
      %get3A_526 = arith.index_cast %mul3A_524 : i32 to index
      %get3A_527 = tpu.vector_load %arg8[%get3A_526] {strides = array<i32>} : memref<256xf32, #tpu.memory_space<vmem>>, vector<16xf32>,
      %add3A_528 = arith.addf %get3A_525, %get3A_527 : vector<16xf32>
      %swap3A = arith.index_cast %mul3A_524 : i32 to index
      %swap3A_529 = tpu.vector_load %arg9[%swap3A] {strides = array<i32>} : memref<256xf32, #tpu.memory_space<vmem>>, vector<16xf32>,
      tpu.vector_store %arg9[%swap3A], %add3A_528 {strides = array<i32>} : memref<256xf32, #tpu.memory_space<vmem>>, vector<16xf32>,
      %scan3A_530 = arith.constant 0 : i32
      scf.yield %scan3A_530 : i32
    }
    %scan3A_121 = arith.constant 8 : i32
    %mul3A_122 = arith.constant 128 : i32
    %mul3A_123 = arith.muli %arg1, %mul3A_122 : i32
    %add3A_124 = arith.constant 20480 : i32
    %add3A_125 = arith.addi %add3A_124, %mul3A_123 : i32
    "tpu.region"() ({
      %run_scoped3A = tpu.sem_alloc : memref<!tpu.dma_semaphore, #tpu.memory_space<semaphore_mem>>
      %dma_start3A_521 = arith.constant 0 : i32
      %dma_start3A_522 = tpu.memref_slice %arg8[%dma_start3A_521] : memref<256xf32, #tpu.memory_space<vmem>> -> memref<128xf32, #tpu.memory_space<vmem>>
      %dma_start3A_523 = tpu.memref_slice %arg11[%add3A_125] : memref<65536xf32, #tpu.memory_space<vmem_shared>> -> memref<128xf32, #tpu.memory_space<vmem_shared>>
      %dma_start3A_524 = arith.constant 0 : i32
      %dma_start3A_525 = tpu.memref_slice %arg8[%dma_start3A_524] : memref<256xf32, #tpu.memory_space<vmem>> -> memref<128xf32, #tpu.memory_space<vmem>>
      %dma_start3A_526 = tpu.memref_slice %arg11[%add3A_125] : memref<65536xf32, #tpu.memory_space<vmem_shared>> -> memref<128xf32, #tpu.memory_space<vmem_shared>>
      tpu.enqueue_dma source(%dma_start3A_526 : memref<128xf32, #tpu.memory_space<vmem_shared>>) target(%dma_start3A_525 : memref<128xf32, #tpu.memory_space<vmem>>) target_semaphore(%run_scoped3A : memref<!tpu.dma_semaphore, #tpu.memory_space<semaphore_mem>>)
      %dma_wait3A_527 = arith.constant 0 : i32
      %dma_wait3A_528 = tpu.memref_slice %arg8[%dma_wait3A_527] : memref<256xf32, #tpu.memory_space<vmem>> -> memref<128xf32, #tpu.memory_space<vmem>>
      %dma_wait3A_529 = tpu.memref_slice %arg11[%add3A_125] : memref<65536xf32, #tpu.memory_space<vmem_shared>> -> memref<128xf32, #tpu.memory_space<vmem_shared>>
      %dma_wait3A_530 = arith.constant 0 : i32
      %dma_wait3A_531 = tpu.memref_slice %arg8[%dma_wait3A_530] : memref<256xf32, #tpu.memory_space<vmem>> -> memref<128xf32, #tpu.memory_space<vmem>>
      %dma_wait3A_532 = tpu.memref_slice %arg11[%add3A_125] : memref<65536xf32, #tpu.memory_space<vmem_shared>> -> memref<128xf32, #tpu.memory_space<vmem_shared>>
      tpu.wait_dma2 semaphore(%run_scoped3A : memref<!tpu.dma_semaphore, #tpu.memory_space<semaphore_mem>>) src(%dma_wait3A_532 : memref<128xf32, #tpu.memory_space<vmem_shared>>) dst(%dma_wait3A_531 : memref<128xf32, #tpu.memory_space<vmem>>)
      tpu.yield
    }) : () -> ()
    %scan3A_126 = arith.constant 0 : i32
    %scan3A_127 = arith.constant 0 : i32
    %scan3A_128 = arith.constant 8 : i32
    %scan3A_129 = arith.addi %scan3A_127, %scan3A_128 : i32
    %scan3A_130 = arith.constant 1 : i32
    %scan3A_131 = scf.for %scan3A_521 = %scan3A_127 to %scan3A_129 step %scan3A_130 iter_args(%scan3A_522 = %scan3A_126) -> (i32)  : i32 {
      %mul3A_523 = arith.constant 16 : i32
      %mul3A_524 = arith.muli %scan3A_521, %mul3A_523 : i32
      %get3A = arith.index_cast %mul3A_524 : i32 to index
      %get3A_525 = tpu.vector_load %arg9[%get3A] {strides = array<i32>} : memref<256xf32, #tpu.memory_space<vmem>>, vector<16xf32>,
      %get3A_526 = arith.index_cast %mul3A_524 : i32 to index
      %get3A_527 = tpu.vector_load %arg8[%get3A_526] {strides = array<i32>} : memref<256xf32, #tpu.memory_space<vmem>>, vector<16xf32>,
      %add3A_528 = arith.addf %get3A_525, %get3A_527 : vector<16xf32>
      %swap3A = arith.index_cast %mul3A_524 : i32 to index
      %swap3A_529 = tpu.vector_load %arg9[%swap3A] {strides = array<i32>} : memref<256xf32, #tpu.memory_space<vmem>>, vector<16xf32>,
      tpu.vector_store %arg9[%swap3A], %add3A_528 {strides = array<i32>} : memref<256xf32, #tpu.memory_space<vmem>>, vector<16xf32>,
      %scan3A_530 = arith.constant 0 : i32
      scf.yield %scan3A_530 : i32
    }
    %scan3A_132 = arith.constant 8 : i32
    %mul3A_133 = arith.constant 128 : i32
    %mul3A_134 = arith.muli %arg1, %mul3A_133 : i32
    %add3A_135 = arith.constant 24576 : i32
    %add3A_136 = arith.addi %add3A_135, %mul3A_134 : i32
    "tpu.region"() ({
      %run_scoped3A = tpu.sem_alloc : memref<!tpu.dma_semaphore, #tpu.memory_space<semaphore_mem>>
      %dma_start3A_521 = arith.constant 0 : i32
      %dma_start3A_522 = tpu.memref_slice %arg8[%dma_start3A_521] : memref<256xf32, #tpu.memory_space<vmem>> -> memref<128xf32, #tpu.memory_space<vmem>>
      %dma_start3A_523 = tpu.memref_slice %arg11[%add3A_136] : memref<65536xf32, #tpu.memory_space<vmem_shared>> -> memref<128xf32, #tpu.memory_space<vmem_shared>>
      %dma_start3A_524 = arith.constant 0 : i32
      %dma_start3A_525 = tpu.memref_slice %arg8[%dma_start3A_524] : memref<256xf32, #tpu.memory_space<vmem>> -> memref<128xf32, #tpu.memory_space<vmem>>
      %dma_start3A_526 = tpu.memref_slice %arg11[%add3A_136] : memref<65536xf32, #tpu.memory_space<vmem_shared>> -> memref<128xf32, #tpu.memory_space<vmem_shared>>
      tpu.enqueue_dma source(%dma_start3A_526 : memref<128xf32, #tpu.memory_space<vmem_shared>>) target(%dma_start3A_525 : memref<128xf32, #tpu.memory_space<vmem>>) target_semaphore(%run_scoped3A : memref<!tpu.dma_semaphore, #tpu.memory_space<semaphore_mem>>)
      %dma_wait3A_527 = arith.constant 0 : i32
      %dma_wait3A_528 = tpu.memref_slice %arg8[%dma_wait3A_527] : memref<256xf32, #tpu.memory_space<vmem>> -> memref<128xf32, #tpu.memory_space<vmem>>
      %dma_wait3A_529 = tpu.memref_slice %arg11[%add3A_136] : memref<65536xf32, #tpu.memory_space<vmem_shared>> -> memref<128xf32, #tpu.memory_space<vmem_shared>>
      %dma_wait3A_530 = arith.constant 0 : i32
      %dma_wait3A_531 = tpu.memref_slice %arg8[%dma_wait3A_530] : memref<256xf32, #tpu.memory_space<vmem>> -> memref<128xf32, #tpu.memory_space<vmem>>
      %dma_wait3A_532 = tpu.memref_slice %arg11[%add3A_136] : memref<65536xf32, #tpu.memory_space<vmem_shared>> -> memref<128xf32, #tpu.memory_space<vmem_shared>>
      tpu.wait_dma2 semaphore(%run_scoped3A : memref<!tpu.dma_semaphore, #tpu.memory_space<semaphore_mem>>) src(%dma_wait3A_532 : memref<128xf32, #tpu.memory_space<vmem_shared>>) dst(%dma_wait3A_531 : memref<128xf32, #tpu.memory_space<vmem>>)
      tpu.yield
    }) : () -> ()
    %scan3A_137 = arith.constant 0 : i32
    %scan3A_138 = arith.constant 0 : i32
    %scan3A_139 = arith.constant 8 : i32
    %scan3A_140 = arith.addi %scan3A_138, %scan3A_139 : i32
    %scan3A_141 = arith.constant 1 : i32
    %scan3A_142 = scf.for %scan3A_521 = %scan3A_138 to %scan3A_140 step %scan3A_141 iter_args(%scan3A_522 = %scan3A_137) -> (i32)  : i32 {
      %mul3A_523 = arith.constant 16 : i32
      %mul3A_524 = arith.muli %scan3A_521, %mul3A_523 : i32
      %get3A = arith.index_cast %mul3A_524 : i32 to index
      %get3A_525 = tpu.vector_load %arg9[%get3A] {strides = array<i32>} : memref<256xf32, #tpu.memory_space<vmem>>, vector<16xf32>,
      %get3A_526 = arith.index_cast %mul3A_524 : i32 to index
      %get3A_527 = tpu.vector_load %arg8[%get3A_526] {strides = array<i32>} : memref<256xf32, #tpu.memory_space<vmem>>, vector<16xf32>,
      %add3A_528 = arith.addf %get3A_525, %get3A_527 : vector<16xf32>
      %swap3A = arith.index_cast %mul3A_524 : i32 to index
      %swap3A_529 = tpu.vector_load %arg9[%swap3A] {strides = array<i32>} : memref<256xf32, #tpu.memory_space<vmem>>, vector<16xf32>,
      tpu.vector_store %arg9[%swap3A], %add3A_528 {strides = array<i32>} : memref<256xf32, #tpu.memory_space<vmem>>, vector<16xf32>,
      %scan3A_530 = arith.constant 0 : i32
      scf.yield %scan3A_530 : i32
    }
    %scan3A_143 = arith.constant 8 : i32
    %mul3A_144 = arith.constant 128 : i32
    %mul3A_145 = arith.muli %arg1, %mul3A_144 : i32
    %add3A_146 = arith.constant 28672 : i32
    %add3A_147 = arith.addi %add3A_146, %mul3A_145 : i32
    "tpu.region"() ({
      %run_scoped3A = tpu.sem_alloc : memref<!tpu.dma_semaphore, #tpu.memory_space<semaphore_mem>>
      %dma_start3A_521 = arith.constant 0 : i32
      %dma_start3A_522 = tpu.memref_slice %arg8[%dma_start3A_521] : memref<256xf32, #tpu.memory_space<vmem>> -> memref<128xf32, #tpu.memory_space<vmem>>
      %dma_start3A_523 = tpu.memref_slice %arg11[%add3A_147] : memref<65536xf32, #tpu.memory_space<vmem_shared>> -> memref<128xf32, #tpu.memory_space<vmem_shared>>
      %dma_start3A_524 = arith.constant 0 : i32
      %dma_start3A_525 = tpu.memref_slice %arg8[%dma_start3A_524] : memref<256xf32, #tpu.memory_space<vmem>> -> memref<128xf32, #tpu.memory_space<vmem>>
      %dma_start3A_526 = tpu.memref_slice %arg11[%add3A_147] : memref<65536xf32, #tpu.memory_space<vmem_shared>> -> memref<128xf32, #tpu.memory_space<vmem_shared>>
      tpu.enqueue_dma source(%dma_start3A_526 : memref<128xf32, #tpu.memory_space<vmem_shared>>) target(%dma_start3A_525 : memref<128xf32, #tpu.memory_space<vmem>>) target_semaphore(%run_scoped3A : memref<!tpu.dma_semaphore, #tpu.memory_space<semaphore_mem>>)
      %dma_wait3A_527 = arith.constant 0 : i32
      %dma_wait3A_528 = tpu.memref_slice %arg8[%dma_wait3A_527] : memref<256xf32, #tpu.memory_space<vmem>> -> memref<128xf32, #tpu.memory_space<vmem>>
      %dma_wait3A_529 = tpu.memref_slice %arg11[%add3A_147] : memref<65536xf32, #tpu.memory_space<vmem_shared>> -> memref<128xf32, #tpu.memory_space<vmem_shared>>
      %dma_wait3A_530 = arith.constant 0 : i32
      %dma_wait3A_531 = tpu.memref_slice %arg8[%dma_wait3A_530] : memref<256xf32, #tpu.memory_space<vmem>> -> memref<128xf32, #tpu.memory_space<vmem>>
      %dma_wait3A_532 = tpu.memref_slice %arg11[%add3A_147] : memref<65536xf32, #tpu.memory_space<vmem_shared>> -> memref<128xf32, #tpu.memory_space<vmem_shared>>
      tpu.wait_dma2 semaphore(%run_scoped3A : memref<!tpu.dma_semaphore, #tpu.memory_space<semaphore_mem>>) src(%dma_wait3A_532 : memref<128xf32, #tpu.memory_space<vmem_shared>>) dst(%dma_wait3A_531 : memref<128xf32, #tpu.memory_space<vmem>>)
      tpu.yield
    }) : () -> ()
    %scan3A_148 = arith.constant 0 : i32
    %scan3A_149 = arith.constant 0 : i32
    %scan3A_150 = arith.constant 8 : i32
    %scan3A_151 = arith.addi %scan3A_149, %scan3A_150 : i32
    %scan3A_152 = arith.constant 1 : i32
    %scan3A_153 = scf.for %scan3A_521 = %scan3A_149 to %scan3A_151 step %scan3A_152 iter_args(%scan3A_522 = %scan3A_148) -> (i32)  : i32 {
      %mul3A_523 = arith.constant 16 : i32
      %mul3A_524 = arith.muli %scan3A_521, %mul3A_523 : i32
      %get3A = arith.index_cast %mul3A_524 : i32 to index
      %get3A_525 = tpu.vector_load %arg9[%get3A] {strides = array<i32>} : memref<256xf32, #tpu.memory_space<vmem>>, vector<16xf32>,
      %get3A_526 = arith.index_cast %mul3A_524 : i32 to index
      %get3A_527 = tpu.vector_load %arg8[%get3A_526] {strides = array<i32>} : memref<256xf32, #tpu.memory_space<vmem>>, vector<16xf32>,
      %add3A_528 = arith.addf %get3A_525, %get3A_527 : vector<16xf32>
      %swap3A = arith.index_cast %mul3A_524 : i32 to index
      %swap3A_529 = tpu.vector_load %arg9[%swap3A] {strides = array<i32>} : memref<256xf32, #tpu.memory_space<vmem>>, vector<16xf32>,
      tpu.vector_store %arg9[%swap3A], %add3A_528 {strides = array<i32>} : memref<256xf32, #tpu.memory_space<vmem>>, vector<16xf32>,
      %scan3A_530 = arith.constant 0 : i32
      scf.yield %scan3A_530 : i32
    }
    %scan3A_154 = arith.constant 8 : i32
    %mul3A_155 = arith.constant 128 : i32
    %mul3A_156 = arith.muli %arg1, %mul3A_155 : i32
    %add3A_157 = arith.constant 32768 : i32
    %add3A_158 = arith.addi %add3A_157, %mul3A_156 : i32
    "tpu.region"() ({
      %run_scoped3A = tpu.sem_alloc : memref<!tpu.dma_semaphore, #tpu.memory_space<semaphore_mem>>
      %dma_start3A_521 = arith.constant 0 : i32
      %dma_start3A_522 = tpu.memref_slice %arg8[%dma_start3A_521] : memref<256xf32, #tpu.memory_space<vmem>> -> memref<128xf32, #tpu.memory_space<vmem>>
      %dma_start3A_523 = tpu.memref_slice %arg11[%add3A_158] : memref<65536xf32, #tpu.memory_space<vmem_shared>> -> memref<128xf32, #tpu.memory_space<vmem_shared>>
      %dma_start3A_524 = arith.constant 0 : i32
      %dma_start3A_525 = tpu.memref_slice %arg8[%dma_start3A_524] : memref<256xf32, #tpu.memory_space<vmem>> -> memref<128xf32, #tpu.memory_space<vmem>>
      %dma_start3A_526 = tpu.memref_slice %arg11[%add3A_158] : memref<65536xf32, #tpu.memory_space<vmem_shared>> -> memref<128xf32, #tpu.memory_space<vmem_shared>>
      tpu.enqueue_dma source(%dma_start3A_526 : memref<128xf32, #tpu.memory_space<vmem_shared>>) target(%dma_start3A_525 : memref<128xf32, #tpu.memory_space<vmem>>) target_semaphore(%run_scoped3A : memref<!tpu.dma_semaphore, #tpu.memory_space<semaphore_mem>>)
      %dma_wait3A_527 = arith.constant 0 : i32
      %dma_wait3A_528 = tpu.memref_slice %arg8[%dma_wait3A_527] : memref<256xf32, #tpu.memory_space<vmem>> -> memref<128xf32, #tpu.memory_space<vmem>>
      %dma_wait3A_529 = tpu.memref_slice %arg11[%add3A_158] : memref<65536xf32, #tpu.memory_space<vmem_shared>> -> memref<128xf32, #tpu.memory_space<vmem_shared>>
      %dma_wait3A_530 = arith.constant 0 : i32
      %dma_wait3A_531 = tpu.memref_slice %arg8[%dma_wait3A_530] : memref<256xf32, #tpu.memory_space<vmem>> -> memref<128xf32, #tpu.memory_space<vmem>>
      %dma_wait3A_532 = tpu.memref_slice %arg11[%add3A_158] : memref<65536xf32, #tpu.memory_space<vmem_shared>> -> memref<128xf32, #tpu.memory_space<vmem_shared>>
      tpu.wait_dma2 semaphore(%run_scoped3A : memref<!tpu.dma_semaphore, #tpu.memory_space<semaphore_mem>>) src(%dma_wait3A_532 : memref<128xf32, #tpu.memory_space<vmem_shared>>) dst(%dma_wait3A_531 : memref<128xf32, #tpu.memory_space<vmem>>)
      tpu.yield
    }) : () -> ()
    %scan3A_159 = arith.constant 0 : i32
    %scan3A_160 = arith.constant 0 : i32
    %scan3A_161 = arith.constant 8 : i32
    %scan3A_162 = arith.addi %scan3A_160, %scan3A_161 : i32
    %scan3A_163 = arith.constant 1 : i32
    %scan3A_164 = scf.for %scan3A_521 = %scan3A_160 to %scan3A_162 step %scan3A_163 iter_args(%scan3A_522 = %scan3A_159) -> (i32)  : i32 {
      %mul3A_523 = arith.constant 16 : i32
      %mul3A_524 = arith.muli %scan3A_521, %mul3A_523 : i32
      %get3A = arith.index_cast %mul3A_524 : i32 to index
      %get3A_525 = tpu.vector_load %arg9[%get3A] {strides = array<i32>} : memref<256xf32, #tpu.memory_space<vmem>>, vector<16xf32>,
      %get3A_526 = arith.index_cast %mul3A_524 : i32 to index
      %get3A_527 = tpu.vector_load %arg8[%get3A_526] {strides = array<i32>} : memref<256xf32, #tpu.memory_space<vmem>>, vector<16xf32>,
      %add3A_528 = arith.addf %get3A_525, %get3A_527 : vector<16xf32>
      %swap3A = arith.index_cast %mul3A_524 : i32 to index
      %swap3A_529 = tpu.vector_load %arg9[%swap3A] {strides = array<i32>} : memref<256xf32, #tpu.memory_space<vmem>>, vector<16xf32>,
      tpu.vector_store %arg9[%swap3A], %add3A_528 {strides = array<i32>} : memref<256xf32, #tpu.memory_space<vmem>>, vector<16xf32>,
      %scan3A_530 = arith.constant 0 : i32
      scf.yield %scan3A_530 : i32
    }
    %scan3A_165 = arith.constant 8 : i32
    %mul3A_166 = arith.constant 128 : i32
    %mul3A_167 = arith.muli %arg1, %mul3A_166 : i32
    %add3A_168 = arith.constant 36864 : i32
    %add3A_169 = arith.addi %add3A_168, %mul3A_167 : i32
    "tpu.region"() ({
      %run_scoped3A = tpu.sem_alloc : memref<!tpu.dma_semaphore, #tpu.memory_space<semaphore_mem>>
      %dma_start3A_521 = arith.constant 0 : i32
      %dma_start3A_522 = tpu.memref_slice %arg8[%dma_start3A_521] : memref<256xf32, #tpu.memory_space<vmem>> -> memref<128xf32, #tpu.memory_space<vmem>>
      %dma_start3A_523 = tpu.memref_slice %arg11[%add3A_169] : memref<65536xf32, #tpu.memory_space<vmem_shared>> -> memref<128xf32, #tpu.memory_space<vmem_shared>>
      %dma_start3A_524 = arith.constant 0 : i32
      %dma_start3A_525 = tpu.memref_slice %arg8[%dma_start3A_524] : memref<256xf32, #tpu.memory_space<vmem>> -> memref<128xf32, #tpu.memory_space<vmem>>
      %dma_start3A_526 = tpu.memref_slice %arg11[%add3A_169] : memref<65536xf32, #tpu.memory_space<vmem_shared>> -> memref<128xf32, #tpu.memory_space<vmem_shared>>
      tpu.enqueue_dma source(%dma_start3A_526 : memref<128xf32, #tpu.memory_space<vmem_shared>>) target(%dma_start3A_525 : memref<128xf32, #tpu.memory_space<vmem>>) target_semaphore(%run_scoped3A : memref<!tpu.dma_semaphore, #tpu.memory_space<semaphore_mem>>)
      %dma_wait3A_527 = arith.constant 0 : i32
      %dma_wait3A_528 = tpu.memref_slice %arg8[%dma_wait3A_527] : memref<256xf32, #tpu.memory_space<vmem>> -> memref<128xf32, #tpu.memory_space<vmem>>
      %dma_wait3A_529 = tpu.memref_slice %arg11[%add3A_169] : memref<65536xf32, #tpu.memory_space<vmem_shared>> -> memref<128xf32, #tpu.memory_space<vmem_shared>>
      %dma_wait3A_530 = arith.constant 0 : i32
      %dma_wait3A_531 = tpu.memref_slice %arg8[%dma_wait3A_530] : memref<256xf32, #tpu.memory_space<vmem>> -> memref<128xf32, #tpu.memory_space<vmem>>
      %dma_wait3A_532 = tpu.memref_slice %arg11[%add3A_169] : memref<65536xf32, #tpu.memory_space<vmem_shared>> -> memref<128xf32, #tpu.memory_space<vmem_shared>>
      tpu.wait_dma2 semaphore(%run_scoped3A : memref<!tpu.dma_semaphore, #tpu.memory_space<semaphore_mem>>) src(%dma_wait3A_532 : memref<128xf32, #tpu.memory_space<vmem_shared>>) dst(%dma_wait3A_531 : memref<128xf32, #tpu.memory_space<vmem>>)
      tpu.yield
    }) : () -> ()
    %scan3A_170 = arith.constant 0 : i32
    %scan3A_171 = arith.constant 0 : i32
    %scan3A_172 = arith.constant 8 : i32
    %scan3A_173 = arith.addi %scan3A_171, %scan3A_172 : i32
    %scan3A_174 = arith.constant 1 : i32
    %scan3A_175 = scf.for %scan3A_521 = %scan3A_171 to %scan3A_173 step %scan3A_174 iter_args(%scan3A_522 = %scan3A_170) -> (i32)  : i32 {
      %mul3A_523 = arith.constant 16 : i32
      %mul3A_524 = arith.muli %scan3A_521, %mul3A_523 : i32
      %get3A = arith.index_cast %mul3A_524 : i32 to index
      %get3A_525 = tpu.vector_load %arg9[%get3A] {strides = array<i32>} : memref<256xf32, #tpu.memory_space<vmem>>, vector<16xf32>,
      %get3A_526 = arith.index_cast %mul3A_524 : i32 to index
      %get3A_527 = tpu.vector_load %arg8[%get3A_526] {strides = array<i32>} : memref<256xf32, #tpu.memory_space<vmem>>, vector<16xf32>,
      %add3A_528 = arith.addf %get3A_525, %get3A_527 : vector<16xf32>
      %swap3A = arith.index_cast %mul3A_524 : i32 to index
      %swap3A_529 = tpu.vector_load %arg9[%swap3A] {strides = array<i32>} : memref<256xf32, #tpu.memory_space<vmem>>, vector<16xf32>,
      tpu.vector_store %arg9[%swap3A], %add3A_528 {strides = array<i32>} : memref<256xf32, #tpu.memory_space<vmem>>, vector<16xf32>,
      %scan3A_530 = arith.constant 0 : i32
      scf.yield %scan3A_530 : i32
    }
    %scan3A_176 = arith.constant 8 : i32
    %mul3A_177 = arith.constant 128 : i32
    %mul3A_178 = arith.muli %arg1, %mul3A_177 : i32
    %add3A_179 = arith.constant 40960 : i32
    %add3A_180 = arith.addi %add3A_179, %mul3A_178 : i32
    "tpu.region"() ({
      %run_scoped3A = tpu.sem_alloc : memref<!tpu.dma_semaphore, #tpu.memory_space<semaphore_mem>>
      %dma_start3A_521 = arith.constant 0 : i32
      %dma_start3A_522 = tpu.memref_slice %arg8[%dma_start3A_521] : memref<256xf32, #tpu.memory_space<vmem>> -> memref<128xf32, #tpu.memory_space<vmem>>
      %dma_start3A_523 = tpu.memref_slice %arg11[%add3A_180] : memref<65536xf32, #tpu.memory_space<vmem_shared>> -> memref<128xf32, #tpu.memory_space<vmem_shared>>
      %dma_start3A_524 = arith.constant 0 : i32
      %dma_start3A_525 = tpu.memref_slice %arg8[%dma_start3A_524] : memref<256xf32, #tpu.memory_space<vmem>> -> memref<128xf32, #tpu.memory_space<vmem>>
      %dma_start3A_526 = tpu.memref_slice %arg11[%add3A_180] : memref<65536xf32, #tpu.memory_space<vmem_shared>> -> memref<128xf32, #tpu.memory_space<vmem_shared>>
      tpu.enqueue_dma source(%dma_start3A_526 : memref<128xf32, #tpu.memory_space<vmem_shared>>) target(%dma_start3A_525 : memref<128xf32, #tpu.memory_space<vmem>>) target_semaphore(%run_scoped3A : memref<!tpu.dma_semaphore, #tpu.memory_space<semaphore_mem>>)
      %dma_wait3A_527 = arith.constant 0 : i32
      %dma_wait3A_528 = tpu.memref_slice %arg8[%dma_wait3A_527] : memref<256xf32, #tpu.memory_space<vmem>> -> memref<128xf32, #tpu.memory_space<vmem>>
      %dma_wait3A_529 = tpu.memref_slice %arg11[%add3A_180] : memref<65536xf32, #tpu.memory_space<vmem_shared>> -> memref<128xf32, #tpu.memory_space<vmem_shared>>
      %dma_wait3A_530 = arith.constant 0 : i32
      %dma_wait3A_531 = tpu.memref_slice %arg8[%dma_wait3A_530] : memref<256xf32, #tpu.memory_space<vmem>> -> memref<128xf32, #tpu.memory_space<vmem>>
      %dma_wait3A_532 = tpu.memref_slice %arg11[%add3A_180] : memref<65536xf32, #tpu.memory_space<vmem_shared>> -> memref<128xf32, #tpu.memory_space<vmem_shared>>
      tpu.wait_dma2 semaphore(%run_scoped3A : memref<!tpu.dma_semaphore, #tpu.memory_space<semaphore_mem>>) src(%dma_wait3A_532 : memref<128xf32, #tpu.memory_space<vmem_shared>>) dst(%dma_wait3A_531 : memref<128xf32, #tpu.memory_space<vmem>>)
      tpu.yield
    }) : () -> ()
    %scan3A_181 = arith.constant 0 : i32
    %scan3A_182 = arith.constant 0 : i32
    %scan3A_183 = arith.constant 8 : i32
    %scan3A_184 = arith.addi %scan3A_182, %scan3A_183 : i32
    %scan3A_185 = arith.constant 1 : i32
    %scan3A_186 = scf.for %scan3A_521 = %scan3A_182 to %scan3A_184 step %scan3A_185 iter_args(%scan3A_522 = %scan3A_181) -> (i32)  : i32 {
      %mul3A_523 = arith.constant 16 : i32
      %mul3A_524 = arith.muli %scan3A_521, %mul3A_523 : i32
      %get3A = arith.index_cast %mul3A_524 : i32 to index
      %get3A_525 = tpu.vector_load %arg9[%get3A] {strides = array<i32>} : memref<256xf32, #tpu.memory_space<vmem>>, vector<16xf32>,
      %get3A_526 = arith.index_cast %mul3A_524 : i32 to index
      %get3A_527 = tpu.vector_load %arg8[%get3A_526] {strides = array<i32>} : memref<256xf32, #tpu.memory_space<vmem>>, vector<16xf32>,
      %add3A_528 = arith.addf %get3A_525, %get3A_527 : vector<16xf32>
      %swap3A = arith.index_cast %mul3A_524 : i32 to index
      %swap3A_529 = tpu.vector_load %arg9[%swap3A] {strides = array<i32>} : memref<256xf32, #tpu.memory_space<vmem>>, vector<16xf32>,
      tpu.vector_store %arg9[%swap3A], %add3A_528 {strides = array<i32>} : memref<256xf32, #tpu.memory_space<vmem>>, vector<16xf32>,
      %scan3A_530 = arith.constant 0 : i32
      scf.yield %scan3A_530 : i32
    }
    %scan3A_187 = arith.constant 8 : i32
    %mul3A_188 = arith.constant 128 : i32
    %mul3A_189 = arith.muli %arg1, %mul3A_188 : i32
    %add3A_190 = arith.constant 45056 : i32
    %add3A_191 = arith.addi %add3A_190, %mul3A_189 : i32
    "tpu.region"() ({
      %run_scoped3A = tpu.sem_alloc : memref<!tpu.dma_semaphore, #tpu.memory_space<semaphore_mem>>
      %dma_start3A_521 = arith.constant 0 : i32
      %dma_start3A_522 = tpu.memref_slice %arg8[%dma_start3A_521] : memref<256xf32, #tpu.memory_space<vmem>> -> memref<128xf32, #tpu.memory_space<vmem>>
      %dma_start3A_523 = tpu.memref_slice %arg11[%add3A_191] : memref<65536xf32, #tpu.memory_space<vmem_shared>> -> memref<128xf32, #tpu.memory_space<vmem_shared>>
      %dma_start3A_524 = arith.constant 0 : i32
      %dma_start3A_525 = tpu.memref_slice %arg8[%dma_start3A_524] : memref<256xf32, #tpu.memory_space<vmem>> -> memref<128xf32, #tpu.memory_space<vmem>>
      %dma_start3A_526 = tpu.memref_slice %arg11[%add3A_191] : memref<65536xf32, #tpu.memory_space<vmem_shared>> -> memref<128xf32, #tpu.memory_space<vmem_shared>>
      tpu.enqueue_dma source(%dma_start3A_526 : memref<128xf32, #tpu.memory_space<vmem_shared>>) target(%dma_start3A_525 : memref<128xf32, #tpu.memory_space<vmem>>) target_semaphore(%run_scoped3A : memref<!tpu.dma_semaphore, #tpu.memory_space<semaphore_mem>>)
      %dma_wait3A_527 = arith.constant 0 : i32
      %dma_wait3A_528 = tpu.memref_slice %arg8[%dma_wait3A_527] : memref<256xf32, #tpu.memory_space<vmem>> -> memref<128xf32, #tpu.memory_space<vmem>>
      %dma_wait3A_529 = tpu.memref_slice %arg11[%add3A_191] : memref<65536xf32, #tpu.memory_space<vmem_shared>> -> memref<128xf32, #tpu.memory_space<vmem_shared>>
      %dma_wait3A_530 = arith.constant 0 : i32
      %dma_wait3A_531 = tpu.memref_slice %arg8[%dma_wait3A_530] : memref<256xf32, #tpu.memory_space<vmem>> -> memref<128xf32, #tpu.memory_space<vmem>>
      %dma_wait3A_532 = tpu.memref_slice %arg11[%add3A_191] : memref<65536xf32, #tpu.memory_space<vmem_shared>> -> memref<128xf32, #tpu.memory_space<vmem_shared>>
      tpu.wait_dma2 semaphore(%run_scoped3A : memref<!tpu.dma_semaphore, #tpu.memory_space<semaphore_mem>>) src(%dma_wait3A_532 : memref<128xf32, #tpu.memory_space<vmem_shared>>) dst(%dma_wait3A_531 : memref<128xf32, #tpu.memory_space<vmem>>)
      tpu.yield
    }) : () -> ()
    %scan3A_192 = arith.constant 0 : i32
    %scan3A_193 = arith.constant 0 : i32
    %scan3A_194 = arith.constant 8 : i32
    %scan3A_195 = arith.addi %scan3A_193, %scan3A_194 : i32
    %scan3A_196 = arith.constant 1 : i32
    %scan3A_197 = scf.for %scan3A_521 = %scan3A_193 to %scan3A_195 step %scan3A_196 iter_args(%scan3A_522 = %scan3A_192) -> (i32)  : i32 {
      %mul3A_523 = arith.constant 16 : i32
      %mul3A_524 = arith.muli %scan3A_521, %mul3A_523 : i32
      %get3A = arith.index_cast %mul3A_524 : i32 to index
      %get3A_525 = tpu.vector_load %arg9[%get3A] {strides = array<i32>} : memref<256xf32, #tpu.memory_space<vmem>>, vector<16xf32>,
      %get3A_526 = arith.index_cast %mul3A_524 : i32 to index
      %get3A_527 = tpu.vector_load %arg8[%get3A_526] {strides = array<i32>} : memref<256xf32, #tpu.memory_space<vmem>>, vector<16xf32>,
      %add3A_528 = arith.addf %get3A_525, %get3A_527 : vector<16xf32>
      %swap3A = arith.index_cast %mul3A_524 : i32 to index
      %swap3A_529 = tpu.vector_load %arg9[%swap3A] {strides = array<i32>} : memref<256xf32, #tpu.memory_space<vmem>>, vector<16xf32>,
      tpu.vector_store %arg9[%swap3A], %add3A_528 {strides = array<i32>} : memref<256xf32, #tpu.memory_space<vmem>>, vector<16xf32>,
      %scan3A_530 = arith.constant 0 : i32
      scf.yield %scan3A_530 : i32
    }
    %scan3A_198 = arith.constant 8 : i32
    %mul3A_199 = arith.constant 128 : i32
    %mul3A_200 = arith.muli %arg1, %mul3A_199 : i32
    %add3A_201 = arith.constant 49152 : i32
    %add3A_202 = arith.addi %add3A_201, %mul3A_200 : i32
    "tpu.region"() ({
      %run_scoped3A = tpu.sem_alloc : memref<!tpu.dma_semaphore, #tpu.memory_space<semaphore_mem>>
      %dma_start3A_521 = arith.constant 0 : i32
      %dma_start3A_522 = tpu.memref_slice %arg8[%dma_start3A_521] : memref<256xf32, #tpu.memory_space<vmem>> -> memref<128xf32, #tpu.memory_space<vmem>>
      %dma_start3A_523 = tpu.memref_slice %arg11[%add3A_202] : memref<65536xf32, #tpu.memory_space<vmem_shared>> -> memref<128xf32, #tpu.memory_space<vmem_shared>>
      %dma_start3A_524 = arith.constant 0 : i32
      %dma_start3A_525 = tpu.memref_slice %arg8[%dma_start3A_524] : memref<256xf32, #tpu.memory_space<vmem>> -> memref<128xf32, #tpu.memory_space<vmem>>
      %dma_start3A_526 = tpu.memref_slice %arg11[%add3A_202] : memref<65536xf32, #tpu.memory_space<vmem_shared>> -> memref<128xf32, #tpu.memory_space<vmem_shared>>
      tpu.enqueue_dma source(%dma_start3A_526 : memref<128xf32, #tpu.memory_space<vmem_shared>>) target(%dma_start3A_525 : memref<128xf32, #tpu.memory_space<vmem>>) target_semaphore(%run_scoped3A : memref<!tpu.dma_semaphore, #tpu.memory_space<semaphore_mem>>)
      %dma_wait3A_527 = arith.constant 0 : i32
      %dma_wait3A_528 = tpu.memref_slice %arg8[%dma_wait3A_527] : memref<256xf32, #tpu.memory_space<vmem>> -> memref<128xf32, #tpu.memory_space<vmem>>
      %dma_wait3A_529 = tpu.memref_slice %arg11[%add3A_202] : memref<65536xf32, #tpu.memory_space<vmem_shared>> -> memref<128xf32, #tpu.memory_space<vmem_shared>>
      %dma_wait3A_530 = arith.constant 0 : i32
      %dma_wait3A_531 = tpu.memref_slice %arg8[%dma_wait3A_530] : memref<256xf32, #tpu.memory_space<vmem>> -> memref<128xf32, #tpu.memory_space<vmem>>
      %dma_wait3A_532 = tpu.memref_slice %arg11[%add3A_202] : memref<65536xf32, #tpu.memory_space<vmem_shared>> -> memref<128xf32, #tpu.memory_space<vmem_shared>>
      tpu.wait_dma2 semaphore(%run_scoped3A : memref<!tpu.dma_semaphore, #tpu.memory_space<semaphore_mem>>) src(%dma_wait3A_532 : memref<128xf32, #tpu.memory_space<vmem_shared>>) dst(%dma_wait3A_531 : memref<128xf32, #tpu.memory_space<vmem>>)
      tpu.yield
    }) : () -> ()
    %scan3A_203 = arith.constant 0 : i32
    %scan3A_204 = arith.constant 0 : i32
    %scan3A_205 = arith.constant 8 : i32
    %scan3A_206 = arith.addi %scan3A_204, %scan3A_205 : i32
    %scan3A_207 = arith.constant 1 : i32
    %scan3A_208 = scf.for %scan3A_521 = %scan3A_204 to %scan3A_206 step %scan3A_207 iter_args(%scan3A_522 = %scan3A_203) -> (i32)  : i32 {
      %mul3A_523 = arith.constant 16 : i32
      %mul3A_524 = arith.muli %scan3A_521, %mul3A_523 : i32
      %get3A = arith.index_cast %mul3A_524 : i32 to index
      %get3A_525 = tpu.vector_load %arg9[%get3A] {strides = array<i32>} : memref<256xf32, #tpu.memory_space<vmem>>, vector<16xf32>,
      %get3A_526 = arith.index_cast %mul3A_524 : i32 to index
      %get3A_527 = tpu.vector_load %arg8[%get3A_526] {strides = array<i32>} : memref<256xf32, #tpu.memory_space<vmem>>, vector<16xf32>,
      %add3A_528 = arith.addf %get3A_525, %get3A_527 : vector<16xf32>
      %swap3A = arith.index_cast %mul3A_524 : i32 to index
      %swap3A_529 = tpu.vector_load %arg9[%swap3A] {strides = array<i32>} : memref<256xf32, #tpu.memory_space<vmem>>, vector<16xf32>,
      tpu.vector_store %arg9[%swap3A], %add3A_528 {strides = array<i32>} : memref<256xf32, #tpu.memory_space<vmem>>, vector<16xf32>,
      %scan3A_530 = arith.constant 0 : i32
      scf.yield %scan3A_530 : i32
    }
    %scan3A_209 = arith.constant 8 : i32
    %mul3A_210 = arith.constant 128 : i32
    %mul3A_211 = arith.muli %arg1, %mul3A_210 : i32
    %add3A_212 = arith.constant 53248 : i32
    %add3A_213 = arith.addi %add3A_212, %mul3A_211 : i32
    "tpu.region"() ({
      %run_scoped3A = tpu.sem_alloc : memref<!tpu.dma_semaphore, #tpu.memory_space<semaphore_mem>>
      %dma_start3A_521 = arith.constant 0 : i32
      %dma_start3A_522 = tpu.memref_slice %arg8[%dma_start3A_521] : memref<256xf32, #tpu.memory_space<vmem>> -> memref<128xf32, #tpu.memory_space<vmem>>
      %dma_start3A_523 = tpu.memref_slice %arg11[%add3A_213] : memref<65536xf32, #tpu.memory_space<vmem_shared>> -> memref<128xf32, #tpu.memory_space<vmem_shared>>
      %dma_start3A_524 = arith.constant 0 : i32
      %dma_start3A_525 = tpu.memref_slice %arg8[%dma_start3A_524] : memref<256xf32, #tpu.memory_space<vmem>> -> memref<128xf32, #tpu.memory_space<vmem>>
      %dma_start3A_526 = tpu.memref_slice %arg11[%add3A_213] : memref<65536xf32, #tpu.memory_space<vmem_shared>> -> memref<128xf32, #tpu.memory_space<vmem_shared>>
      tpu.enqueue_dma source(%dma_start3A_526 : memref<128xf32, #tpu.memory_space<vmem_shared>>) target(%dma_start3A_525 : memref<128xf32, #tpu.memory_space<vmem>>) target_semaphore(%run_scoped3A : memref<!tpu.dma_semaphore, #tpu.memory_space<semaphore_mem>>)
      %dma_wait3A_527 = arith.constant 0 : i32
      %dma_wait3A_528 = tpu.memref_slice %arg8[%dma_wait3A_527] : memref<256xf32, #tpu.memory_space<vmem>> -> memref<128xf32, #tpu.memory_space<vmem>>
      %dma_wait3A_529 = tpu.memref_slice %arg11[%add3A_213] : memref<65536xf32, #tpu.memory_space<vmem_shared>> -> memref<128xf32, #tpu.memory_space<vmem_shared>>
      %dma_wait3A_530 = arith.constant 0 : i32
      %dma_wait3A_531 = tpu.memref_slice %arg8[%dma_wait3A_530] : memref<256xf32, #tpu.memory_space<vmem>> -> memref<128xf32, #tpu.memory_space<vmem>>
      %dma_wait3A_532 = tpu.memref_slice %arg11[%add3A_213] : memref<65536xf32, #tpu.memory_space<vmem_shared>> -> memref<128xf32, #tpu.memory_space<vmem_shared>>
      tpu.wait_dma2 semaphore(%run_scoped3A : memref<!tpu.dma_semaphore, #tpu.memory_space<semaphore_mem>>) src(%dma_wait3A_532 : memref<128xf32, #tpu.memory_space<vmem_shared>>) dst(%dma_wait3A_531 : memref<128xf32, #tpu.memory_space<vmem>>)
      tpu.yield
    }) : () -> ()
    %scan3A_214 = arith.constant 0 : i32
    %scan3A_215 = arith.constant 0 : i32
    %scan3A_216 = arith.constant 8 : i32
    %scan3A_217 = arith.addi %scan3A_215, %scan3A_216 : i32
    %scan3A_218 = arith.constant 1 : i32
    %scan3A_219 = scf.for %scan3A_521 = %scan3A_215 to %scan3A_217 step %scan3A_218 iter_args(%scan3A_522 = %scan3A_214) -> (i32)  : i32 {
      %mul3A_523 = arith.constant 16 : i32
      %mul3A_524 = arith.muli %scan3A_521, %mul3A_523 : i32
      %get3A = arith.index_cast %mul3A_524 : i32 to index
      %get3A_525 = tpu.vector_load %arg9[%get3A] {strides = array<i32>} : memref<256xf32, #tpu.memory_space<vmem>>, vector<16xf32>,
      %get3A_526 = arith.index_cast %mul3A_524 : i32 to index
      %get3A_527 = tpu.vector_load %arg8[%get3A_526] {strides = array<i32>} : memref<256xf32, #tpu.memory_space<vmem>>, vector<16xf32>,
      %add3A_528 = arith.addf %get3A_525, %get3A_527 : vector<16xf32>
      %swap3A = arith.index_cast %mul3A_524 : i32 to index
      %swap3A_529 = tpu.vector_load %arg9[%swap3A] {strides = array<i32>} : memref<256xf32, #tpu.memory_space<vmem>>, vector<16xf32>,
      tpu.vector_store %arg9[%swap3A], %add3A_528 {strides = array<i32>} : memref<256xf32, #tpu.memory_space<vmem>>, vector<16xf32>,
      %scan3A_530 = arith.constant 0 : i32
      scf.yield %scan3A_530 : i32
    }
    %scan3A_220 = arith.constant 8 : i32
    %mul3A_221 = arith.constant 128 : i32
    %mul3A_222 = arith.muli %arg1, %mul3A_221 : i32
    %add3A_223 = arith.constant 57344 : i32
    %add3A_224 = arith.addi %add3A_223, %mul3A_222 : i32
    "tpu.region"() ({
      %run_scoped3A = tpu.sem_alloc : memref<!tpu.dma_semaphore, #tpu.memory_space<semaphore_mem>>
      %dma_start3A_521 = arith.constant 0 : i32
      %dma_start3A_522 = tpu.memref_slice %arg8[%dma_start3A_521] : memref<256xf32, #tpu.memory_space<vmem>> -> memref<128xf32, #tpu.memory_space<vmem>>
      %dma_start3A_523 = tpu.memref_slice %arg11[%add3A_224] : memref<65536xf32, #tpu.memory_space<vmem_shared>> -> memref<128xf32, #tpu.memory_space<vmem_shared>>
      %dma_start3A_524 = arith.constant 0 : i32
      %dma_start3A_525 = tpu.memref_slice %arg8[%dma_start3A_524] : memref<256xf32, #tpu.memory_space<vmem>> -> memref<128xf32, #tpu.memory_space<vmem>>
      %dma_start3A_526 = tpu.memref_slice %arg11[%add3A_224] : memref<65536xf32, #tpu.memory_space<vmem_shared>> -> memref<128xf32, #tpu.memory_space<vmem_shared>>
      tpu.enqueue_dma source(%dma_start3A_526 : memref<128xf32, #tpu.memory_space<vmem_shared>>) target(%dma_start3A_525 : memref<128xf32, #tpu.memory_space<vmem>>) target_semaphore(%run_scoped3A : memref<!tpu.dma_semaphore, #tpu.memory_space<semaphore_mem>>)
      %dma_wait3A_527 = arith.constant 0 : i32
      %dma_wait3A_528 = tpu.memref_slice %arg8[%dma_wait3A_527] : memref<256xf32, #tpu.memory_space<vmem>> -> memref<128xf32, #tpu.memory_space<vmem>>
      %dma_wait3A_529 = tpu.memref_slice %arg11[%add3A_224] : memref<65536xf32, #tpu.memory_space<vmem_shared>> -> memref<128xf32, #tpu.memory_space<vmem_shared>>
      %dma_wait3A_530 = arith.constant 0 : i32
      %dma_wait3A_531 = tpu.memref_slice %arg8[%dma_wait3A_530] : memref<256xf32, #tpu.memory_space<vmem>> -> memref<128xf32, #tpu.memory_space<vmem>>
      %dma_wait3A_532 = tpu.memref_slice %arg11[%add3A_224] : memref<65536xf32, #tpu.memory_space<vmem_shared>> -> memref<128xf32, #tpu.memory_space<vmem_shared>>
      tpu.wait_dma2 semaphore(%run_scoped3A : memref<!tpu.dma_semaphore, #tpu.memory_space<semaphore_mem>>) src(%dma_wait3A_532 : memref<128xf32, #tpu.memory_space<vmem_shared>>) dst(%dma_wait3A_531 : memref<128xf32, #tpu.memory_space<vmem>>)
      tpu.yield
    }) : () -> ()
    %scan3A_225 = arith.constant 0 : i32
    %scan3A_226 = arith.constant 0 : i32
    %scan3A_227 = arith.constant 8 : i32
    %scan3A_228 = arith.addi %scan3A_226, %scan3A_227 : i32
    %scan3A_229 = arith.constant 1 : i32
    %scan3A_230 = scf.for %scan3A_521 = %scan3A_226 to %scan3A_228 step %scan3A_229 iter_args(%scan3A_522 = %scan3A_225) -> (i32)  : i32 {
      %mul3A_523 = arith.constant 16 : i32
      %mul3A_524 = arith.muli %scan3A_521, %mul3A_523 : i32
      %get3A = arith.index_cast %mul3A_524 : i32 to index
      %get3A_525 = tpu.vector_load %arg9[%get3A] {strides = array<i32>} : memref<256xf32, #tpu.memory_space<vmem>>, vector<16xf32>,
      %get3A_526 = arith.index_cast %mul3A_524 : i32 to index
      %get3A_527 = tpu.vector_load %arg8[%get3A_526] {strides = array<i32>} : memref<256xf32, #tpu.memory_space<vmem>>, vector<16xf32>,
      %add3A_528 = arith.addf %get3A_525, %get3A_527 : vector<16xf32>
      %swap3A = arith.index_cast %mul3A_524 : i32 to index
      %swap3A_529 = tpu.vector_load %arg9[%swap3A] {strides = array<i32>} : memref<256xf32, #tpu.memory_space<vmem>>, vector<16xf32>,
      tpu.vector_store %arg9[%swap3A], %add3A_528 {strides = array<i32>} : memref<256xf32, #tpu.memory_space<vmem>>, vector<16xf32>,
      %scan3A_530 = arith.constant 0 : i32
      scf.yield %scan3A_530 : i32
    }
    %scan3A_231 = arith.constant 8 : i32
    %mul3A_232 = arith.constant 128 : i32
    %mul3A_233 = arith.muli %arg1, %mul3A_232 : i32
    %add3A_234 = arith.constant 61440 : i32
    %add3A_235 = arith.addi %add3A_234, %mul3A_233 : i32
    "tpu.region"() ({
      %run_scoped3A = tpu.sem_alloc : memref<!tpu.dma_semaphore, #tpu.memory_space<semaphore_mem>>
      %dma_start3A_521 = arith.constant 0 : i32
      %dma_start3A_522 = tpu.memref_slice %arg8[%dma_start3A_521] : memref<256xf32, #tpu.memory_space<vmem>> -> memref<128xf32, #tpu.memory_space<vmem>>
      %dma_start3A_523 = tpu.memref_slice %arg11[%add3A_235] : memref<65536xf32, #tpu.memory_space<vmem_shared>> -> memref<128xf32, #tpu.memory_space<vmem_shared>>
      %dma_start3A_524 = arith.constant 0 : i32
      %dma_start3A_525 = tpu.memref_slice %arg8[%dma_start3A_524] : memref<256xf32, #tpu.memory_space<vmem>> -> memref<128xf32, #tpu.memory_space<vmem>>
      %dma_start3A_526 = tpu.memref_slice %arg11[%add3A_235] : memref<65536xf32, #tpu.memory_space<vmem_shared>> -> memref<128xf32, #tpu.memory_space<vmem_shared>>
      tpu.enqueue_dma source(%dma_start3A_526 : memref<128xf32, #tpu.memory_space<vmem_shared>>) target(%dma_start3A_525 : memref<128xf32, #tpu.memory_space<vmem>>) target_semaphore(%run_scoped3A : memref<!tpu.dma_semaphore, #tpu.memory_space<semaphore_mem>>)
      %dma_wait3A_527 = arith.constant 0 : i32
      %dma_wait3A_528 = tpu.memref_slice %arg8[%dma_wait3A_527] : memref<256xf32, #tpu.memory_space<vmem>> -> memref<128xf32, #tpu.memory_space<vmem>>
      %dma_wait3A_529 = tpu.memref_slice %arg11[%add3A_235] : memref<65536xf32, #tpu.memory_space<vmem_shared>> -> memref<128xf32, #tpu.memory_space<vmem_shared>>
      %dma_wait3A_530 = arith.constant 0 : i32
      %dma_wait3A_531 = tpu.memref_slice %arg8[%dma_wait3A_530] : memref<256xf32, #tpu.memory_space<vmem>> -> memref<128xf32, #tpu.memory_space<vmem>>
      %dma_wait3A_532 = tpu.memref_slice %arg11[%add3A_235] : memref<65536xf32, #tpu.memory_space<vmem_shared>> -> memref<128xf32, #tpu.memory_space<vmem_shared>>
      tpu.wait_dma2 semaphore(%run_scoped3A : memref<!tpu.dma_semaphore, #tpu.memory_space<semaphore_mem>>) src(%dma_wait3A_532 : memref<128xf32, #tpu.memory_space<vmem_shared>>) dst(%dma_wait3A_531 : memref<128xf32, #tpu.memory_space<vmem>>)
      tpu.yield
    }) : () -> ()
    %scan3A_236 = arith.constant 0 : i32
    %scan3A_237 = arith.constant 0 : i32
    %scan3A_238 = arith.constant 8 : i32
    %scan3A_239 = arith.addi %scan3A_237, %scan3A_238 : i32
    %scan3A_240 = arith.constant 1 : i32
    %scan3A_241 = scf.for %scan3A_521 = %scan3A_237 to %scan3A_239 step %scan3A_240 iter_args(%scan3A_522 = %scan3A_236) -> (i32)  : i32 {
      %mul3A_523 = arith.constant 16 : i32
      %mul3A_524 = arith.muli %scan3A_521, %mul3A_523 : i32
      %get3A = arith.index_cast %mul3A_524 : i32 to index
      %get3A_525 = tpu.vector_load %arg9[%get3A] {strides = array<i32>} : memref<256xf32, #tpu.memory_space<vmem>>, vector<16xf32>,
      %get3A_526 = arith.index_cast %mul3A_524 : i32 to index
      %get3A_527 = tpu.vector_load %arg8[%get3A_526] {strides = array<i32>} : memref<256xf32, #tpu.memory_space<vmem>>, vector<16xf32>,
      %add3A_528 = arith.addf %get3A_525, %get3A_527 : vector<16xf32>
      %swap3A = arith.index_cast %mul3A_524 : i32 to index
      %swap3A_529 = tpu.vector_load %arg9[%swap3A] {strides = array<i32>} : memref<256xf32, #tpu.memory_space<vmem>>, vector<16xf32>,
      tpu.vector_store %arg9[%swap3A], %add3A_528 {strides = array<i32>} : memref<256xf32, #tpu.memory_space<vmem>>, vector<16xf32>,
      %scan3A_530 = arith.constant 0 : i32
      scf.yield %scan3A_530 : i32
    }
    %scan3A_242 = arith.constant 8 : i32
    %mul3A_243 = arith.constant 128 : i32
    %mul3A_244 = arith.muli %arg1, %mul3A_243 : i32
    "tpu.region"() ({
      %run_scoped3A = tpu.sem_alloc : memref<!tpu.dma_semaphore, #tpu.memory_space<semaphore_mem>>
      %dma_start3A_521 = arith.constant 0 : i32
      %dma_start3A_522 = tpu.memref_slice %arg9[%dma_start3A_521] : memref<256xf32, #tpu.memory_space<vmem>> -> memref<128xf32, #tpu.memory_space<vmem>>
      %dma_start3A_523 = tpu.memref_slice %arg12[%mul3A_244] : memref<4096xf32, #tpu.memory_space<vmem_shared>> -> memref<128xf32, #tpu.memory_space<vmem_shared>>
      %dma_start3A_524 = tpu.memref_slice %arg12[%mul3A_244] : memref<4096xf32, #tpu.memory_space<vmem_shared>> -> memref<128xf32, #tpu.memory_space<vmem_shared>>
      %dma_start3A_525 = arith.constant 0 : i32
      %dma_start3A_526 = tpu.memref_slice %arg9[%dma_start3A_525] : memref<256xf32, #tpu.memory_space<vmem>> -> memref<128xf32, #tpu.memory_space<vmem>>
      tpu.enqueue_dma source(%dma_start3A_526 : memref<128xf32, #tpu.memory_space<vmem>>) target(%dma_start3A_524 : memref<128xf32, #tpu.memory_space<vmem_shared>>) target_semaphore(%run_scoped3A : memref<!tpu.dma_semaphore, #tpu.memory_space<semaphore_mem>>)
      %dma_wait3A_527 = arith.constant 0 : i32
      %dma_wait3A_528 = tpu.memref_slice %arg9[%dma_wait3A_527] : memref<256xf32, #tpu.memory_space<vmem>> -> memref<128xf32, #tpu.memory_space<vmem>>
      %dma_wait3A_529 = tpu.memref_slice %arg12[%mul3A_244] : memref<4096xf32, #tpu.memory_space<vmem_shared>> -> memref<128xf32, #tpu.memory_space<vmem_shared>>
      %dma_wait3A_530 = tpu.memref_slice %arg12[%mul3A_244] : memref<4096xf32, #tpu.memory_space<vmem_shared>> -> memref<128xf32, #tpu.memory_space<vmem_shared>>
      %dma_wait3A_531 = arith.constant 0 : i32
      %dma_wait3A_532 = tpu.memref_slice %arg9[%dma_wait3A_531] : memref<256xf32, #tpu.memory_space<vmem>> -> memref<128xf32, #tpu.memory_space<vmem>>
      tpu.wait_dma2 semaphore(%run_scoped3A : memref<!tpu.dma_semaphore, #tpu.memory_space<semaphore_mem>>) src(%dma_wait3A_532 : memref<128xf32, #tpu.memory_space<vmem>>) dst(%dma_wait3A_530 : memref<128xf32, #tpu.memory_space<vmem_shared>>)
      tpu.yield
    }) : () -> ()
    %barrier3A_245 = arith.constant 0 : index
    tpu.barrier barrier_id(%barrier3A_245)
    "tpu.region"() ({
      %run_scoped3A = tpu.sem_alloc : memref<!tpu.dma_semaphore, #tpu.memory_space<semaphore_mem>>
      %dma_start3A_521 = arith.constant 0 : i32
      %dma_start3A_522 = tpu.memref_slice %arg7[%dma_start3A_521] : memref<4096xf32, #tpu.memory_space<vmem>> -> memref<2048xf32, #tpu.memory_space<vmem>>
      %dma_start3A_523 = arith.constant 0 : i32
      %dma_start3A_524 = tpu.memref_slice %arg12[%dma_start3A_523] : memref<4096xf32, #tpu.memory_space<vmem_shared>> -> memref<2048xf32, #tpu.memory_space<vmem_shared>>
      %dma_start3A_525 = arith.constant 0 : i32
      %dma_start3A_526 = tpu.memref_slice %arg7[%dma_start3A_525] : memref<4096xf32, #tpu.memory_space<vmem>> -> memref<2048xf32, #tpu.memory_space<vmem>>
      %dma_start3A_527 = arith.constant 0 : i32
      %dma_start3A_528 = tpu.memref_slice %arg12[%dma_start3A_527] : memref<4096xf32, #tpu.memory_space<vmem_shared>> -> memref<2048xf32, #tpu.memory_space<vmem_shared>>
      tpu.enqueue_dma source(%dma_start3A_528 : memref<2048xf32, #tpu.memory_space<vmem_shared>>) target(%dma_start3A_526 : memref<2048xf32, #tpu.memory_space<vmem>>) target_semaphore(%run_scoped3A : memref<!tpu.dma_semaphore, #tpu.memory_space<semaphore_mem>>)
      %dma_wait3A_529 = arith.constant 0 : i32
      %dma_wait3A_530 = tpu.memref_slice %arg7[%dma_wait3A_529] : memref<4096xf32, #tpu.memory_space<vmem>> -> memref<2048xf32, #tpu.memory_space<vmem>>
      %dma_wait3A_531 = arith.constant 0 : i32
      %dma_wait3A_532 = tpu.memref_slice %arg12[%dma_wait3A_531] : memref<4096xf32, #tpu.memory_space<vmem_shared>> -> memref<2048xf32, #tpu.memory_space<vmem_shared>>
      %dma_wait3A_533 = arith.constant 0 : i32
      %dma_wait3A_534 = tpu.memref_slice %arg7[%dma_wait3A_533] : memref<4096xf32, #tpu.memory_space<vmem>> -> memref<2048xf32, #tpu.memory_space<vmem>>
      %dma_wait3A_535 = arith.constant 0 : i32
      %dma_wait3A_536 = tpu.memref_slice %arg12[%dma_wait3A_535] : memref<4096xf32, #tpu.memory_space<vmem_shared>> -> memref<2048xf32, #tpu.memory_space<vmem_shared>>
      tpu.wait_dma2 semaphore(%run_scoped3A : memref<!tpu.dma_semaphore, #tpu.memory_space<semaphore_mem>>) src(%dma_wait3A_536 : memref<2048xf32, #tpu.memory_space<vmem_shared>>) dst(%dma_wait3A_534 : memref<2048xf32, #tpu.memory_space<vmem>>)
      tpu.yield
    }) : () -> ()
    %scan3A_246 = arith.constant 0.000000e+00 : f32
    %scan3A_247 = arith.constant -1 : i32
    %scan3A_248 = arith.constant 0 : i32
    %scan3A_249 = arith.constant 128 : i32
    %scan3A_250 = arith.addi %scan3A_248, %scan3A_249 : i32
    %scan3A_251 = arith.constant 1 : i32
    %scan3A_252:2 = scf.for %scan3A_521 = %scan3A_248 to %scan3A_250 step %scan3A_251 iter_args(%scan3A_522 = %scan3A_246, %scan3A_523 = %scan3A_247) -> (f32, i32)  : i32 {
      %sub3A = arith.constant 127 : i32
      %sub3A_524 = arith.subi %sub3A, %scan3A_521 : i32
      %mul3A_525 = arith.constant 16 : i32
      %mul3A_526 = arith.muli %sub3A_524, %mul3A_525 : i32
      %get3A = arith.index_cast %mul3A_526 : i32 to index
      %get3A_527 = tpu.vector_load %arg7[%get3A] {strides = array<i32>} : memref<4096xf32, #tpu.memory_space<vmem>>, vector<16xf32>,
      %reduce_sum3A = arith.constant true
      %reduce_sum3A_528 = vector.broadcast %reduce_sum3A : i1 to vector<16xi1>
      %reduce_sum3A_529 = tpu.scan <sum>, %get3A_527 masked %reduce_sum3A_528 : vector<16xf32>, vector<16xi1> -> vector<16xf32>
      %reduce_sum3A_530 = vector.extract %reduce_sum3A_529[15] : f32 from vector<16xf32>
      %add3A_531 = arith.addf %scan3A_522, %reduce_sum3A_530 : f32
      %ge3A = arith.constant 6.291450e+05 : f32
      %ge3A_532 = arith.cmpf oge, %add3A_531, %ge3A : f32
      %lt3A = arith.constant 0 : i32
      %lt3A_533 = arith.cmpi slt, %scan3A_523, %lt3A : i32
      %and3A_534 = arith.andi %ge3A_532, %lt3A_533 : i1
      %select_n3A = arith.select %and3A_534, %sub3A_524, %scan3A_523 : i32
      scf.yield %add3A_531, %select_n3A : f32, i32
    }
    %scan3A_253 = arith.constant 128 : i32
    %convert_element_type3A = arith.sitofp %scan3A_252#1 : i32 to f32
    %mul3A_254 = arith.constant 1.250000e-01 : f32
    %mul3A_255 = arith.mulf %convert_element_type3A, %mul3A_254 : f32
    %add3A_256 = arith.constant 0.000000e+00 : f32
    %add3A_257 = arith.addf %add3A_256, %mul3A_255 : f32
    %parallel_loop3A_258 = arith.constant 0 : i32
    %parallel_loop3A_259 = arith.constant 64 : i32
    %parallel_loop3A_260 = arith.constant 1 : i32
    scf.for %parallel_loop3A_521 = %parallel_loop3A_258 to %parallel_loop3A_259 step %parallel_loop3A_260  : i32 {
      %parallel_loop3A_522 = arith.constant 0.000000e+00 : f32
      %parallel_loop3A_523 = vector.broadcast %parallel_loop3A_522 : f32 to vector<16xf32>
      %parallel_loop3A_524 = arith.constant 64 : i32
      %parallel_loop3A_525 = arith.muli %parallel_loop3A_521, %parallel_loop3A_524 : i32
      %parallel_loop3A_526 = arith.constant 0 : i32
      %parallel_loop3A_527 = arith.addi %parallel_loop3A_525, %parallel_loop3A_526 : i32
      %parallel_loop3A_528 = arith.index_cast %parallel_loop3A_527 : i32 to index
      %parallel_loop3A_529 = tpu.vector_load %arg6[%parallel_loop3A_528] {strides = array<i32>} : memref<4096xf32, #tpu.memory_space<vmem>>, vector<16xf32>,
      tpu.vector_store %arg6[%parallel_loop3A_528], %parallel_loop3A_523 {strides = array<i32>} : memref<4096xf32, #tpu.memory_space<vmem>>, vector<16xf32>,
      %parallel_loop3A_530 = arith.constant 0.000000e+00 : f32
      %parallel_loop3A_531 = vector.broadcast %parallel_loop3A_530 : f32 to vector<16xf32>
      %parallel_loop3A_532 = arith.constant 64 : i32
      %parallel_loop3A_533 = arith.muli %parallel_loop3A_521, %parallel_loop3A_532 : i32
      %parallel_loop3A_534 = arith.constant 16 : i32
      %parallel_loop3A_535 = arith.addi %parallel_loop3A_533, %parallel_loop3A_534 : i32
      %parallel_loop3A_536 = arith.index_cast %parallel_loop3A_535 : i32 to index
      %parallel_loop3A_537 = tpu.vector_load %arg6[%parallel_loop3A_536] {strides = array<i32>} : memref<4096xf32, #tpu.memory_space<vmem>>, vector<16xf32>,
      tpu.vector_store %arg6[%parallel_loop3A_536], %parallel_loop3A_531 {strides = array<i32>} : memref<4096xf32, #tpu.memory_space<vmem>>, vector<16xf32>,
      %parallel_loop3A_538 = arith.constant 0.000000e+00 : f32
      %parallel_loop3A_539 = vector.broadcast %parallel_loop3A_538 : f32 to vector<16xf32>
      %parallel_loop3A_540 = arith.constant 64 : i32
      %parallel_loop3A_541 = arith.muli %parallel_loop3A_521, %parallel_loop3A_540 : i32
      %parallel_loop3A_542 = arith.constant 32 : i32
      %parallel_loop3A_543 = arith.addi %parallel_loop3A_541, %parallel_loop3A_542 : i32
      %parallel_loop3A_544 = arith.index_cast %parallel_loop3A_543 : i32 to index
      %parallel_loop3A_545 = tpu.vector_load %arg6[%parallel_loop3A_544] {strides = array<i32>} : memref<4096xf32, #tpu.memory_space<vmem>>, vector<16xf32>,
      tpu.vector_store %arg6[%parallel_loop3A_544], %parallel_loop3A_539 {strides = array<i32>} : memref<4096xf32, #tpu.memory_space<vmem>>, vector<16xf32>,
      %parallel_loop3A_546 = arith.constant 0.000000e+00 : f32
      %parallel_loop3A_547 = vector.broadcast %parallel_loop3A_546 : f32 to vector<16xf32>
      %parallel_loop3A_548 = arith.constant 64 : i32
      %parallel_loop3A_549 = arith.muli %parallel_loop3A_521, %parallel_loop3A_548 : i32
      %parallel_loop3A_550 = arith.constant 48 : i32
      %parallel_loop3A_551 = arith.addi %parallel_loop3A_549, %parallel_loop3A_550 : i32
      %parallel_loop3A_552 = arith.index_cast %parallel_loop3A_551 : i32 to index
      %parallel_loop3A_553 = tpu.vector_load %arg6[%parallel_loop3A_552] {strides = array<i32>} : memref<4096xf32, #tpu.memory_space<vmem>>, vector<16xf32>,
      tpu.vector_store %arg6[%parallel_loop3A_552], %parallel_loop3A_547 {strides = array<i32>} : memref<4096xf32, #tpu.memory_space<vmem>>, vector<16xf32>,
    } {sc.loop_unroll_factor = 4 : i64, sc.parallel_access}
    %add3A_261 = arith.constant 0 : i32
    %add3A_262 = arith.addi %mul3A_0, %add3A_261 : i32
    %dma_start3A_263 = arith.constant 0 : i32
    %dma_start3A_264 = tpu.memref_slice %arg5[%dma_start3A_263] : memref<65536xf32, #tpu.memory_space<vmem>> -> memref<32768xf32, #tpu.memory_space<vmem>>
    %dma_start3A_265 = tpu.memref_slice %arg2[%add3A_262] : memref<1048576xf32, #tpu.memory_space<hbm>> -> memref<32768xf32, #tpu.memory_space<hbm>>
    %dma_start3A_266 = arith.constant 0 : i32
    %dma_start3A_267 = tpu.memref_slice %arg5[%dma_start3A_266] : memref<65536xf32, #tpu.memory_space<vmem>> -> memref<32768xf32, #tpu.memory_space<vmem>>
    %dma_start3A_268 = tpu.memref_slice %arg2[%add3A_262] : memref<1048576xf32, #tpu.memory_space<hbm>> -> memref<32768xf32, #tpu.memory_space<hbm>>
    tpu.enqueue_dma source(%dma_start3A_268 : memref<32768xf32, #tpu.memory_space<hbm>>) target(%dma_start3A_267 : memref<32768xf32, #tpu.memory_space<vmem>>) target_semaphore(%arg13 : memref<!tpu.dma_semaphore, #tpu.memory_space<semaphore_mem>>)
    %add3A_269 = arith.constant 32768 : i32
    %add3A_270 = arith.addi %mul3A_0, %add3A_269 : i32
    %dma_start3A_271 = arith.constant 32768 : i32
    %dma_start3A_272 = tpu.memref_slice %arg5[%dma_start3A_271] : memref<65536xf32, #tpu.memory_space<vmem>> -> memref<32768xf32, #tpu.memory_space<vmem>>
    %dma_start3A_273 = tpu.memref_slice %arg2[%add3A_270] : memref<1048576xf32, #tpu.memory_space<hbm>> -> memref<32768xf32, #tpu.memory_space<hbm>>
    %dma_start3A_274 = arith.constant 32768 : i32
    %dma_start3A_275 = tpu.memref_slice %arg5[%dma_start3A_274] : memref<65536xf32, #tpu.memory_space<vmem>> -> memref<32768xf32, #tpu.memory_space<vmem>>
    %dma_start3A_276 = tpu.memref_slice %arg2[%add3A_270] : memref<1048576xf32, #tpu.memory_space<hbm>> -> memref<32768xf32, #tpu.memory_space<hbm>>
    tpu.enqueue_dma source(%dma_start3A_276 : memref<32768xf32, #tpu.memory_space<hbm>>) target(%dma_start3A_275 : memref<32768xf32, #tpu.memory_space<vmem>>) target_semaphore(%arg14 : memref<!tpu.dma_semaphore, #tpu.memory_space<semaphore_mem>>)
    %dma_wait3A_277 = arith.constant 0 : i32
    %dma_wait3A_278 = tpu.memref_slice %arg5[%dma_wait3A_277] : memref<65536xf32, #tpu.memory_space<vmem>> -> memref<32768xf32, #tpu.memory_space<vmem>>
    %dma_wait3A_279 = tpu.memref_slice %arg2[%add3A_262] : memref<1048576xf32, #tpu.memory_space<hbm>> -> memref<32768xf32, #tpu.memory_space<hbm>>
    %dma_wait3A_280 = arith.constant 0 : i32
    %dma_wait3A_281 = tpu.memref_slice %arg5[%dma_wait3A_280] : memref<65536xf32, #tpu.memory_space<vmem>> -> memref<32768xf32, #tpu.memory_space<vmem>>
    %dma_wait3A_282 = tpu.memref_slice %arg2[%add3A_262] : memref<1048576xf32, #tpu.memory_space<hbm>> -> memref<32768xf32, #tpu.memory_space<hbm>>
    tpu.wait_dma2 semaphore(%arg13 : memref<!tpu.dma_semaphore, #tpu.memory_space<semaphore_mem>>) src(%dma_wait3A_282 : memref<32768xf32, #tpu.memory_space<hbm>>) dst(%dma_wait3A_281 : memref<32768xf32, #tpu.memory_space<vmem>>)
    %parallel_loop3A_283 = arith.constant 0 : i32
    %parallel_loop3A_284 = arith.constant 2048 : i32
    %parallel_loop3A_285 = arith.constant 1 : i32
    scf.for %parallel_loop3A_521 = %parallel_loop3A_283 to %parallel_loop3A_284 step %parallel_loop3A_285  : i32 {
      %parallel_loop3A_522 = arith.constant 1 : i32
      %parallel_loop3A_523 = arith.muli %parallel_loop3A_521, %parallel_loop3A_522 : i32
      %parallel_loop3A_524 = arith.constant 0 : i32
      %parallel_loop3A_525 = arith.addi %parallel_loop3A_523, %parallel_loop3A_524 : i32
      %parallel_loop3A_526 = arith.constant 16 : i32
      %parallel_loop3A_527 = arith.muli %parallel_loop3A_525, %parallel_loop3A_526 : i32
      %parallel_loop3A_528 = arith.constant 0 : i32
      %parallel_loop3A_529 = arith.addi %parallel_loop3A_528, %parallel_loop3A_527 : i32
      %parallel_loop3A_530 = arith.index_cast %parallel_loop3A_529 : i32 to index
      %parallel_loop3A_531 = tpu.vector_load %arg5[%parallel_loop3A_530] {strides = array<i32>} : memref<65536xf32, #tpu.memory_space<vmem>>, vector<16xf32>,
      %parallel_loop3A_532 = vector.broadcast %add3A_257 : f32 to vector<16xf32>
      %parallel_loop3A_533 = arith.subf %parallel_loop3A_531, %parallel_loop3A_532 : vector<16xf32>
      %parallel_loop3A_534 = arith.constant 1.024000e+03 : f32
      %parallel_loop3A_535 = vector.broadcast %parallel_loop3A_534 : f32 to vector<16xf32>
      %parallel_loop3A_536 = arith.mulf %parallel_loop3A_533, %parallel_loop3A_535 : vector<16xf32>
      %parallel_loop3A_537 = arith.fptosi %parallel_loop3A_536 : vector<16xf32> to vector<16xi32>
      %parallel_loop3A_538 = arith.constant 127 : i32
      %parallel_loop3A_539 = vector.broadcast %parallel_loop3A_538 : i32 to vector<16xi32>
      %parallel_loop3A_540 = arith.minsi %parallel_loop3A_537, %parallel_loop3A_539 : vector<16xi32>
      %parallel_loop3A_541 = arith.constant 16 : i32
      %parallel_loop3A_542 = vector.broadcast %parallel_loop3A_541 : i32 to vector<16xi32>
      %parallel_loop3A_543 = arith.muli %parallel_loop3A_540, %parallel_loop3A_542 : vector<16xi32>
      %parallel_loop3A_544 = arith.addi %parallel_loop3A_543, %add3A_3 : vector<16xi32>
      %parallel_loop3A_545 = vector.broadcast %add3A_257 : f32 to vector<16xf32>
      %parallel_loop3A_546 = arith.cmpf oge, %parallel_loop3A_531, %parallel_loop3A_545 : vector<16xf32>
      tpu.vector_store_idx %arg6[%parallel_loop3A_544], %broadcast_in_dim3A_1 masked %parallel_loop3A_546 {add = true} : memref<4096xf32, #tpu.memory_space<vmem>>[vector<16xi32>], vector<16xf32>, vector<16xi1>
      %parallel_loop3A_547 = arith.constant 2048 : i32
      %parallel_loop3A_548 = vector.broadcast %parallel_loop3A_547 : i32 to vector<16xi32>
      %parallel_loop3A_549 = arith.addi %parallel_loop3A_544, %parallel_loop3A_548 : vector<16xi32>
      tpu.vector_store_idx %arg6[%parallel_loop3A_549], %parallel_loop3A_531 masked %parallel_loop3A_546 {add = true} : memref<4096xf32, #tpu.memory_space<vmem>>[vector<16xi32>], vector<16xf32>, vector<16xi1>
    } {sc.loop_unroll_factor = 4 : i64, sc.parallel_access}
    %add3A_286 = arith.constant 0 : i32
    %add3A_287 = arith.addi %mul3A_0, %add3A_286 : i32
    %dma_start3A_288 = arith.constant 0 : i32
    %dma_start3A_289 = tpu.memref_slice %arg5[%dma_start3A_288] : memref<65536xf32, #tpu.memory_space<vmem>> -> memref<32768xf32, #tpu.memory_space<vmem>>
    %dma_start3A_290 = tpu.memref_slice %arg3[%add3A_287] : memref<1048576xf32, #tpu.memory_space<hbm>> -> memref<32768xf32, #tpu.memory_space<hbm>>
    %dma_start3A_291 = arith.constant 0 : i32
    %dma_start3A_292 = tpu.memref_slice %arg5[%dma_start3A_291] : memref<65536xf32, #tpu.memory_space<vmem>> -> memref<32768xf32, #tpu.memory_space<vmem>>
    %dma_start3A_293 = tpu.memref_slice %arg3[%add3A_287] : memref<1048576xf32, #tpu.memory_space<hbm>> -> memref<32768xf32, #tpu.memory_space<hbm>>
    tpu.enqueue_dma source(%dma_start3A_293 : memref<32768xf32, #tpu.memory_space<hbm>>) target(%dma_start3A_292 : memref<32768xf32, #tpu.memory_space<vmem>>) target_semaphore(%arg13 : memref<!tpu.dma_semaphore, #tpu.memory_space<semaphore_mem>>)
    %dma_wait3A_294 = arith.constant 32768 : i32
    %dma_wait3A_295 = tpu.memref_slice %arg5[%dma_wait3A_294] : memref<65536xf32, #tpu.memory_space<vmem>> -> memref<32768xf32, #tpu.memory_space<vmem>>
    %dma_wait3A_296 = tpu.memref_slice %arg2[%add3A_270] : memref<1048576xf32, #tpu.memory_space<hbm>> -> memref<32768xf32, #tpu.memory_space<hbm>>
    %dma_wait3A_297 = arith.constant 32768 : i32
    %dma_wait3A_298 = tpu.memref_slice %arg5[%dma_wait3A_297] : memref<65536xf32, #tpu.memory_space<vmem>> -> memref<32768xf32, #tpu.memory_space<vmem>>
    %dma_wait3A_299 = tpu.memref_slice %arg2[%add3A_270] : memref<1048576xf32, #tpu.memory_space<hbm>> -> memref<32768xf32, #tpu.memory_space<hbm>>
    tpu.wait_dma2 semaphore(%arg14 : memref<!tpu.dma_semaphore, #tpu.memory_space<semaphore_mem>>) src(%dma_wait3A_299 : memref<32768xf32, #tpu.memory_space<hbm>>) dst(%dma_wait3A_298 : memref<32768xf32, #tpu.memory_space<vmem>>)
    %parallel_loop3A_300 = arith.constant 0 : i32
    %parallel_loop3A_301 = arith.constant 2048 : i32
    %parallel_loop3A_302 = arith.constant 1 : i32
    scf.for %parallel_loop3A_521 = %parallel_loop3A_300 to %parallel_loop3A_301 step %parallel_loop3A_302  : i32 {
      %parallel_loop3A_522 = arith.constant 1 : i32
      %parallel_loop3A_523 = arith.muli %parallel_loop3A_521, %parallel_loop3A_522 : i32
      %parallel_loop3A_524 = arith.constant 0 : i32
      %parallel_loop3A_525 = arith.addi %parallel_loop3A_523, %parallel_loop3A_524 : i32
      %parallel_loop3A_526 = arith.constant 16 : i32
      %parallel_loop3A_527 = arith.muli %parallel_loop3A_525, %parallel_loop3A_526 : i32
      %parallel_loop3A_528 = arith.constant 32768 : i32
      %parallel_loop3A_529 = arith.addi %parallel_loop3A_528, %parallel_loop3A_527 : i32
      %parallel_loop3A_530 = arith.index_cast %parallel_loop3A_529 : i32 to index
      %parallel_loop3A_531 = tpu.vector_load %arg5[%parallel_loop3A_530] {strides = array<i32>} : memref<65536xf32, #tpu.memory_space<vmem>>, vector<16xf32>,
      %parallel_loop3A_532 = vector.broadcast %add3A_257 : f32 to vector<16xf32>
      %parallel_loop3A_533 = arith.subf %parallel_loop3A_531, %parallel_loop3A_532 : vector<16xf32>
      %parallel_loop3A_534 = arith.constant 1.024000e+03 : f32
      %parallel_loop3A_535 = vector.broadcast %parallel_loop3A_534 : f32 to vector<16xf32>
      %parallel_loop3A_536 = arith.mulf %parallel_loop3A_533, %parallel_loop3A_535 : vector<16xf32>
      %parallel_loop3A_537 = arith.fptosi %parallel_loop3A_536 : vector<16xf32> to vector<16xi32>
      %parallel_loop3A_538 = arith.constant 127 : i32
      %parallel_loop3A_539 = vector.broadcast %parallel_loop3A_538 : i32 to vector<16xi32>
      %parallel_loop3A_540 = arith.minsi %parallel_loop3A_537, %parallel_loop3A_539 : vector<16xi32>
      %parallel_loop3A_541 = arith.constant 16 : i32
      %parallel_loop3A_542 = vector.broadcast %parallel_loop3A_541 : i32 to vector<16xi32>
      %parallel_loop3A_543 = arith.muli %parallel_loop3A_540, %parallel_loop3A_542 : vector<16xi32>
      %parallel_loop3A_544 = arith.addi %parallel_loop3A_543, %add3A_3 : vector<16xi32>
      %parallel_loop3A_545 = vector.broadcast %add3A_257 : f32 to vector<16xf32>
      %parallel_loop3A_546 = arith.cmpf oge, %parallel_loop3A_531, %parallel_loop3A_545 : vector<16xf32>
      tpu.vector_store_idx %arg6[%parallel_loop3A_544], %broadcast_in_dim3A_1 masked %parallel_loop3A_546 {add = true} : memref<4096xf32, #tpu.memory_space<vmem>>[vector<16xi32>], vector<16xf32>, vector<16xi1>
      %parallel_loop3A_547 = arith.constant 2048 : i32
      %parallel_loop3A_548 = vector.broadcast %parallel_loop3A_547 : i32 to vector<16xi32>
      %parallel_loop3A_549 = arith.addi %parallel_loop3A_544, %parallel_loop3A_548 : vector<16xi32>
      tpu.vector_store_idx %arg6[%parallel_loop3A_549], %parallel_loop3A_531 masked %parallel_loop3A_546 {add = true} : memref<4096xf32, #tpu.memory_space<vmem>>[vector<16xi32>], vector<16xf32>, vector<16xi1>
    } {sc.loop_unroll_factor = 4 : i64, sc.parallel_access}
    %add3A_303 = arith.constant 32768 : i32
    %add3A_304 = arith.addi %mul3A_0, %add3A_303 : i32
    %dma_start3A_305 = arith.constant 32768 : i32
    %dma_start3A_306 = tpu.memref_slice %arg5[%dma_start3A_305] : memref<65536xf32, #tpu.memory_space<vmem>> -> memref<32768xf32, #tpu.memory_space<vmem>>
    %dma_start3A_307 = tpu.memref_slice %arg3[%add3A_304] : memref<1048576xf32, #tpu.memory_space<hbm>> -> memref<32768xf32, #tpu.memory_space<hbm>>
    %dma_start3A_308 = arith.constant 32768 : i32
    %dma_start3A_309 = tpu.memref_slice %arg5[%dma_start3A_308] : memref<65536xf32, #tpu.memory_space<vmem>> -> memref<32768xf32, #tpu.memory_space<vmem>>
    %dma_start3A_310 = tpu.memref_slice %arg3[%add3A_304] : memref<1048576xf32, #tpu.memory_space<hbm>> -> memref<32768xf32, #tpu.memory_space<hbm>>
    tpu.enqueue_dma source(%dma_start3A_310 : memref<32768xf32, #tpu.memory_space<hbm>>) target(%dma_start3A_309 : memref<32768xf32, #tpu.memory_space<vmem>>) target_semaphore(%arg14 : memref<!tpu.dma_semaphore, #tpu.memory_space<semaphore_mem>>)
    %dma_wait3A_311 = arith.constant 0 : i32
    %dma_wait3A_312 = tpu.memref_slice %arg5[%dma_wait3A_311] : memref<65536xf32, #tpu.memory_space<vmem>> -> memref<32768xf32, #tpu.memory_space<vmem>>
    %dma_wait3A_313 = tpu.memref_slice %arg3[%add3A_287] : memref<1048576xf32, #tpu.memory_space<hbm>> -> memref<32768xf32, #tpu.memory_space<hbm>>
    %dma_wait3A_314 = arith.constant 0 : i32
    %dma_wait3A_315 = tpu.memref_slice %arg5[%dma_wait3A_314] : memref<65536xf32, #tpu.memory_space<vmem>> -> memref<32768xf32, #tpu.memory_space<vmem>>
    %dma_wait3A_316 = tpu.memref_slice %arg3[%add3A_287] : memref<1048576xf32, #tpu.memory_space<hbm>> -> memref<32768xf32, #tpu.memory_space<hbm>>
    tpu.wait_dma2 semaphore(%arg13 : memref<!tpu.dma_semaphore, #tpu.memory_space<semaphore_mem>>) src(%dma_wait3A_316 : memref<32768xf32, #tpu.memory_space<hbm>>) dst(%dma_wait3A_315 : memref<32768xf32, #tpu.memory_space<vmem>>)
    %parallel_loop3A_317 = arith.constant 0 : i32
    %parallel_loop3A_318 = arith.constant 2048 : i32
    %parallel_loop3A_319 = arith.constant 1 : i32
    scf.for %parallel_loop3A_521 = %parallel_loop3A_317 to %parallel_loop3A_318 step %parallel_loop3A_319  : i32 {
      %parallel_loop3A_522 = arith.constant 1 : i32
      %parallel_loop3A_523 = arith.muli %parallel_loop3A_521, %parallel_loop3A_522 : i32
      %parallel_loop3A_524 = arith.constant 0 : i32
      %parallel_loop3A_525 = arith.addi %parallel_loop3A_523, %parallel_loop3A_524 : i32
      %parallel_loop3A_526 = arith.constant 16 : i32
      %parallel_loop3A_527 = arith.muli %parallel_loop3A_525, %parallel_loop3A_526 : i32
      %parallel_loop3A_528 = arith.constant 0 : i32
      %parallel_loop3A_529 = arith.addi %parallel_loop3A_528, %parallel_loop3A_527 : i32
      %parallel_loop3A_530 = arith.index_cast %parallel_loop3A_529 : i32 to index
      %parallel_loop3A_531 = tpu.vector_load %arg5[%parallel_loop3A_530] {strides = array<i32>} : memref<65536xf32, #tpu.memory_space<vmem>>, vector<16xf32>,
      %parallel_loop3A_532 = vector.broadcast %add3A_257 : f32 to vector<16xf32>
      %parallel_loop3A_533 = arith.subf %parallel_loop3A_531, %parallel_loop3A_532 : vector<16xf32>
      %parallel_loop3A_534 = arith.constant 1.024000e+03 : f32
      %parallel_loop3A_535 = vector.broadcast %parallel_loop3A_534 : f32 to vector<16xf32>
      %parallel_loop3A_536 = arith.mulf %parallel_loop3A_533, %parallel_loop3A_535 : vector<16xf32>
      %parallel_loop3A_537 = arith.fptosi %parallel_loop3A_536 : vector<16xf32> to vector<16xi32>
      %parallel_loop3A_538 = arith.constant 127 : i32
      %parallel_loop3A_539 = vector.broadcast %parallel_loop3A_538 : i32 to vector<16xi32>
      %parallel_loop3A_540 = arith.minsi %parallel_loop3A_537, %parallel_loop3A_539 : vector<16xi32>
      %parallel_loop3A_541 = arith.constant 16 : i32
      %parallel_loop3A_542 = vector.broadcast %parallel_loop3A_541 : i32 to vector<16xi32>
      %parallel_loop3A_543 = arith.muli %parallel_loop3A_540, %parallel_loop3A_542 : vector<16xi32>
      %parallel_loop3A_544 = arith.addi %parallel_loop3A_543, %add3A_3 : vector<16xi32>
      %parallel_loop3A_545 = vector.broadcast %add3A_257 : f32 to vector<16xf32>
      %parallel_loop3A_546 = arith.cmpf oge, %parallel_loop3A_531, %parallel_loop3A_545 : vector<16xf32>
      tpu.vector_store_idx %arg6[%parallel_loop3A_544], %broadcast_in_dim3A_1 masked %parallel_loop3A_546 {add = true} : memref<4096xf32, #tpu.memory_space<vmem>>[vector<16xi32>], vector<16xf32>, vector<16xi1>
      %parallel_loop3A_547 = arith.constant 2048 : i32
      %parallel_loop3A_548 = vector.broadcast %parallel_loop3A_547 : i32 to vector<16xi32>
      %parallel_loop3A_549 = arith.addi %parallel_loop3A_544, %parallel_loop3A_548 : vector<16xi32>
      tpu.vector_store_idx %arg6[%parallel_loop3A_549], %parallel_loop3A_531 masked %parallel_loop3A_546 {add = true} : memref<4096xf32, #tpu.memory_space<vmem>>[vector<16xi32>], vector<16xf32>, vector<16xi1>
    } {sc.loop_unroll_factor = 4 : i64, sc.parallel_access}
    %dma_wait3A_320 = arith.constant 32768 : i32
    %dma_wait3A_321 = tpu.memref_slice %arg5[%dma_wait3A_320] : memref<65536xf32, #tpu.memory_space<vmem>> -> memref<32768xf32, #tpu.memory_space<vmem>>
    %dma_wait3A_322 = tpu.memref_slice %arg3[%add3A_304] : memref<1048576xf32, #tpu.memory_space<hbm>> -> memref<32768xf32, #tpu.memory_space<hbm>>
    %dma_wait3A_323 = arith.constant 32768 : i32
    %dma_wait3A_324 = tpu.memref_slice %arg5[%dma_wait3A_323] : memref<65536xf32, #tpu.memory_space<vmem>> -> memref<32768xf32, #tpu.memory_space<vmem>>
    %dma_wait3A_325 = tpu.memref_slice %arg3[%add3A_304] : memref<1048576xf32, #tpu.memory_space<hbm>> -> memref<32768xf32, #tpu.memory_space<hbm>>
    tpu.wait_dma2 semaphore(%arg14 : memref<!tpu.dma_semaphore, #tpu.memory_space<semaphore_mem>>) src(%dma_wait3A_325 : memref<32768xf32, #tpu.memory_space<hbm>>) dst(%dma_wait3A_324 : memref<32768xf32, #tpu.memory_space<vmem>>)
    %parallel_loop3A_326 = arith.constant 0 : i32
    %parallel_loop3A_327 = arith.constant 2048 : i32
    %parallel_loop3A_328 = arith.constant 1 : i32
    scf.for %parallel_loop3A_521 = %parallel_loop3A_326 to %parallel_loop3A_327 step %parallel_loop3A_328  : i32 {
      %parallel_loop3A_522 = arith.constant 1 : i32
      %parallel_loop3A_523 = arith.muli %parallel_loop3A_521, %parallel_loop3A_522 : i32
      %parallel_loop3A_524 = arith.constant 0 : i32
      %parallel_loop3A_525 = arith.addi %parallel_loop3A_523, %parallel_loop3A_524 : i32
      %parallel_loop3A_526 = arith.constant 16 : i32
      %parallel_loop3A_527 = arith.muli %parallel_loop3A_525, %parallel_loop3A_526 : i32
      %parallel_loop3A_528 = arith.constant 32768 : i32
      %parallel_loop3A_529 = arith.addi %parallel_loop3A_528, %parallel_loop3A_527 : i32
      %parallel_loop3A_530 = arith.index_cast %parallel_loop3A_529 : i32 to index
      %parallel_loop3A_531 = tpu.vector_load %arg5[%parallel_loop3A_530] {strides = array<i32>} : memref<65536xf32, #tpu.memory_space<vmem>>, vector<16xf32>,
      %parallel_loop3A_532 = vector.broadcast %add3A_257 : f32 to vector<16xf32>
      %parallel_loop3A_533 = arith.subf %parallel_loop3A_531, %parallel_loop3A_532 : vector<16xf32>
      %parallel_loop3A_534 = arith.constant 1.024000e+03 : f32
      %parallel_loop3A_535 = vector.broadcast %parallel_loop3A_534 : f32 to vector<16xf32>
      %parallel_loop3A_536 = arith.mulf %parallel_loop3A_533, %parallel_loop3A_535 : vector<16xf32>
      %parallel_loop3A_537 = arith.fptosi %parallel_loop3A_536 : vector<16xf32> to vector<16xi32>
      %parallel_loop3A_538 = arith.constant 127 : i32
      %parallel_loop3A_539 = vector.broadcast %parallel_loop3A_538 : i32 to vector<16xi32>
      %parallel_loop3A_540 = arith.minsi %parallel_loop3A_537, %parallel_loop3A_539 : vector<16xi32>
      %parallel_loop3A_541 = arith.constant 16 : i32
      %parallel_loop3A_542 = vector.broadcast %parallel_loop3A_541 : i32 to vector<16xi32>
      %parallel_loop3A_543 = arith.muli %parallel_loop3A_540, %parallel_loop3A_542 : vector<16xi32>
      %parallel_loop3A_544 = arith.addi %parallel_loop3A_543, %add3A_3 : vector<16xi32>
      %parallel_loop3A_545 = vector.broadcast %add3A_257 : f32 to vector<16xf32>
      %parallel_loop3A_546 = arith.cmpf oge, %parallel_loop3A_531, %parallel_loop3A_545 : vector<16xf32>
      tpu.vector_store_idx %arg6[%parallel_loop3A_544], %broadcast_in_dim3A_1 masked %parallel_loop3A_546 {add = true} : memref<4096xf32, #tpu.memory_space<vmem>>[vector<16xi32>], vector<16xf32>, vector<16xi1>
      %parallel_loop3A_547 = arith.constant 2048 : i32
      %parallel_loop3A_548 = vector.broadcast %parallel_loop3A_547 : i32 to vector<16xi32>
      %parallel_loop3A_549 = arith.addi %parallel_loop3A_544, %parallel_loop3A_548 : vector<16xi32>
      tpu.vector_store_idx %arg6[%parallel_loop3A_549], %parallel_loop3A_531 masked %parallel_loop3A_546 {add = true} : memref<4096xf32, #tpu.memory_space<vmem>>[vector<16xi32>], vector<16xf32>, vector<16xi1>
    } {sc.loop_unroll_factor = 4 : i64, sc.parallel_access}
    %parallel_loop3A_329 = arith.constant 0 : i32
    %parallel_loop3A_330 = arith.constant 256 : i32
    %parallel_loop3A_331 = arith.constant 1 : i32
    scf.for %parallel_loop3A_521 = %parallel_loop3A_329 to %parallel_loop3A_330 step %parallel_loop3A_331  : i32 {
      %parallel_loop3A_522 = arith.constant 16 : i32
      %parallel_loop3A_523 = arith.muli %parallel_loop3A_521, %parallel_loop3A_522 : i32
      %parallel_loop3A_524 = arith.index_cast %parallel_loop3A_523 : i32 to index
      %parallel_loop3A_525 = tpu.vector_load %arg6[%parallel_loop3A_524] {strides = array<i32>} : memref<4096xf32, #tpu.memory_space<vmem>>, vector<16xf32>,
      %parallel_loop3A_526 = arith.index_cast %parallel_loop3A_523 : i32 to index
      %parallel_loop3A_527 = tpu.vector_load %arg6[%parallel_loop3A_526] {strides = array<i32>} : memref<4096xf32, #tpu.memory_space<vmem>>, vector<16xf32>,
      tpu.vector_store %arg6[%parallel_loop3A_526], %parallel_loop3A_525 {strides = array<i32>} : memref<4096xf32, #tpu.memory_space<vmem>>, vector<16xf32>,
    } {sc.loop_unroll_factor = 4 : i64, sc.parallel_access}
    %mul3A_332 = arith.constant 4096 : i32
    %mul3A_333 = arith.muli %arg1, %mul3A_332 : i32
    "tpu.region"() ({
      %run_scoped3A = tpu.sem_alloc : memref<!tpu.dma_semaphore, #tpu.memory_space<semaphore_mem>>
      %dma_start3A_521 = arith.constant 0 : i32
      %dma_start3A_522 = tpu.memref_slice %arg6[%dma_start3A_521] : memref<4096xf32, #tpu.memory_space<vmem>> -> memref<4096xf32, #tpu.memory_space<vmem>>
      %dma_start3A_523 = tpu.memref_slice %arg11[%mul3A_333] : memref<65536xf32, #tpu.memory_space<vmem_shared>> -> memref<4096xf32, #tpu.memory_space<vmem_shared>>
      %dma_start3A_524 = tpu.memref_slice %arg11[%mul3A_333] : memref<65536xf32, #tpu.memory_space<vmem_shared>> -> memref<4096xf32, #tpu.memory_space<vmem_shared>>
      %dma_start3A_525 = arith.constant 0 : i32
      %dma_start3A_526 = tpu.memref_slice %arg6[%dma_start3A_525] : memref<4096xf32, #tpu.memory_space<vmem>> -> memref<4096xf32, #tpu.memory_space<vmem>>
      tpu.enqueue_dma source(%dma_start3A_526 : memref<4096xf32, #tpu.memory_space<vmem>>) target(%dma_start3A_524 : memref<4096xf32, #tpu.memory_space<vmem_shared>>) target_semaphore(%run_scoped3A : memref<!tpu.dma_semaphore, #tpu.memory_space<semaphore_mem>>)
      %dma_wait3A_527 = arith.constant 0 : i32
      %dma_wait3A_528 = tpu.memref_slice %arg6[%dma_wait3A_527] : memref<4096xf32, #tpu.memory_space<vmem>> -> memref<4096xf32, #tpu.memory_space<vmem>>
      %dma_wait3A_529 = tpu.memref_slice %arg11[%mul3A_333] : memref<65536xf32, #tpu.memory_space<vmem_shared>> -> memref<4096xf32, #tpu.memory_space<vmem_shared>>
      %dma_wait3A_530 = tpu.memref_slice %arg11[%mul3A_333] : memref<65536xf32, #tpu.memory_space<vmem_shared>> -> memref<4096xf32, #tpu.memory_space<vmem_shared>>
      %dma_wait3A_531 = arith.constant 0 : i32
      %dma_wait3A_532 = tpu.memref_slice %arg6[%dma_wait3A_531] : memref<4096xf32, #tpu.memory_space<vmem>> -> memref<4096xf32, #tpu.memory_space<vmem>>
      tpu.wait_dma2 semaphore(%run_scoped3A : memref<!tpu.dma_semaphore, #tpu.memory_space<semaphore_mem>>) src(%dma_wait3A_532 : memref<4096xf32, #tpu.memory_space<vmem>>) dst(%dma_wait3A_530 : memref<4096xf32, #tpu.memory_space<vmem_shared>>)
      tpu.yield
    }) : () -> ()
    %barrier3A_334 = arith.constant 0 : index
    tpu.barrier barrier_id(%barrier3A_334)
    %mul3A_335 = arith.constant 256 : i32
    %mul3A_336 = arith.muli %arg1, %mul3A_335 : i32
    "tpu.region"() ({
      %run_scoped3A = tpu.sem_alloc : memref<!tpu.dma_semaphore, #tpu.memory_space<semaphore_mem>>
      %dma_start3A_521 = arith.constant 0 : i32
      %dma_start3A_522 = tpu.memref_slice %arg9[%dma_start3A_521] : memref<256xf32, #tpu.memory_space<vmem>> -> memref<256xf32, #tpu.memory_space<vmem>>
      %dma_start3A_523 = tpu.memref_slice %arg11[%mul3A_336] : memref<65536xf32, #tpu.memory_space<vmem_shared>> -> memref<256xf32, #tpu.memory_space<vmem_shared>>
      %dma_start3A_524 = arith.constant 0 : i32
      %dma_start3A_525 = tpu.memref_slice %arg9[%dma_start3A_524] : memref<256xf32, #tpu.memory_space<vmem>> -> memref<256xf32, #tpu.memory_space<vmem>>
      %dma_start3A_526 = tpu.memref_slice %arg11[%mul3A_336] : memref<65536xf32, #tpu.memory_space<vmem_shared>> -> memref<256xf32, #tpu.memory_space<vmem_shared>>
      tpu.enqueue_dma source(%dma_start3A_526 : memref<256xf32, #tpu.memory_space<vmem_shared>>) target(%dma_start3A_525 : memref<256xf32, #tpu.memory_space<vmem>>) target_semaphore(%run_scoped3A : memref<!tpu.dma_semaphore, #tpu.memory_space<semaphore_mem>>)
      %dma_wait3A_527 = arith.constant 0 : i32
      %dma_wait3A_528 = tpu.memref_slice %arg9[%dma_wait3A_527] : memref<256xf32, #tpu.memory_space<vmem>> -> memref<256xf32, #tpu.memory_space<vmem>>
      %dma_wait3A_529 = tpu.memref_slice %arg11[%mul3A_336] : memref<65536xf32, #tpu.memory_space<vmem_shared>> -> memref<256xf32, #tpu.memory_space<vmem_shared>>
      %dma_wait3A_530 = arith.constant 0 : i32
      %dma_wait3A_531 = tpu.memref_slice %arg9[%dma_wait3A_530] : memref<256xf32, #tpu.memory_space<vmem>> -> memref<256xf32, #tpu.memory_space<vmem>>
      %dma_wait3A_532 = tpu.memref_slice %arg11[%mul3A_336] : memref<65536xf32, #tpu.memory_space<vmem_shared>> -> memref<256xf32, #tpu.memory_space<vmem_shared>>
      tpu.wait_dma2 semaphore(%run_scoped3A : memref<!tpu.dma_semaphore, #tpu.memory_space<semaphore_mem>>) src(%dma_wait3A_532 : memref<256xf32, #tpu.memory_space<vmem_shared>>) dst(%dma_wait3A_531 : memref<256xf32, #tpu.memory_space<vmem>>)
      tpu.yield
    }) : () -> ()
    %mul3A_337 = arith.constant 256 : i32
    %mul3A_338 = arith.muli %arg1, %mul3A_337 : i32
    %add3A_339 = arith.constant 4096 : i32
    %add3A_340 = arith.addi %add3A_339, %mul3A_338 : i32
    "tpu.region"() ({
      %run_scoped3A = tpu.sem_alloc : memref<!tpu.dma_semaphore, #tpu.memory_space<semaphore_mem>>
      %dma_start3A_521 = arith.constant 0 : i32
      %dma_start3A_522 = tpu.memref_slice %arg8[%dma_start3A_521] : memref<256xf32, #tpu.memory_space<vmem>> -> memref<256xf32, #tpu.memory_space<vmem>>
      %dma_start3A_523 = tpu.memref_slice %arg11[%add3A_340] : memref<65536xf32, #tpu.memory_space<vmem_shared>> -> memref<256xf32, #tpu.memory_space<vmem_shared>>
      %dma_start3A_524 = arith.constant 0 : i32
      %dma_start3A_525 = tpu.memref_slice %arg8[%dma_start3A_524] : memref<256xf32, #tpu.memory_space<vmem>> -> memref<256xf32, #tpu.memory_space<vmem>>
      %dma_start3A_526 = tpu.memref_slice %arg11[%add3A_340] : memref<65536xf32, #tpu.memory_space<vmem_shared>> -> memref<256xf32, #tpu.memory_space<vmem_shared>>
      tpu.enqueue_dma source(%dma_start3A_526 : memref<256xf32, #tpu.memory_space<vmem_shared>>) target(%dma_start3A_525 : memref<256xf32, #tpu.memory_space<vmem>>) target_semaphore(%run_scoped3A : memref<!tpu.dma_semaphore, #tpu.memory_space<semaphore_mem>>)
      %dma_wait3A_527 = arith.constant 0 : i32
      %dma_wait3A_528 = tpu.memref_slice %arg8[%dma_wait3A_527] : memref<256xf32, #tpu.memory_space<vmem>> -> memref<256xf32, #tpu.memory_space<vmem>>
      %dma_wait3A_529 = tpu.memref_slice %arg11[%add3A_340] : memref<65536xf32, #tpu.memory_space<vmem_shared>> -> memref<256xf32, #tpu.memory_space<vmem_shared>>
      %dma_wait3A_530 = arith.constant 0 : i32
      %dma_wait3A_531 = tpu.memref_slice %arg8[%dma_wait3A_530] : memref<256xf32, #tpu.memory_space<vmem>> -> memref<256xf32, #tpu.memory_space<vmem>>
      %dma_wait3A_532 = tpu.memref_slice %arg11[%add3A_340] : memref<65536xf32, #tpu.memory_space<vmem_shared>> -> memref<256xf32, #tpu.memory_space<vmem_shared>>
      tpu.wait_dma2 semaphore(%run_scoped3A : memref<!tpu.dma_semaphore, #tpu.memory_space<semaphore_mem>>) src(%dma_wait3A_532 : memref<256xf32, #tpu.memory_space<vmem_shared>>) dst(%dma_wait3A_531 : memref<256xf32, #tpu.memory_space<vmem>>)
      tpu.yield
    }) : () -> ()
    %scan3A_341 = arith.constant 0 : i32
    %scan3A_342 = arith.constant 0 : i32
    %scan3A_343 = arith.constant 16 : i32
    %scan3A_344 = arith.addi %scan3A_342, %scan3A_343 : i32
    %scan3A_345 = arith.constant 1 : i32
    %scan3A_346 = scf.for %scan3A_521 = %scan3A_342 to %scan3A_344 step %scan3A_345 iter_args(%scan3A_522 = %scan3A_341) -> (i32)  : i32 {
      %mul3A_523 = arith.constant 16 : i32
      %mul3A_524 = arith.muli %scan3A_521, %mul3A_523 : i32
      %get3A = arith.index_cast %mul3A_524 : i32 to index
      %get3A_525 = tpu.vector_load %arg9[%get3A] {strides = array<i32>} : memref<256xf32, #tpu.memory_space<vmem>>, vector<16xf32>,
      %get3A_526 = arith.index_cast %mul3A_524 : i32 to index
      %get3A_527 = tpu.vector_load %arg8[%get3A_526] {strides = array<i32>} : memref<256xf32, #tpu.memory_space<vmem>>, vector<16xf32>,
      %add3A_528 = arith.addf %get3A_525, %get3A_527 : vector<16xf32>
      %swap3A = arith.index_cast %mul3A_524 : i32 to index
      %swap3A_529 = tpu.vector_load %arg9[%swap3A] {strides = array<i32>} : memref<256xf32, #tpu.memory_space<vmem>>, vector<16xf32>,
      tpu.vector_store %arg9[%swap3A], %add3A_528 {strides = array<i32>} : memref<256xf32, #tpu.memory_space<vmem>>, vector<16xf32>,
      %scan3A_530 = arith.constant 0 : i32
      scf.yield %scan3A_530 : i32
    }
    %scan3A_347 = arith.constant 16 : i32
    %mul3A_348 = arith.constant 256 : i32
    %mul3A_349 = arith.muli %arg1, %mul3A_348 : i32
    %add3A_350 = arith.constant 8192 : i32
    %add3A_351 = arith.addi %add3A_350, %mul3A_349 : i32
    "tpu.region"() ({
      %run_scoped3A = tpu.sem_alloc : memref<!tpu.dma_semaphore, #tpu.memory_space<semaphore_mem>>
      %dma_start3A_521 = arith.constant 0 : i32
      %dma_start3A_522 = tpu.memref_slice %arg8[%dma_start3A_521] : memref<256xf32, #tpu.memory_space<vmem>> -> memref<256xf32, #tpu.memory_space<vmem>>
      %dma_start3A_523 = tpu.memref_slice %arg11[%add3A_351] : memref<65536xf32, #tpu.memory_space<vmem_shared>> -> memref<256xf32, #tpu.memory_space<vmem_shared>>
      %dma_start3A_524 = arith.constant 0 : i32
      %dma_start3A_525 = tpu.memref_slice %arg8[%dma_start3A_524] : memref<256xf32, #tpu.memory_space<vmem>> -> memref<256xf32, #tpu.memory_space<vmem>>
      %dma_start3A_526 = tpu.memref_slice %arg11[%add3A_351] : memref<65536xf32, #tpu.memory_space<vmem_shared>> -> memref<256xf32, #tpu.memory_space<vmem_shared>>
      tpu.enqueue_dma source(%dma_start3A_526 : memref<256xf32, #tpu.memory_space<vmem_shared>>) target(%dma_start3A_525 : memref<256xf32, #tpu.memory_space<vmem>>) target_semaphore(%run_scoped3A : memref<!tpu.dma_semaphore, #tpu.memory_space<semaphore_mem>>)
      %dma_wait3A_527 = arith.constant 0 : i32
      %dma_wait3A_528 = tpu.memref_slice %arg8[%dma_wait3A_527] : memref<256xf32, #tpu.memory_space<vmem>> -> memref<256xf32, #tpu.memory_space<vmem>>
      %dma_wait3A_529 = tpu.memref_slice %arg11[%add3A_351] : memref<65536xf32, #tpu.memory_space<vmem_shared>> -> memref<256xf32, #tpu.memory_space<vmem_shared>>
      %dma_wait3A_530 = arith.constant 0 : i32
      %dma_wait3A_531 = tpu.memref_slice %arg8[%dma_wait3A_530] : memref<256xf32, #tpu.memory_space<vmem>> -> memref<256xf32, #tpu.memory_space<vmem>>
      %dma_wait3A_532 = tpu.memref_slice %arg11[%add3A_351] : memref<65536xf32, #tpu.memory_space<vmem_shared>> -> memref<256xf32, #tpu.memory_space<vmem_shared>>
      tpu.wait_dma2 semaphore(%run_scoped3A : memref<!tpu.dma_semaphore, #tpu.memory_space<semaphore_mem>>) src(%dma_wait3A_532 : memref<256xf32, #tpu.memory_space<vmem_shared>>) dst(%dma_wait3A_531 : memref<256xf32, #tpu.memory_space<vmem>>)
      tpu.yield
    }) : () -> ()
    %scan3A_352 = arith.constant 0 : i32
    %scan3A_353 = arith.constant 0 : i32
    %scan3A_354 = arith.constant 16 : i32
    %scan3A_355 = arith.addi %scan3A_353, %scan3A_354 : i32
    %scan3A_356 = arith.constant 1 : i32
    %scan3A_357 = scf.for %scan3A_521 = %scan3A_353 to %scan3A_355 step %scan3A_356 iter_args(%scan3A_522 = %scan3A_352) -> (i32)  : i32 {
      %mul3A_523 = arith.constant 16 : i32
      %mul3A_524 = arith.muli %scan3A_521, %mul3A_523 : i32
      %get3A = arith.index_cast %mul3A_524 : i32 to index
      %get3A_525 = tpu.vector_load %arg9[%get3A] {strides = array<i32>} : memref<256xf32, #tpu.memory_space<vmem>>, vector<16xf32>,
      %get3A_526 = arith.index_cast %mul3A_524 : i32 to index
      %get3A_527 = tpu.vector_load %arg8[%get3A_526] {strides = array<i32>} : memref<256xf32, #tpu.memory_space<vmem>>, vector<16xf32>,
      %add3A_528 = arith.addf %get3A_525, %get3A_527 : vector<16xf32>
      %swap3A = arith.index_cast %mul3A_524 : i32 to index
      %swap3A_529 = tpu.vector_load %arg9[%swap3A] {strides = array<i32>} : memref<256xf32, #tpu.memory_space<vmem>>, vector<16xf32>,
      tpu.vector_store %arg9[%swap3A], %add3A_528 {strides = array<i32>} : memref<256xf32, #tpu.memory_space<vmem>>, vector<16xf32>,
      %scan3A_530 = arith.constant 0 : i32
      scf.yield %scan3A_530 : i32
    }
    %scan3A_358 = arith.constant 16 : i32
    %mul3A_359 = arith.constant 256 : i32
    %mul3A_360 = arith.muli %arg1, %mul3A_359 : i32
    %add3A_361 = arith.constant 12288 : i32
    %add3A_362 = arith.addi %add3A_361, %mul3A_360 : i32
    "tpu.region"() ({
      %run_scoped3A = tpu.sem_alloc : memref<!tpu.dma_semaphore, #tpu.memory_space<semaphore_mem>>
      %dma_start3A_521 = arith.constant 0 : i32
      %dma_start3A_522 = tpu.memref_slice %arg8[%dma_start3A_521] : memref<256xf32, #tpu.memory_space<vmem>> -> memref<256xf32, #tpu.memory_space<vmem>>
      %dma_start3A_523 = tpu.memref_slice %arg11[%add3A_362] : memref<65536xf32, #tpu.memory_space<vmem_shared>> -> memref<256xf32, #tpu.memory_space<vmem_shared>>
      %dma_start3A_524 = arith.constant 0 : i32
      %dma_start3A_525 = tpu.memref_slice %arg8[%dma_start3A_524] : memref<256xf32, #tpu.memory_space<vmem>> -> memref<256xf32, #tpu.memory_space<vmem>>
      %dma_start3A_526 = tpu.memref_slice %arg11[%add3A_362] : memref<65536xf32, #tpu.memory_space<vmem_shared>> -> memref<256xf32, #tpu.memory_space<vmem_shared>>
      tpu.enqueue_dma source(%dma_start3A_526 : memref<256xf32, #tpu.memory_space<vmem_shared>>) target(%dma_start3A_525 : memref<256xf32, #tpu.memory_space<vmem>>) target_semaphore(%run_scoped3A : memref<!tpu.dma_semaphore, #tpu.memory_space<semaphore_mem>>)
      %dma_wait3A_527 = arith.constant 0 : i32
      %dma_wait3A_528 = tpu.memref_slice %arg8[%dma_wait3A_527] : memref<256xf32, #tpu.memory_space<vmem>> -> memref<256xf32, #tpu.memory_space<vmem>>
      %dma_wait3A_529 = tpu.memref_slice %arg11[%add3A_362] : memref<65536xf32, #tpu.memory_space<vmem_shared>> -> memref<256xf32, #tpu.memory_space<vmem_shared>>
      %dma_wait3A_530 = arith.constant 0 : i32
      %dma_wait3A_531 = tpu.memref_slice %arg8[%dma_wait3A_530] : memref<256xf32, #tpu.memory_space<vmem>> -> memref<256xf32, #tpu.memory_space<vmem>>
      %dma_wait3A_532 = tpu.memref_slice %arg11[%add3A_362] : memref<65536xf32, #tpu.memory_space<vmem_shared>> -> memref<256xf32, #tpu.memory_space<vmem_shared>>
      tpu.wait_dma2 semaphore(%run_scoped3A : memref<!tpu.dma_semaphore, #tpu.memory_space<semaphore_mem>>) src(%dma_wait3A_532 : memref<256xf32, #tpu.memory_space<vmem_shared>>) dst(%dma_wait3A_531 : memref<256xf32, #tpu.memory_space<vmem>>)
      tpu.yield
    }) : () -> ()
    %scan3A_363 = arith.constant 0 : i32
    %scan3A_364 = arith.constant 0 : i32
    %scan3A_365 = arith.constant 16 : i32
    %scan3A_366 = arith.addi %scan3A_364, %scan3A_365 : i32
    %scan3A_367 = arith.constant 1 : i32
    %scan3A_368 = scf.for %scan3A_521 = %scan3A_364 to %scan3A_366 step %scan3A_367 iter_args(%scan3A_522 = %scan3A_363) -> (i32)  : i32 {
      %mul3A_523 = arith.constant 16 : i32
      %mul3A_524 = arith.muli %scan3A_521, %mul3A_523 : i32
      %get3A = arith.index_cast %mul3A_524 : i32 to index
      %get3A_525 = tpu.vector_load %arg9[%get3A] {strides = array<i32>} : memref<256xf32, #tpu.memory_space<vmem>>, vector<16xf32>,
      %get3A_526 = arith.index_cast %mul3A_524 : i32 to index
      %get3A_527 = tpu.vector_load %arg8[%get3A_526] {strides = array<i32>} : memref<256xf32, #tpu.memory_space<vmem>>, vector<16xf32>,
      %add3A_528 = arith.addf %get3A_525, %get3A_527 : vector<16xf32>
      %swap3A = arith.index_cast %mul3A_524 : i32 to index
      %swap3A_529 = tpu.vector_load %arg9[%swap3A] {strides = array<i32>} : memref<256xf32, #tpu.memory_space<vmem>>, vector<16xf32>,
      tpu.vector_store %arg9[%swap3A], %add3A_528 {strides = array<i32>} : memref<256xf32, #tpu.memory_space<vmem>>, vector<16xf32>,
      %scan3A_530 = arith.constant 0 : i32
      scf.yield %scan3A_530 : i32
    }
    %scan3A_369 = arith.constant 16 : i32
    %mul3A_370 = arith.constant 256 : i32
    %mul3A_371 = arith.muli %arg1, %mul3A_370 : i32
    %add3A_372 = arith.constant 16384 : i32
    %add3A_373 = arith.addi %add3A_372, %mul3A_371 : i32
    "tpu.region"() ({
      %run_scoped3A = tpu.sem_alloc : memref<!tpu.dma_semaphore, #tpu.memory_space<semaphore_mem>>
      %dma_start3A_521 = arith.constant 0 : i32
      %dma_start3A_522 = tpu.memref_slice %arg8[%dma_start3A_521] : memref<256xf32, #tpu.memory_space<vmem>> -> memref<256xf32, #tpu.memory_space<vmem>>
      %dma_start3A_523 = tpu.memref_slice %arg11[%add3A_373] : memref<65536xf32, #tpu.memory_space<vmem_shared>> -> memref<256xf32, #tpu.memory_space<vmem_shared>>
      %dma_start3A_524 = arith.constant 0 : i32
      %dma_start3A_525 = tpu.memref_slice %arg8[%dma_start3A_524] : memref<256xf32, #tpu.memory_space<vmem>> -> memref<256xf32, #tpu.memory_space<vmem>>
      %dma_start3A_526 = tpu.memref_slice %arg11[%add3A_373] : memref<65536xf32, #tpu.memory_space<vmem_shared>> -> memref<256xf32, #tpu.memory_space<vmem_shared>>
      tpu.enqueue_dma source(%dma_start3A_526 : memref<256xf32, #tpu.memory_space<vmem_shared>>) target(%dma_start3A_525 : memref<256xf32, #tpu.memory_space<vmem>>) target_semaphore(%run_scoped3A : memref<!tpu.dma_semaphore, #tpu.memory_space<semaphore_mem>>)
      %dma_wait3A_527 = arith.constant 0 : i32
      %dma_wait3A_528 = tpu.memref_slice %arg8[%dma_wait3A_527] : memref<256xf32, #tpu.memory_space<vmem>> -> memref<256xf32, #tpu.memory_space<vmem>>
      %dma_wait3A_529 = tpu.memref_slice %arg11[%add3A_373] : memref<65536xf32, #tpu.memory_space<vmem_shared>> -> memref<256xf32, #tpu.memory_space<vmem_shared>>
      %dma_wait3A_530 = arith.constant 0 : i32
      %dma_wait3A_531 = tpu.memref_slice %arg8[%dma_wait3A_530] : memref<256xf32, #tpu.memory_space<vmem>> -> memref<256xf32, #tpu.memory_space<vmem>>
      %dma_wait3A_532 = tpu.memref_slice %arg11[%add3A_373] : memref<65536xf32, #tpu.memory_space<vmem_shared>> -> memref<256xf32, #tpu.memory_space<vmem_shared>>
      tpu.wait_dma2 semaphore(%run_scoped3A : memref<!tpu.dma_semaphore, #tpu.memory_space<semaphore_mem>>) src(%dma_wait3A_532 : memref<256xf32, #tpu.memory_space<vmem_shared>>) dst(%dma_wait3A_531 : memref<256xf32, #tpu.memory_space<vmem>>)
      tpu.yield
    }) : () -> ()
    %scan3A_374 = arith.constant 0 : i32
    %scan3A_375 = arith.constant 0 : i32
    %scan3A_376 = arith.constant 16 : i32
    %scan3A_377 = arith.addi %scan3A_375, %scan3A_376 : i32
    %scan3A_378 = arith.constant 1 : i32
    %scan3A_379 = scf.for %scan3A_521 = %scan3A_375 to %scan3A_377 step %scan3A_378 iter_args(%scan3A_522 = %scan3A_374) -> (i32)  : i32 {
      %mul3A_523 = arith.constant 16 : i32
      %mul3A_524 = arith.muli %scan3A_521, %mul3A_523 : i32
      %get3A = arith.index_cast %mul3A_524 : i32 to index
      %get3A_525 = tpu.vector_load %arg9[%get3A] {strides = array<i32>} : memref<256xf32, #tpu.memory_space<vmem>>, vector<16xf32>,
      %get3A_526 = arith.index_cast %mul3A_524 : i32 to index
      %get3A_527 = tpu.vector_load %arg8[%get3A_526] {strides = array<i32>} : memref<256xf32, #tpu.memory_space<vmem>>, vector<16xf32>,
      %add3A_528 = arith.addf %get3A_525, %get3A_527 : vector<16xf32>
      %swap3A = arith.index_cast %mul3A_524 : i32 to index
      %swap3A_529 = tpu.vector_load %arg9[%swap3A] {strides = array<i32>} : memref<256xf32, #tpu.memory_space<vmem>>, vector<16xf32>,
      tpu.vector_store %arg9[%swap3A], %add3A_528 {strides = array<i32>} : memref<256xf32, #tpu.memory_space<vmem>>, vector<16xf32>,
      %scan3A_530 = arith.constant 0 : i32
      scf.yield %scan3A_530 : i32
    }
    %scan3A_380 = arith.constant 16 : i32
    %mul3A_381 = arith.constant 256 : i32
    %mul3A_382 = arith.muli %arg1, %mul3A_381 : i32
    %add3A_383 = arith.constant 20480 : i32
    %add3A_384 = arith.addi %add3A_383, %mul3A_382 : i32
    "tpu.region"() ({
      %run_scoped3A = tpu.sem_alloc : memref<!tpu.dma_semaphore, #tpu.memory_space<semaphore_mem>>
      %dma_start3A_521 = arith.constant 0 : i32
      %dma_start3A_522 = tpu.memref_slice %arg8[%dma_start3A_521] : memref<256xf32, #tpu.memory_space<vmem>> -> memref<256xf32, #tpu.memory_space<vmem>>
      %dma_start3A_523 = tpu.memref_slice %arg11[%add3A_384] : memref<65536xf32, #tpu.memory_space<vmem_shared>> -> memref<256xf32, #tpu.memory_space<vmem_shared>>
      %dma_start3A_524 = arith.constant 0 : i32
      %dma_start3A_525 = tpu.memref_slice %arg8[%dma_start3A_524] : memref<256xf32, #tpu.memory_space<vmem>> -> memref<256xf32, #tpu.memory_space<vmem>>
      %dma_start3A_526 = tpu.memref_slice %arg11[%add3A_384] : memref<65536xf32, #tpu.memory_space<vmem_shared>> -> memref<256xf32, #tpu.memory_space<vmem_shared>>
      tpu.enqueue_dma source(%dma_start3A_526 : memref<256xf32, #tpu.memory_space<vmem_shared>>) target(%dma_start3A_525 : memref<256xf32, #tpu.memory_space<vmem>>) target_semaphore(%run_scoped3A : memref<!tpu.dma_semaphore, #tpu.memory_space<semaphore_mem>>)
      %dma_wait3A_527 = arith.constant 0 : i32
      %dma_wait3A_528 = tpu.memref_slice %arg8[%dma_wait3A_527] : memref<256xf32, #tpu.memory_space<vmem>> -> memref<256xf32, #tpu.memory_space<vmem>>
      %dma_wait3A_529 = tpu.memref_slice %arg11[%add3A_384] : memref<65536xf32, #tpu.memory_space<vmem_shared>> -> memref<256xf32, #tpu.memory_space<vmem_shared>>
      %dma_wait3A_530 = arith.constant 0 : i32
      %dma_wait3A_531 = tpu.memref_slice %arg8[%dma_wait3A_530] : memref<256xf32, #tpu.memory_space<vmem>> -> memref<256xf32, #tpu.memory_space<vmem>>
      %dma_wait3A_532 = tpu.memref_slice %arg11[%add3A_384] : memref<65536xf32, #tpu.memory_space<vmem_shared>> -> memref<256xf32, #tpu.memory_space<vmem_shared>>
      tpu.wait_dma2 semaphore(%run_scoped3A : memref<!tpu.dma_semaphore, #tpu.memory_space<semaphore_mem>>) src(%dma_wait3A_532 : memref<256xf32, #tpu.memory_space<vmem_shared>>) dst(%dma_wait3A_531 : memref<256xf32, #tpu.memory_space<vmem>>)
      tpu.yield
    }) : () -> ()
    %scan3A_385 = arith.constant 0 : i32
    %scan3A_386 = arith.constant 0 : i32
    %scan3A_387 = arith.constant 16 : i32
    %scan3A_388 = arith.addi %scan3A_386, %scan3A_387 : i32
    %scan3A_389 = arith.constant 1 : i32
    %scan3A_390 = scf.for %scan3A_521 = %scan3A_386 to %scan3A_388 step %scan3A_389 iter_args(%scan3A_522 = %scan3A_385) -> (i32)  : i32 {
      %mul3A_523 = arith.constant 16 : i32
      %mul3A_524 = arith.muli %scan3A_521, %mul3A_523 : i32
      %get3A = arith.index_cast %mul3A_524 : i32 to index
      %get3A_525 = tpu.vector_load %arg9[%get3A] {strides = array<i32>} : memref<256xf32, #tpu.memory_space<vmem>>, vector<16xf32>,
      %get3A_526 = arith.index_cast %mul3A_524 : i32 to index
      %get3A_527 = tpu.vector_load %arg8[%get3A_526] {strides = array<i32>} : memref<256xf32, #tpu.memory_space<vmem>>, vector<16xf32>,
      %add3A_528 = arith.addf %get3A_525, %get3A_527 : vector<16xf32>
      %swap3A = arith.index_cast %mul3A_524 : i32 to index
      %swap3A_529 = tpu.vector_load %arg9[%swap3A] {strides = array<i32>} : memref<256xf32, #tpu.memory_space<vmem>>, vector<16xf32>,
      tpu.vector_store %arg9[%swap3A], %add3A_528 {strides = array<i32>} : memref<256xf32, #tpu.memory_space<vmem>>, vector<16xf32>,
      %scan3A_530 = arith.constant 0 : i32
      scf.yield %scan3A_530 : i32
    }
    %scan3A_391 = arith.constant 16 : i32
    %mul3A_392 = arith.constant 256 : i32
    %mul3A_393 = arith.muli %arg1, %mul3A_392 : i32
    %add3A_394 = arith.constant 24576 : i32
    %add3A_395 = arith.addi %add3A_394, %mul3A_393 : i32
    "tpu.region"() ({
      %run_scoped3A = tpu.sem_alloc : memref<!tpu.dma_semaphore, #tpu.memory_space<semaphore_mem>>
      %dma_start3A_521 = arith.constant 0 : i32
      %dma_start3A_522 = tpu.memref_slice %arg8[%dma_start3A_521] : memref<256xf32, #tpu.memory_space<vmem>> -> memref<256xf32, #tpu.memory_space<vmem>>
      %dma_start3A_523 = tpu.memref_slice %arg11[%add3A_395] : memref<65536xf32, #tpu.memory_space<vmem_shared>> -> memref<256xf32, #tpu.memory_space<vmem_shared>>
      %dma_start3A_524 = arith.constant 0 : i32
      %dma_start3A_525 = tpu.memref_slice %arg8[%dma_start3A_524] : memref<256xf32, #tpu.memory_space<vmem>> -> memref<256xf32, #tpu.memory_space<vmem>>
      %dma_start3A_526 = tpu.memref_slice %arg11[%add3A_395] : memref<65536xf32, #tpu.memory_space<vmem_shared>> -> memref<256xf32, #tpu.memory_space<vmem_shared>>
      tpu.enqueue_dma source(%dma_start3A_526 : memref<256xf32, #tpu.memory_space<vmem_shared>>) target(%dma_start3A_525 : memref<256xf32, #tpu.memory_space<vmem>>) target_semaphore(%run_scoped3A : memref<!tpu.dma_semaphore, #tpu.memory_space<semaphore_mem>>)
      %dma_wait3A_527 = arith.constant 0 : i32
      %dma_wait3A_528 = tpu.memref_slice %arg8[%dma_wait3A_527] : memref<256xf32, #tpu.memory_space<vmem>> -> memref<256xf32, #tpu.memory_space<vmem>>
      %dma_wait3A_529 = tpu.memref_slice %arg11[%add3A_395] : memref<65536xf32, #tpu.memory_space<vmem_shared>> -> memref<256xf32, #tpu.memory_space<vmem_shared>>
      %dma_wait3A_530 = arith.constant 0 : i32
      %dma_wait3A_531 = tpu.memref_slice %arg8[%dma_wait3A_530] : memref<256xf32, #tpu.memory_space<vmem>> -> memref<256xf32, #tpu.memory_space<vmem>>
      %dma_wait3A_532 = tpu.memref_slice %arg11[%add3A_395] : memref<65536xf32, #tpu.memory_space<vmem_shared>> -> memref<256xf32, #tpu.memory_space<vmem_shared>>
      tpu.wait_dma2 semaphore(%run_scoped3A : memref<!tpu.dma_semaphore, #tpu.memory_space<semaphore_mem>>) src(%dma_wait3A_532 : memref<256xf32, #tpu.memory_space<vmem_shared>>) dst(%dma_wait3A_531 : memref<256xf32, #tpu.memory_space<vmem>>)
      tpu.yield
    }) : () -> ()
    %scan3A_396 = arith.constant 0 : i32
    %scan3A_397 = arith.constant 0 : i32
    %scan3A_398 = arith.constant 16 : i32
    %scan3A_399 = arith.addi %scan3A_397, %scan3A_398 : i32
    %scan3A_400 = arith.constant 1 : i32
    %scan3A_401 = scf.for %scan3A_521 = %scan3A_397 to %scan3A_399 step %scan3A_400 iter_args(%scan3A_522 = %scan3A_396) -> (i32)  : i32 {
      %mul3A_523 = arith.constant 16 : i32
      %mul3A_524 = arith.muli %scan3A_521, %mul3A_523 : i32
      %get3A = arith.index_cast %mul3A_524 : i32 to index
      %get3A_525 = tpu.vector_load %arg9[%get3A] {strides = array<i32>} : memref<256xf32, #tpu.memory_space<vmem>>, vector<16xf32>,
      %get3A_526 = arith.index_cast %mul3A_524 : i32 to index
      %get3A_527 = tpu.vector_load %arg8[%get3A_526] {strides = array<i32>} : memref<256xf32, #tpu.memory_space<vmem>>, vector<16xf32>,
      %add3A_528 = arith.addf %get3A_525, %get3A_527 : vector<16xf32>
      %swap3A = arith.index_cast %mul3A_524 : i32 to index
      %swap3A_529 = tpu.vector_load %arg9[%swap3A] {strides = array<i32>} : memref<256xf32, #tpu.memory_space<vmem>>, vector<16xf32>,
      tpu.vector_store %arg9[%swap3A], %add3A_528 {strides = array<i32>} : memref<256xf32, #tpu.memory_space<vmem>>, vector<16xf32>,
      %scan3A_530 = arith.constant 0 : i32
      scf.yield %scan3A_530 : i32
    }
    %scan3A_402 = arith.constant 16 : i32
    %mul3A_403 = arith.constant 256 : i32
    %mul3A_404 = arith.muli %arg1, %mul3A_403 : i32
    %add3A_405 = arith.constant 28672 : i32
    %add3A_406 = arith.addi %add3A_405, %mul3A_404 : i32
    "tpu.region"() ({
      %run_scoped3A = tpu.sem_alloc : memref<!tpu.dma_semaphore, #tpu.memory_space<semaphore_mem>>
      %dma_start3A_521 = arith.constant 0 : i32
      %dma_start3A_522 = tpu.memref_slice %arg8[%dma_start3A_521] : memref<256xf32, #tpu.memory_space<vmem>> -> memref<256xf32, #tpu.memory_space<vmem>>
      %dma_start3A_523 = tpu.memref_slice %arg11[%add3A_406] : memref<65536xf32, #tpu.memory_space<vmem_shared>> -> memref<256xf32, #tpu.memory_space<vmem_shared>>
      %dma_start3A_524 = arith.constant 0 : i32
      %dma_start3A_525 = tpu.memref_slice %arg8[%dma_start3A_524] : memref<256xf32, #tpu.memory_space<vmem>> -> memref<256xf32, #tpu.memory_space<vmem>>
      %dma_start3A_526 = tpu.memref_slice %arg11[%add3A_406] : memref<65536xf32, #tpu.memory_space<vmem_shared>> -> memref<256xf32, #tpu.memory_space<vmem_shared>>
      tpu.enqueue_dma source(%dma_start3A_526 : memref<256xf32, #tpu.memory_space<vmem_shared>>) target(%dma_start3A_525 : memref<256xf32, #tpu.memory_space<vmem>>) target_semaphore(%run_scoped3A : memref<!tpu.dma_semaphore, #tpu.memory_space<semaphore_mem>>)
      %dma_wait3A_527 = arith.constant 0 : i32
      %dma_wait3A_528 = tpu.memref_slice %arg8[%dma_wait3A_527] : memref<256xf32, #tpu.memory_space<vmem>> -> memref<256xf32, #tpu.memory_space<vmem>>
      %dma_wait3A_529 = tpu.memref_slice %arg11[%add3A_406] : memref<65536xf32, #tpu.memory_space<vmem_shared>> -> memref<256xf32, #tpu.memory_space<vmem_shared>>
      %dma_wait3A_530 = arith.constant 0 : i32
      %dma_wait3A_531 = tpu.memref_slice %arg8[%dma_wait3A_530] : memref<256xf32, #tpu.memory_space<vmem>> -> memref<256xf32, #tpu.memory_space<vmem>>
      %dma_wait3A_532 = tpu.memref_slice %arg11[%add3A_406] : memref<65536xf32, #tpu.memory_space<vmem_shared>> -> memref<256xf32, #tpu.memory_space<vmem_shared>>
      tpu.wait_dma2 semaphore(%run_scoped3A : memref<!tpu.dma_semaphore, #tpu.memory_space<semaphore_mem>>) src(%dma_wait3A_532 : memref<256xf32, #tpu.memory_space<vmem_shared>>) dst(%dma_wait3A_531 : memref<256xf32, #tpu.memory_space<vmem>>)
      tpu.yield
    }) : () -> ()
    %scan3A_407 = arith.constant 0 : i32
    %scan3A_408 = arith.constant 0 : i32
    %scan3A_409 = arith.constant 16 : i32
    %scan3A_410 = arith.addi %scan3A_408, %scan3A_409 : i32
    %scan3A_411 = arith.constant 1 : i32
    %scan3A_412 = scf.for %scan3A_521 = %scan3A_408 to %scan3A_410 step %scan3A_411 iter_args(%scan3A_522 = %scan3A_407) -> (i32)  : i32 {
      %mul3A_523 = arith.constant 16 : i32
      %mul3A_524 = arith.muli %scan3A_521, %mul3A_523 : i32
      %get3A = arith.index_cast %mul3A_524 : i32 to index
      %get3A_525 = tpu.vector_load %arg9[%get3A] {strides = array<i32>} : memref<256xf32, #tpu.memory_space<vmem>>, vector<16xf32>,
      %get3A_526 = arith.index_cast %mul3A_524 : i32 to index
      %get3A_527 = tpu.vector_load %arg8[%get3A_526] {strides = array<i32>} : memref<256xf32, #tpu.memory_space<vmem>>, vector<16xf32>,
      %add3A_528 = arith.addf %get3A_525, %get3A_527 : vector<16xf32>
      %swap3A = arith.index_cast %mul3A_524 : i32 to index
      %swap3A_529 = tpu.vector_load %arg9[%swap3A] {strides = array<i32>} : memref<256xf32, #tpu.memory_space<vmem>>, vector<16xf32>,
      tpu.vector_store %arg9[%swap3A], %add3A_528 {strides = array<i32>} : memref<256xf32, #tpu.memory_space<vmem>>, vector<16xf32>,
      %scan3A_530 = arith.constant 0 : i32
      scf.yield %scan3A_530 : i32
    }
    %scan3A_413 = arith.constant 16 : i32
    %mul3A_414 = arith.constant 256 : i32
    %mul3A_415 = arith.muli %arg1, %mul3A_414 : i32
    %add3A_416 = arith.constant 32768 : i32
    %add3A_417 = arith.addi %add3A_416, %mul3A_415 : i32
    "tpu.region"() ({
      %run_scoped3A = tpu.sem_alloc : memref<!tpu.dma_semaphore, #tpu.memory_space<semaphore_mem>>
      %dma_start3A_521 = arith.constant 0 : i32
      %dma_start3A_522 = tpu.memref_slice %arg8[%dma_start3A_521] : memref<256xf32, #tpu.memory_space<vmem>> -> memref<256xf32, #tpu.memory_space<vmem>>
      %dma_start3A_523 = tpu.memref_slice %arg11[%add3A_417] : memref<65536xf32, #tpu.memory_space<vmem_shared>> -> memref<256xf32, #tpu.memory_space<vmem_shared>>
      %dma_start3A_524 = arith.constant 0 : i32
      %dma_start3A_525 = tpu.memref_slice %arg8[%dma_start3A_524] : memref<256xf32, #tpu.memory_space<vmem>> -> memref<256xf32, #tpu.memory_space<vmem>>
      %dma_start3A_526 = tpu.memref_slice %arg11[%add3A_417] : memref<65536xf32, #tpu.memory_space<vmem_shared>> -> memref<256xf32, #tpu.memory_space<vmem_shared>>
      tpu.enqueue_dma source(%dma_start3A_526 : memref<256xf32, #tpu.memory_space<vmem_shared>>) target(%dma_start3A_525 : memref<256xf32, #tpu.memory_space<vmem>>) target_semaphore(%run_scoped3A : memref<!tpu.dma_semaphore, #tpu.memory_space<semaphore_mem>>)
      %dma_wait3A_527 = arith.constant 0 : i32
      %dma_wait3A_528 = tpu.memref_slice %arg8[%dma_wait3A_527] : memref<256xf32, #tpu.memory_space<vmem>> -> memref<256xf32, #tpu.memory_space<vmem>>
      %dma_wait3A_529 = tpu.memref_slice %arg11[%add3A_417] : memref<65536xf32, #tpu.memory_space<vmem_shared>> -> memref<256xf32, #tpu.memory_space<vmem_shared>>
      %dma_wait3A_530 = arith.constant 0 : i32
      %dma_wait3A_531 = tpu.memref_slice %arg8[%dma_wait3A_530] : memref<256xf32, #tpu.memory_space<vmem>> -> memref<256xf32, #tpu.memory_space<vmem>>
      %dma_wait3A_532 = tpu.memref_slice %arg11[%add3A_417] : memref<65536xf32, #tpu.memory_space<vmem_shared>> -> memref<256xf32, #tpu.memory_space<vmem_shared>>
      tpu.wait_dma2 semaphore(%run_scoped3A : memref<!tpu.dma_semaphore, #tpu.memory_space<semaphore_mem>>) src(%dma_wait3A_532 : memref<256xf32, #tpu.memory_space<vmem_shared>>) dst(%dma_wait3A_531 : memref<256xf32, #tpu.memory_space<vmem>>)
      tpu.yield
    }) : () -> ()
    %scan3A_418 = arith.constant 0 : i32
    %scan3A_419 = arith.constant 0 : i32
    %scan3A_420 = arith.constant 16 : i32
    %scan3A_421 = arith.addi %scan3A_419, %scan3A_420 : i32
    %scan3A_422 = arith.constant 1 : i32
    %scan3A_423 = scf.for %scan3A_521 = %scan3A_419 to %scan3A_421 step %scan3A_422 iter_args(%scan3A_522 = %scan3A_418) -> (i32)  : i32 {
      %mul3A_523 = arith.constant 16 : i32
      %mul3A_524 = arith.muli %scan3A_521, %mul3A_523 : i32
      %get3A = arith.index_cast %mul3A_524 : i32 to index
      %get3A_525 = tpu.vector_load %arg9[%get3A] {strides = array<i32>} : memref<256xf32, #tpu.memory_space<vmem>>, vector<16xf32>,
      %get3A_526 = arith.index_cast %mul3A_524 : i32 to index
      %get3A_527 = tpu.vector_load %arg8[%get3A_526] {strides = array<i32>} : memref<256xf32, #tpu.memory_space<vmem>>, vector<16xf32>,
      %add3A_528 = arith.addf %get3A_525, %get3A_527 : vector<16xf32>
      %swap3A = arith.index_cast %mul3A_524 : i32 to index
      %swap3A_529 = tpu.vector_load %arg9[%swap3A] {strides = array<i32>} : memref<256xf32, #tpu.memory_space<vmem>>, vector<16xf32>,
      tpu.vector_store %arg9[%swap3A], %add3A_528 {strides = array<i32>} : memref<256xf32, #tpu.memory_space<vmem>>, vector<16xf32>,
      %scan3A_530 = arith.constant 0 : i32
      scf.yield %scan3A_530 : i32
    }
    %scan3A_424 = arith.constant 16 : i32
    %mul3A_425 = arith.constant 256 : i32
    %mul3A_426 = arith.muli %arg1, %mul3A_425 : i32
    %add3A_427 = arith.constant 36864 : i32
    %add3A_428 = arith.addi %add3A_427, %mul3A_426 : i32
    "tpu.region"() ({
      %run_scoped3A = tpu.sem_alloc : memref<!tpu.dma_semaphore, #tpu.memory_space<semaphore_mem>>
      %dma_start3A_521 = arith.constant 0 : i32
      %dma_start3A_522 = tpu.memref_slice %arg8[%dma_start3A_521] : memref<256xf32, #tpu.memory_space<vmem>> -> memref<256xf32, #tpu.memory_space<vmem>>
      %dma_start3A_523 = tpu.memref_slice %arg11[%add3A_428] : memref<65536xf32, #tpu.memory_space<vmem_shared>> -> memref<256xf32, #tpu.memory_space<vmem_shared>>
      %dma_start3A_524 = arith.constant 0 : i32
      %dma_start3A_525 = tpu.memref_slice %arg8[%dma_start3A_524] : memref<256xf32, #tpu.memory_space<vmem>> -> memref<256xf32, #tpu.memory_space<vmem>>
      %dma_start3A_526 = tpu.memref_slice %arg11[%add3A_428] : memref<65536xf32, #tpu.memory_space<vmem_shared>> -> memref<256xf32, #tpu.memory_space<vmem_shared>>
      tpu.enqueue_dma source(%dma_start3A_526 : memref<256xf32, #tpu.memory_space<vmem_shared>>) target(%dma_start3A_525 : memref<256xf32, #tpu.memory_space<vmem>>) target_semaphore(%run_scoped3A : memref<!tpu.dma_semaphore, #tpu.memory_space<semaphore_mem>>)
      %dma_wait3A_527 = arith.constant 0 : i32
      %dma_wait3A_528 = tpu.memref_slice %arg8[%dma_wait3A_527] : memref<256xf32, #tpu.memory_space<vmem>> -> memref<256xf32, #tpu.memory_space<vmem>>
      %dma_wait3A_529 = tpu.memref_slice %arg11[%add3A_428] : memref<65536xf32, #tpu.memory_space<vmem_shared>> -> memref<256xf32, #tpu.memory_space<vmem_shared>>
      %dma_wait3A_530 = arith.constant 0 : i32
      %dma_wait3A_531 = tpu.memref_slice %arg8[%dma_wait3A_530] : memref<256xf32, #tpu.memory_space<vmem>> -> memref<256xf32, #tpu.memory_space<vmem>>
      %dma_wait3A_532 = tpu.memref_slice %arg11[%add3A_428] : memref<65536xf32, #tpu.memory_space<vmem_shared>> -> memref<256xf32, #tpu.memory_space<vmem_shared>>
      tpu.wait_dma2 semaphore(%run_scoped3A : memref<!tpu.dma_semaphore, #tpu.memory_space<semaphore_mem>>) src(%dma_wait3A_532 : memref<256xf32, #tpu.memory_space<vmem_shared>>) dst(%dma_wait3A_531 : memref<256xf32, #tpu.memory_space<vmem>>)
      tpu.yield
    }) : () -> ()
    %scan3A_429 = arith.constant 0 : i32
    %scan3A_430 = arith.constant 0 : i32
    %scan3A_431 = arith.constant 16 : i32
    %scan3A_432 = arith.addi %scan3A_430, %scan3A_431 : i32
    %scan3A_433 = arith.constant 1 : i32
    %scan3A_434 = scf.for %scan3A_521 = %scan3A_430 to %scan3A_432 step %scan3A_433 iter_args(%scan3A_522 = %scan3A_429) -> (i32)  : i32 {
      %mul3A_523 = arith.constant 16 : i32
      %mul3A_524 = arith.muli %scan3A_521, %mul3A_523 : i32
      %get3A = arith.index_cast %mul3A_524 : i32 to index
      %get3A_525 = tpu.vector_load %arg9[%get3A] {strides = array<i32>} : memref<256xf32, #tpu.memory_space<vmem>>, vector<16xf32>,
      %get3A_526 = arith.index_cast %mul3A_524 : i32 to index
      %get3A_527 = tpu.vector_load %arg8[%get3A_526] {strides = array<i32>} : memref<256xf32, #tpu.memory_space<vmem>>, vector<16xf32>,
      %add3A_528 = arith.addf %get3A_525, %get3A_527 : vector<16xf32>
      %swap3A = arith.index_cast %mul3A_524 : i32 to index
      %swap3A_529 = tpu.vector_load %arg9[%swap3A] {strides = array<i32>} : memref<256xf32, #tpu.memory_space<vmem>>, vector<16xf32>,
      tpu.vector_store %arg9[%swap3A], %add3A_528 {strides = array<i32>} : memref<256xf32, #tpu.memory_space<vmem>>, vector<16xf32>,
      %scan3A_530 = arith.constant 0 : i32
      scf.yield %scan3A_530 : i32
    }
    %scan3A_435 = arith.constant 16 : i32
    %mul3A_436 = arith.constant 256 : i32
    %mul3A_437 = arith.muli %arg1, %mul3A_436 : i32
    %add3A_438 = arith.constant 40960 : i32
    %add3A_439 = arith.addi %add3A_438, %mul3A_437 : i32
    "tpu.region"() ({
      %run_scoped3A = tpu.sem_alloc : memref<!tpu.dma_semaphore, #tpu.memory_space<semaphore_mem>>
      %dma_start3A_521 = arith.constant 0 : i32
      %dma_start3A_522 = tpu.memref_slice %arg8[%dma_start3A_521] : memref<256xf32, #tpu.memory_space<vmem>> -> memref<256xf32, #tpu.memory_space<vmem>>
      %dma_start3A_523 = tpu.memref_slice %arg11[%add3A_439] : memref<65536xf32, #tpu.memory_space<vmem_shared>> -> memref<256xf32, #tpu.memory_space<vmem_shared>>
      %dma_start3A_524 = arith.constant 0 : i32
      %dma_start3A_525 = tpu.memref_slice %arg8[%dma_start3A_524] : memref<256xf32, #tpu.memory_space<vmem>> -> memref<256xf32, #tpu.memory_space<vmem>>
      %dma_start3A_526 = tpu.memref_slice %arg11[%add3A_439] : memref<65536xf32, #tpu.memory_space<vmem_shared>> -> memref<256xf32, #tpu.memory_space<vmem_shared>>
      tpu.enqueue_dma source(%dma_start3A_526 : memref<256xf32, #tpu.memory_space<vmem_shared>>) target(%dma_start3A_525 : memref<256xf32, #tpu.memory_space<vmem>>) target_semaphore(%run_scoped3A : memref<!tpu.dma_semaphore, #tpu.memory_space<semaphore_mem>>)
      %dma_wait3A_527 = arith.constant 0 : i32
      %dma_wait3A_528 = tpu.memref_slice %arg8[%dma_wait3A_527] : memref<256xf32, #tpu.memory_space<vmem>> -> memref<256xf32, #tpu.memory_space<vmem>>
      %dma_wait3A_529 = tpu.memref_slice %arg11[%add3A_439] : memref<65536xf32, #tpu.memory_space<vmem_shared>> -> memref<256xf32, #tpu.memory_space<vmem_shared>>
      %dma_wait3A_530 = arith.constant 0 : i32
      %dma_wait3A_531 = tpu.memref_slice %arg8[%dma_wait3A_530] : memref<256xf32, #tpu.memory_space<vmem>> -> memref<256xf32, #tpu.memory_space<vmem>>
      %dma_wait3A_532 = tpu.memref_slice %arg11[%add3A_439] : memref<65536xf32, #tpu.memory_space<vmem_shared>> -> memref<256xf32, #tpu.memory_space<vmem_shared>>
      tpu.wait_dma2 semaphore(%run_scoped3A : memref<!tpu.dma_semaphore, #tpu.memory_space<semaphore_mem>>) src(%dma_wait3A_532 : memref<256xf32, #tpu.memory_space<vmem_shared>>) dst(%dma_wait3A_531 : memref<256xf32, #tpu.memory_space<vmem>>)
      tpu.yield
    }) : () -> ()
    %scan3A_440 = arith.constant 0 : i32
    %scan3A_441 = arith.constant 0 : i32
    %scan3A_442 = arith.constant 16 : i32
    %scan3A_443 = arith.addi %scan3A_441, %scan3A_442 : i32
    %scan3A_444 = arith.constant 1 : i32
    %scan3A_445 = scf.for %scan3A_521 = %scan3A_441 to %scan3A_443 step %scan3A_444 iter_args(%scan3A_522 = %scan3A_440) -> (i32)  : i32 {
      %mul3A_523 = arith.constant 16 : i32
      %mul3A_524 = arith.muli %scan3A_521, %mul3A_523 : i32
      %get3A = arith.index_cast %mul3A_524 : i32 to index
      %get3A_525 = tpu.vector_load %arg9[%get3A] {strides = array<i32>} : memref<256xf32, #tpu.memory_space<vmem>>, vector<16xf32>,
      %get3A_526 = arith.index_cast %mul3A_524 : i32 to index
      %get3A_527 = tpu.vector_load %arg8[%get3A_526] {strides = array<i32>} : memref<256xf32, #tpu.memory_space<vmem>>, vector<16xf32>,
      %add3A_528 = arith.addf %get3A_525, %get3A_527 : vector<16xf32>
      %swap3A = arith.index_cast %mul3A_524 : i32 to index
      %swap3A_529 = tpu.vector_load %arg9[%swap3A] {strides = array<i32>} : memref<256xf32, #tpu.memory_space<vmem>>, vector<16xf32>,
      tpu.vector_store %arg9[%swap3A], %add3A_528 {strides = array<i32>} : memref<256xf32, #tpu.memory_space<vmem>>, vector<16xf32>,
      %scan3A_530 = arith.constant 0 : i32
      scf.yield %scan3A_530 : i32
    }
    %scan3A_446 = arith.constant 16 : i32
    %mul3A_447 = arith.constant 256 : i32
    %mul3A_448 = arith.muli %arg1, %mul3A_447 : i32
    %add3A_449 = arith.constant 45056 : i32
    %add3A_450 = arith.addi %add3A_449, %mul3A_448 : i32
    "tpu.region"() ({
      %run_scoped3A = tpu.sem_alloc : memref<!tpu.dma_semaphore, #tpu.memory_space<semaphore_mem>>
      %dma_start3A_521 = arith.constant 0 : i32
      %dma_start3A_522 = tpu.memref_slice %arg8[%dma_start3A_521] : memref<256xf32, #tpu.memory_space<vmem>> -> memref<256xf32, #tpu.memory_space<vmem>>
      %dma_start3A_523 = tpu.memref_slice %arg11[%add3A_450] : memref<65536xf32, #tpu.memory_space<vmem_shared>> -> memref<256xf32, #tpu.memory_space<vmem_shared>>
      %dma_start3A_524 = arith.constant 0 : i32
      %dma_start3A_525 = tpu.memref_slice %arg8[%dma_start3A_524] : memref<256xf32, #tpu.memory_space<vmem>> -> memref<256xf32, #tpu.memory_space<vmem>>
      %dma_start3A_526 = tpu.memref_slice %arg11[%add3A_450] : memref<65536xf32, #tpu.memory_space<vmem_shared>> -> memref<256xf32, #tpu.memory_space<vmem_shared>>
      tpu.enqueue_dma source(%dma_start3A_526 : memref<256xf32, #tpu.memory_space<vmem_shared>>) target(%dma_start3A_525 : memref<256xf32, #tpu.memory_space<vmem>>) target_semaphore(%run_scoped3A : memref<!tpu.dma_semaphore, #tpu.memory_space<semaphore_mem>>)
      %dma_wait3A_527 = arith.constant 0 : i32
      %dma_wait3A_528 = tpu.memref_slice %arg8[%dma_wait3A_527] : memref<256xf32, #tpu.memory_space<vmem>> -> memref<256xf32, #tpu.memory_space<vmem>>
      %dma_wait3A_529 = tpu.memref_slice %arg11[%add3A_450] : memref<65536xf32, #tpu.memory_space<vmem_shared>> -> memref<256xf32, #tpu.memory_space<vmem_shared>>
      %dma_wait3A_530 = arith.constant 0 : i32
      %dma_wait3A_531 = tpu.memref_slice %arg8[%dma_wait3A_530] : memref<256xf32, #tpu.memory_space<vmem>> -> memref<256xf32, #tpu.memory_space<vmem>>
      %dma_wait3A_532 = tpu.memref_slice %arg11[%add3A_450] : memref<65536xf32, #tpu.memory_space<vmem_shared>> -> memref<256xf32, #tpu.memory_space<vmem_shared>>
      tpu.wait_dma2 semaphore(%run_scoped3A : memref<!tpu.dma_semaphore, #tpu.memory_space<semaphore_mem>>) src(%dma_wait3A_532 : memref<256xf32, #tpu.memory_space<vmem_shared>>) dst(%dma_wait3A_531 : memref<256xf32, #tpu.memory_space<vmem>>)
      tpu.yield
    }) : () -> ()
    %scan3A_451 = arith.constant 0 : i32
    %scan3A_452 = arith.constant 0 : i32
    %scan3A_453 = arith.constant 16 : i32
    %scan3A_454 = arith.addi %scan3A_452, %scan3A_453 : i32
    %scan3A_455 = arith.constant 1 : i32
    %scan3A_456 = scf.for %scan3A_521 = %scan3A_452 to %scan3A_454 step %scan3A_455 iter_args(%scan3A_522 = %scan3A_451) -> (i32)  : i32 {
      %mul3A_523 = arith.constant 16 : i32
      %mul3A_524 = arith.muli %scan3A_521, %mul3A_523 : i32
      %get3A = arith.index_cast %mul3A_524 : i32 to index
      %get3A_525 = tpu.vector_load %arg9[%get3A] {strides = array<i32>} : memref<256xf32, #tpu.memory_space<vmem>>, vector<16xf32>,
      %get3A_526 = arith.index_cast %mul3A_524 : i32 to index
      %get3A_527 = tpu.vector_load %arg8[%get3A_526] {strides = array<i32>} : memref<256xf32, #tpu.memory_space<vmem>>, vector<16xf32>,
      %add3A_528 = arith.addf %get3A_525, %get3A_527 : vector<16xf32>
      %swap3A = arith.index_cast %mul3A_524 : i32 to index
      %swap3A_529 = tpu.vector_load %arg9[%swap3A] {strides = array<i32>} : memref<256xf32, #tpu.memory_space<vmem>>, vector<16xf32>,
      tpu.vector_store %arg9[%swap3A], %add3A_528 {strides = array<i32>} : memref<256xf32, #tpu.memory_space<vmem>>, vector<16xf32>,
      %scan3A_530 = arith.constant 0 : i32
      scf.yield %scan3A_530 : i32
    }
    %scan3A_457 = arith.constant 16 : i32
    %mul3A_458 = arith.constant 256 : i32
    %mul3A_459 = arith.muli %arg1, %mul3A_458 : i32
    %add3A_460 = arith.constant 49152 : i32
    %add3A_461 = arith.addi %add3A_460, %mul3A_459 : i32
    "tpu.region"() ({
      %run_scoped3A = tpu.sem_alloc : memref<!tpu.dma_semaphore, #tpu.memory_space<semaphore_mem>>
      %dma_start3A_521 = arith.constant 0 : i32
      %dma_start3A_522 = tpu.memref_slice %arg8[%dma_start3A_521] : memref<256xf32, #tpu.memory_space<vmem>> -> memref<256xf32, #tpu.memory_space<vmem>>
      %dma_start3A_523 = tpu.memref_slice %arg11[%add3A_461] : memref<65536xf32, #tpu.memory_space<vmem_shared>> -> memref<256xf32, #tpu.memory_space<vmem_shared>>
      %dma_start3A_524 = arith.constant 0 : i32
      %dma_start3A_525 = tpu.memref_slice %arg8[%dma_start3A_524] : memref<256xf32, #tpu.memory_space<vmem>> -> memref<256xf32, #tpu.memory_space<vmem>>
      %dma_start3A_526 = tpu.memref_slice %arg11[%add3A_461] : memref<65536xf32, #tpu.memory_space<vmem_shared>> -> memref<256xf32, #tpu.memory_space<vmem_shared>>
      tpu.enqueue_dma source(%dma_start3A_526 : memref<256xf32, #tpu.memory_space<vmem_shared>>) target(%dma_start3A_525 : memref<256xf32, #tpu.memory_space<vmem>>) target_semaphore(%run_scoped3A : memref<!tpu.dma_semaphore, #tpu.memory_space<semaphore_mem>>)
      %dma_wait3A_527 = arith.constant 0 : i32
      %dma_wait3A_528 = tpu.memref_slice %arg8[%dma_wait3A_527] : memref<256xf32, #tpu.memory_space<vmem>> -> memref<256xf32, #tpu.memory_space<vmem>>
      %dma_wait3A_529 = tpu.memref_slice %arg11[%add3A_461] : memref<65536xf32, #tpu.memory_space<vmem_shared>> -> memref<256xf32, #tpu.memory_space<vmem_shared>>
      %dma_wait3A_530 = arith.constant 0 : i32
      %dma_wait3A_531 = tpu.memref_slice %arg8[%dma_wait3A_530] : memref<256xf32, #tpu.memory_space<vmem>> -> memref<256xf32, #tpu.memory_space<vmem>>
      %dma_wait3A_532 = tpu.memref_slice %arg11[%add3A_461] : memref<65536xf32, #tpu.memory_space<vmem_shared>> -> memref<256xf32, #tpu.memory_space<vmem_shared>>
      tpu.wait_dma2 semaphore(%run_scoped3A : memref<!tpu.dma_semaphore, #tpu.memory_space<semaphore_mem>>) src(%dma_wait3A_532 : memref<256xf32, #tpu.memory_space<vmem_shared>>) dst(%dma_wait3A_531 : memref<256xf32, #tpu.memory_space<vmem>>)
      tpu.yield
    }) : () -> ()
    %scan3A_462 = arith.constant 0 : i32
    %scan3A_463 = arith.constant 0 : i32
    %scan3A_464 = arith.constant 16 : i32
    %scan3A_465 = arith.addi %scan3A_463, %scan3A_464 : i32
    %scan3A_466 = arith.constant 1 : i32
    %scan3A_467 = scf.for %scan3A_521 = %scan3A_463 to %scan3A_465 step %scan3A_466 iter_args(%scan3A_522 = %scan3A_462) -> (i32)  : i32 {
      %mul3A_523 = arith.constant 16 : i32
      %mul3A_524 = arith.muli %scan3A_521, %mul3A_523 : i32
      %get3A = arith.index_cast %mul3A_524 : i32 to index
      %get3A_525 = tpu.vector_load %arg9[%get3A] {strides = array<i32>} : memref<256xf32, #tpu.memory_space<vmem>>, vector<16xf32>,
      %get3A_526 = arith.index_cast %mul3A_524 : i32 to index
      %get3A_527 = tpu.vector_load %arg8[%get3A_526] {strides = array<i32>} : memref<256xf32, #tpu.memory_space<vmem>>, vector<16xf32>,
      %add3A_528 = arith.addf %get3A_525, %get3A_527 : vector<16xf32>
      %swap3A = arith.index_cast %mul3A_524 : i32 to index
      %swap3A_529 = tpu.vector_load %arg9[%swap3A] {strides = array<i32>} : memref<256xf32, #tpu.memory_space<vmem>>, vector<16xf32>,
      tpu.vector_store %arg9[%swap3A], %add3A_528 {strides = array<i32>} : memref<256xf32, #tpu.memory_space<vmem>>, vector<16xf32>,
      %scan3A_530 = arith.constant 0 : i32
      scf.yield %scan3A_530 : i32
    }
    %scan3A_468 = arith.constant 16 : i32
    %mul3A_469 = arith.constant 256 : i32
    %mul3A_470 = arith.muli %arg1, %mul3A_469 : i32
    %add3A_471 = arith.constant 53248 : i32
    %add3A_472 = arith.addi %add3A_471, %mul3A_470 : i32
    "tpu.region"() ({
      %run_scoped3A = tpu.sem_alloc : memref<!tpu.dma_semaphore, #tpu.memory_space<semaphore_mem>>
      %dma_start3A_521 = arith.constant 0 : i32
      %dma_start3A_522 = tpu.memref_slice %arg8[%dma_start3A_521] : memref<256xf32, #tpu.memory_space<vmem>> -> memref<256xf32, #tpu.memory_space<vmem>>
      %dma_start3A_523 = tpu.memref_slice %arg11[%add3A_472] : memref<65536xf32, #tpu.memory_space<vmem_shared>> -> memref<256xf32, #tpu.memory_space<vmem_shared>>
      %dma_start3A_524 = arith.constant 0 : i32
      %dma_start3A_525 = tpu.memref_slice %arg8[%dma_start3A_524] : memref<256xf32, #tpu.memory_space<vmem>> -> memref<256xf32, #tpu.memory_space<vmem>>
      %dma_start3A_526 = tpu.memref_slice %arg11[%add3A_472] : memref<65536xf32, #tpu.memory_space<vmem_shared>> -> memref<256xf32, #tpu.memory_space<vmem_shared>>
      tpu.enqueue_dma source(%dma_start3A_526 : memref<256xf32, #tpu.memory_space<vmem_shared>>) target(%dma_start3A_525 : memref<256xf32, #tpu.memory_space<vmem>>) target_semaphore(%run_scoped3A : memref<!tpu.dma_semaphore, #tpu.memory_space<semaphore_mem>>)
      %dma_wait3A_527 = arith.constant 0 : i32
      %dma_wait3A_528 = tpu.memref_slice %arg8[%dma_wait3A_527] : memref<256xf32, #tpu.memory_space<vmem>> -> memref<256xf32, #tpu.memory_space<vmem>>
      %dma_wait3A_529 = tpu.memref_slice %arg11[%add3A_472] : memref<65536xf32, #tpu.memory_space<vmem_shared>> -> memref<256xf32, #tpu.memory_space<vmem_shared>>
      %dma_wait3A_530 = arith.constant 0 : i32
      %dma_wait3A_531 = tpu.memref_slice %arg8[%dma_wait3A_530] : memref<256xf32, #tpu.memory_space<vmem>> -> memref<256xf32, #tpu.memory_space<vmem>>
      %dma_wait3A_532 = tpu.memref_slice %arg11[%add3A_472] : memref<65536xf32, #tpu.memory_space<vmem_shared>> -> memref<256xf32, #tpu.memory_space<vmem_shared>>
      tpu.wait_dma2 semaphore(%run_scoped3A : memref<!tpu.dma_semaphore, #tpu.memory_space<semaphore_mem>>) src(%dma_wait3A_532 : memref<256xf32, #tpu.memory_space<vmem_shared>>) dst(%dma_wait3A_531 : memref<256xf32, #tpu.memory_space<vmem>>)
      tpu.yield
    }) : () -> ()
    %scan3A_473 = arith.constant 0 : i32
    %scan3A_474 = arith.constant 0 : i32
    %scan3A_475 = arith.constant 16 : i32
    %scan3A_476 = arith.addi %scan3A_474, %scan3A_475 : i32
    %scan3A_477 = arith.constant 1 : i32
    %scan3A_478 = scf.for %scan3A_521 = %scan3A_474 to %scan3A_476 step %scan3A_477 iter_args(%scan3A_522 = %scan3A_473) -> (i32)  : i32 {
      %mul3A_523 = arith.constant 16 : i32
      %mul3A_524 = arith.muli %scan3A_521, %mul3A_523 : i32
      %get3A = arith.index_cast %mul3A_524 : i32 to index
      %get3A_525 = tpu.vector_load %arg9[%get3A] {strides = array<i32>} : memref<256xf32, #tpu.memory_space<vmem>>, vector<16xf32>,
      %get3A_526 = arith.index_cast %mul3A_524 : i32 to index
      %get3A_527 = tpu.vector_load %arg8[%get3A_526] {strides = array<i32>} : memref<256xf32, #tpu.memory_space<vmem>>, vector<16xf32>,
      %add3A_528 = arith.addf %get3A_525, %get3A_527 : vector<16xf32>
      %swap3A = arith.index_cast %mul3A_524 : i32 to index
      %swap3A_529 = tpu.vector_load %arg9[%swap3A] {strides = array<i32>} : memref<256xf32, #tpu.memory_space<vmem>>, vector<16xf32>,
      tpu.vector_store %arg9[%swap3A], %add3A_528 {strides = array<i32>} : memref<256xf32, #tpu.memory_space<vmem>>, vector<16xf32>,
      %scan3A_530 = arith.constant 0 : i32
      scf.yield %scan3A_530 : i32
    }
    %scan3A_479 = arith.constant 16 : i32
    %mul3A_480 = arith.constant 256 : i32
    %mul3A_481 = arith.muli %arg1, %mul3A_480 : i32
    %add3A_482 = arith.constant 57344 : i32
    %add3A_483 = arith.addi %add3A_482, %mul3A_481 : i32
    "tpu.region"() ({
      %run_scoped3A = tpu.sem_alloc : memref<!tpu.dma_semaphore, #tpu.memory_space<semaphore_mem>>
      %dma_start3A_521 = arith.constant 0 : i32
      %dma_start3A_522 = tpu.memref_slice %arg8[%dma_start3A_521] : memref<256xf32, #tpu.memory_space<vmem>> -> memref<256xf32, #tpu.memory_space<vmem>>
      %dma_start3A_523 = tpu.memref_slice %arg11[%add3A_483] : memref<65536xf32, #tpu.memory_space<vmem_shared>> -> memref<256xf32, #tpu.memory_space<vmem_shared>>
      %dma_start3A_524 = arith.constant 0 : i32
      %dma_start3A_525 = tpu.memref_slice %arg8[%dma_start3A_524] : memref<256xf32, #tpu.memory_space<vmem>> -> memref<256xf32, #tpu.memory_space<vmem>>
      %dma_start3A_526 = tpu.memref_slice %arg11[%add3A_483] : memref<65536xf32, #tpu.memory_space<vmem_shared>> -> memref<256xf32, #tpu.memory_space<vmem_shared>>
      tpu.enqueue_dma source(%dma_start3A_526 : memref<256xf32, #tpu.memory_space<vmem_shared>>) target(%dma_start3A_525 : memref<256xf32, #tpu.memory_space<vmem>>) target_semaphore(%run_scoped3A : memref<!tpu.dma_semaphore, #tpu.memory_space<semaphore_mem>>)
      %dma_wait3A_527 = arith.constant 0 : i32
      %dma_wait3A_528 = tpu.memref_slice %arg8[%dma_wait3A_527] : memref<256xf32, #tpu.memory_space<vmem>> -> memref<256xf32, #tpu.memory_space<vmem>>
      %dma_wait3A_529 = tpu.memref_slice %arg11[%add3A_483] : memref<65536xf32, #tpu.memory_space<vmem_shared>> -> memref<256xf32, #tpu.memory_space<vmem_shared>>
      %dma_wait3A_530 = arith.constant 0 : i32
      %dma_wait3A_531 = tpu.memref_slice %arg8[%dma_wait3A_530] : memref<256xf32, #tpu.memory_space<vmem>> -> memref<256xf32, #tpu.memory_space<vmem>>
      %dma_wait3A_532 = tpu.memref_slice %arg11[%add3A_483] : memref<65536xf32, #tpu.memory_space<vmem_shared>> -> memref<256xf32, #tpu.memory_space<vmem_shared>>
      tpu.wait_dma2 semaphore(%run_scoped3A : memref<!tpu.dma_semaphore, #tpu.memory_space<semaphore_mem>>) src(%dma_wait3A_532 : memref<256xf32, #tpu.memory_space<vmem_shared>>) dst(%dma_wait3A_531 : memref<256xf32, #tpu.memory_space<vmem>>)
      tpu.yield
    }) : () -> ()
    %scan3A_484 = arith.constant 0 : i32
    %scan3A_485 = arith.constant 0 : i32
    %scan3A_486 = arith.constant 16 : i32
    %scan3A_487 = arith.addi %scan3A_485, %scan3A_486 : i32
    %scan3A_488 = arith.constant 1 : i32
    %scan3A_489 = scf.for %scan3A_521 = %scan3A_485 to %scan3A_487 step %scan3A_488 iter_args(%scan3A_522 = %scan3A_484) -> (i32)  : i32 {
      %mul3A_523 = arith.constant 16 : i32
      %mul3A_524 = arith.muli %scan3A_521, %mul3A_523 : i32
      %get3A = arith.index_cast %mul3A_524 : i32 to index
      %get3A_525 = tpu.vector_load %arg9[%get3A] {strides = array<i32>} : memref<256xf32, #tpu.memory_space<vmem>>, vector<16xf32>,
      %get3A_526 = arith.index_cast %mul3A_524 : i32 to index
      %get3A_527 = tpu.vector_load %arg8[%get3A_526] {strides = array<i32>} : memref<256xf32, #tpu.memory_space<vmem>>, vector<16xf32>,
      %add3A_528 = arith.addf %get3A_525, %get3A_527 : vector<16xf32>
      %swap3A = arith.index_cast %mul3A_524 : i32 to index
      %swap3A_529 = tpu.vector_load %arg9[%swap3A] {strides = array<i32>} : memref<256xf32, #tpu.memory_space<vmem>>, vector<16xf32>,
      tpu.vector_store %arg9[%swap3A], %add3A_528 {strides = array<i32>} : memref<256xf32, #tpu.memory_space<vmem>>, vector<16xf32>,
      %scan3A_530 = arith.constant 0 : i32
      scf.yield %scan3A_530 : i32
    }
    %scan3A_490 = arith.constant 16 : i32
    %mul3A_491 = arith.constant 256 : i32
    %mul3A_492 = arith.muli %arg1, %mul3A_491 : i32
    %add3A_493 = arith.constant 61440 : i32
    %add3A_494 = arith.addi %add3A_493, %mul3A_492 : i32
    "tpu.region"() ({
      %run_scoped3A = tpu.sem_alloc : memref<!tpu.dma_semaphore, #tpu.memory_space<semaphore_mem>>
      %dma_start3A_521 = arith.constant 0 : i32
      %dma_start3A_522 = tpu.memref_slice %arg8[%dma_start3A_521] : memref<256xf32, #tpu.memory_space<vmem>> -> memref<256xf32, #tpu.memory_space<vmem>>
      %dma_start3A_523 = tpu.memref_slice %arg11[%add3A_494] : memref<65536xf32, #tpu.memory_space<vmem_shared>> -> memref<256xf32, #tpu.memory_space<vmem_shared>>
      %dma_start3A_524 = arith.constant 0 : i32
      %dma_start3A_525 = tpu.memref_slice %arg8[%dma_start3A_524] : memref<256xf32, #tpu.memory_space<vmem>> -> memref<256xf32, #tpu.memory_space<vmem>>
      %dma_start3A_526 = tpu.memref_slice %arg11[%add3A_494] : memref<65536xf32, #tpu.memory_space<vmem_shared>> -> memref<256xf32, #tpu.memory_space<vmem_shared>>
      tpu.enqueue_dma source(%dma_start3A_526 : memref<256xf32, #tpu.memory_space<vmem_shared>>) target(%dma_start3A_525 : memref<256xf32, #tpu.memory_space<vmem>>) target_semaphore(%run_scoped3A : memref<!tpu.dma_semaphore, #tpu.memory_space<semaphore_mem>>)
      %dma_wait3A_527 = arith.constant 0 : i32
      %dma_wait3A_528 = tpu.memref_slice %arg8[%dma_wait3A_527] : memref<256xf32, #tpu.memory_space<vmem>> -> memref<256xf32, #tpu.memory_space<vmem>>
      %dma_wait3A_529 = tpu.memref_slice %arg11[%add3A_494] : memref<65536xf32, #tpu.memory_space<vmem_shared>> -> memref<256xf32, #tpu.memory_space<vmem_shared>>
      %dma_wait3A_530 = arith.constant 0 : i32
      %dma_wait3A_531 = tpu.memref_slice %arg8[%dma_wait3A_530] : memref<256xf32, #tpu.memory_space<vmem>> -> memref<256xf32, #tpu.memory_space<vmem>>
      %dma_wait3A_532 = tpu.memref_slice %arg11[%add3A_494] : memref<65536xf32, #tpu.memory_space<vmem_shared>> -> memref<256xf32, #tpu.memory_space<vmem_shared>>
      tpu.wait_dma2 semaphore(%run_scoped3A : memref<!tpu.dma_semaphore, #tpu.memory_space<semaphore_mem>>) src(%dma_wait3A_532 : memref<256xf32, #tpu.memory_space<vmem_shared>>) dst(%dma_wait3A_531 : memref<256xf32, #tpu.memory_space<vmem>>)
      tpu.yield
    }) : () -> ()
    %scan3A_495 = arith.constant 0 : i32
    %scan3A_496 = arith.constant 0 : i32
    %scan3A_497 = arith.constant 16 : i32
    %scan3A_498 = arith.addi %scan3A_496, %scan3A_497 : i32
    %scan3A_499 = arith.constant 1 : i32
    %scan3A_500 = scf.for %scan3A_521 = %scan3A_496 to %scan3A_498 step %scan3A_499 iter_args(%scan3A_522 = %scan3A_495) -> (i32)  : i32 {
      %mul3A_523 = arith.constant 16 : i32
      %mul3A_524 = arith.muli %scan3A_521, %mul3A_523 : i32
      %get3A = arith.index_cast %mul3A_524 : i32 to index
      %get3A_525 = tpu.vector_load %arg9[%get3A] {strides = array<i32>} : memref<256xf32, #tpu.memory_space<vmem>>, vector<16xf32>,
      %get3A_526 = arith.index_cast %mul3A_524 : i32 to index
      %get3A_527 = tpu.vector_load %arg8[%get3A_526] {strides = array<i32>} : memref<256xf32, #tpu.memory_space<vmem>>, vector<16xf32>,
      %add3A_528 = arith.addf %get3A_525, %get3A_527 : vector<16xf32>
      %swap3A = arith.index_cast %mul3A_524 : i32 to index
      %swap3A_529 = tpu.vector_load %arg9[%swap3A] {strides = array<i32>} : memref<256xf32, #tpu.memory_space<vmem>>, vector<16xf32>,
      tpu.vector_store %arg9[%swap3A], %add3A_528 {strides = array<i32>} : memref<256xf32, #tpu.memory_space<vmem>>, vector<16xf32>,
      %scan3A_530 = arith.constant 0 : i32
      scf.yield %scan3A_530 : i32
    }
    %scan3A_501 = arith.constant 16 : i32
    %mul3A_502 = arith.constant 256 : i32
    %mul3A_503 = arith.muli %arg1, %mul3A_502 : i32
    "tpu.region"() ({
      %run_scoped3A = tpu.sem_alloc : memref<!tpu.dma_semaphore, #tpu.memory_space<semaphore_mem>>
      %dma_start3A_521 = arith.constant 0 : i32
      %dma_start3A_522 = tpu.memref_slice %arg9[%dma_start3A_521] : memref<256xf32, #tpu.memory_space<vmem>> -> memref<256xf32, #tpu.memory_space<vmem>>
      %dma_start3A_523 = tpu.memref_slice %arg12[%mul3A_503] : memref<4096xf32, #tpu.memory_space<vmem_shared>> -> memref<256xf32, #tpu.memory_space<vmem_shared>>
      %dma_start3A_524 = tpu.memref_slice %arg12[%mul3A_503] : memref<4096xf32, #tpu.memory_space<vmem_shared>> -> memref<256xf32, #tpu.memory_space<vmem_shared>>
      %dma_start3A_525 = arith.constant 0 : i32
      %dma_start3A_526 = tpu.memref_slice %arg9[%dma_start3A_525] : memref<256xf32, #tpu.memory_space<vmem>> -> memref<256xf32, #tpu.memory_space<vmem>>
      tpu.enqueue_dma source(%dma_start3A_526 : memref<256xf32, #tpu.memory_space<vmem>>) target(%dma_start3A_524 : memref<256xf32, #tpu.memory_space<vmem_shared>>) target_semaphore(%run_scoped3A : memref<!tpu.dma_semaphore, #tpu.memory_space<semaphore_mem>>)
      %dma_wait3A_527 = arith.constant 0 : i32
      %dma_wait3A_528 = tpu.memref_slice %arg9[%dma_wait3A_527] : memref<256xf32, #tpu.memory_space<vmem>> -> memref<256xf32, #tpu.memory_space<vmem>>
      %dma_wait3A_529 = tpu.memref_slice %arg12[%mul3A_503] : memref<4096xf32, #tpu.memory_space<vmem_shared>> -> memref<256xf32, #tpu.memory_space<vmem_shared>>
      %dma_wait3A_530 = tpu.memref_slice %arg12[%mul3A_503] : memref<4096xf32, #tpu.memory_space<vmem_shared>> -> memref<256xf32, #tpu.memory_space<vmem_shared>>
      %dma_wait3A_531 = arith.constant 0 : i32
      %dma_wait3A_532 = tpu.memref_slice %arg9[%dma_wait3A_531] : memref<256xf32, #tpu.memory_space<vmem>> -> memref<256xf32, #tpu.memory_space<vmem>>
      tpu.wait_dma2 semaphore(%run_scoped3A : memref<!tpu.dma_semaphore, #tpu.memory_space<semaphore_mem>>) src(%dma_wait3A_532 : memref<256xf32, #tpu.memory_space<vmem>>) dst(%dma_wait3A_530 : memref<256xf32, #tpu.memory_space<vmem_shared>>)
      tpu.yield
    }) : () -> ()
    %barrier3A_504 = arith.constant 0 : index
    tpu.barrier barrier_id(%barrier3A_504)
    "tpu.region"() ({
      %run_scoped3A = tpu.sem_alloc : memref<!tpu.dma_semaphore, #tpu.memory_space<semaphore_mem>>
      %dma_start3A_521 = arith.constant 0 : i32
      %dma_start3A_522 = tpu.memref_slice %arg7[%dma_start3A_521] : memref<4096xf32, #tpu.memory_space<vmem>> -> memref<4096xf32, #tpu.memory_space<vmem>>
      %dma_start3A_523 = arith.constant 0 : i32
      %dma_start3A_524 = tpu.memref_slice %arg12[%dma_start3A_523] : memref<4096xf32, #tpu.memory_space<vmem_shared>> -> memref<4096xf32, #tpu.memory_space<vmem_shared>>
      %dma_start3A_525 = arith.constant 0 : i32
      %dma_start3A_526 = tpu.memref_slice %arg7[%dma_start3A_525] : memref<4096xf32, #tpu.memory_space<vmem>> -> memref<4096xf32, #tpu.memory_space<vmem>>
      %dma_start3A_527 = arith.constant 0 : i32
      %dma_start3A_528 = tpu.memref_slice %arg12[%dma_start3A_527] : memref<4096xf32, #tpu.memory_space<vmem_shared>> -> memref<4096xf32, #tpu.memory_space<vmem_shared>>
      tpu.enqueue_dma source(%dma_start3A_528 : memref<4096xf32, #tpu.memory_space<vmem_shared>>) target(%dma_start3A_526 : memref<4096xf32, #tpu.memory_space<vmem>>) target_semaphore(%run_scoped3A : memref<!tpu.dma_semaphore, #tpu.memory_space<semaphore_mem>>)
      %dma_wait3A_529 = arith.constant 0 : i32
      %dma_wait3A_530 = tpu.memref_slice %arg7[%dma_wait3A_529] : memref<4096xf32, #tpu.memory_space<vmem>> -> memref<4096xf32, #tpu.memory_space<vmem>>
      %dma_wait3A_531 = arith.constant 0 : i32
      %dma_wait3A_532 = tpu.memref_slice %arg12[%dma_wait3A_531] : memref<4096xf32, #tpu.memory_space<vmem_shared>> -> memref<4096xf32, #tpu.memory_space<vmem_shared>>
      %dma_wait3A_533 = arith.constant 0 : i32
      %dma_wait3A_534 = tpu.memref_slice %arg7[%dma_wait3A_533] : memref<4096xf32, #tpu.memory_space<vmem>> -> memref<4096xf32, #tpu.memory_space<vmem>>
      %dma_wait3A_535 = arith.constant 0 : i32
      %dma_wait3A_536 = tpu.memref_slice %arg12[%dma_wait3A_535] : memref<4096xf32, #tpu.memory_space<vmem_shared>> -> memref<4096xf32, #tpu.memory_space<vmem_shared>>
      tpu.wait_dma2 semaphore(%run_scoped3A : memref<!tpu.dma_semaphore, #tpu.memory_space<semaphore_mem>>) src(%dma_wait3A_536 : memref<4096xf32, #tpu.memory_space<vmem_shared>>) dst(%dma_wait3A_534 : memref<4096xf32, #tpu.memory_space<vmem>>)
      tpu.yield
    }) : () -> ()
    %scan3A_505 = arith.constant 0.000000e+00 : f32
    %scan3A_506 = arith.constant 0.000000e+00 : f32
    %scan3A_507 = arith.constant -1 : i32
    %scan3A_508 = arith.constant 1.000000e+00 : f32
    %scan3A_509 = arith.constant 0.000000e+00 : f32
    %scan3A_510 = arith.constant 0 : i32
    %scan3A_511 = arith.constant 128 : i32
    %scan3A_512 = arith.addi %scan3A_510, %scan3A_511 : i32
    %scan3A_513 = arith.constant 1 : i32
    %scan3A_514:5 = scf.for %scan3A_521 = %scan3A_510 to %scan3A_512 step %scan3A_513 iter_args(%scan3A_522 = %scan3A_505, %scan3A_523 = %scan3A_506, %scan3A_524 = %scan3A_507, %scan3A_525 = %scan3A_508, %scan3A_526 = %scan3A_509) -> (f32, f32, i32, f32, f32)  : i32 {
      %sub3A = arith.constant 127 : i32
      %sub3A_527 = arith.subi %sub3A, %scan3A_521 : i32
      %mul3A_528 = arith.constant 16 : i32
      %mul3A_529 = arith.muli %sub3A_527, %mul3A_528 : i32
      %get3A = arith.index_cast %mul3A_529 : i32 to index
      %get3A_530 = tpu.vector_load %arg7[%get3A] {strides = array<i32>} : memref<4096xf32, #tpu.memory_space<vmem>>, vector<16xf32>,
      %reduce_sum3A = arith.constant true
      %reduce_sum3A_531 = vector.broadcast %reduce_sum3A : i1 to vector<16xi1>
      %reduce_sum3A_532 = tpu.scan <sum>, %get3A_530 masked %reduce_sum3A_531 : vector<16xf32>, vector<16xi1> -> vector<16xf32>
      %reduce_sum3A_533 = vector.extract %reduce_sum3A_532[15] : f32 from vector<16xf32>
      %add3A_534 = arith.addf %scan3A_522, %reduce_sum3A_533 : f32
      %mul3A_535 = arith.constant 16 : i32
      %mul3A_536 = arith.muli %sub3A_527, %mul3A_535 : i32
      %add3A_537 = arith.constant 2048 : i32
      %add3A_538 = arith.addi %add3A_537, %mul3A_536 : i32
      %get3A_539 = arith.index_cast %add3A_538 : i32 to index
      %get3A_540 = tpu.vector_load %arg7[%get3A_539] {strides = array<i32>} : memref<4096xf32, #tpu.memory_space<vmem>>, vector<16xf32>,
      %reduce_sum3A_541 = arith.constant true
      %reduce_sum3A_542 = vector.broadcast %reduce_sum3A_541 : i1 to vector<16xi1>
      %reduce_sum3A_543 = tpu.scan <sum>, %get3A_540 masked %reduce_sum3A_542 : vector<16xf32>, vector<16xi1> -> vector<16xf32>
      %reduce_sum3A_544 = vector.extract %reduce_sum3A_543[15] : f32 from vector<16xf32>
      %add3A_545 = arith.addf %scan3A_523, %reduce_sum3A_544 : f32
      %ge3A = arith.constant 6.291450e+05 : f32
      %ge3A_546 = arith.cmpf oge, %add3A_534, %ge3A : f32
      %lt3A = arith.constant 0 : i32
      %lt3A_547 = arith.cmpi slt, %scan3A_524, %lt3A : i32
      %and3A_548 = arith.andi %ge3A_546, %lt3A_547 : i1
      %select_n3A = arith.select %and3A_548, %sub3A_527, %scan3A_524 : i32
      %select_n3A_549 = arith.select %and3A_548, %add3A_534, %scan3A_525 : f32
      %select_n3A_550 = arith.select %and3A_548, %add3A_545, %scan3A_526 : f32
      scf.yield %add3A_534, %add3A_545, %select_n3A, %select_n3A_549, %select_n3A_550 : f32, f32, i32, f32, f32
    }
    %scan3A_515 = arith.constant 128 : i32
    %eq3A = arith.constant 0 : i32
    %eq3A_516 = arith.cmpi eq, %arg0, %eq3A : i32
    %eq3A_517 = arith.constant 0 : i32
    %eq3A_518 = arith.cmpi eq, %arg1, %eq3A_517 : i32
    %and3A = arith.andi %eq3A_516, %eq3A_518 : i1
    %convert_element_type3A_519 = arith.extui %and3A : i1 to i32
    %cond3A = arith.constant 0 : i32
    %cond3A_520 = arith.cmpi ne, %convert_element_type3A_519, %cond3A : i32
    scf.if %cond3A_520 {
      %broadcast_in_dim3A_521 = vector.broadcast %scan3A_514#4 : f32 to vector<16xf32>
      %broadcast_in_dim3A_522 = vector.broadcast %scan3A_514#3 : f32 to vector<16xf32>
      %div3A = arith.divf %broadcast_in_dim3A_521, %broadcast_in_dim3A_522 : vector<16xf32>
      %swap3A = arith.constant 0 : index
      %swap3A_523 = tpu.vector_load %arg10[%swap3A] {strides = array<i32>} : memref<16xf32, #tpu.memory_space<vmem>>, vector<16xf32>,
      tpu.vector_store %arg10[%swap3A], %div3A {strides = array<i32>} : memref<16xf32, #tpu.memory_space<vmem>>, vector<16xf32>,
      "tpu.region"() ({
        %run_scoped3A = tpu.sem_alloc : memref<!tpu.dma_semaphore, #tpu.memory_space<semaphore_mem>>
        tpu.enqueue_dma source(%arg10 : memref<16xf32, #tpu.memory_space<vmem>>) target(%arg4 : memref<16xf32, #tpu.memory_space<hbm>>) target_semaphore(%run_scoped3A : memref<!tpu.dma_semaphore, #tpu.memory_space<semaphore_mem>>)
        tpu.wait_dma2 semaphore(%run_scoped3A : memref<!tpu.dma_semaphore, #tpu.memory_space<semaphore_mem>>) src(%arg10 : memref<16xf32, #tpu.memory_space<vmem>>) dst(%arg4 : memref<16xf32, #tpu.memory_space<hbm>>)
        tpu.yield
      }) : () -> ()
    } else {
    }
    return
  }
}

module attributes {stable_mosaic.version = 14 : i64} {
  func.func @_ce_body(%arg0: i32, %arg1: i32, %arg2: memref<1x19x256x512xf32, #tpu.memory_space<vmem>>, %arg3: memref<1x256x512xi32, #tpu.memory_space<vmem>>, %arg4: memref<256x512xf32, #tpu.memory_space<vmem>>) attributes {dimension_semantics = [#tpu.dimension_semantics<arbitrary>, #tpu.dimension_semantics<arbitrary>], iteration_bounds = array<i64: 4, 2>, scalar_prefetch = 0 : i64, scratch_operands = 0 : i64, tpu.core_type = #tpu.core_type<tc>, window_params = [{transform_indices = @transform_0, window_bounds = array<i64: 1, 19, 256, 512>}, {transform_indices = @transform_1, window_bounds = array<i64: 1, 256, 512>}, {transform_indices = @transform_2, window_bounds = array<i64: 256, 512>}]} {
    %get3A = arith.constant 0 : index
    %get3A_0 = arith.constant 0 : index
    %get3A_1 = arith.constant 0 : index
    %get3A_2 = vector.load %arg3[%get3A, %get3A_0, %get3A_1] : memref<1x256x512xi32, #tpu.memory_space<vmem>>, vector<1x256x512xi32>
    %get3A_3 = vector.shape_cast %get3A_2 : vector<1x256x512xi32> to vector<256x512xi32>
    %broadcast_in_dim3A = arith.constant 0.000000e+00 : f32
    %broadcast_in_dim3A_4 = vector.broadcast %broadcast_in_dim3A : f32 to vector<256x512xf32>
    %broadcast_in_dim3A_5 = arith.constant 0.000000e+00 : f32
    %broadcast_in_dim3A_6 = vector.broadcast %broadcast_in_dim3A_5 : f32 to vector<256x512xf32>
    %get3A_7 = arith.constant 0 : index
    %get3A_8 = arith.constant 0 : index
    %get3A_9 = arith.constant 0 : index
    %get3A_10 = arith.constant 0 : index
    %get3A_11 = vector.load %arg2[%get3A_7, %get3A_8, %get3A_9, %get3A_10] : memref<1x19x256x512xf32, #tpu.memory_space<vmem>>, vector<1x1x256x512xf32>
    %get3A_12 = vector.shape_cast %get3A_11 : vector<1x1x256x512xf32> to vector<256x512xf32>
    %exp3A = math.exp %get3A_12 : vector<256x512xf32>
    %add3A = arith.addf %broadcast_in_dim3A_4, %exp3A : vector<256x512xf32>
    %eq3A = arith.constant 0 : i32
    %eq3A_13 = vector.broadcast %eq3A : i32 to vector<256x512xi32>
    %eq3A_14 = arith.cmpi eq, %get3A_3, %eq3A_13 : vector<256x512xi32>
    %jit3A = arith.constant 0.000000e+00 : f32
    %broadcast_in_dim3A_15 = vector.broadcast %jit3A : f32 to vector<256x512xf32>
    %select_n3A = arith.select %eq3A_14, %get3A_12, %broadcast_in_dim3A_15 : vector<256x512xi1>, vector<256x512xf32>
    %add3A_16 = arith.addf %broadcast_in_dim3A_6, %select_n3A : vector<256x512xf32>
    %get3A_17 = arith.constant 0 : index
    %get3A_18 = arith.constant 1 : index
    %get3A_19 = arith.constant 0 : index
    %get3A_20 = arith.constant 0 : index
    %get3A_21 = vector.load %arg2[%get3A_17, %get3A_18, %get3A_19, %get3A_20] : memref<1x19x256x512xf32, #tpu.memory_space<vmem>>, vector<1x1x256x512xf32>
    %get3A_22 = vector.shape_cast %get3A_21 : vector<1x1x256x512xf32> to vector<256x512xf32>
    %exp3A_23 = math.exp %get3A_22 : vector<256x512xf32>
    %add3A_24 = arith.addf %add3A, %exp3A_23 : vector<256x512xf32>
    %eq3A_25 = arith.constant 1 : i32
    %eq3A_26 = vector.broadcast %eq3A_25 : i32 to vector<256x512xi32>
    %eq3A_27 = arith.cmpi eq, %get3A_3, %eq3A_26 : vector<256x512xi32>
    %jit3A_28 = arith.constant 0.000000e+00 : f32
    %broadcast_in_dim3A_29 = vector.broadcast %jit3A_28 : f32 to vector<256x512xf32>
    %select_n3A_30 = arith.select %eq3A_27, %get3A_22, %broadcast_in_dim3A_29 : vector<256x512xi1>, vector<256x512xf32>
    %add3A_31 = arith.addf %add3A_16, %select_n3A_30 : vector<256x512xf32>
    %get3A_32 = arith.constant 0 : index
    %get3A_33 = arith.constant 2 : index
    %get3A_34 = arith.constant 0 : index
    %get3A_35 = arith.constant 0 : index
    %get3A_36 = vector.load %arg2[%get3A_32, %get3A_33, %get3A_34, %get3A_35] : memref<1x19x256x512xf32, #tpu.memory_space<vmem>>, vector<1x1x256x512xf32>
    %get3A_37 = vector.shape_cast %get3A_36 : vector<1x1x256x512xf32> to vector<256x512xf32>
    %exp3A_38 = math.exp %get3A_37 : vector<256x512xf32>
    %add3A_39 = arith.addf %add3A_24, %exp3A_38 : vector<256x512xf32>
    %eq3A_40 = arith.constant 2 : i32
    %eq3A_41 = vector.broadcast %eq3A_40 : i32 to vector<256x512xi32>
    %eq3A_42 = arith.cmpi eq, %get3A_3, %eq3A_41 : vector<256x512xi32>
    %jit3A_43 = arith.constant 0.000000e+00 : f32
    %broadcast_in_dim3A_44 = vector.broadcast %jit3A_43 : f32 to vector<256x512xf32>
    %select_n3A_45 = arith.select %eq3A_42, %get3A_37, %broadcast_in_dim3A_44 : vector<256x512xi1>, vector<256x512xf32>
    %add3A_46 = arith.addf %add3A_31, %select_n3A_45 : vector<256x512xf32>
    %get3A_47 = arith.constant 0 : index
    %get3A_48 = arith.constant 3 : index
    %get3A_49 = arith.constant 0 : index
    %get3A_50 = arith.constant 0 : index
    %get3A_51 = vector.load %arg2[%get3A_47, %get3A_48, %get3A_49, %get3A_50] : memref<1x19x256x512xf32, #tpu.memory_space<vmem>>, vector<1x1x256x512xf32>
    %get3A_52 = vector.shape_cast %get3A_51 : vector<1x1x256x512xf32> to vector<256x512xf32>
    %exp3A_53 = math.exp %get3A_52 : vector<256x512xf32>
    %add3A_54 = arith.addf %add3A_39, %exp3A_53 : vector<256x512xf32>
    %eq3A_55 = arith.constant 3 : i32
    %eq3A_56 = vector.broadcast %eq3A_55 : i32 to vector<256x512xi32>
    %eq3A_57 = arith.cmpi eq, %get3A_3, %eq3A_56 : vector<256x512xi32>
    %jit3A_58 = arith.constant 0.000000e+00 : f32
    %broadcast_in_dim3A_59 = vector.broadcast %jit3A_58 : f32 to vector<256x512xf32>
    %select_n3A_60 = arith.select %eq3A_57, %get3A_52, %broadcast_in_dim3A_59 : vector<256x512xi1>, vector<256x512xf32>
    %add3A_61 = arith.addf %add3A_46, %select_n3A_60 : vector<256x512xf32>
    %get3A_62 = arith.constant 0 : index
    %get3A_63 = arith.constant 4 : index
    %get3A_64 = arith.constant 0 : index
    %get3A_65 = arith.constant 0 : index
    %get3A_66 = vector.load %arg2[%get3A_62, %get3A_63, %get3A_64, %get3A_65] : memref<1x19x256x512xf32, #tpu.memory_space<vmem>>, vector<1x1x256x512xf32>
    %get3A_67 = vector.shape_cast %get3A_66 : vector<1x1x256x512xf32> to vector<256x512xf32>
    %exp3A_68 = math.exp %get3A_67 : vector<256x512xf32>
    %add3A_69 = arith.addf %add3A_54, %exp3A_68 : vector<256x512xf32>
    %eq3A_70 = arith.constant 4 : i32
    %eq3A_71 = vector.broadcast %eq3A_70 : i32 to vector<256x512xi32>
    %eq3A_72 = arith.cmpi eq, %get3A_3, %eq3A_71 : vector<256x512xi32>
    %jit3A_73 = arith.constant 0.000000e+00 : f32
    %broadcast_in_dim3A_74 = vector.broadcast %jit3A_73 : f32 to vector<256x512xf32>
    %select_n3A_75 = arith.select %eq3A_72, %get3A_67, %broadcast_in_dim3A_74 : vector<256x512xi1>, vector<256x512xf32>
    %add3A_76 = arith.addf %add3A_61, %select_n3A_75 : vector<256x512xf32>
    %get3A_77 = arith.constant 0 : index
    %get3A_78 = arith.constant 5 : index
    %get3A_79 = arith.constant 0 : index
    %get3A_80 = arith.constant 0 : index
    %get3A_81 = vector.load %arg2[%get3A_77, %get3A_78, %get3A_79, %get3A_80] : memref<1x19x256x512xf32, #tpu.memory_space<vmem>>, vector<1x1x256x512xf32>
    %get3A_82 = vector.shape_cast %get3A_81 : vector<1x1x256x512xf32> to vector<256x512xf32>
    %exp3A_83 = math.exp %get3A_82 : vector<256x512xf32>
    %add3A_84 = arith.addf %add3A_69, %exp3A_83 : vector<256x512xf32>
    %eq3A_85 = arith.constant 5 : i32
    %eq3A_86 = vector.broadcast %eq3A_85 : i32 to vector<256x512xi32>
    %eq3A_87 = arith.cmpi eq, %get3A_3, %eq3A_86 : vector<256x512xi32>
    %jit3A_88 = arith.constant 0.000000e+00 : f32
    %broadcast_in_dim3A_89 = vector.broadcast %jit3A_88 : f32 to vector<256x512xf32>
    %select_n3A_90 = arith.select %eq3A_87, %get3A_82, %broadcast_in_dim3A_89 : vector<256x512xi1>, vector<256x512xf32>
    %add3A_91 = arith.addf %add3A_76, %select_n3A_90 : vector<256x512xf32>
    %get3A_92 = arith.constant 0 : index
    %get3A_93 = arith.constant 6 : index
    %get3A_94 = arith.constant 0 : index
    %get3A_95 = arith.constant 0 : index
    %get3A_96 = vector.load %arg2[%get3A_92, %get3A_93, %get3A_94, %get3A_95] : memref<1x19x256x512xf32, #tpu.memory_space<vmem>>, vector<1x1x256x512xf32>
    %get3A_97 = vector.shape_cast %get3A_96 : vector<1x1x256x512xf32> to vector<256x512xf32>
    %exp3A_98 = math.exp %get3A_97 : vector<256x512xf32>
    %add3A_99 = arith.addf %add3A_84, %exp3A_98 : vector<256x512xf32>
    %eq3A_100 = arith.constant 6 : i32
    %eq3A_101 = vector.broadcast %eq3A_100 : i32 to vector<256x512xi32>
    %eq3A_102 = arith.cmpi eq, %get3A_3, %eq3A_101 : vector<256x512xi32>
    %jit3A_103 = arith.constant 0.000000e+00 : f32
    %broadcast_in_dim3A_104 = vector.broadcast %jit3A_103 : f32 to vector<256x512xf32>
    %select_n3A_105 = arith.select %eq3A_102, %get3A_97, %broadcast_in_dim3A_104 : vector<256x512xi1>, vector<256x512xf32>
    %add3A_106 = arith.addf %add3A_91, %select_n3A_105 : vector<256x512xf32>
    %get3A_107 = arith.constant 0 : index
    %get3A_108 = arith.constant 7 : index
    %get3A_109 = arith.constant 0 : index
    %get3A_110 = arith.constant 0 : index
    %get3A_111 = vector.load %arg2[%get3A_107, %get3A_108, %get3A_109, %get3A_110] : memref<1x19x256x512xf32, #tpu.memory_space<vmem>>, vector<1x1x256x512xf32>
    %get3A_112 = vector.shape_cast %get3A_111 : vector<1x1x256x512xf32> to vector<256x512xf32>
    %exp3A_113 = math.exp %get3A_112 : vector<256x512xf32>
    %add3A_114 = arith.addf %add3A_99, %exp3A_113 : vector<256x512xf32>
    %eq3A_115 = arith.constant 7 : i32
    %eq3A_116 = vector.broadcast %eq3A_115 : i32 to vector<256x512xi32>
    %eq3A_117 = arith.cmpi eq, %get3A_3, %eq3A_116 : vector<256x512xi32>
    %jit3A_118 = arith.constant 0.000000e+00 : f32
    %broadcast_in_dim3A_119 = vector.broadcast %jit3A_118 : f32 to vector<256x512xf32>
    %select_n3A_120 = arith.select %eq3A_117, %get3A_112, %broadcast_in_dim3A_119 : vector<256x512xi1>, vector<256x512xf32>
    %add3A_121 = arith.addf %add3A_106, %select_n3A_120 : vector<256x512xf32>
    %get3A_122 = arith.constant 0 : index
    %get3A_123 = arith.constant 8 : index
    %get3A_124 = arith.constant 0 : index
    %get3A_125 = arith.constant 0 : index
    %get3A_126 = vector.load %arg2[%get3A_122, %get3A_123, %get3A_124, %get3A_125] : memref<1x19x256x512xf32, #tpu.memory_space<vmem>>, vector<1x1x256x512xf32>
    %get3A_127 = vector.shape_cast %get3A_126 : vector<1x1x256x512xf32> to vector<256x512xf32>
    %exp3A_128 = math.exp %get3A_127 : vector<256x512xf32>
    %add3A_129 = arith.addf %add3A_114, %exp3A_128 : vector<256x512xf32>
    %eq3A_130 = arith.constant 8 : i32
    %eq3A_131 = vector.broadcast %eq3A_130 : i32 to vector<256x512xi32>
    %eq3A_132 = arith.cmpi eq, %get3A_3, %eq3A_131 : vector<256x512xi32>
    %jit3A_133 = arith.constant 0.000000e+00 : f32
    %broadcast_in_dim3A_134 = vector.broadcast %jit3A_133 : f32 to vector<256x512xf32>
    %select_n3A_135 = arith.select %eq3A_132, %get3A_127, %broadcast_in_dim3A_134 : vector<256x512xi1>, vector<256x512xf32>
    %add3A_136 = arith.addf %add3A_121, %select_n3A_135 : vector<256x512xf32>
    %get3A_137 = arith.constant 0 : index
    %get3A_138 = arith.constant 9 : index
    %get3A_139 = arith.constant 0 : index
    %get3A_140 = arith.constant 0 : index
    %get3A_141 = vector.load %arg2[%get3A_137, %get3A_138, %get3A_139, %get3A_140] : memref<1x19x256x512xf32, #tpu.memory_space<vmem>>, vector<1x1x256x512xf32>
    %get3A_142 = vector.shape_cast %get3A_141 : vector<1x1x256x512xf32> to vector<256x512xf32>
    %exp3A_143 = math.exp %get3A_142 : vector<256x512xf32>
    %add3A_144 = arith.addf %add3A_129, %exp3A_143 : vector<256x512xf32>
    %eq3A_145 = arith.constant 9 : i32
    %eq3A_146 = vector.broadcast %eq3A_145 : i32 to vector<256x512xi32>
    %eq3A_147 = arith.cmpi eq, %get3A_3, %eq3A_146 : vector<256x512xi32>
    %jit3A_148 = arith.constant 0.000000e+00 : f32
    %broadcast_in_dim3A_149 = vector.broadcast %jit3A_148 : f32 to vector<256x512xf32>
    %select_n3A_150 = arith.select %eq3A_147, %get3A_142, %broadcast_in_dim3A_149 : vector<256x512xi1>, vector<256x512xf32>
    %add3A_151 = arith.addf %add3A_136, %select_n3A_150 : vector<256x512xf32>
    %get3A_152 = arith.constant 0 : index
    %get3A_153 = arith.constant 10 : index
    %get3A_154 = arith.constant 0 : index
    %get3A_155 = arith.constant 0 : index
    %get3A_156 = vector.load %arg2[%get3A_152, %get3A_153, %get3A_154, %get3A_155] : memref<1x19x256x512xf32, #tpu.memory_space<vmem>>, vector<1x1x256x512xf32>
    %get3A_157 = vector.shape_cast %get3A_156 : vector<1x1x256x512xf32> to vector<256x512xf32>
    %exp3A_158 = math.exp %get3A_157 : vector<256x512xf32>
    %add3A_159 = arith.addf %add3A_144, %exp3A_158 : vector<256x512xf32>
    %eq3A_160 = arith.constant 10 : i32
    %eq3A_161 = vector.broadcast %eq3A_160 : i32 to vector<256x512xi32>
    %eq3A_162 = arith.cmpi eq, %get3A_3, %eq3A_161 : vector<256x512xi32>
    %jit3A_163 = arith.constant 0.000000e+00 : f32
    %broadcast_in_dim3A_164 = vector.broadcast %jit3A_163 : f32 to vector<256x512xf32>
    %select_n3A_165 = arith.select %eq3A_162, %get3A_157, %broadcast_in_dim3A_164 : vector<256x512xi1>, vector<256x512xf32>
    %add3A_166 = arith.addf %add3A_151, %select_n3A_165 : vector<256x512xf32>
    %get3A_167 = arith.constant 0 : index
    %get3A_168 = arith.constant 11 : index
    %get3A_169 = arith.constant 0 : index
    %get3A_170 = arith.constant 0 : index
    %get3A_171 = vector.load %arg2[%get3A_167, %get3A_168, %get3A_169, %get3A_170] : memref<1x19x256x512xf32, #tpu.memory_space<vmem>>, vector<1x1x256x512xf32>
    %get3A_172 = vector.shape_cast %get3A_171 : vector<1x1x256x512xf32> to vector<256x512xf32>
    %exp3A_173 = math.exp %get3A_172 : vector<256x512xf32>
    %add3A_174 = arith.addf %add3A_159, %exp3A_173 : vector<256x512xf32>
    %eq3A_175 = arith.constant 11 : i32
    %eq3A_176 = vector.broadcast %eq3A_175 : i32 to vector<256x512xi32>
    %eq3A_177 = arith.cmpi eq, %get3A_3, %eq3A_176 : vector<256x512xi32>
    %jit3A_178 = arith.constant 0.000000e+00 : f32
    %broadcast_in_dim3A_179 = vector.broadcast %jit3A_178 : f32 to vector<256x512xf32>
    %select_n3A_180 = arith.select %eq3A_177, %get3A_172, %broadcast_in_dim3A_179 : vector<256x512xi1>, vector<256x512xf32>
    %add3A_181 = arith.addf %add3A_166, %select_n3A_180 : vector<256x512xf32>
    %get3A_182 = arith.constant 0 : index
    %get3A_183 = arith.constant 12 : index
    %get3A_184 = arith.constant 0 : index
    %get3A_185 = arith.constant 0 : index
    %get3A_186 = vector.load %arg2[%get3A_182, %get3A_183, %get3A_184, %get3A_185] : memref<1x19x256x512xf32, #tpu.memory_space<vmem>>, vector<1x1x256x512xf32>
    %get3A_187 = vector.shape_cast %get3A_186 : vector<1x1x256x512xf32> to vector<256x512xf32>
    %exp3A_188 = math.exp %get3A_187 : vector<256x512xf32>
    %add3A_189 = arith.addf %add3A_174, %exp3A_188 : vector<256x512xf32>
    %eq3A_190 = arith.constant 12 : i32
    %eq3A_191 = vector.broadcast %eq3A_190 : i32 to vector<256x512xi32>
    %eq3A_192 = arith.cmpi eq, %get3A_3, %eq3A_191 : vector<256x512xi32>
    %jit3A_193 = arith.constant 0.000000e+00 : f32
    %broadcast_in_dim3A_194 = vector.broadcast %jit3A_193 : f32 to vector<256x512xf32>
    %select_n3A_195 = arith.select %eq3A_192, %get3A_187, %broadcast_in_dim3A_194 : vector<256x512xi1>, vector<256x512xf32>
    %add3A_196 = arith.addf %add3A_181, %select_n3A_195 : vector<256x512xf32>
    %get3A_197 = arith.constant 0 : index
    %get3A_198 = arith.constant 13 : index
    %get3A_199 = arith.constant 0 : index
    %get3A_200 = arith.constant 0 : index
    %get3A_201 = vector.load %arg2[%get3A_197, %get3A_198, %get3A_199, %get3A_200] : memref<1x19x256x512xf32, #tpu.memory_space<vmem>>, vector<1x1x256x512xf32>
    %get3A_202 = vector.shape_cast %get3A_201 : vector<1x1x256x512xf32> to vector<256x512xf32>
    %exp3A_203 = math.exp %get3A_202 : vector<256x512xf32>
    %add3A_204 = arith.addf %add3A_189, %exp3A_203 : vector<256x512xf32>
    %eq3A_205 = arith.constant 13 : i32
    %eq3A_206 = vector.broadcast %eq3A_205 : i32 to vector<256x512xi32>
    %eq3A_207 = arith.cmpi eq, %get3A_3, %eq3A_206 : vector<256x512xi32>
    %jit3A_208 = arith.constant 0.000000e+00 : f32
    %broadcast_in_dim3A_209 = vector.broadcast %jit3A_208 : f32 to vector<256x512xf32>
    %select_n3A_210 = arith.select %eq3A_207, %get3A_202, %broadcast_in_dim3A_209 : vector<256x512xi1>, vector<256x512xf32>
    %add3A_211 = arith.addf %add3A_196, %select_n3A_210 : vector<256x512xf32>
    %get3A_212 = arith.constant 0 : index
    %get3A_213 = arith.constant 14 : index
    %get3A_214 = arith.constant 0 : index
    %get3A_215 = arith.constant 0 : index
    %get3A_216 = vector.load %arg2[%get3A_212, %get3A_213, %get3A_214, %get3A_215] : memref<1x19x256x512xf32, #tpu.memory_space<vmem>>, vector<1x1x256x512xf32>
    %get3A_217 = vector.shape_cast %get3A_216 : vector<1x1x256x512xf32> to vector<256x512xf32>
    %exp3A_218 = math.exp %get3A_217 : vector<256x512xf32>
    %add3A_219 = arith.addf %add3A_204, %exp3A_218 : vector<256x512xf32>
    %eq3A_220 = arith.constant 14 : i32
    %eq3A_221 = vector.broadcast %eq3A_220 : i32 to vector<256x512xi32>
    %eq3A_222 = arith.cmpi eq, %get3A_3, %eq3A_221 : vector<256x512xi32>
    %jit3A_223 = arith.constant 0.000000e+00 : f32
    %broadcast_in_dim3A_224 = vector.broadcast %jit3A_223 : f32 to vector<256x512xf32>
    %select_n3A_225 = arith.select %eq3A_222, %get3A_217, %broadcast_in_dim3A_224 : vector<256x512xi1>, vector<256x512xf32>
    %add3A_226 = arith.addf %add3A_211, %select_n3A_225 : vector<256x512xf32>
    %get3A_227 = arith.constant 0 : index
    %get3A_228 = arith.constant 15 : index
    %get3A_229 = arith.constant 0 : index
    %get3A_230 = arith.constant 0 : index
    %get3A_231 = vector.load %arg2[%get3A_227, %get3A_228, %get3A_229, %get3A_230] : memref<1x19x256x512xf32, #tpu.memory_space<vmem>>, vector<1x1x256x512xf32>
    %get3A_232 = vector.shape_cast %get3A_231 : vector<1x1x256x512xf32> to vector<256x512xf32>
    %exp3A_233 = math.exp %get3A_232 : vector<256x512xf32>
    %add3A_234 = arith.addf %add3A_219, %exp3A_233 : vector<256x512xf32>
    %eq3A_235 = arith.constant 15 : i32
    %eq3A_236 = vector.broadcast %eq3A_235 : i32 to vector<256x512xi32>
    %eq3A_237 = arith.cmpi eq, %get3A_3, %eq3A_236 : vector<256x512xi32>
    %jit3A_238 = arith.constant 0.000000e+00 : f32
    %broadcast_in_dim3A_239 = vector.broadcast %jit3A_238 : f32 to vector<256x512xf32>
    %select_n3A_240 = arith.select %eq3A_237, %get3A_232, %broadcast_in_dim3A_239 : vector<256x512xi1>, vector<256x512xf32>
    %add3A_241 = arith.addf %add3A_226, %select_n3A_240 : vector<256x512xf32>
    %get3A_242 = arith.constant 0 : index
    %get3A_243 = arith.constant 16 : index
    %get3A_244 = arith.constant 0 : index
    %get3A_245 = arith.constant 0 : index
    %get3A_246 = vector.load %arg2[%get3A_242, %get3A_243, %get3A_244, %get3A_245] : memref<1x19x256x512xf32, #tpu.memory_space<vmem>>, vector<1x1x256x512xf32>
    %get3A_247 = vector.shape_cast %get3A_246 : vector<1x1x256x512xf32> to vector<256x512xf32>
    %exp3A_248 = math.exp %get3A_247 : vector<256x512xf32>
    %add3A_249 = arith.addf %add3A_234, %exp3A_248 : vector<256x512xf32>
    %eq3A_250 = arith.constant 16 : i32
    %eq3A_251 = vector.broadcast %eq3A_250 : i32 to vector<256x512xi32>
    %eq3A_252 = arith.cmpi eq, %get3A_3, %eq3A_251 : vector<256x512xi32>
    %jit3A_253 = arith.constant 0.000000e+00 : f32
    %broadcast_in_dim3A_254 = vector.broadcast %jit3A_253 : f32 to vector<256x512xf32>
    %select_n3A_255 = arith.select %eq3A_252, %get3A_247, %broadcast_in_dim3A_254 : vector<256x512xi1>, vector<256x512xf32>
    %add3A_256 = arith.addf %add3A_241, %select_n3A_255 : vector<256x512xf32>
    %get3A_257 = arith.constant 0 : index
    %get3A_258 = arith.constant 17 : index
    %get3A_259 = arith.constant 0 : index
    %get3A_260 = arith.constant 0 : index
    %get3A_261 = vector.load %arg2[%get3A_257, %get3A_258, %get3A_259, %get3A_260] : memref<1x19x256x512xf32, #tpu.memory_space<vmem>>, vector<1x1x256x512xf32>
    %get3A_262 = vector.shape_cast %get3A_261 : vector<1x1x256x512xf32> to vector<256x512xf32>
    %exp3A_263 = math.exp %get3A_262 : vector<256x512xf32>
    %add3A_264 = arith.addf %add3A_249, %exp3A_263 : vector<256x512xf32>
    %eq3A_265 = arith.constant 17 : i32
    %eq3A_266 = vector.broadcast %eq3A_265 : i32 to vector<256x512xi32>
    %eq3A_267 = arith.cmpi eq, %get3A_3, %eq3A_266 : vector<256x512xi32>
    %jit3A_268 = arith.constant 0.000000e+00 : f32
    %broadcast_in_dim3A_269 = vector.broadcast %jit3A_268 : f32 to vector<256x512xf32>
    %select_n3A_270 = arith.select %eq3A_267, %get3A_262, %broadcast_in_dim3A_269 : vector<256x512xi1>, vector<256x512xf32>
    %add3A_271 = arith.addf %add3A_256, %select_n3A_270 : vector<256x512xf32>
    %get3A_272 = arith.constant 0 : index
    %get3A_273 = arith.constant 18 : index
    %get3A_274 = arith.constant 0 : index
    %get3A_275 = arith.constant 0 : index
    %get3A_276 = vector.load %arg2[%get3A_272, %get3A_273, %get3A_274, %get3A_275] : memref<1x19x256x512xf32, #tpu.memory_space<vmem>>, vector<1x1x256x512xf32>
    %get3A_277 = vector.shape_cast %get3A_276 : vector<1x1x256x512xf32> to vector<256x512xf32>
    %exp3A_278 = math.exp %get3A_277 : vector<256x512xf32>
    %add3A_279 = arith.addf %add3A_264, %exp3A_278 : vector<256x512xf32>
    %eq3A_280 = arith.constant 18 : i32
    %eq3A_281 = vector.broadcast %eq3A_280 : i32 to vector<256x512xi32>
    %eq3A_282 = arith.cmpi eq, %get3A_3, %eq3A_281 : vector<256x512xi32>
    %jit3A_283 = arith.constant 0.000000e+00 : f32
    %broadcast_in_dim3A_284 = vector.broadcast %jit3A_283 : f32 to vector<256x512xf32>
    %select_n3A_285 = arith.select %eq3A_282, %get3A_277, %broadcast_in_dim3A_284 : vector<256x512xi1>, vector<256x512xf32>
    %add3A_286 = arith.addf %add3A_271, %select_n3A_285 : vector<256x512xf32>
    %log3A = math.log %add3A_279 : vector<256x512xf32>
    %sub3A = arith.subf %log3A, %add3A_286 : vector<256x512xf32>
    %swap3A = arith.constant 0 : index
    %swap3A_287 = arith.constant 0 : index
    %swap3A_288 = vector.load %arg4[%swap3A, %swap3A_287] : memref<256x512xf32, #tpu.memory_space<vmem>>, vector<256x512xf32>
    tpu.vector_store %arg4[%swap3A, %swap3A_287], %sub3A {strides = array<i32>} : memref<256x512xf32, #tpu.memory_space<vmem>>, vector<256x512xf32>,
    return
  }
  func.func @transform_0(%arg0: i32, %arg1: i32) -> (i32, i32, i32, i32) {
    %add3A = arith.constant 0 : i32
    %add3A_0 = arith.addi %arg0, %add3A : i32
    %c0_i32 = arith.constant 0 : i32
    %c0_i32_1 = arith.constant 0 : i32
    %c0_i32_2 = arith.constant 0 : i32
    return %add3A_0, %c0_i32, %arg1, %c0_i32_1 : i32, i32, i32, i32
  }
  func.func @transform_1(%arg0: i32, %arg1: i32) -> (i32, i32, i32) {
    %add3A = arith.constant 0 : i32
    %add3A_0 = arith.addi %arg0, %add3A : i32
    %c0_i32 = arith.constant 0 : i32
    %c0_i32_1 = arith.constant 0 : i32
    return %add3A_0, %arg1, %c0_i32 : i32, i32, i32
  }
  func.func @transform_2(%arg0: i32, %arg1: i32) -> (i32, i32) {
    %mul3A = arith.constant 2 : i32
    %mul3A_0 = arith.muli %arg0, %mul3A : i32
    %add3A = arith.addi %mul3A_0, %arg1 : i32
    %c0_i32 = arith.constant 0 : i32
    %c0_i32_1 = arith.constant 0 : i32
    return %add3A, %c0_i32 : i32, i32
  }
}

module attributes {stable_mosaic.version = 14 : i64} {
  func.func @_ce_body(%arg0: i32, %arg1: i32, %arg2: memref<1x19x256x512xf32, #tpu.memory_space<vmem>>, %arg3: memref<1x256x512xi32, #tpu.memory_space<vmem>>, %arg4: memref<256x512xf32, #tpu.memory_space<vmem>>) attributes {dimension_semantics = [#tpu.dimension_semantics<arbitrary>, #tpu.dimension_semantics<arbitrary>], iteration_bounds = array<i64: 4, 2>, scalar_prefetch = 0 : i64, scratch_operands = 0 : i64, tpu.core_type = #tpu.core_type<tc>, window_params = [{transform_indices = @transform_0, window_bounds = array<i64: 1, 19, 256, 512>}, {transform_indices = @transform_1, window_bounds = array<i64: 1, 256, 512>}, {transform_indices = @transform_2, window_bounds = array<i64: 256, 512>}]} {
    %get3A = arith.constant 0 : index
    %get3A_0 = arith.constant 0 : index
    %get3A_1 = arith.constant 0 : index
    %get3A_2 = vector.load %arg3[%get3A, %get3A_0, %get3A_1] : memref<1x256x512xi32, #tpu.memory_space<vmem>>, vector<1x256x512xi32>
    %get3A_3 = vector.shape_cast %get3A_2 : vector<1x256x512xi32> to vector<256x512xi32>
    %broadcast_in_dim3A = arith.constant 0.000000e+00 : f32
    %broadcast_in_dim3A_4 = vector.broadcast %broadcast_in_dim3A : f32 to vector<256x512xf32>
    %broadcast_in_dim3A_5 = arith.constant 0.000000e+00 : f32
    %broadcast_in_dim3A_6 = vector.broadcast %broadcast_in_dim3A_5 : f32 to vector<256x512xf32>
    %get3A_7 = arith.constant 0 : index
    %get3A_8 = arith.constant 0 : index
    %get3A_9 = arith.constant 0 : index
    %get3A_10 = arith.constant 0 : index
    %get3A_11 = vector.load %arg2[%get3A_7, %get3A_8, %get3A_9, %get3A_10] : memref<1x19x256x512xf32, #tpu.memory_space<vmem>>, vector<1x1x256x512xf32>
    %get3A_12 = vector.shape_cast %get3A_11 : vector<1x1x256x512xf32> to vector<256x512xf32>
    %exp3A = math.exp %get3A_12 : vector<256x512xf32>
    %add3A = arith.addf %broadcast_in_dim3A_4, %exp3A : vector<256x512xf32>
    %eq3A = arith.constant 0 : i32
    %eq3A_13 = vector.broadcast %eq3A : i32 to vector<256x512xi32>
    %eq3A_14 = arith.cmpi eq, %get3A_3, %eq3A_13 : vector<256x512xi32>
    %jit3A = arith.constant 0.000000e+00 : f32
    %broadcast_in_dim3A_15 = vector.broadcast %jit3A : f32 to vector<256x512xf32>
    %select_n3A = arith.select %eq3A_14, %get3A_12, %broadcast_in_dim3A_15 : vector<256x512xi1>, vector<256x512xf32>
    %add3A_16 = arith.addf %broadcast_in_dim3A_6, %select_n3A : vector<256x512xf32>
    %get3A_17 = arith.constant 0 : index
    %get3A_18 = arith.constant 1 : index
    %get3A_19 = arith.constant 0 : index
    %get3A_20 = arith.constant 0 : index
    %get3A_21 = vector.load %arg2[%get3A_17, %get3A_18, %get3A_19, %get3A_20] : memref<1x19x256x512xf32, #tpu.memory_space<vmem>>, vector<1x1x256x512xf32>
    %get3A_22 = vector.shape_cast %get3A_21 : vector<1x1x256x512xf32> to vector<256x512xf32>
    %exp3A_23 = math.exp %get3A_22 : vector<256x512xf32>
    %add3A_24 = arith.addf %add3A, %exp3A_23 : vector<256x512xf32>
    %eq3A_25 = arith.constant 1 : i32
    %eq3A_26 = vector.broadcast %eq3A_25 : i32 to vector<256x512xi32>
    %eq3A_27 = arith.cmpi eq, %get3A_3, %eq3A_26 : vector<256x512xi32>
    %jit3A_28 = arith.constant 0.000000e+00 : f32
    %broadcast_in_dim3A_29 = vector.broadcast %jit3A_28 : f32 to vector<256x512xf32>
    %select_n3A_30 = arith.select %eq3A_27, %get3A_22, %broadcast_in_dim3A_29 : vector<256x512xi1>, vector<256x512xf32>
    %add3A_31 = arith.addf %add3A_16, %select_n3A_30 : vector<256x512xf32>
    %get3A_32 = arith.constant 0 : index
    %get3A_33 = arith.constant 2 : index
    %get3A_34 = arith.constant 0 : index
    %get3A_35 = arith.constant 0 : index
    %get3A_36 = vector.load %arg2[%get3A_32, %get3A_33, %get3A_34, %get3A_35] : memref<1x19x256x512xf32, #tpu.memory_space<vmem>>, vector<1x1x256x512xf32>
    %get3A_37 = vector.shape_cast %get3A_36 : vector<1x1x256x512xf32> to vector<256x512xf32>
    %exp3A_38 = math.exp %get3A_37 : vector<256x512xf32>
    %add3A_39 = arith.addf %add3A_24, %exp3A_38 : vector<256x512xf32>
    %eq3A_40 = arith.constant 2 : i32
    %eq3A_41 = vector.broadcast %eq3A_40 : i32 to vector<256x512xi32>
    %eq3A_42 = arith.cmpi eq, %get3A_3, %eq3A_41 : vector<256x512xi32>
    %jit3A_43 = arith.constant 0.000000e+00 : f32
    %broadcast_in_dim3A_44 = vector.broadcast %jit3A_43 : f32 to vector<256x512xf32>
    %select_n3A_45 = arith.select %eq3A_42, %get3A_37, %broadcast_in_dim3A_44 : vector<256x512xi1>, vector<256x512xf32>
    %add3A_46 = arith.addf %add3A_31, %select_n3A_45 : vector<256x512xf32>
    %get3A_47 = arith.constant 0 : index
    %get3A_48 = arith.constant 3 : index
    %get3A_49 = arith.constant 0 : index
    %get3A_50 = arith.constant 0 : index
    %get3A_51 = vector.load %arg2[%get3A_47, %get3A_48, %get3A_49, %get3A_50] : memref<1x19x256x512xf32, #tpu.memory_space<vmem>>, vector<1x1x256x512xf32>
    %get3A_52 = vector.shape_cast %get3A_51 : vector<1x1x256x512xf32> to vector<256x512xf32>
    %exp3A_53 = math.exp %get3A_52 : vector<256x512xf32>
    %add3A_54 = arith.addf %add3A_39, %exp3A_53 : vector<256x512xf32>
    %eq3A_55 = arith.constant 3 : i32
    %eq3A_56 = vector.broadcast %eq3A_55 : i32 to vector<256x512xi32>
    %eq3A_57 = arith.cmpi eq, %get3A_3, %eq3A_56 : vector<256x512xi32>
    %jit3A_58 = arith.constant 0.000000e+00 : f32
    %broadcast_in_dim3A_59 = vector.broadcast %jit3A_58 : f32 to vector<256x512xf32>
    %select_n3A_60 = arith.select %eq3A_57, %get3A_52, %broadcast_in_dim3A_59 : vector<256x512xi1>, vector<256x512xf32>
    %add3A_61 = arith.addf %add3A_46, %select_n3A_60 : vector<256x512xf32>
    %get3A_62 = arith.constant 0 : index
    %get3A_63 = arith.constant 4 : index
    %get3A_64 = arith.constant 0 : index
    %get3A_65 = arith.constant 0 : index
    %get3A_66 = vector.load %arg2[%get3A_62, %get3A_63, %get3A_64, %get3A_65] : memref<1x19x256x512xf32, #tpu.memory_space<vmem>>, vector<1x1x256x512xf32>
    %get3A_67 = vector.shape_cast %get3A_66 : vector<1x1x256x512xf32> to vector<256x512xf32>
    %exp3A_68 = math.exp %get3A_67 : vector<256x512xf32>
    %add3A_69 = arith.addf %add3A_54, %exp3A_68 : vector<256x512xf32>
    %eq3A_70 = arith.constant 4 : i32
    %eq3A_71 = vector.broadcast %eq3A_70 : i32 to vector<256x512xi32>
    %eq3A_72 = arith.cmpi eq, %get3A_3, %eq3A_71 : vector<256x512xi32>
    %jit3A_73 = arith.constant 0.000000e+00 : f32
    %broadcast_in_dim3A_74 = vector.broadcast %jit3A_73 : f32 to vector<256x512xf32>
    %select_n3A_75 = arith.select %eq3A_72, %get3A_67, %broadcast_in_dim3A_74 : vector<256x512xi1>, vector<256x512xf32>
    %add3A_76 = arith.addf %add3A_61, %select_n3A_75 : vector<256x512xf32>
    %get3A_77 = arith.constant 0 : index
    %get3A_78 = arith.constant 5 : index
    %get3A_79 = arith.constant 0 : index
    %get3A_80 = arith.constant 0 : index
    %get3A_81 = vector.load %arg2[%get3A_77, %get3A_78, %get3A_79, %get3A_80] : memref<1x19x256x512xf32, #tpu.memory_space<vmem>>, vector<1x1x256x512xf32>
    %get3A_82 = vector.shape_cast %get3A_81 : vector<1x1x256x512xf32> to vector<256x512xf32>
    %exp3A_83 = math.exp %get3A_82 : vector<256x512xf32>
    %add3A_84 = arith.addf %add3A_69, %exp3A_83 : vector<256x512xf32>
    %eq3A_85 = arith.constant 5 : i32
    %eq3A_86 = vector.broadcast %eq3A_85 : i32 to vector<256x512xi32>
    %eq3A_87 = arith.cmpi eq, %get3A_3, %eq3A_86 : vector<256x512xi32>
    %jit3A_88 = arith.constant 0.000000e+00 : f32
    %broadcast_in_dim3A_89 = vector.broadcast %jit3A_88 : f32 to vector<256x512xf32>
    %select_n3A_90 = arith.select %eq3A_87, %get3A_82, %broadcast_in_dim3A_89 : vector<256x512xi1>, vector<256x512xf32>
    %add3A_91 = arith.addf %add3A_76, %select_n3A_90 : vector<256x512xf32>
    %get3A_92 = arith.constant 0 : index
    %get3A_93 = arith.constant 6 : index
    %get3A_94 = arith.constant 0 : index
    %get3A_95 = arith.constant 0 : index
    %get3A_96 = vector.load %arg2[%get3A_92, %get3A_93, %get3A_94, %get3A_95] : memref<1x19x256x512xf32, #tpu.memory_space<vmem>>, vector<1x1x256x512xf32>
    %get3A_97 = vector.shape_cast %get3A_96 : vector<1x1x256x512xf32> to vector<256x512xf32>
    %exp3A_98 = math.exp %get3A_97 : vector<256x512xf32>
    %add3A_99 = arith.addf %add3A_84, %exp3A_98 : vector<256x512xf32>
    %eq3A_100 = arith.constant 6 : i32
    %eq3A_101 = vector.broadcast %eq3A_100 : i32 to vector<256x512xi32>
    %eq3A_102 = arith.cmpi eq, %get3A_3, %eq3A_101 : vector<256x512xi32>
    %jit3A_103 = arith.constant 0.000000e+00 : f32
    %broadcast_in_dim3A_104 = vector.broadcast %jit3A_103 : f32 to vector<256x512xf32>
    %select_n3A_105 = arith.select %eq3A_102, %get3A_97, %broadcast_in_dim3A_104 : vector<256x512xi1>, vector<256x512xf32>
    %add3A_106 = arith.addf %add3A_91, %select_n3A_105 : vector<256x512xf32>
    %get3A_107 = arith.constant 0 : index
    %get3A_108 = arith.constant 7 : index
    %get3A_109 = arith.constant 0 : index
    %get3A_110 = arith.constant 0 : index
    %get3A_111 = vector.load %arg2[%get3A_107, %get3A_108, %get3A_109, %get3A_110] : memref<1x19x256x512xf32, #tpu.memory_space<vmem>>, vector<1x1x256x512xf32>
    %get3A_112 = vector.shape_cast %get3A_111 : vector<1x1x256x512xf32> to vector<256x512xf32>
    %exp3A_113 = math.exp %get3A_112 : vector<256x512xf32>
    %add3A_114 = arith.addf %add3A_99, %exp3A_113 : vector<256x512xf32>
    %eq3A_115 = arith.constant 7 : i32
    %eq3A_116 = vector.broadcast %eq3A_115 : i32 to vector<256x512xi32>
    %eq3A_117 = arith.cmpi eq, %get3A_3, %eq3A_116 : vector<256x512xi32>
    %jit3A_118 = arith.constant 0.000000e+00 : f32
    %broadcast_in_dim3A_119 = vector.broadcast %jit3A_118 : f32 to vector<256x512xf32>
    %select_n3A_120 = arith.select %eq3A_117, %get3A_112, %broadcast_in_dim3A_119 : vector<256x512xi1>, vector<256x512xf32>
    %add3A_121 = arith.addf %add3A_106, %select_n3A_120 : vector<256x512xf32>
    %get3A_122 = arith.constant 0 : index
    %get3A_123 = arith.constant 8 : index
    %get3A_124 = arith.constant 0 : index
    %get3A_125 = arith.constant 0 : index
    %get3A_126 = vector.load %arg2[%get3A_122, %get3A_123, %get3A_124, %get3A_125] : memref<1x19x256x512xf32, #tpu.memory_space<vmem>>, vector<1x1x256x512xf32>
    %get3A_127 = vector.shape_cast %get3A_126 : vector<1x1x256x512xf32> to vector<256x512xf32>
    %exp3A_128 = math.exp %get3A_127 : vector<256x512xf32>
    %add3A_129 = arith.addf %add3A_114, %exp3A_128 : vector<256x512xf32>
    %eq3A_130 = arith.constant 8 : i32
    %eq3A_131 = vector.broadcast %eq3A_130 : i32 to vector<256x512xi32>
    %eq3A_132 = arith.cmpi eq, %get3A_3, %eq3A_131 : vector<256x512xi32>
    %jit3A_133 = arith.constant 0.000000e+00 : f32
    %broadcast_in_dim3A_134 = vector.broadcast %jit3A_133 : f32 to vector<256x512xf32>
    %select_n3A_135 = arith.select %eq3A_132, %get3A_127, %broadcast_in_dim3A_134 : vector<256x512xi1>, vector<256x512xf32>
    %add3A_136 = arith.addf %add3A_121, %select_n3A_135 : vector<256x512xf32>
    %get3A_137 = arith.constant 0 : index
    %get3A_138 = arith.constant 9 : index
    %get3A_139 = arith.constant 0 : index
    %get3A_140 = arith.constant 0 : index
    %get3A_141 = vector.load %arg2[%get3A_137, %get3A_138, %get3A_139, %get3A_140] : memref<1x19x256x512xf32, #tpu.memory_space<vmem>>, vector<1x1x256x512xf32>
    %get3A_142 = vector.shape_cast %get3A_141 : vector<1x1x256x512xf32> to vector<256x512xf32>
    %exp3A_143 = math.exp %get3A_142 : vector<256x512xf32>
    %add3A_144 = arith.addf %add3A_129, %exp3A_143 : vector<256x512xf32>
    %eq3A_145 = arith.constant 9 : i32
    %eq3A_146 = vector.broadcast %eq3A_145 : i32 to vector<256x512xi32>
    %eq3A_147 = arith.cmpi eq, %get3A_3, %eq3A_146 : vector<256x512xi32>
    %jit3A_148 = arith.constant 0.000000e+00 : f32
    %broadcast_in_dim3A_149 = vector.broadcast %jit3A_148 : f32 to vector<256x512xf32>
    %select_n3A_150 = arith.select %eq3A_147, %get3A_142, %broadcast_in_dim3A_149 : vector<256x512xi1>, vector<256x512xf32>
    %add3A_151 = arith.addf %add3A_136, %select_n3A_150 : vector<256x512xf32>
    %get3A_152 = arith.constant 0 : index
    %get3A_153 = arith.constant 10 : index
    %get3A_154 = arith.constant 0 : index
    %get3A_155 = arith.constant 0 : index
    %get3A_156 = vector.load %arg2[%get3A_152, %get3A_153, %get3A_154, %get3A_155] : memref<1x19x256x512xf32, #tpu.memory_space<vmem>>, vector<1x1x256x512xf32>
    %get3A_157 = vector.shape_cast %get3A_156 : vector<1x1x256x512xf32> to vector<256x512xf32>
    %exp3A_158 = math.exp %get3A_157 : vector<256x512xf32>
    %add3A_159 = arith.addf %add3A_144, %exp3A_158 : vector<256x512xf32>
    %eq3A_160 = arith.constant 10 : i32
    %eq3A_161 = vector.broadcast %eq3A_160 : i32 to vector<256x512xi32>
    %eq3A_162 = arith.cmpi eq, %get3A_3, %eq3A_161 : vector<256x512xi32>
    %jit3A_163 = arith.constant 0.000000e+00 : f32
    %broadcast_in_dim3A_164 = vector.broadcast %jit3A_163 : f32 to vector<256x512xf32>
    %select_n3A_165 = arith.select %eq3A_162, %get3A_157, %broadcast_in_dim3A_164 : vector<256x512xi1>, vector<256x512xf32>
    %add3A_166 = arith.addf %add3A_151, %select_n3A_165 : vector<256x512xf32>
    %get3A_167 = arith.constant 0 : index
    %get3A_168 = arith.constant 11 : index
    %get3A_169 = arith.constant 0 : index
    %get3A_170 = arith.constant 0 : index
    %get3A_171 = vector.load %arg2[%get3A_167, %get3A_168, %get3A_169, %get3A_170] : memref<1x19x256x512xf32, #tpu.memory_space<vmem>>, vector<1x1x256x512xf32>
    %get3A_172 = vector.shape_cast %get3A_171 : vector<1x1x256x512xf32> to vector<256x512xf32>
    %exp3A_173 = math.exp %get3A_172 : vector<256x512xf32>
    %add3A_174 = arith.addf %add3A_159, %exp3A_173 : vector<256x512xf32>
    %eq3A_175 = arith.constant 11 : i32
    %eq3A_176 = vector.broadcast %eq3A_175 : i32 to vector<256x512xi32>
    %eq3A_177 = arith.cmpi eq, %get3A_3, %eq3A_176 : vector<256x512xi32>
    %jit3A_178 = arith.constant 0.000000e+00 : f32
    %broadcast_in_dim3A_179 = vector.broadcast %jit3A_178 : f32 to vector<256x512xf32>
    %select_n3A_180 = arith.select %eq3A_177, %get3A_172, %broadcast_in_dim3A_179 : vector<256x512xi1>, vector<256x512xf32>
    %add3A_181 = arith.addf %add3A_166, %select_n3A_180 : vector<256x512xf32>
    %get3A_182 = arith.constant 0 : index
    %get3A_183 = arith.constant 12 : index
    %get3A_184 = arith.constant 0 : index
    %get3A_185 = arith.constant 0 : index
    %get3A_186 = vector.load %arg2[%get3A_182, %get3A_183, %get3A_184, %get3A_185] : memref<1x19x256x512xf32, #tpu.memory_space<vmem>>, vector<1x1x256x512xf32>
    %get3A_187 = vector.shape_cast %get3A_186 : vector<1x1x256x512xf32> to vector<256x512xf32>
    %exp3A_188 = math.exp %get3A_187 : vector<256x512xf32>
    %add3A_189 = arith.addf %add3A_174, %exp3A_188 : vector<256x512xf32>
    %eq3A_190 = arith.constant 12 : i32
    %eq3A_191 = vector.broadcast %eq3A_190 : i32 to vector<256x512xi32>
    %eq3A_192 = arith.cmpi eq, %get3A_3, %eq3A_191 : vector<256x512xi32>
    %jit3A_193 = arith.constant 0.000000e+00 : f32
    %broadcast_in_dim3A_194 = vector.broadcast %jit3A_193 : f32 to vector<256x512xf32>
    %select_n3A_195 = arith.select %eq3A_192, %get3A_187, %broadcast_in_dim3A_194 : vector<256x512xi1>, vector<256x512xf32>
    %add3A_196 = arith.addf %add3A_181, %select_n3A_195 : vector<256x512xf32>
    %get3A_197 = arith.constant 0 : index
    %get3A_198 = arith.constant 13 : index
    %get3A_199 = arith.constant 0 : index
    %get3A_200 = arith.constant 0 : index
    %get3A_201 = vector.load %arg2[%get3A_197, %get3A_198, %get3A_199, %get3A_200] : memref<1x19x256x512xf32, #tpu.memory_space<vmem>>, vector<1x1x256x512xf32>
    %get3A_202 = vector.shape_cast %get3A_201 : vector<1x1x256x512xf32> to vector<256x512xf32>
    %exp3A_203 = math.exp %get3A_202 : vector<256x512xf32>
    %add3A_204 = arith.addf %add3A_189, %exp3A_203 : vector<256x512xf32>
    %eq3A_205 = arith.constant 13 : i32
    %eq3A_206 = vector.broadcast %eq3A_205 : i32 to vector<256x512xi32>
    %eq3A_207 = arith.cmpi eq, %get3A_3, %eq3A_206 : vector<256x512xi32>
    %jit3A_208 = arith.constant 0.000000e+00 : f32
    %broadcast_in_dim3A_209 = vector.broadcast %jit3A_208 : f32 to vector<256x512xf32>
    %select_n3A_210 = arith.select %eq3A_207, %get3A_202, %broadcast_in_dim3A_209 : vector<256x512xi1>, vector<256x512xf32>
    %add3A_211 = arith.addf %add3A_196, %select_n3A_210 : vector<256x512xf32>
    %get3A_212 = arith.constant 0 : index
    %get3A_213 = arith.constant 14 : index
    %get3A_214 = arith.constant 0 : index
    %get3A_215 = arith.constant 0 : index
    %get3A_216 = vector.load %arg2[%get3A_212, %get3A_213, %get3A_214, %get3A_215] : memref<1x19x256x512xf32, #tpu.memory_space<vmem>>, vector<1x1x256x512xf32>
    %get3A_217 = vector.shape_cast %get3A_216 : vector<1x1x256x512xf32> to vector<256x512xf32>
    %exp3A_218 = math.exp %get3A_217 : vector<256x512xf32>
    %add3A_219 = arith.addf %add3A_204, %exp3A_218 : vector<256x512xf32>
    %eq3A_220 = arith.constant 14 : i32
    %eq3A_221 = vector.broadcast %eq3A_220 : i32 to vector<256x512xi32>
    %eq3A_222 = arith.cmpi eq, %get3A_3, %eq3A_221 : vector<256x512xi32>
    %jit3A_223 = arith.constant 0.000000e+00 : f32
    %broadcast_in_dim3A_224 = vector.broadcast %jit3A_223 : f32 to vector<256x512xf32>
    %select_n3A_225 = arith.select %eq3A_222, %get3A_217, %broadcast_in_dim3A_224 : vector<256x512xi1>, vector<256x512xf32>
    %add3A_226 = arith.addf %add3A_211, %select_n3A_225 : vector<256x512xf32>
    %get3A_227 = arith.constant 0 : index
    %get3A_228 = arith.constant 15 : index
    %get3A_229 = arith.constant 0 : index
    %get3A_230 = arith.constant 0 : index
    %get3A_231 = vector.load %arg2[%get3A_227, %get3A_228, %get3A_229, %get3A_230] : memref<1x19x256x512xf32, #tpu.memory_space<vmem>>, vector<1x1x256x512xf32>
    %get3A_232 = vector.shape_cast %get3A_231 : vector<1x1x256x512xf32> to vector<256x512xf32>
    %exp3A_233 = math.exp %get3A_232 : vector<256x512xf32>
    %add3A_234 = arith.addf %add3A_219, %exp3A_233 : vector<256x512xf32>
    %eq3A_235 = arith.constant 15 : i32
    %eq3A_236 = vector.broadcast %eq3A_235 : i32 to vector<256x512xi32>
    %eq3A_237 = arith.cmpi eq, %get3A_3, %eq3A_236 : vector<256x512xi32>
    %jit3A_238 = arith.constant 0.000000e+00 : f32
    %broadcast_in_dim3A_239 = vector.broadcast %jit3A_238 : f32 to vector<256x512xf32>
    %select_n3A_240 = arith.select %eq3A_237, %get3A_232, %broadcast_in_dim3A_239 : vector<256x512xi1>, vector<256x512xf32>
    %add3A_241 = arith.addf %add3A_226, %select_n3A_240 : vector<256x512xf32>
    %get3A_242 = arith.constant 0 : index
    %get3A_243 = arith.constant 16 : index
    %get3A_244 = arith.constant 0 : index
    %get3A_245 = arith.constant 0 : index
    %get3A_246 = vector.load %arg2[%get3A_242, %get3A_243, %get3A_244, %get3A_245] : memref<1x19x256x512xf32, #tpu.memory_space<vmem>>, vector<1x1x256x512xf32>
    %get3A_247 = vector.shape_cast %get3A_246 : vector<1x1x256x512xf32> to vector<256x512xf32>
    %exp3A_248 = math.exp %get3A_247 : vector<256x512xf32>
    %add3A_249 = arith.addf %add3A_234, %exp3A_248 : vector<256x512xf32>
    %eq3A_250 = arith.constant 16 : i32
    %eq3A_251 = vector.broadcast %eq3A_250 : i32 to vector<256x512xi32>
    %eq3A_252 = arith.cmpi eq, %get3A_3, %eq3A_251 : vector<256x512xi32>
    %jit3A_253 = arith.constant 0.000000e+00 : f32
    %broadcast_in_dim3A_254 = vector.broadcast %jit3A_253 : f32 to vector<256x512xf32>
    %select_n3A_255 = arith.select %eq3A_252, %get3A_247, %broadcast_in_dim3A_254 : vector<256x512xi1>, vector<256x512xf32>
    %add3A_256 = arith.addf %add3A_241, %select_n3A_255 : vector<256x512xf32>
    %get3A_257 = arith.constant 0 : index
    %get3A_258 = arith.constant 17 : index
    %get3A_259 = arith.constant 0 : index
    %get3A_260 = arith.constant 0 : index
    %get3A_261 = vector.load %arg2[%get3A_257, %get3A_258, %get3A_259, %get3A_260] : memref<1x19x256x512xf32, #tpu.memory_space<vmem>>, vector<1x1x256x512xf32>
    %get3A_262 = vector.shape_cast %get3A_261 : vector<1x1x256x512xf32> to vector<256x512xf32>
    %exp3A_263 = math.exp %get3A_262 : vector<256x512xf32>
    %add3A_264 = arith.addf %add3A_249, %exp3A_263 : vector<256x512xf32>
    %eq3A_265 = arith.constant 17 : i32
    %eq3A_266 = vector.broadcast %eq3A_265 : i32 to vector<256x512xi32>
    %eq3A_267 = arith.cmpi eq, %get3A_3, %eq3A_266 : vector<256x512xi32>
    %jit3A_268 = arith.constant 0.000000e+00 : f32
    %broadcast_in_dim3A_269 = vector.broadcast %jit3A_268 : f32 to vector<256x512xf32>
    %select_n3A_270 = arith.select %eq3A_267, %get3A_262, %broadcast_in_dim3A_269 : vector<256x512xi1>, vector<256x512xf32>
    %add3A_271 = arith.addf %add3A_256, %select_n3A_270 : vector<256x512xf32>
    %get3A_272 = arith.constant 0 : index
    %get3A_273 = arith.constant 18 : index
    %get3A_274 = arith.constant 0 : index
    %get3A_275 = arith.constant 0 : index
    %get3A_276 = vector.load %arg2[%get3A_272, %get3A_273, %get3A_274, %get3A_275] : memref<1x19x256x512xf32, #tpu.memory_space<vmem>>, vector<1x1x256x512xf32>
    %get3A_277 = vector.shape_cast %get3A_276 : vector<1x1x256x512xf32> to vector<256x512xf32>
    %exp3A_278 = math.exp %get3A_277 : vector<256x512xf32>
    %add3A_279 = arith.addf %add3A_264, %exp3A_278 : vector<256x512xf32>
    %eq3A_280 = arith.constant 18 : i32
    %eq3A_281 = vector.broadcast %eq3A_280 : i32 to vector<256x512xi32>
    %eq3A_282 = arith.cmpi eq, %get3A_3, %eq3A_281 : vector<256x512xi32>
    %jit3A_283 = arith.constant 0.000000e+00 : f32
    %broadcast_in_dim3A_284 = vector.broadcast %jit3A_283 : f32 to vector<256x512xf32>
    %select_n3A_285 = arith.select %eq3A_282, %get3A_277, %broadcast_in_dim3A_284 : vector<256x512xi1>, vector<256x512xf32>
    %add3A_286 = arith.addf %add3A_271, %select_n3A_285 : vector<256x512xf32>
    %log3A = math.log %add3A_279 : vector<256x512xf32>
    %sub3A = arith.subf %log3A, %add3A_286 : vector<256x512xf32>
    %swap3A = arith.constant 0 : index
    %swap3A_287 = arith.constant 0 : index
    %swap3A_288 = vector.load %arg4[%swap3A, %swap3A_287] : memref<256x512xf32, #tpu.memory_space<vmem>>, vector<256x512xf32>
    tpu.vector_store %arg4[%swap3A, %swap3A_287], %sub3A {strides = array<i32>} : memref<256x512xf32, #tpu.memory_space<vmem>>, vector<256x512xf32>,
    return
  }
  func.func @transform_0(%arg0: i32, %arg1: i32) -> (i32, i32, i32, i32) {
    %add3A = arith.constant 4 : i32
    %add3A_0 = arith.addi %arg0, %add3A : i32
    %c0_i32 = arith.constant 0 : i32
    %c0_i32_1 = arith.constant 0 : i32
    %c0_i32_2 = arith.constant 0 : i32
    return %add3A_0, %c0_i32, %arg1, %c0_i32_1 : i32, i32, i32, i32
  }
  func.func @transform_1(%arg0: i32, %arg1: i32) -> (i32, i32, i32) {
    %add3A = arith.constant 4 : i32
    %add3A_0 = arith.addi %arg0, %add3A : i32
    %c0_i32 = arith.constant 0 : i32
    %c0_i32_1 = arith.constant 0 : i32
    return %add3A_0, %arg1, %c0_i32 : i32, i32, i32
  }
  func.func @transform_2(%arg0: i32, %arg1: i32) -> (i32, i32) {
    %mul3A = arith.constant 2 : i32
    %mul3A_0 = arith.muli %arg0, %mul3A : i32
    %add3A = arith.addi %mul3A_0, %arg1 : i32
    %c0_i32 = arith.constant 0 : i32
    %c0_i32_1 = arith.constant 0 : i32
    return %add3A, %c0_i32 : i32, i32
  }
}

</mosaic_0001>

<sc_bundles>
// kernel: kernel.5.cloned.1.call-start
scs
__scs_entry_jumppad:
0x0: {  	(pc) =	sbr.rel $0x88, $3  }
0x1: {  	(tag) =	ssettag $0x0;
	lr =	simm.s32 $0x1  }
0x2: {  	[smem:$0x3F9F] =	sst lr;
	_ =	strace $0xD0000000  }
0x3: {  	_ = 	snop  }
0x4: {  	_ = 	snop  }
0x5: {  	_ = 	snop  }
0x6: {  	_ = 	snop  }
0x7: {  	_ = 	snop  }
__scs_overlays_trampoline_lowered:
0x8: {  	[smem:$0x3FAE] =	sst s0  }
0x9: {  	[smem:$0x3FAF] =	sst s1  }
0xa: {  	[smem:$0x3FB0] =	sst s2  }
0xb: {  	[smem:$0x3FB1] =	sst s3  }
0xc: {  	[smem:$0x3FB2] =	sst s4  }
0xd: {  	[smem:$0x3FB3] =	sst s5  }
0xe: {  	[smem:$0x3FB4] =	sst s6  }
0xf: {  	[smem:$0x3FB5] =	sst s7  }
0x10: {  	[smem:$0x3FB6] =	sst s8  }
0x11: {  	[smem:$0x3FB7] =	sst s9;
	s0 =	simm.s32 @!p0 $0x0  }
0x12: {  	s1 =	sld [smem:$0x3F9D];
	s0 =	simm.s32 @p0 $0x1  }
0x13: {  	[smem:$0x3FB8] =	sst s0;
	s0 =	simm.s32 @!p1 $0x0  }
0x14: {  	s2 =	sld [smem:$0x3F9C];
	s0 =	simm.s32 @p1 $0x1  }
0x15: {  	[smem:$0x3FB9] =	sst s0;
	s0 =	simm.s32 @!p2 $0x0  }
0x16: {  	s3 =	sld [smem:$0x3FDB];
	s0 =	simm.s32 @p2 $0x1  }
0x17: {  	s4 =	simm.s32 $0x1BF5;
	[smem:$0x3FBB] =	sst s0  }
0x18: {  	s0 =	sld [smem:$0x3F9E];
	_ =	swait.ge [sflag:s4], $0x0  }
0x19: {  	s7 =	sld [smem:$0x3F9F]  }
0x1a: {  	s8 =	sadd.s32 $0xFFFFE003, lr  }
0x1b: {  	s9 =	sadd.s32 $0xFFFFFEF7, lr;
	s5 =	simm.s32 $0xFFFFFFFF;
	p2 =	slt.u32 s8, $0xFFFFF086  }
0x1c: {  	p1 =	slt.u32 s9, $0xF7A;
	s5 =	simm.s32 @!p2 $0x0  }
0x1d: {  	s5 =	simm.s32 @p1 $0x1;
	p0 =	seq.s32 s7, s2  }
0x1e: {  	s7 =	smul.u32 @!p0 $0xF7A, s2;
	p2 =	seq.s32 @!p0 s5, $0x0  }
0x1f: {  	s9 =	smul.u32 $0xF7A, s1;
	s8 =	simm.s32 @!p0 $0x1BF5;
	p2 =	por !p2, p0  }
0x20: {  	[sflag:s8] =	ssyncset.s32 @!p0 $0xFFFFF086;
	s6 =	sadd.s32 @!p0 s3, s7;
	s7 =	simm.s32 @!p0 $0x108  }
0x21: {  	s3 =	sadd.s32 s3, s9;
	s6 =	sadd.s32 @!p0 $0x88, s6;
	s7 =	simm.s32 @p2 $0x1082  }
0x22: {  	[simem:s7], [sflag:s8] =	dma.local @!p0 [hbm:s6], $0xF7A  }
0x23: {  	s9 =	sor.u32 $0xD0000000, s2;
	s6 =	simm.s32 $0x108;
	_ =	swait.ge @!p0 [sflag:s8], $0x0  }
0x24: {  	s3 =	sadd.s32 $0x88, s3;
	s6 =	simm.s32 @!p1 $0x1082;
	[sflag:s4] =	ssyncset.s32 $0xFFFFF086  }
0x25: {  	[simem:s6], [sflag:s4] =	dma.local [hbm:s3], $0xF7A  }
0x26: {  	[smem:$0x3F9F] =	sst s1;
	(tag) =	ssettag s2;
	_ =	strace s9  }
0x27: {  	s1 =	sld [smem:$0x3FAF]  }
0x28: {  	s2 =	sld [smem:$0x3FB0]  }
0x29: {  	s4 =	sld [smem:$0x3FB2]  }
0x2a: {  	p0 =	seq.s32 s5, $0x0;
	s5 =	sld [smem:$0x3FB3]  }
0x2b: {  	s6 =	sld [smem:$0x3FB4]  }
0x2c: {  	s7 =	sld [smem:$0x3FB5]  }
0x2d: {  	s3 =	simm.s32 $0x108;
	s8 =	sld [smem:$0x3FB6]  }
0x2e: {  	s3 =	simm.s32 @!p0 $0x1082;
	s9 =	sld [smem:$0x3FB7]  }
0x2f: {  	lr =	sadd.s32 s0, s3;
	s0 =	sld [smem:$0x3FAE]  }
0x30: {  	s3 =	sld [smem:$0x3FB1]  }
0x31: {  	[smem:$0x3FBA] =	sst s10  }
0x32: {  	s10 =	sld [smem:$0x3FB8];
	_ =	sdelay $0x3  }
0x33: {  	p0 =	seq.s32 s10, $0x1;
	s10 =	sld [smem:$0x3FBA];
	_ =	sdelay $0x3  }
0x34: {  	[smem:$0x3FBA] =	sst s10  }
0x35: {  	s10 =	sld [smem:$0x3FB9];
	_ =	sdelay $0x3  }
0x36: {  	p1 =	seq.s32 s10, $0x1;
	s10 =	sld [smem:$0x3FBA];
	_ =	sdelay $0x3  }
0x37: {  	[smem:$0x3FBA] =	sst s10  }
0x38: {  	s10 =	sld [smem:$0x3FBB]  }
0x39: {  	_ = 	snop;
	(pc) =	sbr.ind lr, $3  }
0x3a: {  	_ = 	snop  }
0x3b: {  	_ = 	snop  }
0x3c: {  	p2 =	seq.s32 s10, $0x1;
	s10 =	sld [smem:$0x3FBA]  }
0x3d: {  	_ =	shalt  }
0x3e: {  	_ =	shalt  }
0x3f: {  	_ =	shalt  }
0x40: {  	_ =	shalt  }
0x41: {  	_ =	shalt  }
0x42: {  	_ =	shalt  }
0x43: {  	_ =	shalt  }
0x44: {  	_ =	shalt  }
0x45: {  	_ =	shalt  }
0x46: {  	_ =	shalt  }
0x47: {  	_ =	shalt  }
0x48: {  	_ =	shalt  }
0x49: {  	_ =	shalt  }
0x4a: {  	_ =	shalt  }
0x4b: {  	_ =	shalt  }
0x4c: {  	_ =	shalt  }
0x4d: {  	_ =	shalt  }
0x4e: {  	_ =	shalt  }
0x4f: {  	_ =	shalt  }
0x50: {  	_ =	shalt  }
0x51: {  	_ =	shalt  }
0x52: {  	_ =	shalt  }
0x53: {  	_ =	shalt  }
0x54: {  	_ =	shalt  }
0x55: {  	_ =	shalt  }
0x56: {  	_ =	shalt  }
0x57: {  	_ =	shalt  }
0x58: {  	_ =	shalt  }
0x59: {  	_ =	shalt  }
0x5a: {  	_ =	shalt  }
0x5b: {  	_ =	shalt  }
0x5c: {  	_ =	shalt  }
0x5d: {  	_ =	shalt  }
0x5e: {  	_ =	shalt  }
0x5f: {  	_ =	shalt  }
0x60: {  	_ =	shalt  }
0x61: {  	_ =	shalt  }
0x62: {  	_ =	shalt  }
0x63: {  	_ =	shalt  }
0x64: {  	_ =	shalt  }
0x65: {  	_ =	shalt  }
0x66: {  	_ =	shalt  }
0x67: {  	_ =	shalt  }
0x68: {  	_ =	shalt  }
0x69: {  	_ =	shalt  }
0x6a: {  	_ =	shalt  }
0x6b: {  	_ =	shalt  }
0x6c: {  	_ =	shalt  }
0x6d: {  	_ =	shalt  }
0x6e: {  	_ =	shalt  }
0x6f: {  	_ =	shalt  }
0x70: {  	_ =	shalt  }
0x71: {  	_ =	shalt  }
0x72: {  	_ =	shalt  }
0x73: {  	_ =	shalt  }
0x74: {  	_ =	shalt  }
0x75: {  	_ =	shalt  }
0x76: {  	_ =	shalt  }
0x77: {  	_ =	shalt  }
0x78: {  	_ =	shalt  }
0x79: {  	_ =	shalt  }
0x7a: {  	_ =	shalt  }
0x7b: {  	_ =	shalt  }
0x7c: {  	_ =	shalt  }
0x7d: {  	_ =	shalt  }
0x7e: {  	_ =	shalt  }
0x7f: {  	_ =	shalt  }
0x80: {  	_ =	shalt  }
0x81: {  	_ =	shalt  }
0x82: {  	_ =	shalt  }
0x83: {  	_ =	shalt  }
0x84: {  	_ =	shalt  }
0x85: {  	_ =	shalt  }
0x86: {  	_ =	shalt  }
0x87: {  	_ =	shalt  }
.Lfunc_end0:
.L_simem_size_0:
called_computation_lowered:
.L_overlay_start_0:
0x88: {  	s2 =	sld [smem:$0x3FD9]  }
0x89: {  	s3 =	sld [smem:$0x3FFE];
	_ =	sdelay $0x1  }
0x8a: {  	s1 =	srdreg.scid  }
0x8b: {  	s0 =	sand.u32 $0x1, s1  }
0x8c: {  	s17 =	sshll.u32 s0, $0xA;
	s2 =	sadd.s32 s3, s2  }
0x8d: {  	s2 =	sadd.s32 s2, s17  }
0x8e: {  	[smem:$0x3FC6] =	sst s2  }
0x8f: {  	_ = 	snop  }
0x90: {  	s2 =	sld [smem:$0x3FD0];
	(tm) =	ssettm $0x1  }
0x91: {  	s18 =	sld [smem:$0x3FFB];
	_ =	sdelay $0x3  }
0x92: {  	_ =	strace s18  }
0x93: {  	s3 =	sld [smem:$0x3FFC];
	_ =	sdelay $0x3  }
0x94: {  	_ =	strace s3  }
0x95: {  	s3 =	sld [smem:$0x3FFD];
	_ =	sdelay $0x3  }
0x96: {  	_ =	strace s3  }
0x97: {  	_ =	strace $0x8FFFFFFF  }
0x98: {  	s19 =	sld [smem:$0x3FDB];
	_ =	sdelay $0x1  }
0x99: {  	s4 =	simm.s32 $_scs_section_size  }
0x9a: {  	s5 =	simm.s32 $_size__tile_overlayer_lowered;
	s6 =	simm.s32 $_tile_overlayer_lowered  }
0x9b: {  	s22 =	simm.s32 $0x1BFF;
	s21 =	sshll.u32 s6, $0x1;
	s3 =	sadd.s32 s4, s19  }
0x9c: {  	s7 =	simm.s32 $0x0;
	s20 =	sshll.u32 s5, $0x1;
	s5 =	sadd.s32 s21, s3  }
0x9d: {  	[timem:s7], [sflag:s22] =	dma.local [hbm:s5], s20  }
0x9e: {  	_ =	swait.ge [sflag:s22], s20  }
0x9f: {  	s4 =	ssub.s32 $0x0, s20;
	[sflag:s22] =	ssyncset.done $0x0  }
0xa0: {  	[sflag:s22] =	ssyncadd.s32 s4;
	_ =	sdelay $0x1  }
0xa1: {  	s23 =	simm.s32 $0x1B8B  }
0xa2: {  	_ =	swait.ge [sflag:s23], $0x1  }
0xa3: {  	[sflag:s23] =	ssyncset.done $0x0  }
0xa4: {  	s25 =	simm.s32 $0x1B8E;
	s24 =	sld [smem:$0x3FFE];
	[sflag:s23] =	ssyncadd.s32 $0xFFFFFFFF  }
0xa5: {  	s26 =	simm.s32 $execute0_lowered;
	[smem:$0x3FD2] =	sst s25  }
0xa6: {  	s5 =	sshll.u32 s26, $0x1;
	_ =	strace $0x80000046;
	[dreg:$0x1] =	wrdreg $0xFFFFFFFF  }
0xa7: {  	s28 =	simm.s32 $_size_execute0_lowered;
	s3 =	sadd.s32 s3, s5;
	[dreg:$0x0] =	wrdreg $0x0  }
0xa8: {  	s5 =	sshll.u32 s28, $0x1;
	[dreg:$0x2] =	wrdreg s3  }
0xa9: {  	[dreg:$0x3] =	wrdreg s5  }
0xaa: {  	[dreg:$0x4] =	wrdreg $0xC0  }
0xab: {  	_ =	task [dreg:s7], $0x5FFFF  }
0xac: {  	[dreg:$0x1] =	wrdreg $0xFFFFFFFF  }
0xad: {  	[dreg:$0x0] =	wrdreg $0x60  }
0xae: {  	[dreg:$0x2] =	wrdreg s24  }
0xaf: {  	[dreg:$0x3] =	wrdreg s2  }
0xb0: {  	[dreg:$0x4] =	wrdreg $0x122800  }
0xb1: {  	[dreg:$0x5] =	wrdreg $0x132800  }
0xb2: {  	[dreg:$0x6] =	wrdreg $0x9  }
0xb3: {  	_ =	task.clear_ibuf [dreg:s7], $0x7FFFF;
	_ =	strace $0x90000046  }
0xb4: {  	s29 =	simm.s32 $0x9;
	_ =	strace $0x80000048  }
0xb5: {  	_ =	swait.ge [sflag:s29], $0x1  }
0xb6: {  	[sflag:s29] =	ssyncadd.s32 $0xFFFFFFFF  }
0xb7: {  	_ =	strace $0x90000048  }
0xb8: {  	_ =	sfence  }
0xb9: {  	s30 =	sld [smem:$0x0];
	_ =	sdelay $0x2  }
0xba: {  	s31 =	sshll.u32 s1, $0xD;
	s1 =	sshrl.u32 s1, $0x2  }
0xbb: {  	s3 =	sand.u32 $0x4000, s31;
	s1 =	sadd.s32 s1, s30  }
0xbc: {  	s0 =	sor.u32 s3, s0;
	s1 =	sshll.u32 s1, $0x11  }
0xbd: {  	s0 =	sor.u32 s1, s0  }
0xbe: {  	s0 =	sadd.s32 $0x8F2B, s0  }
0xbf: {  	[sflag:s0] =	ssyncadd.remote.s32 $0x1  }
0xc0: {  	_ =	sfence.sel $0xFFFF  }
0xc1: {  	[dreg:$0x0] =	wrdreg $0xFFFFFFFF;
	(pc) =	sbr.abs _section_cstart, $3  }
0xc2: {  	[dreg:$0x1] =	wrdreg $0xFFFFFFFF  }
0xc3: {  	_ =	task.clear_ibuf [dreg:s7], $0x2FFFF;
	_ =	strace $0x9FFFFFFF  }
0xc4: {  	(tm) =	ssettm $0x7FFFFFFF  }
0xc5: {  	_ =	shalt  }
tec
execute0_lowered:
.L_overlay_start_1:
0x0: {  	(tag) =	ssettag $0x1  }
0x1: {  	s0 =	rddreg [dreg:$0x0]  }
0x2: {  	s1 =	rddreg [dreg:$0x2]  }
0x3: {  	s19 =	rddreg [dreg:$0x3];
	s3 =	simm.s32 $0x0;
	s8 =	stileid.u32  }
0x4: {  	s2 =	srdreg.scid;
	[smem:$0x7FF] =	sst s3;
	s11 =	sshll.u32 s8, $0x7  }
0x5: {  	s2 =	sand.u32 $0x1, s2;
	s6 =	sadd.s32 $0x20600, s0;
	s12 =	sadd.s32 s11, s1  }
0x6: {  	_ =	strace $0x80000047;
	s23 =	sadd.s32 $0x1000, s12;
	[dreg:$0x5] =	wrdreg s12  }
0x7: {  	s7 =	sshll.u32 s8, $0xD;
	s24 =	sadd.s32 $0x2000, s12;
	[dreg:$0x6] =	wrdreg s23  }
0x8: {  	s0 =	sadd.s32 $0x600, s0;
	s25 =	sadd.s32 $0x3000, s12;
	[dreg:$0x7] =	wrdreg s24  }
0x9: {  	s21 =	sshll.u32 s8, $0x8;
	s26 =	sadd.s32 $0x4000, s12;
	[dreg:$0x8] =	wrdreg s25  }
0xa: {  	s4 =	ssub.s32 $0x2, s2;
	s13 =	sadd.s32 $0x5000, s12;
	[dreg:$0x9] =	wrdreg s26  }
0xb: {  	s9 =	sor.u32 $0x1000, s7;
	s14 =	sadd.s32 $0x6000, s12;
	[dreg:$0xa] =	wrdreg s13  }
0xc: {  	s18 =	sor.u32 s8, s2;
	s15 =	sadd.s32 $0x7000, s12;
	[dreg:$0xb] =	wrdreg s14  }
0xd: {  	s5 =	sshrl.u32 s4, $0x1;
	s16 =	sadd.s32 $0x8000, s12;
	[dreg:$0xc] =	wrdreg s15  }
0xe: {  	s17 =	sadd.s32 $0x9000, s12;
	s20 =	sadd.s32 $0xA000, s12;
	[dreg:$0xd] =	wrdreg s16  }
0xf: {  	p0 =	sne.s32 s18, $0x0;
	s22 =	sadd.s32 $0xB000, s12;
	[dreg:$0xe] =	wrdreg s17  }
0x10: {  	s2 =	sadd.s32 $0xE000, s12;
	s4 =	ssub.s32 s4, s5;
	[dreg:$0xf] =	wrdreg s20  }
0x11: {  	s5 =	sadd.s32 s6, s7;
	s6 =	sadd.s32 s6, s9;
	[dreg:$0x10] =	wrdreg s22  }
0x12: {  	s7 =	sadd.s32 s0, s7;
	s23 =	sadd.s32 s11, s19;
	[dreg:$0x16] =	wrdreg s2  }
0x13: {  	s9 =	sadd.s32 s0, s9;
	s24 =	sadd.s32 s21, s19;
	[dreg:$0x11] =	wrdreg s23  }
0x14: {  	s0 =	simm.s32 @!p0 $0x0;
	s26 =	sadd.s32 $0xC000, s12;
	[dreg:$0x12] =	wrdreg s24  }
0x15: {  	s10 =	sshll.u32 s8, $0xC;
	s0 =	simm.s32 @p0 $0x1;
	[dreg:$0x14] =	wrdreg s26  }
0x16: {  	s10 =	sadd.s32 s10, s1;
	s25 =	smax.u32 s4, $0x1;
	[smem:$0x7F6] =	sst s0  }
0x17: {  	s23 =	sadd.s32 s21, s1;
	s1 =	sadd.s32 $0xD000, s12;
	[dreg:$0x13] =	wrdreg s25  }
0x18: {  	s4 =	sadd.s32 $0xF000, s12;
	[dreg:$0x15] =	wrdreg s1  }
0x19: {  	[dreg:$0x17] =	wrdreg s4;
	s8 =	sadd.s32 $0x1000, s23  }
0x1a: {  	s11 =	sadd.s32 $0x2000, s23;
	[dreg:$0x18] =	wrdreg s8  }
0x1b: {  	s12 =	sadd.s32 $0x3000, s23;
	[dreg:$0x19] =	wrdreg s11  }
0x1c: {  	s13 =	sadd.s32 $0x4000, s23;
	[dreg:$0x1a] =	wrdreg s12  }
0x1d: {  	s14 =	sadd.s32 $0x5000, s23;
	[dreg:$0x1b] =	wrdreg s13  }
0x1e: {  	s15 =	sadd.s32 $0x6000, s23;
	[dreg:$0x1c] =	wrdreg s14  }
0x1f: {  	s16 =	sadd.s32 $0x7000, s23;
	[dreg:$0x1d] =	wrdreg s15  }
0x20: {  	s17 =	sadd.s32 $0x8000, s23;
	[dreg:$0x1e] =	wrdreg s16  }
0x21: {  	s18 =	sadd.s32 $0x9000, s23;
	[dreg:$0x1f] =	wrdreg s17  }
0x22: {  	s20 =	sadd.s32 $0xA000, s23;
	[smem:$0x7F7] =	sst s18  }
0x23: {  	s21 =	sadd.s32 $0xB000, s23;
	[smem:$0x7F8] =	sst s20  }
0x24: {  	s28 =	simm.s32 $0x3;
	s22 =	sadd.s32 $0xC000, s23;
	[smem:$0x7F9] =	sst s21  }
0x25: {  	s29 =	simm.s32 $0x12100;
	s24 =	sadd.s32 $0xD000, s23;
	[smem:$0x7FA] =	sst s22  }
0x26: {  	s30 =	simm.s32 $0x12000;
	s25 =	sadd.s32 $0xE000, s23;
	[smem:$0x7FB] =	sst s24  }
0x27: {  	s31 =	simm.s32 $0x0;
	s26 =	sadd.s32 $0xF000, s23;
	[smem:$0x7FC] =	sst s25  }
0x28: {  	v0 =	vlaneseq.u32;
	[smem:$0x7FD] =	sst s26;
	s22 =	simm.s32 $0x8000;
	s24 =	simm.s32 $0x1  }
0x29: {  	v1 =	vimm.f32 $0.0e+00;
	v2 =	vimm.f32 $1.000000000e+00;
	v3 =	vor.u32 $0x800, v0;
	s25 =	simm.s32 $0x10000;
	s26 =	simm.s32 $0x2;
	s20 =	simm.s32 $0x11000  }
.LBB2_1:
0x2a: {  	s0 =	simm.s32 $0x10080  }
0x2b: {  	[tilespmem:s0+$0xFFFFFF80] =	vst v1  }
0x2c: {  	[tilespmem:s0+$0x70] =	vst v1  }
0x2d: {  	[tilespmem:s0+$0x60] =	vst v1  }
0x2e: {  	[tilespmem:s0+$0x50] =	vst v1  }
0x2f: {  	[tilespmem:s0+$0x40] =	vst v1  }
0x30: {  	[tilespmem:s0+$0x30] =	vst v1  }
0x31: {  	[tilespmem:s0+$0x20] =	vst v1  }
0x32: {  	[tilespmem:s0+$0x10] =	vst v1  }
0x33: {  	[tilespmem:s0+$0x0] =	vst v1  }
0x34: {  	[tilespmem:s0+$0xFFFFFFF0] =	vst v1  }
0x35: {  	[tilespmem:s0+$0xFFFFFFE0] =	vst v1  }
0x36: {  	[tilespmem:s0+$0xFFFFFFD0] =	vst v1  }
0x37: {  	[tilespmem:s0+$0xFFFFFFC0] =	vst v1  }
0x38: {  	[tilespmem:s0+$0xFFFFFFB0] =	vst v1  }
0x39: {  	s1 =	simm.s32 $0x0;
	[tilespmem:s0+$0xFFFFFFA0] =	vst v1  }
.LBB2_2:
0x3a: {  	s1 =	sadd.s32 $0x4, s1;
	[tilespmem:s0+$0xFFFFFF90] =	vst v1;
	s0 =	sadd.s32 $0x100, s0  }
0x3b: {  	[tilespmem:s0+$0xFFFFFF80] =	vst v1;
	p1 =	slt.u32 s1, $0x3C  }
0x3c: {  	[tilespmem:s0+$0x70] =	vst v1  }
0x3d: {  	[tilespmem:s0+$0x60] =	vst v1  }
0x3e: {  	[tilespmem:s0+$0x50] =	vst v1  }
0x3f: {  	[tilespmem:s0+$0x40] =	vst v1  }
0x40: {  	[tilespmem:s0+$0x30] =	vst v1  }
0x41: {  	[tilespmem:s0+$0x20] =	vst v1  }
0x42: {  	[tilespmem:s0+$0x10] =	vst v1  }
0x43: {  	[tilespmem:s0+$0x0] =	vst v1  }
0x44: {  	[tilespmem:s0+$0xFFFFFFF0] =	vst v1  }
.Ltmp0:
0x45: {  	[tilespmem:s0+$0xFFFFFFE0] =	vst v1;
	(pc) =	sbr.rel @p1 .LBB2_2-.Ltmp0, $4  }
0x46: {  	[tilespmem:s0+$0xFFFFFFD0] =	vst v1  }
0x47: {  	[tilespmem:s0+$0xFFFFFFC0] =	vst v1  }
0x48: {  	[tilespmem:s0+$0xFFFFFFB0] =	vst v1  }
0x49: {  	[tilespmem:s0+$0xFFFFFFA0] =	vst v1  }
0x4a: {  	[tilespmem:s0+$0xFFFFFF90] =	vst v1  }
0x4b: {  	[tilespmem:s3], [sflag:$0x1] =	stream.linear.gather [hbm4b:s5+s3], $0x8000, $0x38;
	[tilespmem:$0x13380] =	vst v63  }
0x4c: {  	_ = 	snop  }
0x4d: {  	[tilespmem:s22], [sflag:$0x2] =	stream.linear.gather [hbm4b:s6+s3], $0x8000, $0x38;
	[tilespmem:$0x13380] =	vst v63  }
0x4e: {  	_ =	swait.ge [sflag:s24], $0x8000  }
0x4f: {  	[sflag:s24] =	ssyncset.done $0x0  }
0x50: {  	s18 =	simm.s32 $0x20;
	[sflag:s24] =	ssyncadd.s32 $0xFFFF8000  }
0x51: {  	v4 =	vld [tilespmem:s18+$0x10]  }
0x52: {  	v5 =	vld [tilespmem:s18+$0xFFFFFFF0]  }
0x53: {  	v6 =	vld [tilespmem:s18+$0x0]  }
0x54: {  	s21 =	simm.s32 $0x60;
	v7 =	vld [tilespmem:s18+$0xFFFFFFE0]  }
0x55: {  	v9 =	vld [tilespmem:s21+$0xFFFFFFF0];
	_ =	sdelay $0x1  }
0x56: {  	v4 =	vmul.f32 $8.000000000e+00, v4  }
0x57: {  	v5 =	vmul.f32 $8.000000000e+00, v5;
	v6 =	vmul.f32 $8.000000000e+00, v6  }
0x58: {  	v10 =	vld [tilespmem:s21+$0x0];
	v7 =	vmul.f32 $8.000000000e+00, v7;
	v4 =	vtrunc.f32 v4  }
0x59: {  	v9 =	vmul.f32 $8.000000000e+00, v9;
	v4 =	vcvt.f32.s32 v4  }
0x5a: {  	v8 =	vld [tilespmem:s21+$0x10];
	v5 =	vtrunc.f32 v5;
	v6 =	vtrunc.f32 v6  }
0x5b: {  	v7 =	vtrunc.f32 v7;
	v5 =	vcvt.f32.s32 v5;
	vm0 =	vlt.s32 v4, $0x7F  }
0x5c: {  	v7 =	vcvt.f32.s32 v7;
	v6 =	vcvt.f32.s32 v6;
	v4 =	vnsel vm0, $0x7F, v4  }
0x5d: {  	v11 =	vld [tilespmem:s21+$0xFFFFFFE0];
	v13 =	vmul.f32 $8.000000000e+00, v10;
	vm15 =	vlt.s32 v5, $0x7F;
	v4 =	vshll.u32 v4, $0x4  }
0x5e: {  	vm1 =	vlt.s32 v7, $0x7F;
	vm2 =	vlt.s32 v6, $0x7F;
	v12 =	vor.u32 v0, v4  }
0x5f: {  	v5 =	vnsel vm15, $0x7F, v5;
	v4 =	vnsel vm1, $0x7F, v7;
	v7 =	vmul.f32 $8.000000000e+00, v8  }
0x60: {  	v10 =	vtrunc.f32 v9;
	v6 =	vnsel vm2, $0x7F, v6;
	v5 =	vshll.u32 v5, $0x4  }
0x61: {  	v6 =	vshll.u32 v6, $0x4;
	v5 =	vor.u32 v0, v5;
	v7 =	vtrunc.f32 v7  }
0x62: {  	v8 =	vmul.f32 $8.000000000e+00, v11;
	v4 =	vshll.u32 v4, $0x4;
	v7 =	vcvt.f32.s32 v7  }
0x63: {  	s0 =	simm.s32 $0x4;
	s1 =	simm.s32 $0xA0;
	v9 =	vtrunc.f32 v13;
	v6 =	vor.u32 v0, v6;
	v4 =	vor.u32 v0, v4;
	[tilespmem:v12+s25+$0x0] =	vst.idx.add.f32.msk $0xffff, v2  }
.LBB2_4:
0x64: {  	v11 =	vld [tilespmem:s1+$0x10];
	s0 =	sadd.s32 $0x4, s0;
	v8 =	vtrunc.f32 v8;
	v10 =	vcvt.f32.s32 v10;
	vm0 =	vlt.s32 v7, $0x7F  }
0x65: {  	v9 =	vcvt.f32.s32 v9;
	v12 =	vld [tilespmem:s1+$0xFFFFFFF0];
	p1 =	slt.u32 s0, $0x7FC;
	v8 =	vcvt.f32.s32 v8;
	v7 =	vnsel vm0, $0x7F, v7  }
0x66: {  	v13 =	vld [tilespmem:s1+$0x0];
	vm0 =	vlt.s32 v10, $0x7F;
	v7 =	vshll.u32 v7, $0x4  }
0x67: {  	vm2 =	vlt.s32 v9, $0x7F;
	v14 =	vld [tilespmem:s1+$0xFFFFFFE0];
	vm1 =	vlt.s32 v8, $0x7F;
	v15 =	vor.u32 v0, v7  }
0x68: {  	v9 =	vnsel vm2, $0x7F, v9;
	v7 =	vnsel vm1, $0x7F, v8;
	v8 =	vnsel vm0, $0x7F, v10;
	[tilespmem:v4+s25+$0x0] =	vst.idx.add.f32.msk $0xffff, v2  }
.Ltmp1:
0x69: {  	v10 =	vmul.f32 $8.000000000e+00, v11;
	v4 =	vshll.u32 v7, $0x4;
	v7 =	vshll.u32 v8, $0x4;
	[tilespmem:v5+s25+$0x0] =	vst.idx.add.f32.msk $0xffff, v2;
	(pc) =	sbr.rel @p1 .LBB2_4-.Ltmp1, $4  }
0x6a: {  	v9 =	vshll.u32 v9, $0x4;
	v11 =	vmul.f32 $8.000000000e+00, v12;
	v4 =	vor.u32 v0, v4;
	[tilespmem:v6+s25+$0x0] =	vst.idx.add.f32.msk $0xffff, v2  }
0x6b: {  	v5 =	vor.u32 v0, v7;
	v12 =	vmul.f32 $8.000000000e+00, v13;
	v6 =	vtrunc.f32 v10  }
0x6c: {  	v8 =	vmul.f32 $8.000000000e+00, v14;
	v7 =	vcvt.f32.s32 v6;
	v6 =	vor.u32 v0, v9;
	[tilespmem:v15+s25+$0x0] =	vst.idx.add.f32.msk $0xffff, v2  }
0x6d: {  	s1 =	sadd.s32 $0x40, s1;
	v10 =	vtrunc.f32 v11;
	v9 =	vtrunc.f32 v12  }
0x6e: {  	v8 =	vtrunc.f32 v8;
	v10 =	vcvt.f32.s32 v10;
	vm0 =	vlt.s32 v7, $0x7F  }
0x6f: {  	v9 =	vcvt.f32.s32 v9;
	v8 =	vcvt.f32.s32 v8;
	v7 =	vnsel vm0, $0x7F, v7  }
0x70: {  	vm11 =	vlt.s32 v10, $0x7F;
	v7 =	vshll.u32 v7, $0x4  }
0x71: {  	vm2 =	vlt.s32 v9, $0x7F;
	vm1 =	vlt.s32 v8, $0x7F;
	v10 =	vnsel vm11, $0x7F, v10  }
0x72: {  	v7 =	vor.u32 v0, v7;
	v9 =	vnsel vm2, $0x7F, v9;
	v10 =	vshll.u32 v10, $0x4  }
0x73: {  	[tilespmem:v4+s25+$0x0] =	vst.idx.add.f32.msk $0xffff, v2;
	v8 =	vnsel vm1, $0x7F, v8;
	v4 =	vshll.u32 v9, $0x4;
	v9 =	vor.u32 v0, v10  }
0x74: {  	v8 =	vshll.u32 v8, $0x4;
	v4 =	vor.u32 v0, v4  }
0x75: {  	[tilespmem:v5+s25+$0x0] =	vst.idx.add.f32.msk $0xffff, v2;
	v8 =	vor.u32 v0, v8  }
0x76: {  	[tilespmem:v6+s25+$0x0] =	vst.idx.add.f32.msk $0xffff, v2  }
0x77: {  	[tilespmem:v7+s25+$0x0] =	vst.idx.add.f32.msk $0xffff, v2  }
0x78: {  	[tilespmem:v9+s25+$0x0] =	vst.idx.add.f32.msk $0xffff, v2  }
0x79: {  	[tilespmem:v4+s25+$0x0] =	vst.idx.add.f32.msk $0xffff, v2  }
0x7a: {  	s0 =	simm.s32 $0x0;
	[tilespmem:v8+s25+$0x0] =	vst.idx.add.f32.msk $0xffff, v2  }
0x7b: {  	[tilespmem:s0], [sflag:$0x1] =	stream.linear.gather [hbm4b:s7+s0], $0x8000, $0x38;
	[tilespmem:$0x13380] =	vst v63  }
0x7c: {  	_ =	swait.ge [sflag:s26], $0x8000  }
0x7d: {  	[sflag:s26] =	ssyncset.done $0x0  }
0x7e: {  	s1 =	simm.s32 $0x8030;
	[sflag:s26] =	ssyncadd.s32 $0xFFFF8000  }
0x7f: {  	s0 =	sand.u32 $0x7FC0, s0;
	v4 =	vld [tilespmem:s1+$0x0]  }
0x80: {  	v5 =	vld [tilespmem:s0+$0x8000]  }
0x81: {  	v6 =	vld [tilespmem:s1+$0xFFFFFFE0];
	_ =	sdelay $0x1  }
0x82: {  	v7 =	vld [tilespmem:s1+$0xFFFFFFF0]  }
0x83: {  	v4 =	vmul.f32 $8.000000000e+00, v4  }
0x84: {  	v5 =	vmul.f32 $8.000000000e+00, v5  }
0x85: {  	v6 =	vmul.f32 $8.000000000e+00, v6;
	v4 =	vtrunc.f32 v4  }
0x86: {  	v5 =	vtrunc.f32 v5;
	v4 =	vcvt.f32.s32 v4  }
0x87: {  	s18 =	simm.s32 $0x8070;
	s21 =	simm.s32 $0x40;
	v7 =	vmul.f32 $8.000000000e+00, v7;
	v5 =	vcvt.f32.s32 v5  }
0x88: {  	s1 =	sand.u32 $0x7FC0, s21;
	v8 =	vld [tilespmem:s18+$0x0];
	v6 =	vtrunc.f32 v6;
	vm12 =	vlt.s32 v4, $0x7F  }
0x89: {  	v9 =	vld [tilespmem:s1+$0x8000];
	v7 =	vtrunc.f32 v7;
	vm13 =	vlt.s32 v5, $0x7F;
	v4 =	vnsel vm12, $0x7F, v4  }
0x8a: {  	v10 =	vld [tilespmem:s18+$0xFFFFFFE0];
	v6 =	vcvt.f32.s32 v6;
	v5 =	vnsel vm13, $0x7F, v5;
	v4 =	vshll.u32 v4, $0x4  }
0x8b: {  	v7 =	vcvt.f32.s32 v7;
	v5 =	vshll.u32 v5, $0x4;
	v11 =	vor.u32 v0, v4  }
0x8c: {  	v12 =	vld [tilespmem:s18+$0xFFFFFFF0];
	vm14 =	vlt.s32 v6, $0x7F;
	v5 =	vor.u32 v0, v5  }
0x8d: {  	vm15 =	vlt.s32 v7, $0x7F;
	v6 =	vnsel vm14, $0x7F, v6;
	v4 =	vmul.f32 $8.000000000e+00, v8  }
0x8e: {  	v8 =	vmul.f32 $8.000000000e+00, v9;
	v9 =	vshll.u32 v6, $0x4;
	v6 =	vnsel vm15, $0x7F, v7  }
0x8f: {  	v7 =	vmul.f32 $8.000000000e+00, v10;
	v10 =	vshll.u32 v6, $0x4;
	v4 =	vtrunc.f32 v4  }
0x90: {  	v8 =	vtrunc.f32 v8;
	v6 =	vcvt.f32.s32 v4;
	v4 =	vor.u32 v0, v9;
	[tilespmem:v11+s25+$0x0] =	vst.idx.add.f32.msk $0xffff, v2  }
0x91: {  	s2 =	simm.s32 $0x80;
	s0 =	simm.s32 $0x4;
	s1 =	simm.s32 $0x80B0;
	v8 =	vcvt.f32.s32 v8;
	v9 =	vmul.f32 $8.000000000e+00, v12;
	[tilespmem:v5+s25+$0x0] =	vst.idx.add.f32.msk $0xffff, v2;
	v5 =	vor.u32 v0, v10  }
.LBB2_6:
0x92: {  	s4 =	sand.u32 $0x7FC0, s2;
	v10 =	vld [tilespmem:s1+$0x0];
	s0 =	sadd.s32 $0x4, s0;
	v7 =	vtrunc.f32 v7;
	vm0 =	vlt.s32 v6, $0x7F  }
0x93: {  	v11 =	vld [tilespmem:s4+$0x8000];
	p1 =	slt.u32 s0, $0x7FC;
	vm1 =	vlt.s32 v8, $0x7F;
	v9 =	vtrunc.f32 v9;
	v6 =	vnsel vm0, $0x7F, v6  }
0x94: {  	v7 =	vcvt.f32.s32 v7;
	v12 =	vld [tilespmem:s1+$0xFFFFFFE0];
	v8 =	vnsel vm1, $0x7F, v8;
	v6 =	vshll.u32 v6, $0x4  }
0x95: {  	v9 =	vcvt.f32.s32 v9;
	v13 =	vld [tilespmem:s1+$0xFFFFFFF0];
	v8 =	vshll.u32 v8, $0x4;
	v14 =	vor.u32 v0, v6  }
0x96: {  	vm0 =	vlt.s32 v7, $0x7F;
	v15 =	vor.u32 v0, v8;
	[tilespmem:v4+s25+$0x0] =	vst.idx.add.f32.msk $0xffff, v2  }
.Ltmp2:
0x97: {  	v6 =	vnsel vm0, $0x7F, v7;
	vm0 =	vlt.s32 v9, $0x7F;
	v4 =	vmul.f32 $8.000000000e+00, v10;
	[tilespmem:v5+s25+$0x0] =	vst.idx.add.f32.msk $0xffff, v2;
	(pc) =	sbr.rel @p1 .LBB2_6-.Ltmp2, $4  }
0x98: {  	v8 =	vshll.u32 v6, $0x4;
	v6 =	vnsel vm0, $0x7F, v9;
	v5 =	vmul.f32 $8.000000000e+00, v11  }
0x99: {  	v10 =	vshll.u32 v6, $0x4;
	v7 =	vmul.f32 $8.000000000e+00, v12;
	v4 =	vtrunc.f32 v4  }
0x9a: {  	v5 =	vtrunc.f32 v5;
	v6 =	vcvt.f32.s32 v4;
	v4 =	vor.u32 v0, v8;
	[tilespmem:v14+s25+$0x0] =	vst.idx.add.f32.msk $0xffff, v2  }
0x9b: {  	s2 =	sadd.s32 $0x40, s2;
	s1 =	sadd.s32 $0x40, s1;
	v9 =	vmul.f32 $8.000000000e+00, v13;
	v8 =	vcvt.f32.s32 v5;
	[tilespmem:v15+s25+$0x0] =	vst.idx.add.f32.msk $0xffff, v2;
	v5 =	vor.u32 v0, v10  }
0x9c: {  	v7 =	vtrunc.f32 v7;
	vm0 =	vlt.s32 v6, $0x7F  }
0x9d: {  	vm1 =	vlt.s32 v8, $0x7F;
	v9 =	vtrunc.f32 v9;
	v7 =	vcvt.f32.s32 v7  }
0x9e: {  	v6 =	vnsel vm0, $0x7F, v6;
	v8 =	vnsel vm1, $0x7F, v8;
	v9 =	vcvt.f32.s32 v9  }
0x9f: {  	v6 =	vshll.u32 v6, $0x4;
	v8 =	vshll.u32 v8, $0x4;
	vm11 =	vlt.s32 v7, $0x7F  }
0xa0: {  	v6 =	vor.u32 v0, v6;
	v7 =	vnsel vm11, $0x7F, v7;
	vm12 =	vlt.s32 v9, $0x7F  }
0xa1: {  	v8 =	vor.u32 v0, v8;
	v7 =	vshll.u32 v7, $0x4;
	v9 =	vnsel vm12, $0x7F, v9  }
0xa2: {  	v9 =	vshll.u32 v9, $0x4;
	v7 =	vor.u32 v0, v7  }
0xa3: {  	[tilespmem:v4+s25+$0x0] =	vst.idx.add.f32.msk $0xffff, v2;
	v4 =	vor.u32 v0, v9  }
0xa4: {  	[tilespmem:v5+s25+$0x0] =	vst.idx.add.f32.msk $0xffff, v2  }
0xa5: {  	[tilespmem:v6+s25+$0x0] =	vst.idx.add.f32.msk $0xffff, v2  }
0xa6: {  	[tilespmem:v8+s25+$0x0] =	vst.idx.add.f32.msk $0xffff, v2  }
0xa7: {  	[tilespmem:v7+s25+$0x0] =	vst.idx.add.f32.msk $0xffff, v2  }
0xa8: {  	[tilespmem:v4+s25+$0x0] =	vst.idx.add.f32.msk $0xffff, v2  }
0xa9: {  	[tilespmem:s22], [sflag:$0x2] =	stream.linear.gather [hbm4b:s9+s3], $0x8000, $0x38;
	[tilespmem:$0x13380] =	vst v63  }
0xaa: {  	_ =	swait.ge [sflag:s24], $0x8000  }
0xab: {  	[sflag:s24] =	ssyncset.done $0x0  }
0xac: {  	s0 =	simm.s32 $0x20;
	[sflag:s24] =	ssyncadd.s32 $0xFFFF8000  }
0xad: {  	v4 =	vld [tilespmem:s0+$0x10]  }
0xae: {  	v5 =	vld [tilespmem:s0+$0xFFFFFFF0]  }
0xaf: {  	v6 =	vld [tilespmem:s0+$0x0]  }
0xb0: {  	s21 =	simm.s32 $0x60;
	v7 =	vld [tilespmem:s0+$0xFFFFFFE0]  }
0xb1: {  	v9 =	vld [tilespmem:s21+$0xFFFFFFF0];
	_ =	sdelay $0x1  }
0xb2: {  	v4 =	vmul.f32 $8.000000000e+00, v4  }
0xb3: {  	v5 =	vmul.f32 $8.000000000e+00, v5;
	v6 =	vmul.f32 $8.000000000e+00, v6  }
0xb4: {  	v10 =	vld [tilespmem:s21+$0x0];
	v7 =	vmul.f32 $8.000000000e+00, v7;
	v4 =	vtrunc.f32 v4  }
0xb5: {  	v9 =	vmul.f32 $8.000000000e+00, v9;
	v4 =	vcvt.f32.s32 v4  }
0xb6: {  	v8 =	vld [tilespmem:s21+$0x10];
	v5 =	vtrunc.f32 v5;
	v6 =	vtrunc.f32 v6  }
0xb7: {  	v7 =	vtrunc.f32 v7;
	v5 =	vcvt.f32.s32 v5;
	vm13 =	vlt.s32 v4, $0x7F  }
0xb8: {  	v7 =	vcvt.f32.s32 v7;
	v6 =	vcvt.f32.s32 v6;
	v4 =	vnsel vm13, $0x7F, v4  }
0xb9: {  	v11 =	vld [tilespmem:s21+$0xFFFFFFE0];
	v13 =	vmul.f32 $8.000000000e+00, v10;
	vm14 =	vlt.s32 v5, $0x7F;
	v4 =	vshll.u32 v4, $0x4  }
0xba: {  	vm15 =	vlt.s32 v7, $0x7F;
	vm2 =	vlt.s32 v6, $0x7F;
	v12 =	vor.u32 v0, v4  }
0xbb: {  	v5 =	vnsel vm14, $0x7F, v5;
	v4 =	vnsel vm15, $0x7F, v7;
	v7 =	vmul.f32 $8.000000000e+00, v8  }
0xbc: {  	v10 =	vtrunc.f32 v9;
	v6 =	vnsel vm2, $0x7F, v6;
	v5 =	vshll.u32 v5, $0x4  }
0xbd: {  	v6 =	vshll.u32 v6, $0x4;
	v5 =	vor.u32 v0, v5;
	v7 =	vtrunc.f32 v7  }
0xbe: {  	v8 =	vmul.f32 $8.000000000e+00, v11;
	v4 =	vshll.u32 v4, $0x4;
	v7 =	vcvt.f32.s32 v7  }
0xbf: {  	s1 =	simm.s32 $0xA0;
	s0 =	simm.s32 $0x4;
	v9 =	vtrunc.f32 v13;
	v6 =	vor.u32 v0, v6;
	v4 =	vor.u32 v0, v4;
	[tilespmem:v12+s25+$0x0] =	vst.idx.add.f32.msk $0xffff, v2  }
.LBB2_8:
0xc0: {  	v11 =	vld [tilespmem:s1+$0x10];
	s0 =	sadd.s32 $0x4, s0;
	v8 =	vtrunc.f32 v8;
	v10 =	vcvt.f32.s32 v10;
	vm0 =	vlt.s32 v7, $0x7F  }
0xc1: {  	v9 =	vcvt.f32.s32 v9;
	v12 =	vld [tilespmem:s1+$0xFFFFFFF0];
	p1 =	slt.u32 s0, $0x7FC;
	v8 =	vcvt.f32.s32 v8;
	v7 =	vnsel vm0, $0x7F, v7  }
0xc2: {  	v13 =	vld [tilespmem:s1+$0x0];
	vm0 =	vlt.s32 v10, $0x7F;
	v7 =	vshll.u32 v7, $0x4  }
0xc3: {  	vm2 =	vlt.s32 v9, $0x7F;
	v14 =	vld [tilespmem:s1+$0xFFFFFFE0];
	vm1 =	vlt.s32 v8, $0x7F;
	v15 =	vor.u32 v0, v7  }
0xc4: {  	v9 =	vnsel vm2, $0x7F, v9;
	v7 =	vnsel vm1, $0x7F, v8;
	v8 =	vnsel vm0, $0x7F, v10;
	[tilespmem:v4+s25+$0x0] =	vst.idx.add.f32.msk $0xffff, v2  }
.Ltmp3:
0xc5: {  	v10 =	vmul.f32 $8.000000000e+00, v11;
	v4 =	vshll.u32 v7, $0x4;
	v7 =	vshll.u32 v8, $0x4;
	[tilespmem:v5+s25+$0x0] =	vst.idx.add.f32.msk $0xffff, v2;
	(pc) =	sbr.rel @p1 .LBB2_8-.Ltmp3, $4  }
0xc6: {  	v9 =	vshll.u32 v9, $0x4;
	v11 =	vmul.f32 $8.000000000e+00, v12;
	v4 =	vor.u32 v0, v4;
	[tilespmem:v6+s25+$0x0] =	vst.idx.add.f32.msk $0xffff, v2  }
0xc7: {  	v5 =	vor.u32 v0, v7;
	v12 =	vmul.f32 $8.000000000e+00, v13;
	v6 =	vtrunc.f32 v10  }
0xc8: {  	v8 =	vmul.f32 $8.000000000e+00, v14;
	v7 =	vcvt.f32.s32 v6;
	v6 =	vor.u32 v0, v9;
	[tilespmem:v15+s25+$0x0] =	vst.idx.add.f32.msk $0xffff, v2  }
0xc9: {  	s1 =	sadd.s32 $0x40, s1;
	v10 =	vtrunc.f32 v11;
	v9 =	vtrunc.f32 v12  }
0xca: {  	v8 =	vtrunc.f32 v8;
	v10 =	vcvt.f32.s32 v10;
	vm0 =	vlt.s32 v7, $0x7F  }
0xcb: {  	v9 =	vcvt.f32.s32 v9;
	v8 =	vcvt.f32.s32 v8;
	v7 =	vnsel vm0, $0x7F, v7  }
0xcc: {  	vm11 =	vlt.s32 v10, $0x7F;
	v7 =	vshll.u32 v7, $0x4  }
0xcd: {  	vm2 =	vlt.s32 v9, $0x7F;
	vm1 =	vlt.s32 v8, $0x7F;
	v10 =	vnsel vm11, $0x7F, v10  }
0xce: {  	v7 =	vor.u32 v0, v7;
	v9 =	vnsel vm2, $0x7F, v9;
	v10 =	vshll.u32 v10, $0x4  }
0xcf: {  	[tilespmem:v4+s25+$0x0] =	vst.idx.add.f32.msk $0xffff, v2;
	v8 =	vnsel vm1, $0x7F, v8;
	v4 =	vshll.u32 v9, $0x4;
	v9 =	vor.u32 v0, v10  }
0xd0: {  	v8 =	vshll.u32 v8, $0x4;
	v4 =	vor.u32 v0, v4  }
0xd1: {  	[tilespmem:v5+s25+$0x0] =	vst.idx.add.f32.msk $0xffff, v2;
	v8 =	vor.u32 v0, v8  }
0xd2: {  	[tilespmem:v6+s25+$0x0] =	vst.idx.add.f32.msk $0xffff, v2  }
0xd3: {  	[tilespmem:v7+s25+$0x0] =	vst.idx.add.f32.msk $0xffff, v2  }
0xd4: {  	[tilespmem:v9+s25+$0x0] =	vst.idx.add.f32.msk $0xffff, v2  }
0xd5: {  	[tilespmem:v4+s25+$0x0] =	vst.idx.add.f32.msk $0xffff, v2  }
0xd6: {  	[tilespmem:v8+s25+$0x0] =	vst.idx.add.f32.msk $0xffff, v2  }
0xd7: {  	_ =	swait.ge [sflag:s26], $0x8000  }
0xd8: {  	[sflag:s26] =	ssyncset.done $0x0  }
0xd9: {  	s0 =	simm.s32 $0x8030;
	s1 =	simm.s32 $0x0;
	[sflag:s26] =	ssyncadd.s32 $0xFFFF8000  }
0xda: {  	s1 =	sand.u32 $0x7FC0, s1;
	v4 =	vld [tilespmem:s0+$0x0]  }
0xdb: {  	v5 =	vld [tilespmem:s1+$0x8000]  }
0xdc: {  	v6 =	vld [tilespmem:s0+$0xFFFFFFE0];
	_ =	sdelay $0x1  }
0xdd: {  	v7 =	vld [tilespmem:s0+$0xFFFFFFF0]  }
0xde: {  	v4 =	vmul.f32 $8.000000000e+00, v4  }
0xdf: {  	v5 =	vmul.f32 $8.000000000e+00, v5  }
0xe0: {  	v6 =	vmul.f32 $8.000000000e+00, v6;
	v4 =	vtrunc.f32 v4  }
0xe1: {  	v5 =	vtrunc.f32 v5;
	v4 =	vcvt.f32.s32 v4  }
0xe2: {  	s18 =	simm.s32 $0x8070;
	s21 =	simm.s32 $0x40;
	v7 =	vmul.f32 $8.000000000e+00, v7;
	v5 =	vcvt.f32.s32 v5  }
0xe3: {  	s1 =	sand.u32 $0x7FC0, s21;
	v8 =	vld [tilespmem:s18+$0x0];
	v6 =	vtrunc.f32 v6;
	vm12 =	vlt.s32 v4, $0x7F  }
0xe4: {  	v9 =	vld [tilespmem:s1+$0x8000];
	v7 =	vtrunc.f32 v7;
	vm13 =	vlt.s32 v5, $0x7F;
	v4 =	vnsel vm12, $0x7F, v4  }
0xe5: {  	v10 =	vld [tilespmem:s18+$0xFFFFFFE0];
	v6 =	vcvt.f32.s32 v6;
	v5 =	vnsel vm13, $0x7F, v5;
	v4 =	vshll.u32 v4, $0x4  }
0xe6: {  	v7 =	vcvt.f32.s32 v7;
	v5 =	vshll.u32 v5, $0x4;
	v11 =	vor.u32 v0, v4  }
0xe7: {  	v12 =	vld [tilespmem:s18+$0xFFFFFFF0];
	vm14 =	vlt.s32 v6, $0x7F;
	v5 =	vor.u32 v0, v5  }
0xe8: {  	vm15 =	vlt.s32 v7, $0x7F;
	v6 =	vnsel vm14, $0x7F, v6;
	v4 =	vmul.f32 $8.000000000e+00, v8  }
0xe9: {  	v8 =	vmul.f32 $8.000000000e+00, v9;
	v9 =	vshll.u32 v6, $0x4;
	v6 =	vnsel vm15, $0x7F, v7  }
0xea: {  	v7 =	vmul.f32 $8.000000000e+00, v10;
	v10 =	vshll.u32 v6, $0x4;
	v4 =	vtrunc.f32 v4  }
0xeb: {  	v8 =	vtrunc.f32 v8;
	v6 =	vcvt.f32.s32 v4;
	v4 =	vor.u32 v0, v9;
	[tilespmem:v11+s25+$0x0] =	vst.idx.add.f32.msk $0xffff, v2  }
0xec: {  	s2 =	simm.s32 $0x80;
	s0 =	simm.s32 $0x4;
	s1 =	simm.s32 $0x80B0;
	v8 =	vcvt.f32.s32 v8;
	v9 =	vmul.f32 $8.000000000e+00, v12;
	[tilespmem:v5+s25+$0x0] =	vst.idx.add.f32.msk $0xffff, v2;
	v5 =	vor.u32 v0, v10  }
.LBB2_10:
0xed: {  	s4 =	sand.u32 $0x7FC0, s2;
	v10 =	vld [tilespmem:s1+$0x0];
	s0 =	sadd.s32 $0x4, s0;
	v7 =	vtrunc.f32 v7;
	vm0 =	vlt.s32 v6, $0x7F  }
0xee: {  	v11 =	vld [tilespmem:s4+$0x8000];
	p1 =	slt.u32 s0, $0x7FC;
	vm1 =	vlt.s32 v8, $0x7F;
	v9 =	vtrunc.f32 v9;
	v6 =	vnsel vm0, $0x7F, v6  }
0xef: {  	v7 =	vcvt.f32.s32 v7;
	v12 =	vld [tilespmem:s1+$0xFFFFFFE0];
	v8 =	vnsel vm1, $0x7F, v8;
	v6 =	vshll.u32 v6, $0x4  }
0xf0: {  	v9 =	vcvt.f32.s32 v9;
	v13 =	vld [tilespmem:s1+$0xFFFFFFF0];
	v8 =	vshll.u32 v8, $0x4;
	v14 =	vor.u32 v0, v6  }
0xf1: {  	vm0 =	vlt.s32 v7, $0x7F;
	v15 =	vor.u32 v0, v8;
	[tilespmem:v4+s25+$0x0] =	vst.idx.add.f32.msk $0xffff, v2  }
.Ltmp4:
0xf2: {  	v6 =	vnsel vm0, $0x7F, v7;
	vm0 =	vlt.s32 v9, $0x7F;
	v4 =	vmul.f32 $8.000000000e+00, v10;
	[tilespmem:v5+s25+$0x0] =	vst.idx.add.f32.msk $0xffff, v2;
	(pc) =	sbr.rel @p1 .LBB2_10-.Ltmp4, $4  }
0xf3: {  	v8 =	vshll.u32 v6, $0x4;
	v6 =	vnsel vm0, $0x7F, v9;
	v5 =	vmul.f32 $8.000000000e+00, v11  }
0xf4: {  	v10 =	vshll.u32 v6, $0x4;
	v7 =	vmul.f32 $8.000000000e+00, v12;
	v4 =	vtrunc.f32 v4  }
0xf5: {  	v5 =	vtrunc.f32 v5;
	v6 =	vcvt.f32.s32 v4;
	v4 =	vor.u32 v0, v8;
	[tilespmem:v14+s25+$0x0] =	vst.idx.add.f32.msk $0xffff, v2  }
0xf6: {  	s2 =	sadd.s32 $0x40, s2;
	s1 =	sadd.s32 $0x40, s1;
	v9 =	vmul.f32 $8.000000000e+00, v13;
	v8 =	vcvt.f32.s32 v5;
	[tilespmem:v15+s25+$0x0] =	vst.idx.add.f32.msk $0xffff, v2;
	v5 =	vor.u32 v0, v10  }
0xf7: {  	v7 =	vtrunc.f32 v7;
	vm0 =	vlt.s32 v6, $0x7F  }
0xf8: {  	vm1 =	vlt.s32 v8, $0x7F;
	v9 =	vtrunc.f32 v9;
	v7 =	vcvt.f32.s32 v7  }
0xf9: {  	v6 =	vnsel vm0, $0x7F, v6;
	v8 =	vnsel vm1, $0x7F, v8;
	v9 =	vcvt.f32.s32 v9  }
0xfa: {  	v6 =	vshll.u32 v6, $0x4;
	v8 =	vshll.u32 v8, $0x4;
	vm14 =	vlt.s32 v7, $0x7F  }
0xfb: {  	v6 =	vor.u32 v0, v6;
	v7 =	vnsel vm14, $0x7F, v7;
	vm15 =	vlt.s32 v9, $0x7F  }
0xfc: {  	v8 =	vor.u32 v0, v8;
	v7 =	vshll.u32 v7, $0x4;
	v9 =	vnsel vm15, $0x7F, v9  }
0xfd: {  	v9 =	vshll.u32 v9, $0x4;
	v7 =	vor.u32 v0, v7  }
0xfe: {  	[tilespmem:v4+s25+$0x0] =	vst.idx.add.f32.msk $0xffff, v2;
	v4 =	vor.u32 v0, v9  }
0xff: {  	[tilespmem:v5+s25+$0x0] =	vst.idx.add.f32.msk $0xffff, v2  }
0x100: {  	[tilespmem:v6+s25+$0x0] =	vst.idx.add.f32.msk $0xffff, v2  }
0x101: {  	[tilespmem:v8+s25+$0x0] =	vst.idx.add.f32.msk $0xffff, v2  }
0x102: {  	[tilespmem:v7+s25+$0x0] =	vst.idx.add.f32.msk $0xffff, v2  }
0x103: {  	[tilespmem:v4+s25+$0x0] =	vst.idx.add.f32.msk $0xffff, v2  }
0x104: {  	[spmem:s10] =	stream.linear.scatter [tilespmem:s25], [sflag:$0x3], $0x800, $0x38;
	[tilespmem:$0x13380] =	vst v63  }
0x105: {  	_ =	swait.ge [sflag:s28], $0x800  }
0x106: {  	[sflag:s28] =	ssyncset.done $0x0  }
0x107: {  	[sflag:s28] =	ssyncadd.s32 $0xFFFFF800  }
0x108: {  	[bflag:$0x0] =	sbarrier.arrive $0xFFFF  }
0x109: {  	s0 =	rddreg [dreg:$0x5]  }
0x10a: {  	[tilespmem:s29], [sflag:$0x3] =	stream.linear.gather [spmem:s0], $0x80, $0x38;
	[tilespmem:$0x13380] =	vst v63  }
0x10b: {  	_ =	swait.ge [sflag:s28], $0x80  }
0x10c: {  	[sflag:s28] =	ssyncset.done $0x0  }
0x10d: {  	s8 =	rddreg [dreg:$0x6];
	[sflag:s28] =	ssyncadd.s32 $0xFFFFFF80  }
0x10e: {  	[tilespmem:s30], [sflag:$0x3] =	stream.linear.gather [spmem:s8], $0x80, $0x38;
	[tilespmem:$0x13380] =	vst v63  }
0x10f: {  	_ =	swait.ge [sflag:s28], $0x80  }
0x110: {  	[sflag:s28] =	ssyncset.done $0x0  }
0x111: {  	[sflag:s28] =	ssyncadd.s32 $0xFFFFFF80  }
0x112: {  	v4 =	vld [tilespmem:$0x12100]  }
0x113: {  	v5 =	vld [tilespmem:$0x12000]  }
0x114: {  	v63 =	vld [tilespmem:$0x12110]  }
0x115: {  	v20 =	vld [tilespmem:$0x12010]  }
0x116: {  	v21 =	vld [tilespmem:$0x12120]  }
0x117: {  	v22 =	vld [tilespmem:$0x12020]  }
0x118: {  	v10 =	vld [tilespmem:$0x12130]  }
0x119: {  	v11 =	vld [tilespmem:$0x12030]  }
0x11a: {  	v12 =	vld [tilespmem:$0x12140]  }
0x11b: {  	v13 =	vld [tilespmem:$0x12040]  }
0x11c: {  	v14 =	vld [tilespmem:$0x12150]  }
0x11d: {  	v15 =	vld [tilespmem:$0x12050]  }
0x11e: {  	v16 =	vld [tilespmem:$0x12160]  }
0x11f: {  	v23 =	vld [tilespmem:$0x12170];
	v4 =	vadd.f32 v5, v4  }
0x120: {  	v5 =	vld [tilespmem:$0x12060];
	v6 =	vadd.f32 v20, v63  }
0x121: {  	v24 =	vld [tilespmem:$0x12070];
	[tilespmem:$0x12100] =	vst v4;
	v4 =	vadd.f32 v22, v21  }
0x122: {  	v25 =	vadd.f32 v11, v10;
	[tilespmem:$0x12110] =	vst v6  }
0x123: {  	[tilespmem:$0x12120] =	vst v4;
	v4 =	vadd.f32 v13, v12  }
0x124: {  	v26 =	vadd.f32 v15, v14;
	[tilespmem:$0x12130] =	vst v25  }
0x125: {  	[tilespmem:$0x12140] =	vst v4;
	v4 =	vadd.f32 v5, v16  }
0x126: {  	[tilespmem:$0x12150] =	vst v26;
	v5 =	vadd.f32 v24, v23  }
0x127: {  	[tilespmem:$0x12160] =	vst v4  }
0x128: {  	s11 =	rddreg [dreg:$0x7];
	[tilespmem:$0x12170] =	vst v5  }
0x129: {  	[tilespmem:s30], [sflag:$0x3] =	stream.linear.gather [spmem:s11], $0x80, $0x38;
	[tilespmem:$0x13380] =	vst v63  }
0x12a: {  	_ =	swait.ge [sflag:s28], $0x80  }
0x12b: {  	[sflag:s28] =	ssyncset.done $0x0  }
0x12c: {  	[sflag:s28] =	ssyncadd.s32 $0xFFFFFF80  }
0x12d: {  	v4 =	vld [tilespmem:$0x12100]  }
0x12e: {  	v5 =	vld [tilespmem:$0x12000]  }
0x12f: {  	v27 =	vld [tilespmem:$0x12110]  }
0x130: {  	v28 =	vld [tilespmem:$0x12010]  }
0x131: {  	v29 =	vld [tilespmem:$0x12120]  }
0x132: {  	v30 =	vld [tilespmem:$0x12020]  }
0x133: {  	v31 =	vld [tilespmem:$0x12130]  }
0x134: {  	v32 =	vld [tilespmem:$0x12030]  }
0x135: {  	v33 =	vld [tilespmem:$0x12140]  }
0x136: {  	v34 =	vld [tilespmem:$0x12040]  }
0x137: {  	v35 =	vld [tilespmem:$0x12150]  }
0x138: {  	v36 =	vld [tilespmem:$0x12050]  }
0x139: {  	v37 =	vld [tilespmem:$0x12160]  }
0x13a: {  	v38 =	vld [tilespmem:$0x12170];
	v4 =	vadd.f32 v5, v4  }
0x13b: {  	v5 =	vld [tilespmem:$0x12060];
	v6 =	vadd.f32 v28, v27  }
0x13c: {  	v39 =	vld [tilespmem:$0x12070];
	[tilespmem:$0x12100] =	vst v4;
	v4 =	vadd.f32 v30, v29  }
0x13d: {  	v40 =	vadd.f32 v32, v31;
	[tilespmem:$0x12110] =	vst v6  }
0x13e: {  	[tilespmem:$0x12120] =	vst v4;
	v4 =	vadd.f32 v34, v33  }
0x13f: {  	v41 =	vadd.f32 v36, v35;
	[tilespmem:$0x12130] =	vst v40  }
0x140: {  	[tilespmem:$0x12140] =	vst v4;
	v4 =	vadd.f32 v5, v37  }
0x141: {  	[tilespmem:$0x12150] =	vst v41;
	v5 =	vadd.f32 v39, v38  }
0x142: {  	[tilespmem:$0x12160] =	vst v4  }
0x143: {  	s12 =	rddreg [dreg:$0x8];
	[tilespmem:$0x12170] =	vst v5  }
0x144: {  	[tilespmem:s30], [sflag:$0x3] =	stream.linear.gather [spmem:s12], $0x80, $0x38;
	[tilespmem:$0x13380] =	vst v63  }
0x145: {  	_ =	swait.ge [sflag:s28], $0x80  }
0x146: {  	[sflag:s28] =	ssyncset.done $0x0  }
0x147: {  	[sflag:s28] =	ssyncadd.s32 $0xFFFFFF80  }
0x148: {  	v4 =	vld [tilespmem:$0x12100]  }
0x149: {  	v5 =	vld [tilespmem:$0x12000]  }
0x14a: {  	v42 =	vld [tilespmem:$0x12110]  }
0x14b: {  	v43 =	vld [tilespmem:$0x12010]  }
0x14c: {  	v44 =	vld [tilespmem:$0x12120]  }
0x14d: {  	v45 =	vld [tilespmem:$0x12020]  }
0x14e: {  	v46 =	vld [tilespmem:$0x12130]  }
0x14f: {  	v47 =	vld [tilespmem:$0x12030]  }
0x150: {  	v48 =	vld [tilespmem:$0x12140]  }
0x151: {  	v49 =	vld [tilespmem:$0x12040]  }
0x152: {  	v50 =	vld [tilespmem:$0x12150]  }
0x153: {  	v51 =	vld [tilespmem:$0x12050]  }
0x154: {  	v52 =	vld [tilespmem:$0x12160]  }
0x155: {  	v53 =	vld [tilespmem:$0x12170];
	v4 =	vadd.f32 v5, v4  }
0x156: {  	v5 =	vld [tilespmem:$0x12060];
	v6 =	vadd.f32 v43, v42  }
0x157: {  	v54 =	vld [tilespmem:$0x12070];
	[tilespmem:$0x12100] =	vst v4;
	v4 =	vadd.f32 v45, v44  }
0x158: {  	v55 =	vadd.f32 v47, v46;
	[tilespmem:$0x12110] =	vst v6  }
0x159: {  	[tilespmem:$0x12120] =	vst v4;
	v4 =	vadd.f32 v49, v48  }
0x15a: {  	v56 =	vadd.f32 v51, v50;
	[tilespmem:$0x12130] =	vst v55  }
0x15b: {  	[tilespmem:$0x12140] =	vst v4;
	v4 =	vadd.f32 v5, v52  }
0x15c: {  	[tilespmem:$0x12150] =	vst v56;
	v5 =	vadd.f32 v54, v53  }
0x15d: {  	[tilespmem:$0x12160] =	vst v4  }
0x15e: {  	s13 =	rddreg [dreg:$0x9];
	[tilespmem:$0x12170] =	vst v5  }
0x15f: {  	[tilespmem:s30], [sflag:$0x3] =	stream.linear.gather [spmem:s13], $0x80, $0x38;
	[tilespmem:$0x13380] =	vst v63  }
0x160: {  	_ =	swait.ge [sflag:s28], $0x80  }
0x161: {  	[sflag:s28] =	ssyncset.done $0x0  }
0x162: {  	[sflag:s28] =	ssyncadd.s32 $0xFFFFFF80  }
0x163: {  	v4 =	vld [tilespmem:$0x12100]  }
0x164: {  	v5 =	vld [tilespmem:$0x12000]  }
0x165: {  	v57 =	vld [tilespmem:$0x12110]  }
0x166: {  	v58 =	vld [tilespmem:$0x12010]  }
0x167: {  	v59 =	vld [tilespmem:$0x12120]  }
0x168: {  	v60 =	vld [tilespmem:$0x12020]  }
0x169: {  	v61 =	vld [tilespmem:$0x12130]  }
0x16a: {  	v62 =	vld [tilespmem:$0x12030]  }
0x16b: {  	v63 =	vld [tilespmem:$0x12140]  }
0x16c: {  	v20 =	vld [tilespmem:$0x12040]  }
0x16d: {  	v21 =	vld [tilespmem:$0x12150]  }
0x16e: {  	v22 =	vld [tilespmem:$0x12050]  }
0x16f: {  	v23 =	vld [tilespmem:$0x12160]  }
0x170: {  	v24 =	vld [tilespmem:$0x12170];
	v4 =	vadd.f32 v5, v4  }
0x171: {  	v5 =	vld [tilespmem:$0x12060];
	v6 =	vadd.f32 v58, v57  }
0x172: {  	v25 =	vld [tilespmem:$0x12070];
	[tilespmem:$0x12100] =	vst v4;
	v4 =	vadd.f32 v60, v59  }
0x173: {  	v26 =	vadd.f32 v62, v61;
	[tilespmem:$0x12110] =	vst v6  }
0x174: {  	[tilespmem:$0x12120] =	vst v4;
	v4 =	vadd.f32 v20, v63  }
0x175: {  	v27 =	vadd.f32 v22, v21;
	[tilespmem:$0x12130] =	vst v26  }
0x176: {  	[tilespmem:$0x12140] =	vst v4;
	v4 =	vadd.f32 v5, v23  }
0x177: {  	[tilespmem:$0x12150] =	vst v27;
	v5 =	vadd.f32 v25, v24  }
0x178: {  	[tilespmem:$0x12160] =	vst v4  }
0x179: {  	s14 =	rddreg [dreg:$0xa];
	[tilespmem:$0x12170] =	vst v5  }
0x17a: {  	[tilespmem:s30], [sflag:$0x3] =	stream.linear.gather [spmem:s14], $0x80, $0x38;
	[tilespmem:$0x13380] =	vst v63  }
0x17b: {  	_ =	swait.ge [sflag:s28], $0x80  }
0x17c: {  	[sflag:s28] =	ssyncset.done $0x0  }
0x17d: {  	[sflag:s28] =	ssyncadd.s32 $0xFFFFFF80  }
0x17e: {  	v4 =	vld [tilespmem:$0x12100]  }
0x17f: {  	v5 =	vld [tilespmem:$0x12000]  }
0x180: {  	v28 =	vld [tilespmem:$0x12110]  }
0x181: {  	v29 =	vld [tilespmem:$0x12010]  }
0x182: {  	v30 =	vld [tilespmem:$0x12120]  }
0x183: {  	v31 =	vld [tilespmem:$0x12020]  }
0x184: {  	v32 =	vld [tilespmem:$0x12130]  }
0x185: {  	v33 =	vld [tilespmem:$0x12030]  }
0x186: {  	v34 =	vld [tilespmem:$0x12140]  }
0x187: {  	v35 =	vld [tilespmem:$0x12040]  }
0x188: {  	v36 =	vld [tilespmem:$0x12150]  }
0x189: {  	v37 =	vld [tilespmem:$0x12050]  }
0x18a: {  	v38 =	vld [tilespmem:$0x12160]  }
0x18b: {  	v39 =	vld [tilespmem:$0x12170];
	v4 =	vadd.f32 v5, v4  }
0x18c: {  	v5 =	vld [tilespmem:$0x12060];
	v6 =	vadd.f32 v29, v28  }
0x18d: {  	v40 =	vld [tilespmem:$0x12070];
	[tilespmem:$0x12100] =	vst v4;
	v4 =	vadd.f32 v31, v30  }
0x18e: {  	v41 =	vadd.f32 v33, v32;
	[tilespmem:$0x12110] =	vst v6  }
0x18f: {  	[tilespmem:$0x12120] =	vst v4;
	v4 =	vadd.f32 v35, v34  }
0x190: {  	v42 =	vadd.f32 v37, v36;
	[tilespmem:$0x12130] =	vst v41  }
0x191: {  	[tilespmem:$0x12140] =	vst v4;
	v4 =	vadd.f32 v5, v38  }
0x192: {  	[tilespmem:$0x12150] =	vst v42;
	v5 =	vadd.f32 v40, v39  }
0x193: {  	[tilespmem:$0x12160] =	vst v4  }
0x194: {  	s15 =	rddreg [dreg:$0xb];
	[tilespmem:$0x12170] =	vst v5  }
0x195: {  	[tilespmem:s30], [sflag:$0x3] =	stream.linear.gather [spmem:s15], $0x80, $0x38;
	[tilespmem:$0x13380] =	vst v63  }
0x196: {  	_ =	swait.ge [sflag:s28], $0x80  }
0x197: {  	[sflag:s28] =	ssyncset.done $0x0  }
0x198: {  	[sflag:s28] =	ssyncadd.s32 $0xFFFFFF80  }
0x199: {  	v4 =	vld [tilespmem:$0x12100]  }
0x19a: {  	v5 =	vld [tilespmem:$0x12000]  }
0x19b: {  	v43 =	vld [tilespmem:$0x12110]  }
0x19c: {  	v44 =	vld [tilespmem:$0x12010]  }
0x19d: {  	v45 =	vld [tilespmem:$0x12120]  }
0x19e: {  	v46 =	vld [tilespmem:$0x12020]  }
0x19f: {  	v47 =	vld [tilespmem:$0x12130]  }
0x1a0: {  	v48 =	vld [tilespmem:$0x12030]  }
0x1a1: {  	v49 =	vld [tilespmem:$0x12140]  }
0x1a2: {  	v50 =	vld [tilespmem:$0x12040]  }
0x1a3: {  	v51 =	vld [tilespmem:$0x12150]  }
0x1a4: {  	v52 =	vld [tilespmem:$0x12050]  }
0x1a5: {  	v53 =	vld [tilespmem:$0x12160]  }
0x1a6: {  	v54 =	vld [tilespmem:$0x12170];
	v4 =	vadd.f32 v5, v4  }
0x1a7: {  	v5 =	vld [tilespmem:$0x12060];
	v6 =	vadd.f32 v44, v43  }
0x1a8: {  	v55 =	vld [tilespmem:$0x12070];
	[tilespmem:$0x12100] =	vst v4;
	v4 =	vadd.f32 v46, v45  }
0x1a9: {  	v56 =	vadd.f32 v48, v47;
	[tilespmem:$0x12110] =	vst v6  }
0x1aa: {  	[tilespmem:$0x12120] =	vst v4;
	v4 =	vadd.f32 v50, v49  }
0x1ab: {  	v57 =	vadd.f32 v52, v51;
	[tilespmem:$0x12130] =	vst v56  }
0x1ac: {  	[tilespmem:$0x12140] =	vst v4;
	v4 =	vadd.f32 v5, v53  }
0x1ad: {  	[tilespmem:$0x12150] =	vst v57;
	v5 =	vadd.f32 v55, v54  }
0x1ae: {  	[tilespmem:$0x12160] =	vst v4  }
0x1af: {  	s16 =	rddreg [dreg:$0xc];
	[tilespmem:$0x12170] =	vst v5  }
0x1b0: {  	[tilespmem:s30], [sflag:$0x3] =	stream.linear.gather [spmem:s16], $0x80, $0x38;
	[tilespmem:$0x13380] =	vst v63  }
0x1b1: {  	_ =	swait.ge [sflag:s28], $0x80  }
0x1b2: {  	[sflag:s28] =	ssyncset.done $0x0  }
0x1b3: {  	[sflag:s28] =	ssyncadd.s32 $0xFFFFFF80  }
0x1b4: {  	v4 =	vld [tilespmem:$0x12100]  }
0x1b5: {  	v5 =	vld [tilespmem:$0x12000]  }
0x1b6: {  	v58 =	vld [tilespmem:$0x12110]  }
0x1b7: {  	v59 =	vld [tilespmem:$0x12010]  }
0x1b8: {  	v60 =	vld [tilespmem:$0x12120]  }
0x1b9: {  	v61 =	vld [tilespmem:$0x12020]  }
0x1ba: {  	v62 =	vld [tilespmem:$0x12130]  }
0x1bb: {  	v63 =	vld [tilespmem:$0x12030]  }
0x1bc: {  	v20 =	vld [tilespmem:$0x12140]  }
0x1bd: {  	v21 =	vld [tilespmem:$0x12040]  }
0x1be: {  	v22 =	vld [tilespmem:$0x12150]  }
0x1bf: {  	v23 =	vld [tilespmem:$0x12050]  }
0x1c0: {  	v24 =	vld [tilespmem:$0x12160]  }
0x1c1: {  	v25 =	vld [tilespmem:$0x12170];
	v4 =	vadd.f32 v5, v4  }
0x1c2: {  	v5 =	vld [tilespmem:$0x12060];
	v6 =	vadd.f32 v59, v58  }
0x1c3: {  	v26 =	vld [tilespmem:$0x12070];
	[tilespmem:$0x12100] =	vst v4;
	v4 =	vadd.f32 v61, v60  }
0x1c4: {  	v27 =	vadd.f32 v63, v62;
	[tilespmem:$0x12110] =	vst v6  }
0x1c5: {  	[tilespmem:$0x12120] =	vst v4;
	v4 =	vadd.f32 v21, v20  }
0x1c6: {  	v28 =	vadd.f32 v23, v22;
	[tilespmem:$0x12130] =	vst v27  }
0x1c7: {  	[tilespmem:$0x12140] =	vst v4;
	v4 =	vadd.f32 v5, v24  }
0x1c8: {  	[tilespmem:$0x12150] =	vst v28;
	v5 =	vadd.f32 v26, v25  }
0x1c9: {  	[tilespmem:$0x12160] =	vst v4  }
0x1ca: {  	s17 =	rddreg [dreg:$0xd];
	[tilespmem:$0x12170] =	vst v5  }
0x1cb: {  	[tilespmem:s30], [sflag:$0x3] =	stream.linear.gather [spmem:s17], $0x80, $0x38;
	[tilespmem:$0x13380] =	vst v63  }
0x1cc: {  	_ =	swait.ge [sflag:s28], $0x80  }
0x1cd: {  	[sflag:s28] =	ssyncset.done $0x0  }
0x1ce: {  	[sflag:s28] =	ssyncadd.s32 $0xFFFFFF80  }
0x1cf: {  	v4 =	vld [tilespmem:$0x12100]  }
0x1d0: {  	v5 =	vld [tilespmem:$0x12000]  }
0x1d1: {  	v29 =	vld [tilespmem:$0x12110]  }
0x1d2: {  	v30 =	vld [tilespmem:$0x12010]  }
0x1d3: {  	v31 =	vld [tilespmem:$0x12120]  }
0x1d4: {  	v32 =	vld [tilespmem:$0x12020]  }
0x1d5: {  	v33 =	vld [tilespmem:$0x12130]  }
0x1d6: {  	v34 =	vld [tilespmem:$0x12030]  }
0x1d7: {  	v35 =	vld [tilespmem:$0x12140]  }
0x1d8: {  	v36 =	vld [tilespmem:$0x12040]  }
0x1d9: {  	v37 =	vld [tilespmem:$0x12150]  }
0x1da: {  	v38 =	vld [tilespmem:$0x12050]  }
0x1db: {  	v39 =	vld [tilespmem:$0x12160]  }
0x1dc: {  	v40 =	vld [tilespmem:$0x12170];
	v4 =	vadd.f32 v5, v4  }
0x1dd: {  	v5 =	vld [tilespmem:$0x12060];
	v6 =	vadd.f32 v30, v29  }
0x1de: {  	v41 =	vld [tilespmem:$0x12070];
	[tilespmem:$0x12100] =	vst v4;
	v4 =	vadd.f32 v32, v31  }
0x1df: {  	v42 =	vadd.f32 v34, v33;
	[tilespmem:$0x12110] =	vst v6  }
0x1e0: {  	[tilespmem:$0x12120] =	vst v4;
	v4 =	vadd.f32 v36, v35  }
0x1e1: {  	v43 =	vadd.f32 v38, v37;
	[tilespmem:$0x12130] =	vst v42  }
0x1e2: {  	[tilespmem:$0x12140] =	vst v4;
	v4 =	vadd.f32 v5, v39  }
0x1e3: {  	[tilespmem:$0x12150] =	vst v43;
	v5 =	vadd.f32 v41, v40  }
0x1e4: {  	[tilespmem:$0x12160] =	vst v4  }
0x1e5: {  	s18 =	rddreg [dreg:$0xe];
	[tilespmem:$0x12170] =	vst v5  }
0x1e6: {  	[tilespmem:s30], [sflag:$0x3] =	stream.linear.gather [spmem:s18], $0x80, $0x38;
	[tilespmem:$0x13380] =	vst v63  }
0x1e7: {  	_ =	swait.ge [sflag:s28], $0x80  }
0x1e8: {  	[sflag:s28] =	ssyncset.done $0x0  }
0x1e9: {  	[sflag:s28] =	ssyncadd.s32 $0xFFFFFF80  }
0x1ea: {  	v4 =	vld [tilespmem:$0x12100]  }
0x1eb: {  	v5 =	vld [tilespmem:$0x12000]  }
0x1ec: {  	v44 =	vld [tilespmem:$0x12110]  }
0x1ed: {  	v45 =	vld [tilespmem:$0x12010]  }
0x1ee: {  	v46 =	vld [tilespmem:$0x12120]  }
0x1ef: {  	v47 =	vld [tilespmem:$0x12020]  }
0x1f0: {  	v48 =	vld [tilespmem:$0x12130]  }
0x1f1: {  	v49 =	vld [tilespmem:$0x12030]  }
0x1f2: {  	v50 =	vld [tilespmem:$0x12140]  }
0x1f3: {  	v51 =	vld [tilespmem:$0x12040]  }
0x1f4: {  	v52 =	vld [tilespmem:$0x12150]  }
0x1f5: {  	v53 =	vld [tilespmem:$0x12050]  }
0x1f6: {  	v54 =	vld [tilespmem:$0x12160]  }
0x1f7: {  	v55 =	vld [tilespmem:$0x12170];
	v4 =	vadd.f32 v5, v4  }
0x1f8: {  	v5 =	vld [tilespmem:$0x12060];
	v6 =	vadd.f32 v45, v44  }
0x1f9: {  	v56 =	vld [tilespmem:$0x12070];
	[tilespmem:$0x12100] =	vst v4;
	v4 =	vadd.f32 v47, v46  }
0x1fa: {  	v57 =	vadd.f32 v49, v48;
	[tilespmem:$0x12110] =	vst v6  }
0x1fb: {  	[tilespmem:$0x12120] =	vst v4;
	v4 =	vadd.f32 v51, v50  }
0x1fc: {  	v58 =	vadd.f32 v53, v52;
	[tilespmem:$0x12130] =	vst v57  }
0x1fd: {  	[tilespmem:$0x12140] =	vst v4;
	v4 =	vadd.f32 v5, v54  }
0x1fe: {  	[tilespmem:$0x12150] =	vst v58;
	v5 =	vadd.f32 v56, v55  }
0x1ff: {  	[tilespmem:$0x12160] =	vst v4  }
0x200: {  	s21 =	rddreg [dreg:$0xf];
	[tilespmem:$0x12170] =	vst v5  }
0x201: {  	[tilespmem:s30], [sflag:$0x3] =	stream.linear.gather [spmem:s21], $0x80, $0x38;
	[tilespmem:$0x13380] =	vst v63  }
0x202: {  	_ =	swait.ge [sflag:s28], $0x80  }
0x203: {  	[sflag:s28] =	ssyncset.done $0x0  }
0x204: {  	[sflag:s28] =	ssyncadd.s32 $0xFFFFFF80  }
0x205: {  	v4 =	vld [tilespmem:$0x12100]  }
0x206: {  	v5 =	vld [tilespmem:$0x12000]  }
0x207: {  	v59 =	vld [tilespmem:$0x12110]  }
0x208: {  	v60 =	vld [tilespmem:$0x12010]  }
0x209: {  	v61 =	vld [tilespmem:$0x12120]  }
0x20a: {  	v62 =	vld [tilespmem:$0x12020]  }
0x20b: {  	v63 =	vld [tilespmem:$0x12130]  }
0x20c: {  	v20 =	vld [tilespmem:$0x12030]  }
0x20d: {  	v21 =	vld [tilespmem:$0x12140]  }
0x20e: {  	v22 =	vld [tilespmem:$0x12040]  }
0x20f: {  	v23 =	vld [tilespmem:$0x12150]  }
0x210: {  	v24 =	vld [tilespmem:$0x12050]  }
0x211: {  	v25 =	vld [tilespmem:$0x12160]  }
0x212: {  	v26 =	vld [tilespmem:$0x12170];
	v4 =	vadd.f32 v5, v4  }
0x213: {  	v5 =	vld [tilespmem:$0x12060];
	v6 =	vadd.f32 v60, v59  }
0x214: {  	v27 =	vld [tilespmem:$0x12070];
	[tilespmem:$0x12100] =	vst v4;
	v4 =	vadd.f32 v62, v61  }
0x215: {  	v28 =	vadd.f32 v20, v63;
	[tilespmem:$0x12110] =	vst v6  }
0x216: {  	[tilespmem:$0x12120] =	vst v4;
	v4 =	vadd.f32 v22, v21  }
0x217: {  	v29 =	vadd.f32 v24, v23;
	[tilespmem:$0x12130] =	vst v28  }
0x218: {  	[tilespmem:$0x12140] =	vst v4;
	v4 =	vadd.f32 v5, v25  }
0x219: {  	[tilespmem:$0x12150] =	vst v29;
	v5 =	vadd.f32 v27, v26  }
0x21a: {  	[tilespmem:$0x12160] =	vst v4  }
0x21b: {  	s1 =	rddreg [dreg:$0x10];
	[tilespmem:$0x12170] =	vst v5  }
0x21c: {  	[tilespmem:s30], [sflag:$0x3] =	stream.linear.gather [spmem:s1], $0x80, $0x38;
	[tilespmem:$0x13380] =	vst v63  }
0x21d: {  	_ =	swait.ge [sflag:s28], $0x80  }
0x21e: {  	[sflag:s28] =	ssyncset.done $0x0  }
0x21f: {  	[sflag:s28] =	ssyncadd.s32 $0xFFFFFF80  }
0x220: {  	v4 =	vld [tilespmem:$0x12100]  }
0x221: {  	v5 =	vld [tilespmem:$0x12000]  }
0x222: {  	v30 =	vld [tilespmem:$0x12110]  }
0x223: {  	v31 =	vld [tilespmem:$0x12010]  }
0x224: {  	v32 =	vld [tilespmem:$0x12120]  }
0x225: {  	v33 =	vld [tilespmem:$0x12020]  }
0x226: {  	v34 =	vld [tilespmem:$0x12130]  }
0x227: {  	v35 =	vld [tilespmem:$0x12030]  }
0x228: {  	v36 =	vld [tilespmem:$0x12140]  }
0x229: {  	v37 =	vld [tilespmem:$0x12040]  }
0x22a: {  	v38 =	vld [tilespmem:$0x12150]  }
0x22b: {  	v39 =	vld [tilespmem:$0x12050]  }
0x22c: {  	v40 =	vld [tilespmem:$0x12160]  }
0x22d: {  	v41 =	vld [tilespmem:$0x12170];
	v4 =	vadd.f32 v5, v4  }
0x22e: {  	v5 =	vld [tilespmem:$0x12060];
	v6 =	vadd.f32 v31, v30  }
0x22f: {  	v42 =	vld [tilespmem:$0x12070];
	[tilespmem:$0x12100] =	vst v4;
	v4 =	vadd.f32 v33, v32  }
0x230: {  	v43 =	vadd.f32 v35, v34;
	[tilespmem:$0x12110] =	vst v6  }
0x231: {  	[tilespmem:$0x12120] =	vst v4;
	v4 =	vadd.f32 v37, v36  }
0x232: {  	v44 =	vadd.f32 v39, v38;
	[tilespmem:$0x12130] =	vst v43  }
0x233: {  	[tilespmem:$0x12140] =	vst v4;
	v4 =	vadd.f32 v5, v40  }
0x234: {  	[tilespmem:$0x12150] =	vst v44;
	v5 =	vadd.f32 v42, v41  }
0x235: {  	[tilespmem:$0x12160] =	vst v4  }
0x236: {  	s2 =	rddreg [dreg:$0x14];
	[tilespmem:$0x12170] =	vst v5  }
0x237: {  	[tilespmem:s30], [sflag:$0x3] =	stream.linear.gather [spmem:s2], $0x80, $0x38;
	[tilespmem:$0x13380] =	vst v63  }
0x238: {  	_ =	swait.ge [sflag:s28], $0x80  }
0x239: {  	[sflag:s28] =	ssyncset.done $0x0  }
0x23a: {  	[sflag:s28] =	ssyncadd.s32 $0xFFFFFF80  }
0x23b: {  	v4 =	vld [tilespmem:$0x12100]  }
0x23c: {  	v5 =	vld [tilespmem:$0x12000]  }
0x23d: {  	v45 =	vld [tilespmem:$0x12110]  }
0x23e: {  	v46 =	vld [tilespmem:$0x12010]  }
0x23f: {  	v47 =	vld [tilespmem:$0x12120]  }
0x240: {  	v48 =	vld [tilespmem:$0x12020]  }
0x241: {  	v49 =	vld [tilespmem:$0x12130]  }
0x242: {  	v50 =	vld [tilespmem:$0x12030]  }
0x243: {  	v51 =	vld [tilespmem:$0x12140]  }
0x244: {  	v52 =	vld [tilespmem:$0x12040]  }
0x245: {  	v53 =	vld [tilespmem:$0x12150]  }
0x246: {  	v54 =	vld [tilespmem:$0x12050]  }
0x247: {  	v55 =	vld [tilespmem:$0x12160]  }
0x248: {  	v56 =	vld [tilespmem:$0x12170];
	v4 =	vadd.f32 v5, v4  }
0x249: {  	v5 =	vld [tilespmem:$0x12060];
	v6 =	vadd.f32 v46, v45  }
0x24a: {  	v57 =	vld [tilespmem:$0x12070];
	[tilespmem:$0x12100] =	vst v4;
	v4 =	vadd.f32 v48, v47  }
0x24b: {  	v58 =	vadd.f32 v50, v49;
	[tilespmem:$0x12110] =	vst v6  }
0x24c: {  	[tilespmem:$0x12120] =	vst v4;
	v4 =	vadd.f32 v52, v51  }
0x24d: {  	v59 =	vadd.f32 v54, v53;
	[tilespmem:$0x12130] =	vst v58  }
0x24e: {  	[tilespmem:$0x12140] =	vst v4;
	v4 =	vadd.f32 v5, v55  }
0x24f: {  	[tilespmem:$0x12150] =	vst v59;
	v5 =	vadd.f32 v57, v56  }
0x250: {  	[tilespmem:$0x12160] =	vst v4  }
0x251: {  	s4 =	rddreg [dreg:$0x15];
	[tilespmem:$0x12170] =	vst v5  }
0x252: {  	[tilespmem:s30], [sflag:$0x3] =	stream.linear.gather [spmem:s4], $0x80, $0x38;
	[tilespmem:$0x13380] =	vst v63  }
0x253: {  	_ =	swait.ge [sflag:s28], $0x80  }
0x254: {  	[sflag:s28] =	ssyncset.done $0x0  }
0x255: {  	[sflag:s28] =	ssyncadd.s32 $0xFFFFFF80  }
0x256: {  	v4 =	vld [tilespmem:$0x12100]  }
0x257: {  	v5 =	vld [tilespmem:$0x12000]  }
0x258: {  	v60 =	vld [tilespmem:$0x12110]  }
0x259: {  	v61 =	vld [tilespmem:$0x12010]  }
0x25a: {  	v62 =	vld [tilespmem:$0x12120]  }
0x25b: {  	v63 =	vld [tilespmem:$0x12020]  }
0x25c: {  	v20 =	vld [tilespmem:$0x12130]  }
0x25d: {  	v21 =	vld [tilespmem:$0x12030]  }
0x25e: {  	v22 =	vld [tilespmem:$0x12140]  }
0x25f: {  	v23 =	vld [tilespmem:$0x12040]  }
0x260: {  	v24 =	vld [tilespmem:$0x12150]  }
0x261: {  	v25 =	vld [tilespmem:$0x12050]  }
0x262: {  	v26 =	vld [tilespmem:$0x12160]  }
0x263: {  	v27 =	vld [tilespmem:$0x12170];
	v4 =	vadd.f32 v5, v4  }
0x264: {  	v5 =	vld [tilespmem:$0x12060];
	v6 =	vadd.f32 v61, v60  }
0x265: {  	v28 =	vld [tilespmem:$0x12070];
	[tilespmem:$0x12100] =	vst v4;
	v4 =	vadd.f32 v63, v62  }
0x266: {  	v29 =	vadd.f32 v21, v20;
	[tilespmem:$0x12110] =	vst v6  }
0x267: {  	[tilespmem:$0x12120] =	vst v4;
	v4 =	vadd.f32 v23, v22  }
0x268: {  	v30 =	vadd.f32 v25, v24;
	[tilespmem:$0x12130] =	vst v29  }
0x269: {  	[tilespmem:$0x12140] =	vst v4;
	v4 =	vadd.f32 v5, v26  }
0x26a: {  	[tilespmem:$0x12150] =	vst v30;
	v5 =	vadd.f32 v28, v27  }
0x26b: {  	[tilespmem:$0x12160] =	vst v4  }
0x26c: {  	s8 =	rddreg [dreg:$0x16];
	[tilespmem:$0x12170] =	vst v5  }
0x26d: {  	[tilespmem:s30], [sflag:$0x3] =	stream.linear.gather [spmem:s8], $0x80, $0x38;
	[tilespmem:$0x13380] =	vst v63  }
0x26e: {  	_ =	swait.ge [sflag:s28], $0x80  }
0x26f: {  	[sflag:s28] =	ssyncset.done $0x0  }
0x270: {  	[sflag:s28] =	ssyncadd.s32 $0xFFFFFF80  }
0x271: {  	v4 =	vld [tilespmem:$0x12100]  }
0x272: {  	v5 =	vld [tilespmem:$0x12000]  }
0x273: {  	v31 =	vld [tilespmem:$0x12110]  }
0x274: {  	v32 =	vld [tilespmem:$0x12010]  }
0x275: {  	v33 =	vld [tilespmem:$0x12120]  }
0x276: {  	v34 =	vld [tilespmem:$0x12020]  }
0x277: {  	v35 =	vld [tilespmem:$0x12130]  }
0x278: {  	v36 =	vld [tilespmem:$0x12030]  }
0x279: {  	v37 =	vld [tilespmem:$0x12140]  }
0x27a: {  	v38 =	vld [tilespmem:$0x12040]  }
0x27b: {  	v39 =	vld [tilespmem:$0x12150]  }
0x27c: {  	v40 =	vld [tilespmem:$0x12050]  }
0x27d: {  	v41 =	vld [tilespmem:$0x12160]  }
0x27e: {  	v42 =	vld [tilespmem:$0x12170];
	v4 =	vadd.f32 v5, v4  }
0x27f: {  	v5 =	vld [tilespmem:$0x12060];
	v6 =	vadd.f32 v32, v31  }
0x280: {  	v43 =	vld [tilespmem:$0x12070];
	[tilespmem:$0x12100] =	vst v4;
	v4 =	vadd.f32 v34, v33  }
0x281: {  	v44 =	vadd.f32 v36, v35;
	[tilespmem:$0x12110] =	vst v6  }
0x282: {  	[tilespmem:$0x12120] =	vst v4;
	v4 =	vadd.f32 v38, v37  }
0x283: {  	v45 =	vadd.f32 v40, v39;
	[tilespmem:$0x12130] =	vst v44  }
0x284: {  	[tilespmem:$0x12140] =	vst v4;
	v4 =	vadd.f32 v5, v41  }
0x285: {  	[tilespmem:$0x12150] =	vst v45;
	v5 =	vadd.f32 v43, v42  }
0x286: {  	[tilespmem:$0x12160] =	vst v4  }
0x287: {  	s11 =	rddreg [dreg:$0x17];
	[tilespmem:$0x12170] =	vst v5  }
0x288: {  	[tilespmem:s30], [sflag:$0x3] =	stream.linear.gather [spmem:s11], $0x80, $0x38;
	[tilespmem:$0x13380] =	vst v63  }
0x289: {  	_ =	swait.ge [sflag:s28], $0x80  }
0x28a: {  	[sflag:s28] =	ssyncset.done $0x0  }
0x28b: {  	[sflag:s28] =	ssyncadd.s32 $0xFFFFFF80  }
0x28c: {  	v4 =	vld [tilespmem:$0x12100]  }
0x28d: {  	v5 =	vld [tilespmem:$0x12000]  }
0x28e: {  	v46 =	vld [tilespmem:$0x12110]  }
0x28f: {  	v47 =	vld [tilespmem:$0x12010]  }
0x290: {  	v48 =	vld [tilespmem:$0x12120]  }
0x291: {  	v49 =	vld [tilespmem:$0x12020]  }
0x292: {  	v50 =	vld [tilespmem:$0x12130]  }
0x293: {  	v51 =	vld [tilespmem:$0x12030]  }
0x294: {  	v52 =	vld [tilespmem:$0x12140]  }
0x295: {  	v53 =	vld [tilespmem:$0x12040]  }
0x296: {  	v54 =	vld [tilespmem:$0x12150]  }
0x297: {  	v55 =	vld [tilespmem:$0x12050]  }
0x298: {  	v56 =	vld [tilespmem:$0x12160]  }
0x299: {  	v57 =	vld [tilespmem:$0x12170];
	v4 =	vadd.f32 v5, v4  }
0x29a: {  	v5 =	vld [tilespmem:$0x12060];
	v6 =	vadd.f32 v47, v46  }
0x29b: {  	v58 =	vld [tilespmem:$0x12070];
	[tilespmem:$0x12100] =	vst v4;
	v4 =	vadd.f32 v49, v48  }
0x29c: {  	v59 =	vadd.f32 v51, v50;
	[tilespmem:$0x12110] =	vst v6  }
0x29d: {  	[tilespmem:$0x12120] =	vst v4;
	v4 =	vadd.f32 v53, v52  }
0x29e: {  	v60 =	vadd.f32 v55, v54;
	[tilespmem:$0x12130] =	vst v59  }
0x29f: {  	[tilespmem:$0x12140] =	vst v4;
	v4 =	vadd.f32 v5, v56  }
0x2a0: {  	[tilespmem:$0x12150] =	vst v60;
	v5 =	vadd.f32 v58, v57  }
0x2a1: {  	[tilespmem:$0x12160] =	vst v4  }
0x2a2: {  	s12 =	rddreg [dreg:$0x11];
	[tilespmem:$0x12170] =	vst v5  }
0x2a3: {  	[spmem:s12] =	stream.linear.scatter [tilespmem:s29], [sflag:$0x3], $0x80, $0x38;
	[tilespmem:$0x13380] =	vst v63  }
0x2a4: {  	_ =	swait.ge [sflag:s28], $0x80  }
0x2a5: {  	[sflag:s28] =	ssyncset.done $0x0  }
0x2a6: {  	[sflag:s28] =	ssyncadd.s32 $0xFFFFFF80  }
0x2a7: {  	[bflag:$0x0] =	sbarrier.arrive $0xFFFF  }
0x2a8: {  	[tilespmem:s20], [sflag:$0x3] =	stream.linear.gather [spmem:s19], $0x800, $0x38;
	[tilespmem:$0x13380] =	vst v63  }
0x2a9: {  	_ =	swait.ge [sflag:s28], $0x800  }
0x2aa: {  	[sflag:s28] =	ssyncset.done $0x0  }
0x2ab: {  	s13 =	simm.s32 $0x117F0;
	[sflag:s28] =	ssyncadd.s32 $0xFFFFF800  }
0x2ac: {  	v4 =	vld [tilespmem:s13+$0x0]  }
0x2ad: {  	s14 =	simm.s32 $0x117E0  }
0x2ae: {  	v5 =	vld [tilespmem:s14+$0x0];
	_ =	sdelay $0x2  }
0x2af: {  	(xrf2) =	vadd.scan.msk.f32 $0xffff, v4;
	_ =	sdelay $0x1  }
0x2b0: {  	(xrf2) =	vadd.scan.msk.f32 $0xffff, v5;
	_ =	sdelay $0x6  }
0x2b1: {  	s15 =	simm.s32 $0x117D0  }
0x2b2: {  	v5 =	vld [tilespmem:s15+$0x0];
	v4, _, _ =	vpop (xrf2)  }
0x2b3: {  	(v2sf) =	vpush v4, $0xF  }
0x2b4: {  	s16 =	simm.s32 $0x117C0;
	v4, _, _ =	vpop (xrf2)  }
0x2b5: {  	s17 =	simm.s32 $0x117B0;
	(v2sf) =	vpush v4, $0xF;
	v4 =	vld [tilespmem:s16+$0x0]  }
0x2b6: {  	v61 =	vld [tilespmem:s17+$0x0]  }
0x2b7: {  	(xrf2) =	vadd.scan.msk.f32 $0xffff, v5;
	_ =	sdelay $0x2  }
0x2b8: {  	(xrf2) =	vadd.scan.msk.f32 $0xffff, v4  }
0x2b9: {  	(xrf2) =	vadd.scan.msk.f32 $0xffff, v61;
	_ =	sdelay $0x3  }
0x2ba: {  	s18 =	simm.s32 $0x117A0  }
0x2bb: {  	v4 =	vld [tilespmem:s18+$0x0]  }
0x2bc: {  	v62, _, _ =	vpop (xrf2)  }
0x2bd: {  	s21 =	spop (v2sf);
	(v2sf) =	vpush v62, $0xF;
	_ =	sdelay $0x1  }
0x2be: {  	v63, _, _ =	vpop (xrf2)  }
0x2bf: {  	s2 =	simm.s32 $0x11790;
	(xrf2) =	vadd.scan.msk.f32 $0xffff, v4;
	s14 =	spop (v2sf);
	(v2sf) =	vpush v63, $0xF;
	v4, _, _ =	vpop (xrf2)  }
0x2c0: {  	v5 =	vld [tilespmem:s2+$0x0];
	(v2sf) =	vpush v4, $0xF;
	_ =	sdelay $0x2  }
0x2c1: {  	p2 =	por $0x1, $0x1;
	s0 =	simm.s32 $0xFFFFFFFF;
	s1 =	simm.f32 $0.0e+00  }
0x2c2: {  	s11 =	simm.s32 $0x7B;
	s12 =	simm.s32 $0x7C;
	s4 =	sadd.f32 s21, s1  }
0x2c3: {  	s13 =	simm.s32 $0x7D;
	s17 =	simm.s32 $0x78;
	s15 =	simm.s32 $0xFFFFFFFF;
	(xrf2) =	vadd.scan.msk.f32 $0xffff, v5  }
0x2c4: {  	s2 =	simm.s32 $0x7E;
	p1 =	sge.f32 s4, $6.291450000e+05;
	s14 =	sadd.f32 s14, s4  }
0x2c5: {  	s16 =	simm.s32 $0x7F;
	s1 =	simm.s32 $0x7A;
	s4 =	simm.s32 $0x79  }
0x2c6: {  	s0 =	smov.u32 @p1 s16;
	s16 =	simm.s32 $0x11780;
	p1 =	sge.f32 s14, $6.291450000e+05  }
.LBB2_12:
0x2c7: {  	s15 =	smov.u32 @p2 s0  }
0x2c8: {  	v4 =	vld [tilespmem:s16+$0x0];
	p3 =	sne.s32 s17, $0x0;
	s0 =	smov.u32 s15  }
.Ltmp5:
0x2c9: {  	s18 =	spop (v2sf);
	s0 =	smov.u32 @p1 s2;
	(pc) =	sbr.rel @p3 .LBB2_12-.Ltmp5, $4  }
0x2ca: {  	s14 =	sadd.f32 s18, s14;
	s2 =	smov.u32 s13;
	s13 =	smov.u32 s12  }
0x2cb: {  	s12 =	smov.u32 s11;
	s11 =	smov.u32 s1;
	s1 =	smov.u32 s4;
	v5, _, _ =	vpop (xrf2)  }
0x2cc: {  	s16 =	sadd.s32 $0xFFFFFFF0, s16;
	s4 =	smov.u32 s17;
	p1 =	sge.f32 s14, $6.291450000e+05;
	(v2sf) =	vpush v5, $0xF  }
0x2cd: {  	p2 =	slt.s32 s15, $0x0;
	s17 =	sadd.s32 $0xFFFFFFFF, s17;
	(xrf2) =	vadd.scan.msk.f32 $0xffff, v4  }
0x2ce: {  	_ =	sdelay $0x5  }
0x2cf: {  	v4, _, _ =	vpop (xrf2)  }
0x2d0: {  	(v2sf) =	vpush v4, $0xF;
	_ =	sdelay $0x1  }
0x2d1: {  	v4, _, _ =	vpop (xrf2)  }
0x2d2: {  	(v2sf) =	vpush v4, $0xF;
	_ =	sdelay $0x2  }
0x2d3: {  	s16 =	spop (v2sf);
	s15 =	smov.u32 @p2 s0  }
0x2d4: {  	s21 =	sadd.f32 s16, s14;
	s16 =	smov.u32 s15  }
0x2d5: {  	s8 =	spop (v2sf);
	p2 =	slt.s32 s15, $0x0;
	s16 =	smov.u32 @p1 s2  }
0x2d6: {  	s2 =	simm.s32 $0x10080;
	p1 =	sge.f32 s21, $6.291450000e+05;
	s15 =	smov.u32 @p2 s16  }
0x2d7: {  	s0 =	sadd.f32 s8, s21;
	[tilespmem:s2+$0xFFFFFF80] =	vst v1;
	s14 =	smov.u32 s15  }
0x2d8: {  	[tilespmem:s2+$0x70] =	vst v1;
	p2 =	slt.s32 s15, $0x0;
	s14 =	smov.u32 @p1 s13  }
0x2d9: {  	[tilespmem:s2+$0x60] =	vst v1;
	p1 =	sge.f32 s0, $6.291450000e+05;
	s15 =	smov.u32 @p2 s14;
	s17 =	spop (v2sf)  }
0x2da: {  	[tilespmem:s2+$0x50] =	vst v1;
	s14 =	smov.u32 s15;
	s0 =	sadd.f32 s17, s0  }
0x2db: {  	[tilespmem:s2+$0x40] =	vst v1;
	p2 =	slt.s32 s15, $0x0;
	s14 =	smov.u32 @p1 s12  }
0x2dc: {  	[tilespmem:s2+$0x30] =	vst v1;
	s15 =	smov.u32 @p2 s14;
	p1 =	sge.f32 s0, $6.291450000e+05;
	s18 =	spop (v2sf)  }
0x2dd: {  	[tilespmem:s2+$0x20] =	vst v1;
	s12 =	smov.u32 s15;
	s0 =	sadd.f32 s18, s0  }
0x2de: {  	[tilespmem:s2+$0x10] =	vst v1;
	p2 =	slt.s32 s15, $0x0;
	s12 =	smov.u32 @p1 s11  }
0x2df: {  	[tilespmem:s2+$0x0] =	vst v1;
	p1 =	sge.f32 s0, $6.291450000e+05;
	s15 =	smov.u32 @p2 s12;
	s21 =	spop (v2sf)  }
0x2e0: {  	[tilespmem:s2+$0xFFFFFFF0] =	vst v1;
	s12 =	smov.u32 s15;
	s0 =	sadd.f32 s21, s0  }
0x2e1: {  	[tilespmem:s2+$0xFFFFFFE0] =	vst v1;
	s12 =	smov.u32 @p1 s1;
	p1 =	slt.s32 s15, $0x0  }
0x2e2: {  	[tilespmem:s2+$0xFFFFFFD0] =	vst v1;
	s15 =	smov.u32 @p1 s12;
	p2 =	sge.f32 s0, $6.291450000e+05  }
0x2e3: {  	[tilespmem:s2+$0xFFFFFFC0] =	vst v1;
	s0 =	smov.u32 s15  }
0x2e4: {  	[tilespmem:s2+$0xFFFFFFB0] =	vst v1;
	p1 =	slt.s32 s15, $0x0;
	s0 =	smov.u32 @p2 s4  }
0x2e5: {  	[tilespmem:s2+$0xFFFFFFA0] =	vst v1;
	s15 =	smov.u32 @p1 s0;
	s0 =	simm.s32 $0x0  }
.LBB2_14:
0x2e6: {  	s0 =	sadd.s32 $0x4, s0;
	[tilespmem:s2+$0xFFFFFF90] =	vst v1;
	s2 =	sadd.s32 $0x100, s2  }
0x2e7: {  	[tilespmem:s2+$0xFFFFFF80] =	vst v1;
	p1 =	slt.u32 s0, $0x3C  }
0x2e8: {  	[tilespmem:s2+$0x70] =	vst v1  }
0x2e9: {  	[tilespmem:s2+$0x60] =	vst v1  }
0x2ea: {  	[tilespmem:s2+$0x50] =	vst v1  }
0x2eb: {  	[tilespmem:s2+$0x40] =	vst v1  }
0x2ec: {  	[tilespmem:s2+$0x30] =	vst v1  }
0x2ed: {  	[tilespmem:s2+$0x20] =	vst v1  }
0x2ee: {  	[tilespmem:s2+$0x10] =	vst v1  }
0x2ef: {  	[tilespmem:s2+$0x0] =	vst v1  }
0x2f0: {  	[tilespmem:s2+$0xFFFFFFF0] =	vst v1  }
.Ltmp6:
0x2f1: {  	[tilespmem:s2+$0xFFFFFFE0] =	vst v1;
	(pc) =	sbr.rel @p1 .LBB2_14-.Ltmp6, $4  }
0x2f2: {  	[tilespmem:s2+$0xFFFFFFD0] =	vst v1  }
0x2f3: {  	[tilespmem:s2+$0xFFFFFFC0] =	vst v1  }
0x2f4: {  	[tilespmem:s2+$0xFFFFFFB0] =	vst v1  }
0x2f5: {  	[tilespmem:s2+$0xFFFFFFA0] =	vst v1  }
0x2f6: {  	[tilespmem:s2+$0xFFFFFF90] =	vst v1  }
0x2f7: {  	[tilespmem:s3], [sflag:$0x1] =	stream.linear.gather [hbm4b:s5+s3], $0x8000, $0x38;
	[tilespmem:$0x13380] =	vst v63  }
0x2f8: {  	_ = 	snop  }
0x2f9: {  	[tilespmem:s22], [sflag:$0x2] =	stream.linear.gather [hbm4b:s6+s3], $0x8000, $0x38;
	[tilespmem:$0x13380] =	vst v63  }
0x2fa: {  	_ =	swait.ge [sflag:s24], $0x8000  }
0x2fb: {  	[sflag:s24] =	ssyncset.done $0x0  }
0x2fc: {  	s0 =	scvt.s32.f32 s15;
	s1 =	simm.s32 $0x20;
	[sflag:s24] =	ssyncadd.s32 $0xFFFF8000  }
0x2fd: {  	v11 =	vld [tilespmem:s1+$0x10]  }
0x2fe: {  	s0 =	smul.f32 $1.250000000e-01, s0;
	v12 =	vld [tilespmem:s1+$0xFFFFFFF0]  }
0x2ff: {  	v5 =	vld [tilespmem:s1+$0x0]  }
0x300: {  	s0 =	sadd.f32 $0.0e+00, s0;
	v13 =	vld [tilespmem:s1+$0xFFFFFFE0];
	_ =	sdelay $0x1  }
0x301: {  	v4 =	vmov s0  }
0x302: {  	v6 =	vsub.f32 v11, v4  }
0x303: {  	v7 =	vsub.f32 v12, v4;
	v8 =	vsub.f32 v5, v4  }
0x304: {  	v9 =	vsub.f32 v13, v4;
	vm1 =	vge.f32 v13, v4;
	v6 =	vmul.f32 $1.024000000e+03, v6  }
0x305: {  	vm2 =	vge.f32 v12, v4;
	v7 =	vmul.f32 $1.024000000e+03, v7;
	v8 =	vmul.f32 $1.024000000e+03, v8  }
0x306: {  	vm0 =	vge.f32 v5, v4;
	v9 =	vmul.f32 $1.024000000e+03, v9;
	v6 =	vtrunc.f32 v6  }
0x307: {  	vm5 =	vge.f32 v11, v4;
	v7 =	vtrunc.f32 v7;
	v8 =	vtrunc.f32 v8  }
0x308: {  	vm1 =	vmmov vm1;
	v9 =	vtrunc.f32 v9;
	v6 =	vcvt.f32.s32 v6  }
0x309: {  	s21 =	simm.s32 $0x60;
	vm4 =	vmmov vm2;
	v14 =	vcvt.f32.s32 v9;
	v15 =	vcvt.f32.s32 v8  }
0x30a: {  	vm0 =	vmmov vm0;
	v10 =	vcvt.f32.s32 v7;
	v7 =	vld [tilespmem:s21+$0x10];
	vm3 =	vlt.s32 v6, $0x7F  }
0x30b: {  	v9 =	vld [tilespmem:s21+$0x0];
	vm2 =	vlt.s32 v14, $0x7F;
	vm6 =	vlt.s32 v15, $0x7F;
	v6 =	vnsel vm3, $0x7F, v6  }
0x30c: {  	vm3 =	vlt.s32 v10, $0x7F;
	v14 =	vnsel vm2, $0x7F, v14;
	v8 =	vshll.u32 v6, $0x4  }
0x30d: {  	v15 =	vnsel vm6, $0x7F, v15;
	v6 =	vld [tilespmem:s21+$0xFFFFFFF0];
	v10 =	vnsel vm3, $0x7F, v10;
	v16 =	vor.u32 v0, v8  }
0x30e: {  	v14 =	vshll.u32 v14, $0x4;
	v15 =	vshll.u32 v15, $0x4;
	v17 =	vadd.s32 v3, v8;
	v8 =	vld [tilespmem:s21+$0xFFFFFFE0]  }
0x30f: {  	v10 =	vshll.u32 v10, $0x4;
	v18 =	vor.u32 v0, v14;
	v19 =	vsub.f32 v7, v4  }
0x310: {  	v14 =	vadd.s32 v3, v14;
	v23 =	vor.u32 v0, v15;
	v62 =	vsub.f32 v9, v4  }
0x311: {  	vm2 =	vge.f32 v9, v4;
	v20 =	vor.u32 v0, v10;
	v19 =	vmul.f32 $1.024000000e+03, v19  }
0x312: {  	v21 =	vadd.s32 v3, v10;
	v22 =	vsub.f32 v6, v4;
	[tilespmem:v16+s25+$0x0] =	vst.idx.add.f32.msk vm5, v2  }
0x313: {  	v10 =	vadd.s32 v3, v15;
	v63 =	vtrunc.f32 v19;
	[tilespmem:v17+s25+$0x0] =	vst.idx.add.f32.msk vm5, v11;
	v11 =	vsub.f32 v8, v4  }
0x314: {  	vm3 =	vge.f32 v6, v4;
	v16 =	vmul.f32 $1.024000000e+03, v62;
	[tilespmem:v18+s25+$0x0] =	vst.idx.add.f32.msk vm1, v2;
	v15 =	vmul.f32 $1.024000000e+03, v22  }
0x315: {  	[tilespmem:v23+s25+$0x0] =	vst.idx.add.f32.msk vm0, v2;
	vm5 =	vge.f32 v8, v4;
	v17 =	vcvt.f32.s32 v63;
	v11 =	vmul.f32 $1.024000000e+03, v11  }
0x316: {  	[tilespmem:v14+s25+$0x0] =	vst.idx.add.f32.msk vm1, v13;
	v14 =	vtrunc.f32 v16;
	vm1 =	vmmov vm5;
	v13 =	vtrunc.f32 v15  }
0x317: {  	[tilespmem:v20+s25+$0x0] =	vst.idx.add.f32.msk vm4, v2;
	vm5 =	vlt.s32 v17, $0x7F;
	v15 =	vtrunc.f32 v11;
	v11 =	vcvt.f32.s32 v13  }
0x318: {  	s0 =	simm.s32 $0x4;
	s1 =	simm.s32 $0xA0;
	[tilespmem:v21+s25+$0x0] =	vst.idx.add.f32.msk vm4, v12;
	v12 =	vcvt.f32.s32 v14;
	v14 =	vnsel vm5, $0x7F, v17;
	v13 =	vcvt.f32.s32 v15  }
.LBB2_16:
0x319: {  	vm6 =	vlt.s32 v11, $0x7F  }
0x31a: {  	v15 =	vld [tilespmem:s1+$0x10];
	v14 =	vshll.u32 v14, $0x4;
	vm5 =	vge.f32 v7, v4;
	vm4 =	vmmov vm3  }
0x31b: {  	s0 =	sadd.s32 $0x4, s0;
	v16 =	vld [tilespmem:s1+$0xFFFFFFF0];
	vm3 =	vlt.s32 v13, $0x7F;
	vm7 =	vlt.s32 v12, $0x7F;
	v17 =	vor.u32 v0, v14  }
0x31c: {  	p1 =	slt.u32 s0, $0x7FC;
	v11 =	vnsel vm6, $0x7F, v11;
	v14 =	vadd.s32 v3, v14;
	v18 =	vld [tilespmem:s1+$0x0];
	v13 =	vnsel vm3, $0x7F, v13  }
0x31d: {  	v11 =	vshll.u32 v11, $0x4;
	v12 =	vnsel vm7, $0x7F, v12;
	v19 =	vld [tilespmem:s1+$0xFFFFFFE0];
	v13 =	vshll.u32 v13, $0x4  }
0x31e: {  	v12 =	vshll.u32 v12, $0x4;
	v20 =	vor.u32 v0, v13;
	v13 =	vadd.s32 v3, v13;
	[tilespmem:v10+s25+$0x0] =	vst.idx.add.f32.msk vm0, v5  }
0x31f: {  	v21 =	vor.u32 v0, v11;
	v22 =	vadd.s32 v3, v11;
	v5 =	vmovc v9;
	v10 =	vsub.f32 v15, v4  }
0x320: {  	v23 =	vor.u32 v0, v12;
	vm0 =	vmmov vm2;
	v24 =	vsub.f32 v16, v4;
	[tilespmem:v17+s25+$0x0] =	vst.idx.add.f32.msk vm5, v2  }
0x321: {  	v11 =	vsub.f32 v18, v4;
	v17 =	vmul.f32 $1.024000000e+03, v10;
	v10 =	vadd.s32 v3, v12;
	[tilespmem:v14+s25+$0x0] =	vst.idx.add.f32.msk vm5, v7  }
0x322: {  	v7 =	vmovc v15;
	v9 =	vmovc v18;
	v12 =	vsub.f32 v19, v4;
	vm5 =	vge.f32 v19, v4;
	v14 =	vmul.f32 $1.024000000e+03, v24  }
.Ltmp7:
0x323: {  	vm3 =	vge.f32 v16, v4;
	v11 =	vmul.f32 $1.024000000e+03, v11;
	v15 =	vtrunc.f32 v17;
	[tilespmem:v20+s25+$0x0] =	vst.idx.add.f32.msk vm1, v2;
	(pc) =	sbr.rel @p1 .LBB2_16-.Ltmp7, $4  }
0x324: {  	vm2 =	vge.f32 v9, v4;
	v12 =	vmul.f32 $1.024000000e+03, v12;
	v15 =	vcvt.f32.s32 v15;
	[tilespmem:v13+s25+$0x0] =	vst.idx.add.f32.msk vm1, v8;
	v8 =	vmovc v19  }
0x325: {  	v13 =	vtrunc.f32 v14;
	vm1 =	vmmov vm5;
	v14 =	vtrunc.f32 v11;
	[tilespmem:v21+s25+$0x0] =	vst.idx.add.f32.msk vm4, v2  }
0x326: {  	v11 =	vcvt.f32.s32 v13;
	v12 =	vtrunc.f32 v12;
	vm5 =	vlt.s32 v15, $0x7F;
	[tilespmem:v22+s25+$0x0] =	vst.idx.add.f32.msk vm4, v6;
	v6 =	vmovc v16  }
0x327: {  	s1 =	sadd.s32 $0x40, s1;
	v13 =	vcvt.f32.s32 v12;
	v12 =	vcvt.f32.s32 v14;
	v14 =	vnsel vm5, $0x7F, v15;
	[tilespmem:v23+s25+$0x0] =	vst.idx.add.f32.msk vm0, v2  }
0x328: {  	_ = 	snop  }
0x329: {  	v14 =	vshll.u32 v14, $0x4  }
0x32a: {  	vm4 =	vge.f32 v7, v4;
	vm14 =	vlt.s32 v11, $0x7F;
	vm3 =	vmmov vm3  }
0x32b: {  	vm5 =	vlt.s32 v13, $0x7F;
	v15 =	vor.u32 v0, v14;
	v11 =	vnsel vm14, $0x7F, v11  }
0x32c: {  	v14 =	vadd.s32 v3, v14;
	v13 =	vnsel vm5, $0x7F, v13;
	v11 =	vshll.u32 v11, $0x4  }
0x32d: {  	[tilespmem:v10+s25+$0x0] =	vst.idx.add.f32.msk vm0, v5;
	vm15 =	vlt.s32 v12, $0x7F;
	v13 =	vshll.u32 v13, $0x4;
	v5 =	vor.u32 v0, v11  }
0x32e: {  	v12 =	vnsel vm15, $0x7F, v12;
	v16 =	vor.u32 v0, v13  }
0x32f: {  	v10 =	vshll.u32 v12, $0x4;
	v11 =	vadd.s32 v3, v11  }
0x330: {  	v12 =	vor.u32 v0, v10;
	[tilespmem:v15+s25+$0x0] =	vst.idx.add.f32.msk vm4, v2  }
0x331: {  	v13 =	vadd.s32 v3, v13;
	[tilespmem:v14+s25+$0x0] =	vst.idx.add.f32.msk vm4, v7  }
0x332: {  	v7 =	vadd.s32 v3, v10;
	[tilespmem:v5+s25+$0x0] =	vst.idx.add.f32.msk vm3, v2  }
0x333: {  	[tilespmem:v16+s25+$0x0] =	vst.idx.add.f32.msk vm1, v2  }
0x334: {  	[tilespmem:v11+s25+$0x0] =	vst.idx.add.f32.msk vm3, v6  }
0x335: {  	[tilespmem:v12+s25+$0x0] =	vst.idx.add.f32.msk vm2, v2  }
0x336: {  	[tilespmem:v13+s25+$0x0] =	vst.idx.add.f32.msk vm1, v8  }
0x337: {  	s0 =	simm.s32 $0x0;
	[tilespmem:v7+s25+$0x0] =	vst.idx.add.f32.msk vm2, v9  }
0x338: {  	[tilespmem:s0], [sflag:$0x1] =	stream.linear.gather [hbm4b:s7+s0], $0x8000, $0x38;
	[tilespmem:$0x13380] =	vst v63  }
0x339: {  	_ =	swait.ge [sflag:s26], $0x8000  }
0x33a: {  	[sflag:s26] =	ssyncset.done $0x0  }
0x33b: {  	s1 =	simm.s32 $0x8030;
	[sflag:s26] =	ssyncadd.s32 $0xFFFF8000  }
0x33c: {  	v8 =	vld [tilespmem:s1+$0x0]  }
0x33d: {  	s2 =	sand.u32 $0x7FC0, s0;
	v5 =	vld [tilespmem:s1+$0xFFFFFFE0]  }
0x33e: {  	v7 =	vld [tilespmem:s2+$0x8000]  }
0x33f: {  	v6 =	vld [tilespmem:s1+$0xFFFFFFF0];
	_ =	sdelay $0x1  }
0x340: {  	v9 =	vsub.f32 v8, v4  }
0x341: {  	v10 =	vsub.f32 v5, v4  }
0x342: {  	v11 =	vsub.f32 v7, v4;
	v9 =	vmul.f32 $1.024000000e+03, v9  }
0x343: {  	vm0 =	vmmov vm2;
	v12 =	vsub.f32 v6, v4;
	v10 =	vmul.f32 $1.024000000e+03, v10  }
0x344: {  	vm0 =	vge.f32 v5, v4;
	v11 =	vmul.f32 $1.024000000e+03, v11;
	v9 =	vtrunc.f32 v9  }
0x345: {  	vm1 =	vge.f32 v6, v4;
	v12 =	vmul.f32 $1.024000000e+03, v12;
	v13 =	vcvt.f32.s32 v9  }
0x346: {  	vm0 =	vmmov vm0;
	v10 =	vtrunc.f32 v10;
	v9 =	vtrunc.f32 v11  }
0x347: {  	v11 =	vcvt.f32.s32 v9;
	v9 =	vtrunc.f32 v12;
	vm2 =	vlt.s32 v13, $0x7F  }
0x348: {  	s1 =	simm.s32 $0x0;
	s2 =	simm.s32 $0x8070;
	v10 =	vcvt.f32.s32 v10;
	v9 =	vcvt.f32.s32 v9;
	v12 =	vnsel vm2, $0x7F, v13  }
.LBB2_18:
0x349: {  	v13 =	vld [tilespmem:s2+$0x0];
	vm2 =	vlt.s32 v11, $0x7F;
	v12 =	vshll.u32 v12, $0x4;
	vm3 =	vge.f32 v8, v4;
	s0 =	sadd.s32 $0x40, s0  }
0x34a: {  	s4 =	sand.u32 $0x7FC0, s0;
	v14 =	vld [tilespmem:s2+$0xFFFFFFE0];
	v11 =	vnsel vm2, $0x7F, v11;
	vm2 =	vlt.s32 v10, $0x7F;
	v15 =	vor.u32 v0, v12  }
0x34b: {  	s1 =	sadd.s32 $0x4, s1;
	vm4 =	vge.f32 v7, v4;
	v12 =	vadd.s32 v3, v12;
	v16 =	vld [tilespmem:s4+$0x8000];
	v11 =	vshll.u32 v11, $0x4  }
0x34c: {  	p1 =	slt.u32 s1, $0x7FC;
	v10 =	vnsel vm2, $0x7F, v10;
	vm2 =	vlt.s32 v9, $0x7F;
	v17 =	vld [tilespmem:s2+$0xFFFFFFF0];
	v18 =	vor.u32 v0, v11  }
0x34d: {  	v11 =	vadd.s32 v3, v11;
	v10 =	vshll.u32 v10, $0x4;
	v9 =	vnsel vm2, $0x7F, v9  }
0x34e: {  	v20 =	vor.u32 v0, v10;
	v9 =	vshll.u32 v9, $0x4;
	v19 =	vsub.f32 v13, v4  }
0x34f: {  	vm2 =	vmmov vm1;
	v10 =	vadd.s32 v3, v10;
	v21 =	vsub.f32 v14, v4;
	[tilespmem:v15+s25+$0x0] =	vst.idx.add.f32.msk vm3, v2  }
0x350: {  	v22 =	vor.u32 v0, v9;
	v15 =	vsub.f32 v16, v4;
	v19 =	vmul.f32 $1.024000000e+03, v19;
	[tilespmem:v12+s25+$0x0] =	vst.idx.add.f32.msk vm3, v8  }
0x351: {  	v12 =	vmul.f32 $1.024000000e+03, v21;
	v21 =	vsub.f32 v17, v4;
	[tilespmem:v18+s25+$0x0] =	vst.idx.add.f32.msk vm4, v2;
	v18 =	vadd.s32 v3, v9  }
.Ltmp8:
0x352: {  	vm3 =	vge.f32 v14, v4;
	v8 =	vmovc v13;
	v9 =	vmul.f32 $1.024000000e+03, v15;
	v15 =	vtrunc.f32 v19;
	[tilespmem:v11+s25+$0x0] =	vst.idx.add.f32.msk vm4, v7;
	(pc) =	sbr.rel @p1 .LBB2_18-.Ltmp8, $4  }
0x353: {  	vm1 =	vge.f32 v17, v4;
	v7 =	vmovc v16;
	v13 =	vmul.f32 $1.024000000e+03, v21;
	v15 =	vcvt.f32.s32 v15;
	[tilespmem:v20+s25+$0x0] =	vst.idx.add.f32.msk vm0, v2  }
0x354: {  	v12 =	vtrunc.f32 v12;
	v9 =	vtrunc.f32 v9;
	[tilespmem:v10+s25+$0x0] =	vst.idx.add.f32.msk vm0, v5;
	v5 =	vmovc v14;
	vm0 =	vmmov vm3  }
0x355: {  	v11 =	vcvt.f32.s32 v9;
	v9 =	vtrunc.f32 v13;
	vm3 =	vlt.s32 v15, $0x7F;
	[tilespmem:v22+s25+$0x0] =	vst.idx.add.f32.msk vm2, v2  }
0x356: {  	s2 =	sadd.s32 $0x40, s2;
	v10 =	vcvt.f32.s32 v12;
	v9 =	vcvt.f32.s32 v9;
	v12 =	vnsel vm3, $0x7F, v15;
	[tilespmem:v18+s25+$0x0] =	vst.idx.add.f32.msk vm2, v6;
	v6 =	vmovc v17  }
0x357: {  	vm2 =	vlt.s32 v11, $0x7F;
	v12 =	vshll.u32 v12, $0x4;
	vm3 =	vge.f32 v8, v4  }
0x358: {  	vm4 =	vge.f32 v7, v4;
	v11 =	vnsel vm2, $0x7F, v11;
	v13 =	vor.u32 v0, v12  }
0x359: {  	vm2 =	vlt.s32 v10, $0x7F;
	v12 =	vadd.s32 v3, v12;
	v11 =	vshll.u32 v11, $0x4  }
0x35a: {  	v10 =	vnsel vm2, $0x7F, v10;
	v14 =	vor.u32 v0, v11  }
0x35b: {  	vm2 =	vlt.s32 v9, $0x7F;
	v11 =	vadd.s32 v3, v11;
	v10 =	vshll.u32 v10, $0x4  }
0x35c: {  	v9 =	vnsel vm2, $0x7F, v9;
	v15 =	vor.u32 v0, v10  }
0x35d: {  	vm1 =	vmmov vm1;
	v9 =	vshll.u32 v9, $0x4;
	v10 =	vadd.s32 v3, v10;
	[tilespmem:v13+s25+$0x0] =	vst.idx.add.f32.msk vm3, v2  }
0x35e: {  	v13 =	vor.u32 v0, v9;
	[tilespmem:v12+s25+$0x0] =	vst.idx.add.f32.msk vm3, v8  }
0x35f: {  	v8 =	vadd.s32 v3, v9;
	[tilespmem:v14+s25+$0x0] =	vst.idx.add.f32.msk vm4, v2  }
0x360: {  	[tilespmem:v11+s25+$0x0] =	vst.idx.add.f32.msk vm4, v7  }
0x361: {  	[tilespmem:v15+s25+$0x0] =	vst.idx.add.f32.msk vm0, v2  }
0x362: {  	[tilespmem:v10+s25+$0x0] =	vst.idx.add.f32.msk vm0, v5  }
0x363: {  	[tilespmem:v13+s25+$0x0] =	vst.idx.add.f32.msk vm1, v2  }
0x364: {  	[tilespmem:v8+s25+$0x0] =	vst.idx.add.f32.msk vm1, v6  }
0x365: {  	[tilespmem:s22], [sflag:$0x2] =	stream.linear.gather [hbm4b:s9+s3], $0x8000, $0x38;
	[tilespmem:$0x13380] =	vst v63  }
0x366: {  	_ =	swait.ge [sflag:s24], $0x8000  }
0x367: {  	[sflag:s24] =	ssyncset.done $0x0  }
0x368: {  	s0 =	simm.s32 $0x20;
	[sflag:s24] =	ssyncadd.s32 $0xFFFF8000  }
0x369: {  	v11 =	vld [tilespmem:s0+$0x10]  }
0x36a: {  	v12 =	vld [tilespmem:s0+$0xFFFFFFF0]  }
0x36b: {  	v5 =	vld [tilespmem:s0+$0x0]  }
0x36c: {  	v13 =	vld [tilespmem:s0+$0xFFFFFFE0];
	_ =	sdelay $0x2  }
0x36d: {  	v6 =	vsub.f32 v11, v4  }
0x36e: {  	v7 =	vsub.f32 v12, v4;
	v8 =	vsub.f32 v5, v4  }
0x36f: {  	v9 =	vsub.f32 v13, v4;
	vm1 =	vge.f32 v13, v4;
	v6 =	vmul.f32 $1.024000000e+03, v6  }
0x370: {  	vm2 =	vge.f32 v12, v4;
	v7 =	vmul.f32 $1.024000000e+03, v7;
	v8 =	vmul.f32 $1.024000000e+03, v8  }
0x371: {  	vm0 =	vge.f32 v5, v4;
	v9 =	vmul.f32 $1.024000000e+03, v9;
	v6 =	vtrunc.f32 v6  }
0x372: {  	vm5 =	vge.f32 v11, v4;
	v7 =	vtrunc.f32 v7;
	v8 =	vtrunc.f32 v8  }
0x373: {  	vm1 =	vmmov vm1;
	v9 =	vtrunc.f32 v9;
	v6 =	vcvt.f32.s32 v6  }
0x374: {  	s21 =	simm.s32 $0x60;
	vm4 =	vmmov vm2;
	v14 =	vcvt.f32.s32 v9;
	v15 =	vcvt.f32.s32 v8  }
0x375: {  	vm0 =	vmmov vm0;
	v10 =	vcvt.f32.s32 v7;
	v7 =	vld [tilespmem:s21+$0x10];
	vm3 =	vlt.s32 v6, $0x7F  }
0x376: {  	v9 =	vld [tilespmem:s21+$0x0];
	vm2 =	vlt.s32 v14, $0x7F;
	vm6 =	vlt.s32 v15, $0x7F;
	v6 =	vnsel vm3, $0x7F, v6  }
0x377: {  	vm3 =	vlt.s32 v10, $0x7F;
	v14 =	vnsel vm2, $0x7F, v14;
	v8 =	vshll.u32 v6, $0x4  }
0x378: {  	v15 =	vnsel vm6, $0x7F, v15;
	v6 =	vld [tilespmem:s21+$0xFFFFFFF0];
	v10 =	vnsel vm3, $0x7F, v10;
	v16 =	vor.u32 v0, v8  }
0x379: {  	v14 =	vshll.u32 v14, $0x4;
	v15 =	vshll.u32 v15, $0x4;
	v17 =	vadd.s32 v3, v8;
	v8 =	vld [tilespmem:s21+$0xFFFFFFE0]  }
0x37a: {  	v10 =	vshll.u32 v10, $0x4;
	v18 =	vor.u32 v0, v14;
	v19 =	vsub.f32 v7, v4  }
0x37b: {  	v14 =	vadd.s32 v3, v14;
	v23 =	vor.u32 v0, v15;
	v62 =	vsub.f32 v9, v4  }
0x37c: {  	vm2 =	vge.f32 v9, v4;
	v20 =	vor.u32 v0, v10;
	v19 =	vmul.f32 $1.024000000e+03, v19  }
0x37d: {  	v21 =	vadd.s32 v3, v10;
	v22 =	vsub.f32 v6, v4;
	[tilespmem:v16+s25+$0x0] =	vst.idx.add.f32.msk vm5, v2  }
0x37e: {  	v10 =	vadd.s32 v3, v15;
	v63 =	vtrunc.f32 v19;
	[tilespmem:v17+s25+$0x0] =	vst.idx.add.f32.msk vm5, v11;
	v11 =	vsub.f32 v8, v4  }
0x37f: {  	vm3 =	vge.f32 v6, v4;
	v16 =	vmul.f32 $1.024000000e+03, v62;
	[tilespmem:v18+s25+$0x0] =	vst.idx.add.f32.msk vm1, v2;
	v15 =	vmul.f32 $1.024000000e+03, v22  }
0x380: {  	[tilespmem:v23+s25+$0x0] =	vst.idx.add.f32.msk vm0, v2;
	vm5 =	vge.f32 v8, v4;
	v17 =	vcvt.f32.s32 v63;
	v11 =	vmul.f32 $1.024000000e+03, v11  }
0x381: {  	[tilespmem:v14+s25+$0x0] =	vst.idx.add.f32.msk vm1, v13;
	v14 =	vtrunc.f32 v16;
	vm1 =	vmmov vm5;
	v13 =	vtrunc.f32 v15  }
0x382: {  	[tilespmem:v20+s25+$0x0] =	vst.idx.add.f32.msk vm4, v2;
	vm5 =	vlt.s32 v17, $0x7F;
	v15 =	vtrunc.f32 v11;
	v11 =	vcvt.f32.s32 v13  }
0x383: {  	s1 =	simm.s32 $0xA0;
	s0 =	simm.s32 $0x4;
	[tilespmem:v21+s25+$0x0] =	vst.idx.add.f32.msk vm4, v12;
	v12 =	vcvt.f32.s32 v14;
	v14 =	vnsel vm5, $0x7F, v17;
	v13 =	vcvt.f32.s32 v15  }
.LBB2_20:
0x384: {  	vm6 =	vlt.s32 v11, $0x7F  }
0x385: {  	v15 =	vld [tilespmem:s1+$0x10];
	v14 =	vshll.u32 v14, $0x4;
	vm5 =	vge.f32 v7, v4;
	vm4 =	vmmov vm3  }
0x386: {  	s0 =	sadd.s32 $0x4, s0;
	v16 =	vld [tilespmem:s1+$0xFFFFFFF0];
	vm3 =	vlt.s32 v13, $0x7F;
	vm7 =	vlt.s32 v12, $0x7F;
	v17 =	vor.u32 v0, v14  }
0x387: {  	p1 =	slt.u32 s0, $0x7FC;
	v11 =	vnsel vm6, $0x7F, v11;
	v14 =	vadd.s32 v3, v14;
	v18 =	vld [tilespmem:s1+$0x0];
	v13 =	vnsel vm3, $0x7F, v13  }
0x388: {  	v11 =	vshll.u32 v11, $0x4;
	v12 =	vnsel vm7, $0x7F, v12;
	v19 =	vld [tilespmem:s1+$0xFFFFFFE0];
	v13 =	vshll.u32 v13, $0x4  }
0x389: {  	v12 =	vshll.u32 v12, $0x4;
	v20 =	vor.u32 v0, v13;
	v13 =	vadd.s32 v3, v13;
	[tilespmem:v10+s25+$0x0] =	vst.idx.add.f32.msk vm0, v5  }
0x38a: {  	v21 =	vor.u32 v0, v11;
	v22 =	vadd.s32 v3, v11;
	v5 =	vmovc v9;
	v10 =	vsub.f32 v15, v4  }
0x38b: {  	v23 =	vor.u32 v0, v12;
	vm0 =	vmmov vm2;
	v24 =	vsub.f32 v16, v4;
	[tilespmem:v17+s25+$0x0] =	vst.idx.add.f32.msk vm5, v2  }
0x38c: {  	v11 =	vsub.f32 v18, v4;
	v17 =	vmul.f32 $1.024000000e+03, v10;
	v10 =	vadd.s32 v3, v12;
	[tilespmem:v14+s25+$0x0] =	vst.idx.add.f32.msk vm5, v7  }
0x38d: {  	v7 =	vmovc v15;
	v9 =	vmovc v18;
	v12 =	vsub.f32 v19, v4;
	vm5 =	vge.f32 v19, v4;
	v14 =	vmul.f32 $1.024000000e+03, v24  }
.Ltmp9:
0x38e: {  	vm3 =	vge.f32 v16, v4;
	v11 =	vmul.f32 $1.024000000e+03, v11;
	v15 =	vtrunc.f32 v17;
	[tilespmem:v20+s25+$0x0] =	vst.idx.add.f32.msk vm1, v2;
	(pc) =	sbr.rel @p1 .LBB2_20-.Ltmp9, $4  }
0x38f: {  	vm2 =	vge.f32 v9, v4;
	v12 =	vmul.f32 $1.024000000e+03, v12;
	v15 =	vcvt.f32.s32 v15;
	[tilespmem:v13+s25+$0x0] =	vst.idx.add.f32.msk vm1, v8;
	v8 =	vmovc v19  }
0x390: {  	v13 =	vtrunc.f32 v14;
	vm1 =	vmmov vm5;
	v14 =	vtrunc.f32 v11;
	[tilespmem:v21+s25+$0x0] =	vst.idx.add.f32.msk vm4, v2  }
0x391: {  	v11 =	vcvt.f32.s32 v13;
	v12 =	vtrunc.f32 v12;
	vm5 =	vlt.s32 v15, $0x7F;
	[tilespmem:v22+s25+$0x0] =	vst.idx.add.f32.msk vm4, v6;
	v6 =	vmovc v16  }
0x392: {  	s1 =	sadd.s32 $0x40, s1;
	v13 =	vcvt.f32.s32 v12;
	v12 =	vcvt.f32.s32 v14;
	v14 =	vnsel vm5, $0x7F, v15;
	[tilespmem:v23+s25+$0x0] =	vst.idx.add.f32.msk vm0, v2  }
0x393: {  	_ = 	snop  }
0x394: {  	v14 =	vshll.u32 v14, $0x4  }
0x395: {  	vm4 =	vge.f32 v7, v4;
	vm14 =	vlt.s32 v11, $0x7F;
	vm3 =	vmmov vm3  }
0x396: {  	vm5 =	vlt.s32 v13, $0x7F;
	v15 =	vor.u32 v0, v14;
	v11 =	vnsel vm14, $0x7F, v11  }
0x397: {  	v14 =	vadd.s32 v3, v14;
	v13 =	vnsel vm5, $0x7F, v13;
	v11 =	vshll.u32 v11, $0x4  }
0x398: {  	[tilespmem:v10+s25+$0x0] =	vst.idx.add.f32.msk vm0, v5;
	vm15 =	vlt.s32 v12, $0x7F;
	v13 =	vshll.u32 v13, $0x4;
	v5 =	vor.u32 v0, v11  }
0x399: {  	v12 =	vnsel vm15, $0x7F, v12;
	v16 =	vor.u32 v0, v13  }
0x39a: {  	v10 =	vshll.u32 v12, $0x4;
	v11 =	vadd.s32 v3, v11  }
0x39b: {  	v12 =	vor.u32 v0, v10;
	[tilespmem:v15+s25+$0x0] =	vst.idx.add.f32.msk vm4, v2  }
0x39c: {  	v13 =	vadd.s32 v3, v13;
	[tilespmem:v14+s25+$0x0] =	vst.idx.add.f32.msk vm4, v7  }
0x39d: {  	v7 =	vadd.s32 v3, v10;
	[tilespmem:v5+s25+$0x0] =	vst.idx.add.f32.msk vm3, v2  }
0x39e: {  	[tilespmem:v16+s25+$0x0] =	vst.idx.add.f32.msk vm1, v2  }
0x39f: {  	[tilespmem:v11+s25+$0x0] =	vst.idx.add.f32.msk vm3, v6  }
0x3a0: {  	[tilespmem:v12+s25+$0x0] =	vst.idx.add.f32.msk vm2, v2  }
0x3a1: {  	[tilespmem:v13+s25+$0x0] =	vst.idx.add.f32.msk vm1, v8  }
0x3a2: {  	[tilespmem:v7+s25+$0x0] =	vst.idx.add.f32.msk vm2, v9  }
0x3a3: {  	_ =	swait.ge [sflag:s26], $0x8000  }
0x3a4: {  	[sflag:s26] =	ssyncset.done $0x0  }
0x3a5: {  	s1 =	simm.s32 $0x8030;
	[sflag:s26] =	ssyncadd.s32 $0xFFFF8000  }
0x3a6: {  	s0 =	simm.s32 $0x0;
	v8 =	vld [tilespmem:s1+$0x0]  }
0x3a7: {  	s2 =	sand.u32 $0x7FC0, s0;
	v5 =	vld [tilespmem:s1+$0xFFFFFFE0]  }
0x3a8: {  	v7 =	vld [tilespmem:s2+$0x8000]  }
0x3a9: {  	v6 =	vld [tilespmem:s1+$0xFFFFFFF0];
	_ =	sdelay $0x1  }
0x3aa: {  	v9 =	vsub.f32 v8, v4  }
0x3ab: {  	v10 =	vsub.f32 v5, v4  }
0x3ac: {  	v11 =	vsub.f32 v7, v4;
	v9 =	vmul.f32 $1.024000000e+03, v9  }
0x3ad: {  	vm0 =	vmmov vm2;
	v12 =	vsub.f32 v6, v4;
	v10 =	vmul.f32 $1.024000000e+03, v10  }
0x3ae: {  	vm0 =	vge.f32 v5, v4;
	v11 =	vmul.f32 $1.024000000e+03, v11;
	v9 =	vtrunc.f32 v9  }
0x3af: {  	vm1 =	vge.f32 v6, v4;
	v12 =	vmul.f32 $1.024000000e+03, v12;
	v13 =	vcvt.f32.s32 v9  }
0x3b0: {  	vm0 =	vmmov vm0;
	v10 =	vtrunc.f32 v10;
	v9 =	vtrunc.f32 v11  }
0x3b1: {  	v11 =	vcvt.f32.s32 v9;
	v9 =	vtrunc.f32 v12;
	vm2 =	vlt.s32 v13, $0x7F  }
0x3b2: {  	s1 =	simm.s32 $0x0;
	s2 =	simm.s32 $0x8070;
	v10 =	vcvt.f32.s32 v10;
	v9 =	vcvt.f32.s32 v9;
	v12 =	vnsel vm2, $0x7F, v13  }
.LBB2_22:
0x3b3: {  	v13 =	vld [tilespmem:s2+$0x0];
	vm2 =	vlt.s32 v11, $0x7F;
	v12 =	vshll.u32 v12, $0x4;
	vm3 =	vge.f32 v8, v4;
	s0 =	sadd.s32 $0x40, s0  }
0x3b4: {  	s4 =	sand.u32 $0x7FC0, s0;
	v14 =	vld [tilespmem:s2+$0xFFFFFFE0];
	v11 =	vnsel vm2, $0x7F, v11;
	vm2 =	vlt.s32 v10, $0x7F;
	v15 =	vor.u32 v0, v12  }
0x3b5: {  	s1 =	sadd.s32 $0x4, s1;
	vm4 =	vge.f32 v7, v4;
	v12 =	vadd.s32 v3, v12;
	v16 =	vld [tilespmem:s4+$0x8000];
	v11 =	vshll.u32 v11, $0x4  }
0x3b6: {  	p1 =	slt.u32 s1, $0x7FC;
	v10 =	vnsel vm2, $0x7F, v10;
	vm2 =	vlt.s32 v9, $0x7F;
	v17 =	vld [tilespmem:s2+$0xFFFFFFF0];
	v18 =	vor.u32 v0, v11  }
0x3b7: {  	v11 =	vadd.s32 v3, v11;
	v10 =	vshll.u32 v10, $0x4;
	v9 =	vnsel vm2, $0x7F, v9  }
0x3b8: {  	v20 =	vor.u32 v0, v10;
	v9 =	vshll.u32 v9, $0x4;
	v19 =	vsub.f32 v13, v4  }
0x3b9: {  	vm2 =	vmmov vm1;
	v10 =	vadd.s32 v3, v10;
	v21 =	vsub.f32 v14, v4;
	[tilespmem:v15+s25+$0x0] =	vst.idx.add.f32.msk vm3, v2  }
0x3ba: {  	v22 =	vor.u32 v0, v9;
	v15 =	vsub.f32 v16, v4;
	v19 =	vmul.f32 $1.024000000e+03, v19;
	[tilespmem:v12+s25+$0x0] =	vst.idx.add.f32.msk vm3, v8  }
0x3bb: {  	v12 =	vmul.f32 $1.024000000e+03, v21;
	v21 =	vsub.f32 v17, v4;
	[tilespmem:v18+s25+$0x0] =	vst.idx.add.f32.msk vm4, v2;
	v18 =	vadd.s32 v3, v9  }
.Ltmp10:
0x3bc: {  	vm3 =	vge.f32 v14, v4;
	v8 =	vmovc v13;
	v9 =	vmul.f32 $1.024000000e+03, v15;
	v15 =	vtrunc.f32 v19;
	[tilespmem:v11+s25+$0x0] =	vst.idx.add.f32.msk vm4, v7;
	(pc) =	sbr.rel @p1 .LBB2_22-.Ltmp10, $4  }
0x3bd: {  	vm1 =	vge.f32 v17, v4;
	v7 =	vmovc v16;
	v13 =	vmul.f32 $1.024000000e+03, v21;
	v15 =	vcvt.f32.s32 v15;
	[tilespmem:v20+s25+$0x0] =	vst.idx.add.f32.msk vm0, v2  }
0x3be: {  	v12 =	vtrunc.f32 v12;
	v9 =	vtrunc.f32 v9;
	[tilespmem:v10+s25+$0x0] =	vst.idx.add.f32.msk vm0, v5;
	v5 =	vmovc v14;
	vm0 =	vmmov vm3  }
0x3bf: {  	v11 =	vcvt.f32.s32 v9;
	v9 =	vtrunc.f32 v13;
	vm3 =	vlt.s32 v15, $0x7F;
	[tilespmem:v22+s25+$0x0] =	vst.idx.add.f32.msk vm2, v2  }
0x3c0: {  	s2 =	sadd.s32 $0x40, s2;
	v10 =	vcvt.f32.s32 v12;
	v9 =	vcvt.f32.s32 v9;
	v12 =	vnsel vm3, $0x7F, v15;
	[tilespmem:v18+s25+$0x0] =	vst.idx.add.f32.msk vm2, v6;
	v6 =	vmovc v17  }
0x3c1: {  	vm2 =	vlt.s32 v11, $0x7F;
	v12 =	vshll.u32 v12, $0x4;
	vm3 =	vge.f32 v8, v4  }
0x3c2: {  	vm4 =	vge.f32 v7, v4;
	v11 =	vnsel vm2, $0x7F, v11;
	v13 =	vor.u32 v0, v12  }
0x3c3: {  	vm14 =	vlt.s32 v10, $0x7F;
	v4 =	vadd.s32 v3, v12;
	v11 =	vshll.u32 v11, $0x4  }
0x3c4: {  	vm15 =	vlt.s32 v9, $0x7F;
	v10 =	vnsel vm14, $0x7F, v10;
	v36 =	vor.u32 v0, v11  }
0x3c5: {  	v9 =	vnsel vm15, $0x7F, v9;
	v11 =	vadd.s32 v3, v11;
	v10 =	vshll.u32 v10, $0x4  }
0x3c6: {  	vm1 =	vmmov vm1;
	v9 =	vshll.u32 v9, $0x4;
	v14 =	vor.u32 v0, v10  }
0x3c7: {  	v37 =	vor.u32 v0, v9;
	[tilespmem:v13+s25+$0x0] =	vst.idx.add.f32.msk vm3, v2  }
0x3c8: {  	v10 =	vadd.s32 v3, v10;
	[tilespmem:v4+s25+$0x0] =	vst.idx.add.f32.msk vm3, v8  }
0x3c9: {  	v4 =	vadd.s32 v3, v9;
	[tilespmem:v36+s25+$0x0] =	vst.idx.add.f32.msk vm4, v2  }
0x3ca: {  	[tilespmem:v11+s25+$0x0] =	vst.idx.add.f32.msk vm4, v7  }
0x3cb: {  	[tilespmem:v14+s25+$0x0] =	vst.idx.add.f32.msk vm0, v2  }
0x3cc: {  	[tilespmem:v37+s25+$0x0] =	vst.idx.add.f32.msk vm1, v2  }
0x3cd: {  	[tilespmem:v10+s25+$0x0] =	vst.idx.add.f32.msk vm0, v5  }
0x3ce: {  	[tilespmem:v4+s25+$0x0] =	vst.idx.add.f32.msk vm1, v6  }
0x3cf: {  	[spmem:s10] =	stream.linear.scatter [tilespmem:s25], [sflag:$0x3], $0x1000, $0x38;
	[tilespmem:$0x13380] =	vst v63  }
0x3d0: {  	_ =	swait.ge [sflag:s28], $0x1000  }
0x3d1: {  	[sflag:s28] =	ssyncset.done $0x0  }
0x3d2: {  	[sflag:s28] =	ssyncadd.s32 $0xFFFFF000  }
0x3d3: {  	[bflag:$0x0] =	sbarrier.arrive $0xFFFF  }
0x3d4: {  	[tilespmem:s29], [sflag:$0x3] =	stream.linear.gather [spmem:s23], $0x100, $0x38;
	[tilespmem:$0x13380] =	vst v63  }
0x3d5: {  	_ =	swait.ge [sflag:s28], $0x100  }
0x3d6: {  	[sflag:s28] =	ssyncset.done $0x0  }
0x3d7: {  	s0 =	rddreg [dreg:$0x18];
	[sflag:s28] =	ssyncadd.s32 $0xFFFFFF00  }
0x3d8: {  	[tilespmem:s30], [sflag:$0x3] =	stream.linear.gather [spmem:s0], $0x100, $0x38;
	[tilespmem:$0x13380] =	vst v63  }
0x3d9: {  	_ =	swait.ge [sflag:s28], $0x100  }
0x3da: {  	[sflag:s28] =	ssyncset.done $0x0  }
0x3db: {  	[sflag:s28] =	ssyncadd.s32 $0xFFFFFF00  }
0x3dc: {  	v4 =	vld [tilespmem:$0x12100]  }
0x3dd: {  	v5 =	vld [tilespmem:$0x12000]  }
0x3de: {  	v6 =	vld [tilespmem:$0x12110]  }
0x3df: {  	v7 =	vld [tilespmem:$0x12010]  }
0x3e0: {  	v38 =	vld [tilespmem:$0x12120]  }
0x3e1: {  	v39 =	vld [tilespmem:$0x12020]  }
0x3e2: {  	v40 =	vld [tilespmem:$0x12130]  }
0x3e3: {  	v41 =	vld [tilespmem:$0x12030]  }
0x3e4: {  	v42 =	vld [tilespmem:$0x12140]  }
0x3e5: {  	v43 =	vld [tilespmem:$0x12040]  }
0x3e6: {  	v44 =	vld [tilespmem:$0x12150]  }
0x3e7: {  	v15 =	vld [tilespmem:$0x12050]  }
0x3e8: {  	v16 =	vld [tilespmem:$0x12160]  }
0x3e9: {  	v17 =	vld [tilespmem:$0x12060]  }
0x3ea: {  	v18 =	vld [tilespmem:$0x12170]  }
0x3eb: {  	v19 =	vld [tilespmem:$0x12070]  }
0x3ec: {  	v20 =	vld [tilespmem:$0x12180]  }
0x3ed: {  	v21 =	vld [tilespmem:$0x12080]  }
0x3ee: {  	v22 =	vld [tilespmem:$0x12190]  }
0x3ef: {  	v23 =	vld [tilespmem:$0x12090]  }
0x3f0: {  	v24 =	vld [tilespmem:$0x121A0]  }
0x3f1: {  	v45 =	vld [tilespmem:$0x120B0];
	v4 =	vadd.f32 v5, v4  }
0x3f2: {  	v46 =	vld [tilespmem:$0x121C0];
	v6 =	vadd.f32 v7, v6  }
0x3f3: {  	v47 =	vld [tilespmem:$0x120C0];
	[tilespmem:$0x12100] =	vst v4;
	v4 =	vadd.f32 v39, v38  }
0x3f4: {  	v48 =	vld [tilespmem:$0x121D0];
	[tilespmem:$0x12110] =	vst v6;
	v6 =	vadd.f32 v41, v40  }
0x3f5: {  	v49 =	vld [tilespmem:$0x120D0];
	[tilespmem:$0x12120] =	vst v4;
	v4 =	vadd.f32 v43, v42  }
0x3f6: {  	v5 =	vld [tilespmem:$0x120A0];
	[tilespmem:$0x12130] =	vst v6;
	v6 =	vadd.f32 v15, v44  }
0x3f7: {  	v7 =	vld [tilespmem:$0x121B0];
	[tilespmem:$0x12140] =	vst v4;
	v4 =	vadd.f32 v17, v16  }
0x3f8: {  	v50 =	vld [tilespmem:$0x121E0];
	[tilespmem:$0x12150] =	vst v6;
	v6 =	vadd.f32 v19, v18  }
0x3f9: {  	v51 =	vld [tilespmem:$0x120E0];
	[tilespmem:$0x12160] =	vst v4;
	v4 =	vadd.f32 v21, v20  }
0x3fa: {  	v52 =	vld [tilespmem:$0x121F0];
	[tilespmem:$0x12170] =	vst v6;
	v6 =	vadd.f32 v23, v22  }
0x3fb: {  	[tilespmem:$0x12180] =	vst v4;
	v4 =	vadd.f32 v5, v24;
	v5 =	vld [tilespmem:$0x120F0]  }
0x3fc: {  	[tilespmem:$0x12190] =	vst v6;
	v6 =	vadd.f32 v45, v7  }
0x3fd: {  	[tilespmem:$0x121A0] =	vst v4;
	v4 =	vadd.f32 v47, v46  }
0x3fe: {  	[tilespmem:$0x121B0] =	vst v6;
	v6 =	vadd.f32 v49, v48  }
0x3ff: {  	[tilespmem:$0x121C0] =	vst v4;
	v4 =	vadd.f32 v51, v50  }
0x400: {  	[tilespmem:$0x121D0] =	vst v6;
	v5 =	vadd.f32 v5, v52  }
0x401: {  	[tilespmem:$0x121E0] =	vst v4  }
0x402: {  	s21 =	rddreg [dreg:$0x19];
	[tilespmem:$0x121F0] =	vst v5  }
0x403: {  	[tilespmem:s30], [sflag:$0x3] =	stream.linear.gather [spmem:s21], $0x100, $0x38;
	[tilespmem:$0x13380] =	vst v63  }
0x404: {  	_ =	swait.ge [sflag:s28], $0x100  }
0x405: {  	[sflag:s28] =	ssyncset.done $0x0  }
0x406: {  	[sflag:s28] =	ssyncadd.s32 $0xFFFFFF00  }
0x407: {  	v4 =	vld [tilespmem:$0x12100]  }
0x408: {  	v5 =	vld [tilespmem:$0x12000]  }
0x409: {  	v6 =	vld [tilespmem:$0x12110]  }
0x40a: {  	v7 =	vld [tilespmem:$0x12010]  }
0x40b: {  	v53 =	vld [tilespmem:$0x12120]  }
0x40c: {  	v54 =	vld [tilespmem:$0x12020]  }
0x40d: {  	v55 =	vld [tilespmem:$0x12130]  }
0x40e: {  	v56 =	vld [tilespmem:$0x12030]  }
0x40f: {  	v57 =	vld [tilespmem:$0x12140]  }
0x410: {  	v58 =	vld [tilespmem:$0x12040]  }
0x411: {  	v59 =	vld [tilespmem:$0x12150]  }
0x412: {  	v60 =	vld [tilespmem:$0x12050]  }
0x413: {  	v61 =	vld [tilespmem:$0x12160]  }
0x414: {  	v62 =	vld [tilespmem:$0x12060]  }
0x415: {  	v63 =	vld [tilespmem:$0x12170]  }
0x416: {  	v28 =	vld [tilespmem:$0x12070]  }
0x417: {  	v29 =	vld [tilespmem:$0x12180]  }
0x418: {  	v30 =	vld [tilespmem:$0x12080]  }
0x419: {  	v31 =	vld [tilespmem:$0x12190]  }
0x41a: {  	v32 =	vld [tilespmem:$0x12090]  }
0x41b: {  	v33 =	vld [tilespmem:$0x121A0]  }
0x41c: {  	v34 =	vld [tilespmem:$0x120B0];
	v4 =	vadd.f32 v5, v4  }
0x41d: {  	v35 =	vld [tilespmem:$0x121C0];
	v6 =	vadd.f32 v7, v6  }
0x41e: {  	v36 =	vld [tilespmem:$0x120C0];
	[tilespmem:$0x12100] =	vst v4;
	v4 =	vadd.f32 v54, v53  }
0x41f: {  	v37 =	vld [tilespmem:$0x121D0];
	[tilespmem:$0x12110] =	vst v6;
	v6 =	vadd.f32 v56, v55  }
0x420: {  	v38 =	vld [tilespmem:$0x120D0];
	[tilespmem:$0x12120] =	vst v4;
	v4 =	vadd.f32 v58, v57  }
0x421: {  	v5 =	vld [tilespmem:$0x120A0];
	[tilespmem:$0x12130] =	vst v6;
	v6 =	vadd.f32 v60, v59  }
0x422: {  	v7 =	vld [tilespmem:$0x121B0];
	[tilespmem:$0x12140] =	vst v4;
	v4 =	vadd.f32 v62, v61  }
0x423: {  	v39 =	vld [tilespmem:$0x121E0];
	[tilespmem:$0x12150] =	vst v6;
	v6 =	vadd.f32 v28, v63  }
0x424: {  	v40 =	vld [tilespmem:$0x120E0];
	[tilespmem:$0x12160] =	vst v4;
	v4 =	vadd.f32 v30, v29  }
0x425: {  	v41 =	vld [tilespmem:$0x121F0];
	[tilespmem:$0x12170] =	vst v6;
	v6 =	vadd.f32 v32, v31  }
0x426: {  	[tilespmem:$0x12180] =	vst v4;
	v4 =	vadd.f32 v5, v33;
	v5 =	vld [tilespmem:$0x120F0]  }
0x427: {  	[tilespmem:$0x12190] =	vst v6;
	v6 =	vadd.f32 v34, v7  }
0x428: {  	[tilespmem:$0x121A0] =	vst v4;
	v4 =	vadd.f32 v36, v35  }
0x429: {  	[tilespmem:$0x121B0] =	vst v6;
	v6 =	vadd.f32 v38, v37  }
0x42a: {  	[tilespmem:$0x121C0] =	vst v4;
	v4 =	vadd.f32 v40, v39  }
0x42b: {  	[tilespmem:$0x121D0] =	vst v6;
	v5 =	vadd.f32 v5, v41  }
0x42c: {  	[tilespmem:$0x121E0] =	vst v4  }
0x42d: {  	s1 =	rddreg [dreg:$0x1a];
	[tilespmem:$0x121F0] =	vst v5  }
0x42e: {  	[tilespmem:s30], [sflag:$0x3] =	stream.linear.gather [spmem:s1], $0x100, $0x38;
	[tilespmem:$0x13380] =	vst v63  }
0x42f: {  	_ =	swait.ge [sflag:s28], $0x100  }
0x430: {  	[sflag:s28] =	ssyncset.done $0x0  }
0x431: {  	[sflag:s28] =	ssyncadd.s32 $0xFFFFFF00  }
0x432: {  	v4 =	vld [tilespmem:$0x12100]  }
0x433: {  	v5 =	vld [tilespmem:$0x12000]  }
0x434: {  	v6 =	vld [tilespmem:$0x12110]  }
0x435: {  	v7 =	vld [tilespmem:$0x12010]  }
0x436: {  	v42 =	vld [tilespmem:$0x12120]  }
0x437: {  	v43 =	vld [tilespmem:$0x12020]  }
0x438: {  	v44 =	vld [tilespmem:$0x12130]  }
0x439: {  	v45 =	vld [tilespmem:$0x12030]  }
0x43a: {  	v46 =	vld [tilespmem:$0x12140]  }
0x43b: {  	v47 =	vld [tilespmem:$0x12040]  }
0x43c: {  	v48 =	vld [tilespmem:$0x12150]  }
0x43d: {  	v49 =	vld [tilespmem:$0x12050]  }
0x43e: {  	v50 =	vld [tilespmem:$0x12160]  }
0x43f: {  	v51 =	vld [tilespmem:$0x12060]  }
0x440: {  	v52 =	vld [tilespmem:$0x12170]  }
0x441: {  	v53 =	vld [tilespmem:$0x12070]  }
0x442: {  	v54 =	vld [tilespmem:$0x12180]  }
0x443: {  	v55 =	vld [tilespmem:$0x12080]  }
0x444: {  	v56 =	vld [tilespmem:$0x12190]  }
0x445: {  	v57 =	vld [tilespmem:$0x12090]  }
0x446: {  	v58 =	vld [tilespmem:$0x121A0]  }
0x447: {  	v59 =	vld [tilespmem:$0x120B0];
	v4 =	vadd.f32 v5, v4  }
0x448: {  	v60 =	vld [tilespmem:$0x121C0];
	v6 =	vadd.f32 v7, v6  }
0x449: {  	v61 =	vld [tilespmem:$0x120C0];
	[tilespmem:$0x12100] =	vst v4;
	v4 =	vadd.f32 v43, v42  }
0x44a: {  	v62 =	vld [tilespmem:$0x121D0];
	[tilespmem:$0x12110] =	vst v6;
	v6 =	vadd.f32 v45, v44  }
0x44b: {  	v63 =	vld [tilespmem:$0x120D0];
	[tilespmem:$0x12120] =	vst v4;
	v4 =	vadd.f32 v47, v46  }
0x44c: {  	v5 =	vld [tilespmem:$0x120A0];
	[tilespmem:$0x12130] =	vst v6;
	v6 =	vadd.f32 v49, v48  }
0x44d: {  	v7 =	vld [tilespmem:$0x121B0];
	[tilespmem:$0x12140] =	vst v4;
	v4 =	vadd.f32 v51, v50  }
0x44e: {  	v25 =	vld [tilespmem:$0x121E0];
	[tilespmem:$0x12150] =	vst v6;
	v6 =	vadd.f32 v53, v52  }
0x44f: {  	v26 =	vld [tilespmem:$0x120E0];
	[tilespmem:$0x12160] =	vst v4;
	v4 =	vadd.f32 v55, v54  }
0x450: {  	v27 =	vld [tilespmem:$0x121F0];
	[tilespmem:$0x12170] =	vst v6;
	v6 =	vadd.f32 v57, v56  }
0x451: {  	[tilespmem:$0x12180] =	vst v4;
	v4 =	vadd.f32 v5, v58;
	v5 =	vld [tilespmem:$0x120F0]  }
0x452: {  	[tilespmem:$0x12190] =	vst v6;
	v6 =	vadd.f32 v59, v7  }
0x453: {  	[tilespmem:$0x121A0] =	vst v4;
	v4 =	vadd.f32 v61, v60  }
0x454: {  	[tilespmem:$0x121B0] =	vst v6;
	v6 =	vadd.f32 v63, v62  }
0x455: {  	[tilespmem:$0x121C0] =	vst v4;
	v4 =	vadd.f32 v26, v25  }
0x456: {  	[tilespmem:$0x121D0] =	vst v6;
	v5 =	vadd.f32 v5, v27  }
0x457: {  	[tilespmem:$0x121E0] =	vst v4  }
0x458: {  	s2 =	rddreg [dreg:$0x1b];
	[tilespmem:$0x121F0] =	vst v5  }
0x459: {  	[tilespmem:s30], [sflag:$0x3] =	stream.linear.gather [spmem:s2], $0x100, $0x38;
	[tilespmem:$0x13380] =	vst v63  }
0x45a: {  	_ =	swait.ge [sflag:s28], $0x100  }
0x45b: {  	[sflag:s28] =	ssyncset.done $0x0  }
0x45c: {  	[sflag:s28] =	ssyncadd.s32 $0xFFFFFF00  }
0x45d: {  	v4 =	vld [tilespmem:$0x12100]  }
0x45e: {  	v5 =	vld [tilespmem:$0x12000]  }
0x45f: {  	v6 =	vld [tilespmem:$0x12110]  }
0x460: {  	v7 =	vld [tilespmem:$0x12010]  }
0x461: {  	v28 =	vld [tilespmem:$0x12120]  }
0x462: {  	v29 =	vld [tilespmem:$0x12020]  }
0x463: {  	v30 =	vld [tilespmem:$0x12130]  }
0x464: {  	v31 =	vld [tilespmem:$0x12030]  }
0x465: {  	v32 =	vld [tilespmem:$0x12140]  }
0x466: {  	v33 =	vld [tilespmem:$0x12040]  }
0x467: {  	v34 =	vld [tilespmem:$0x12150]  }
0x468: {  	v35 =	vld [tilespmem:$0x12050]  }
0x469: {  	v36 =	vld [tilespmem:$0x12160]  }
0x46a: {  	v37 =	vld [tilespmem:$0x12060]  }
0x46b: {  	v38 =	vld [tilespmem:$0x12170]  }
0x46c: {  	v39 =	vld [tilespmem:$0x12070]  }
0x46d: {  	v40 =	vld [tilespmem:$0x12180]  }
0x46e: {  	v41 =	vld [tilespmem:$0x12080]  }
0x46f: {  	v42 =	vld [tilespmem:$0x12190]  }
0x470: {  	v43 =	vld [tilespmem:$0x12090]  }
0x471: {  	v44 =	vld [tilespmem:$0x121A0]  }
0x472: {  	v45 =	vld [tilespmem:$0x120B0];
	v4 =	vadd.f32 v5, v4  }
0x473: {  	v46 =	vld [tilespmem:$0x121C0];
	v6 =	vadd.f32 v7, v6  }
0x474: {  	v47 =	vld [tilespmem:$0x120C0];
	[tilespmem:$0x12100] =	vst v4;
	v4 =	vadd.f32 v29, v28  }
0x475: {  	v48 =	vld [tilespmem:$0x121D0];
	[tilespmem:$0x12110] =	vst v6;
	v6 =	vadd.f32 v31, v30  }
0x476: {  	v49 =	vld [tilespmem:$0x120D0];
	[tilespmem:$0x12120] =	vst v4;
	v4 =	vadd.f32 v33, v32  }
0x477: {  	v5 =	vld [tilespmem:$0x120A0];
	[tilespmem:$0x12130] =	vst v6;
	v6 =	vadd.f32 v35, v34  }
0x478: {  	v7 =	vld [tilespmem:$0x121B0];
	[tilespmem:$0x12140] =	vst v4;
	v4 =	vadd.f32 v37, v36  }
0x479: {  	v50 =	vld [tilespmem:$0x121E0];
	[tilespmem:$0x12150] =	vst v6;
	v6 =	vadd.f32 v39, v38  }
0x47a: {  	v51 =	vld [tilespmem:$0x120E0];
	[tilespmem:$0x12160] =	vst v4;
	v4 =	vadd.f32 v41, v40  }
0x47b: {  	v52 =	vld [tilespmem:$0x121F0];
	[tilespmem:$0x12170] =	vst v6;
	v6 =	vadd.f32 v43, v42  }
0x47c: {  	[tilespmem:$0x12180] =	vst v4;
	v4 =	vadd.f32 v5, v44;
	v5 =	vld [tilespmem:$0x120F0]  }
0x47d: {  	[tilespmem:$0x12190] =	vst v6;
	v6 =	vadd.f32 v45, v7  }
0x47e: {  	[tilespmem:$0x121A0] =	vst v4;
	v4 =	vadd.f32 v47, v46  }
0x47f: {  	[tilespmem:$0x121B0] =	vst v6;
	v6 =	vadd.f32 v49, v48  }
0x480: {  	[tilespmem:$0x121C0] =	vst v4;
	v4 =	vadd.f32 v51, v50  }
0x481: {  	[tilespmem:$0x121D0] =	vst v6;
	v5 =	vadd.f32 v5, v52  }
0x482: {  	[tilespmem:$0x121E0] =	vst v4  }
0x483: {  	s4 =	rddreg [dreg:$0x1c];
	[tilespmem:$0x121F0] =	vst v5  }
0x484: {  	[tilespmem:s30], [sflag:$0x3] =	stream.linear.gather [spmem:s4], $0x100, $0x38;
	[tilespmem:$0x13380] =	vst v63  }
0x485: {  	_ =	swait.ge [sflag:s28], $0x100  }
0x486: {  	[sflag:s28] =	ssyncset.done $0x0  }
0x487: {  	[sflag:s28] =	ssyncadd.s32 $0xFFFFFF00  }
0x488: {  	v4 =	vld [tilespmem:$0x12100]  }
0x489: {  	v5 =	vld [tilespmem:$0x12000]  }
0x48a: {  	v6 =	vld [tilespmem:$0x12110]  }
0x48b: {  	v7 =	vld [tilespmem:$0x12010]  }
0x48c: {  	v53 =	vld [tilespmem:$0x12120]  }
0x48d: {  	v54 =	vld [tilespmem:$0x12020]  }
0x48e: {  	v55 =	vld [tilespmem:$0x12130]  }
0x48f: {  	v56 =	vld [tilespmem:$0x12030]  }
0x490: {  	v57 =	vld [tilespmem:$0x12140]  }
0x491: {  	v58 =	vld [tilespmem:$0x12040]  }
0x492: {  	v59 =	vld [tilespmem:$0x12150]  }
0x493: {  	v60 =	vld [tilespmem:$0x12050]  }
0x494: {  	v61 =	vld [tilespmem:$0x12160]  }
0x495: {  	v62 =	vld [tilespmem:$0x12060]  }
0x496: {  	v63 =	vld [tilespmem:$0x12170]  }
0x497: {  	v28 =	vld [tilespmem:$0x12070]  }
0x498: {  	v29 =	vld [tilespmem:$0x12180]  }
0x499: {  	v30 =	vld [tilespmem:$0x12080]  }
0x49a: {  	v31 =	vld [tilespmem:$0x12190]  }
0x49b: {  	v32 =	vld [tilespmem:$0x12090]  }
0x49c: {  	v33 =	vld [tilespmem:$0x121A0]  }
0x49d: {  	v34 =	vld [tilespmem:$0x120B0];
	v4 =	vadd.f32 v5, v4  }
0x49e: {  	v35 =	vld [tilespmem:$0x121C0];
	v6 =	vadd.f32 v7, v6  }
0x49f: {  	v36 =	vld [tilespmem:$0x120C0];
	[tilespmem:$0x12100] =	vst v4;
	v4 =	vadd.f32 v54, v53  }
0x4a0: {  	v37 =	vld [tilespmem:$0x121D0];
	[tilespmem:$0x12110] =	vst v6;
	v6 =	vadd.f32 v56, v55  }
0x4a1: {  	v38 =	vld [tilespmem:$0x120D0];
	[tilespmem:$0x12120] =	vst v4;
	v4 =	vadd.f32 v58, v57  }
0x4a2: {  	v5 =	vld [tilespmem:$0x120A0];
	[tilespmem:$0x12130] =	vst v6;
	v6 =	vadd.f32 v60, v59  }
0x4a3: {  	v7 =	vld [tilespmem:$0x121B0];
	[tilespmem:$0x12140] =	vst v4;
	v4 =	vadd.f32 v62, v61  }
0x4a4: {  	v39 =	vld [tilespmem:$0x121E0];
	[tilespmem:$0x12150] =	vst v6;
	v6 =	vadd.f32 v28, v63  }
0x4a5: {  	v40 =	vld [tilespmem:$0x120E0];
	[tilespmem:$0x12160] =	vst v4;
	v4 =	vadd.f32 v30, v29  }
0x4a6: {  	v41 =	vld [tilespmem:$0x121F0];
	[tilespmem:$0x12170] =	vst v6;
	v6 =	vadd.f32 v32, v31  }
0x4a7: {  	[tilespmem:$0x12180] =	vst v4;
	v4 =	vadd.f32 v5, v33;
	v5 =	vld [tilespmem:$0x120F0]  }
0x4a8: {  	[tilespmem:$0x12190] =	vst v6;
	v6 =	vadd.f32 v34, v7  }
0x4a9: {  	[tilespmem:$0x121A0] =	vst v4;
	v4 =	vadd.f32 v36, v35  }
0x4aa: {  	[tilespmem:$0x121B0] =	vst v6;
	v6 =	vadd.f32 v38, v37  }
0x4ab: {  	[tilespmem:$0x121C0] =	vst v4;
	v4 =	vadd.f32 v40, v39  }
0x4ac: {  	[tilespmem:$0x121D0] =	vst v6;
	v5 =	vadd.f32 v5, v41  }
0x4ad: {  	[tilespmem:$0x121E0] =	vst v4  }
0x4ae: {  	s8 =	rddreg [dreg:$0x1d];
	[tilespmem:$0x121F0] =	vst v5  }
0x4af: {  	[tilespmem:s30], [sflag:$0x3] =	stream.linear.gather [spmem:s8], $0x100, $0x38;
	[tilespmem:$0x13380] =	vst v63  }
0x4b0: {  	_ =	swait.ge [sflag:s28], $0x100  }
0x4b1: {  	[sflag:s28] =	ssyncset.done $0x0  }
0x4b2: {  	[sflag:s28] =	ssyncadd.s32 $0xFFFFFF00  }
0x4b3: {  	v4 =	vld [tilespmem:$0x12100]  }
0x4b4: {  	v5 =	vld [tilespmem:$0x12000]  }
0x4b5: {  	v6 =	vld [tilespmem:$0x12110]  }
0x4b6: {  	v7 =	vld [tilespmem:$0x12010]  }
0x4b7: {  	v42 =	vld [tilespmem:$0x12120]  }
0x4b8: {  	v43 =	vld [tilespmem:$0x12020]  }
0x4b9: {  	v44 =	vld [tilespmem:$0x12130]  }
0x4ba: {  	v45 =	vld [tilespmem:$0x12030]  }
0x4bb: {  	v46 =	vld [tilespmem:$0x12140]  }
0x4bc: {  	v47 =	vld [tilespmem:$0x12040]  }
0x4bd: {  	v48 =	vld [tilespmem:$0x12150]  }
0x4be: {  	v49 =	vld [tilespmem:$0x12050]  }
0x4bf: {  	v50 =	vld [tilespmem:$0x12160]  }
0x4c0: {  	v51 =	vld [tilespmem:$0x12060]  }
0x4c1: {  	v52 =	vld [tilespmem:$0x12170]  }
0x4c2: {  	v53 =	vld [tilespmem:$0x12070]  }
0x4c3: {  	v54 =	vld [tilespmem:$0x12180]  }
0x4c4: {  	v55 =	vld [tilespmem:$0x12080]  }
0x4c5: {  	v56 =	vld [tilespmem:$0x12190]  }
0x4c6: {  	v57 =	vld [tilespmem:$0x12090]  }
0x4c7: {  	v58 =	vld [tilespmem:$0x121A0]  }
0x4c8: {  	v59 =	vld [tilespmem:$0x120B0];
	v4 =	vadd.f32 v5, v4  }
0x4c9: {  	v60 =	vld [tilespmem:$0x121C0];
	v6 =	vadd.f32 v7, v6  }
0x4ca: {  	v61 =	vld [tilespmem:$0x120C0];
	[tilespmem:$0x12100] =	vst v4;
	v4 =	vadd.f32 v43, v42  }
0x4cb: {  	v62 =	vld [tilespmem:$0x121D0];
	[tilespmem:$0x12110] =	vst v6;
	v6 =	vadd.f32 v45, v44  }
0x4cc: {  	v63 =	vld [tilespmem:$0x120D0];
	[tilespmem:$0x12120] =	vst v4;
	v4 =	vadd.f32 v47, v46  }
0x4cd: {  	v5 =	vld [tilespmem:$0x120A0];
	[tilespmem:$0x12130] =	vst v6;
	v6 =	vadd.f32 v49, v48  }
0x4ce: {  	v7 =	vld [tilespmem:$0x121B0];
	[tilespmem:$0x12140] =	vst v4;
	v4 =	vadd.f32 v51, v50  }
0x4cf: {  	v19 =	vld [tilespmem:$0x121E0];
	[tilespmem:$0x12150] =	vst v6;
	v6 =	vadd.f32 v53, v52  }
0x4d0: {  	v21 =	vld [tilespmem:$0x120E0];
	[tilespmem:$0x12160] =	vst v4;
	v4 =	vadd.f32 v55, v54  }
0x4d1: {  	v23 =	vld [tilespmem:$0x121F0];
	[tilespmem:$0x12170] =	vst v6;
	v6 =	vadd.f32 v57, v56  }
0x4d2: {  	[tilespmem:$0x12180] =	vst v4;
	v4 =	vadd.f32 v5, v58;
	v5 =	vld [tilespmem:$0x120F0]  }
0x4d3: {  	[tilespmem:$0x12190] =	vst v6;
	v6 =	vadd.f32 v59, v7  }
0x4d4: {  	[tilespmem:$0x121A0] =	vst v4;
	v4 =	vadd.f32 v61, v60  }
0x4d5: {  	[tilespmem:$0x121B0] =	vst v6;
	v6 =	vadd.f32 v63, v62  }
0x4d6: {  	[tilespmem:$0x121C0] =	vst v4;
	v4 =	vadd.f32 v21, v19  }
0x4d7: {  	[tilespmem:$0x121D0] =	vst v6;
	v5 =	vadd.f32 v5, v23  }
0x4d8: {  	[tilespmem:$0x121E0] =	vst v4  }
0x4d9: {  	s11 =	rddreg [dreg:$0x1e];
	[tilespmem:$0x121F0] =	vst v5  }
0x4da: {  	[tilespmem:s30], [sflag:$0x3] =	stream.linear.gather [spmem:s11], $0x100, $0x38;
	[tilespmem:$0x13380] =	vst v63  }
0x4db: {  	_ =	swait.ge [sflag:s28], $0x100  }
0x4dc: {  	[sflag:s28] =	ssyncset.done $0x0  }
0x4dd: {  	[sflag:s28] =	ssyncadd.s32 $0xFFFFFF00  }
0x4de: {  	v4 =	vld [tilespmem:$0x12100]  }
0x4df: {  	v5 =	vld [tilespmem:$0x12000]  }
0x4e0: {  	v6 =	vld [tilespmem:$0x12110]  }
0x4e1: {  	v7 =	vld [tilespmem:$0x12010]  }
0x4e2: {  	v25 =	vld [tilespmem:$0x12120]  }
0x4e3: {  	v26 =	vld [tilespmem:$0x12020]  }
0x4e4: {  	v27 =	vld [tilespmem:$0x12130]  }
0x4e5: {  	v28 =	vld [tilespmem:$0x12030]  }
0x4e6: {  	v29 =	vld [tilespmem:$0x12160]  }
0x4e7: {  	v30 =	vld [tilespmem:$0x12060]  }
0x4e8: {  	v31 =	vld [tilespmem:$0x12170];
	v4 =	vadd.f32 v5, v4  }
0x4e9: {  	v32 =	vld [tilespmem:$0x12070];
	v5 =	vadd.f32 v7, v6  }
0x4ea: {  	v6 =	vld [tilespmem:$0x12150];
	[tilespmem:$0x12100] =	vst v4;
	v4 =	vadd.f32 v26, v25  }
0x4eb: {  	v7 =	vld [tilespmem:$0x12050];
	[tilespmem:$0x12110] =	vst v5;
	v5 =	vadd.f32 v28, v27  }
0x4ec: {  	[tilespmem:$0x12120] =	vst v4;
	v4 =	vld [tilespmem:$0x12140]  }
0x4ed: {  	[tilespmem:$0x12130] =	vst v5;
	v5 =	vld [tilespmem:$0x12040]  }
0x4ee: {  	v33 =	vld [tilespmem:$0x12180]  }
0x4ef: {  	v34 =	vld [tilespmem:$0x12080]  }
0x4f0: {  	v35 =	vld [tilespmem:$0x12190]  }
0x4f1: {  	v36 =	vld [tilespmem:$0x12090]  }
0x4f2: {  	v37 =	vld [tilespmem:$0x121A0]  }
0x4f3: {  	v38 =	vld [tilespmem:$0x120A0]  }
0x4f4: {  	v39 =	vld [tilespmem:$0x121B0]  }
0x4f5: {  	v40 =	vld [tilespmem:$0x120B0]  }
0x4f6: {  	v41 =	vld [tilespmem:$0x121C0]  }
0x4f7: {  	v6 =	vadd.f32 v7, v6;
	v7 =	vld [tilespmem:$0x121D0];
	v4 =	vadd.f32 v5, v4  }
0x4f8: {  	v42 =	vld [tilespmem:$0x120D0]  }
0x4f9: {  	v43 =	vld [tilespmem:$0x121E0];
	[tilespmem:$0x12140] =	vst v4;
	v4 =	vadd.f32 v30, v29  }
0x4fa: {  	[tilespmem:$0x12150] =	vst v6;
	v6 =	vadd.f32 v32, v31;
	v5 =	vld [tilespmem:$0x120C0]  }
0x4fb: {  	v44 =	vld [tilespmem:$0x120E0];
	[tilespmem:$0x12160] =	vst v4;
	v4 =	vadd.f32 v34, v33  }
0x4fc: {  	v45 =	vld [tilespmem:$0x121F0];
	[tilespmem:$0x12170] =	vst v6;
	v6 =	vadd.f32 v36, v35  }
0x4fd: {  	v46 =	vld [tilespmem:$0x120F0];
	[tilespmem:$0x12180] =	vst v4;
	v4 =	vadd.f32 v38, v37  }
0x4fe: {  	[tilespmem:$0x12190] =	vst v6;
	v6 =	vadd.f32 v40, v39  }
0x4ff: {  	[tilespmem:$0x121A0] =	vst v4;
	v4 =	vadd.f32 v5, v41  }
0x500: {  	[tilespmem:$0x121B0] =	vst v6;
	v5 =	vadd.f32 v42, v7  }
0x501: {  	[tilespmem:$0x121C0] =	vst v4;
	v4 =	vadd.f32 v44, v43  }
0x502: {  	[tilespmem:$0x121D0] =	vst v5;
	v5 =	vadd.f32 v46, v45  }
0x503: {  	[tilespmem:$0x121E0] =	vst v4  }
0x504: {  	s12 =	rddreg [dreg:$0x1f];
	[tilespmem:$0x121F0] =	vst v5  }
0x505: {  	[tilespmem:s30], [sflag:$0x3] =	stream.linear.gather [spmem:s12], $0x100, $0x38;
	[tilespmem:$0x13380] =	vst v63  }
0x506: {  	_ =	swait.ge [sflag:s28], $0x100  }
0x507: {  	[sflag:s28] =	ssyncset.done $0x0  }
0x508: {  	[sflag:s28] =	ssyncadd.s32 $0xFFFFFF00  }
0x509: {  	v4 =	vld [tilespmem:$0x12100]  }
0x50a: {  	v5 =	vld [tilespmem:$0x12000]  }
0x50b: {  	v6 =	vld [tilespmem:$0x12110]  }
0x50c: {  	v7 =	vld [tilespmem:$0x12010]  }
0x50d: {  	v47 =	vld [tilespmem:$0x12120]  }
0x50e: {  	v48 =	vld [tilespmem:$0x12020]  }
0x50f: {  	v49 =	vld [tilespmem:$0x12130]  }
0x510: {  	v50 =	vld [tilespmem:$0x12030]  }
0x511: {  	v51 =	vld [tilespmem:$0x12140]  }
0x512: {  	v52 =	vld [tilespmem:$0x12040]  }
0x513: {  	v53 =	vld [tilespmem:$0x12150]  }
0x514: {  	v54 =	vld [tilespmem:$0x12050]  }
0x515: {  	v55 =	vld [tilespmem:$0x12160]  }
0x516: {  	v56 =	vld [tilespmem:$0x12060]  }
0x517: {  	v57 =	vld [tilespmem:$0x12170]  }
0x518: {  	v58 =	vld [tilespmem:$0x12070]  }
0x519: {  	v59 =	vld [tilespmem:$0x12180]  }
0x51a: {  	v60 =	vld [tilespmem:$0x12080]  }
0x51b: {  	v61 =	vld [tilespmem:$0x12190]  }
0x51c: {  	v62 =	vld [tilespmem:$0x12090]  }
0x51d: {  	v63 =	vld [tilespmem:$0x121A0]  }
0x51e: {  	v25 =	vld [tilespmem:$0x120B0];
	v4 =	vadd.f32 v5, v4  }
0x51f: {  	v26 =	vld [tilespmem:$0x121C0];
	v6 =	vadd.f32 v7, v6  }
0x520: {  	v27 =	vld [tilespmem:$0x120C0];
	[tilespmem:$0x12100] =	vst v4;
	v4 =	vadd.f32 v48, v47  }
0x521: {  	v28 =	vld [tilespmem:$0x121D0];
	[tilespmem:$0x12110] =	vst v6;
	v6 =	vadd.f32 v50, v49  }
0x522: {  	v29 =	vld [tilespmem:$0x120D0];
	[tilespmem:$0x12120] =	vst v4;
	v4 =	vadd.f32 v52, v51  }
0x523: {  	v5 =	vld [tilespmem:$0x120A0];
	[tilespmem:$0x12130] =	vst v6;
	v6 =	vadd.f32 v54, v53  }
0x524: {  	v7 =	vld [tilespmem:$0x121B0];
	[tilespmem:$0x12140] =	vst v4;
	v4 =	vadd.f32 v56, v55  }
0x525: {  	v30 =	vld [tilespmem:$0x121E0];
	[tilespmem:$0x12150] =	vst v6;
	v6 =	vadd.f32 v58, v57  }
0x526: {  	v31 =	vld [tilespmem:$0x120E0];
	[tilespmem:$0x12160] =	vst v4;
	v4 =	vadd.f32 v60, v59  }
0x527: {  	v32 =	vld [tilespmem:$0x121F0];
	[tilespmem:$0x12170] =	vst v6;
	v6 =	vadd.f32 v62, v61  }
0x528: {  	[tilespmem:$0x12180] =	vst v4;
	v4 =	vadd.f32 v5, v63;
	v5 =	vld [tilespmem:$0x120F0]  }
0x529: {  	[tilespmem:$0x12190] =	vst v6;
	v6 =	vadd.f32 v25, v7  }
0x52a: {  	[tilespmem:$0x121A0] =	vst v4;
	v4 =	vadd.f32 v27, v26  }
0x52b: {  	[tilespmem:$0x121B0] =	vst v6;
	v6 =	vadd.f32 v29, v28  }
0x52c: {  	[tilespmem:$0x121C0] =	vst v4;
	v4 =	vadd.f32 v31, v30  }
0x52d: {  	s13 =	sld [smem:$0x7F7];
	[tilespmem:$0x121D0] =	vst v6;
	v5 =	vadd.f32 v5, v32  }
0x52e: {  	[tilespmem:$0x121E0] =	vst v4  }
0x52f: {  	[tilespmem:$0x121F0] =	vst v5  }
0x530: {  	[tilespmem:s30], [sflag:$0x3] =	stream.linear.gather [spmem:s13], $0x100, $0x38;
	[tilespmem:$0x13380] =	vst v63  }
0x531: {  	_ =	swait.ge [sflag:s28], $0x100  }
0x532: {  	[sflag:s28] =	ssyncset.done $0x0  }
0x533: {  	[sflag:s28] =	ssyncadd.s32 $0xFFFFFF00  }
0x534: {  	v4 =	vld [tilespmem:$0x12100]  }
0x535: {  	v5 =	vld [tilespmem:$0x12000]  }
0x536: {  	v6 =	vld [tilespmem:$0x12110]  }
0x537: {  	v7 =	vld [tilespmem:$0x12010]  }
0x538: {  	v33 =	vld [tilespmem:$0x12120]  }
0x539: {  	v34 =	vld [tilespmem:$0x12020]  }
0x53a: {  	v35 =	vld [tilespmem:$0x12130]  }
0x53b: {  	v36 =	vld [tilespmem:$0x12030]  }
0x53c: {  	v37 =	vld [tilespmem:$0x12140]  }
0x53d: {  	v38 =	vld [tilespmem:$0x12040]  }
0x53e: {  	v39 =	vld [tilespmem:$0x12150]  }
0x53f: {  	v40 =	vld [tilespmem:$0x12050]  }
0x540: {  	v41 =	vld [tilespmem:$0x12160]  }
0x541: {  	v42 =	vld [tilespmem:$0x12060]  }
0x542: {  	v43 =	vld [tilespmem:$0x12170]  }
0x543: {  	v44 =	vld [tilespmem:$0x12070]  }
0x544: {  	v45 =	vld [tilespmem:$0x12180]  }
0x545: {  	v46 =	vld [tilespmem:$0x12080]  }
0x546: {  	v47 =	vld [tilespmem:$0x12190]  }
0x547: {  	v48 =	vld [tilespmem:$0x12090]  }
0x548: {  	v49 =	vld [tilespmem:$0x121A0]  }
0x549: {  	v50 =	vld [tilespmem:$0x120B0];
	v4 =	vadd.f32 v5, v4  }
0x54a: {  	v51 =	vld [tilespmem:$0x121C0];
	v6 =	vadd.f32 v7, v6  }
0x54b: {  	v52 =	vld [tilespmem:$0x120C0];
	[tilespmem:$0x12100] =	vst v4;
	v4 =	vadd.f32 v34, v33  }
0x54c: {  	v53 =	vld [tilespmem:$0x121D0];
	[tilespmem:$0x12110] =	vst v6;
	v6 =	vadd.f32 v36, v35  }
0x54d: {  	v54 =	vld [tilespmem:$0x120D0];
	[tilespmem:$0x12120] =	vst v4;
	v4 =	vadd.f32 v38, v37  }
0x54e: {  	v5 =	vld [tilespmem:$0x120A0];
	[tilespmem:$0x12130] =	vst v6;
	v6 =	vadd.f32 v40, v39  }
0x54f: {  	v7 =	vld [tilespmem:$0x121B0];
	[tilespmem:$0x12140] =	vst v4;
	v4 =	vadd.f32 v42, v41  }
0x550: {  	v55 =	vld [tilespmem:$0x121E0];
	[tilespmem:$0x12150] =	vst v6;
	v6 =	vadd.f32 v44, v43  }
0x551: {  	v56 =	vld [tilespmem:$0x120E0];
	[tilespmem:$0x12160] =	vst v4;
	v4 =	vadd.f32 v46, v45  }
0x552: {  	v57 =	vld [tilespmem:$0x121F0];
	[tilespmem:$0x12170] =	vst v6;
	v6 =	vadd.f32 v48, v47  }
0x553: {  	[tilespmem:$0x12180] =	vst v4;
	v4 =	vadd.f32 v5, v49;
	v5 =	vld [tilespmem:$0x120F0]  }
0x554: {  	[tilespmem:$0x12190] =	vst v6;
	v6 =	vadd.f32 v50, v7  }
0x555: {  	[tilespmem:$0x121A0] =	vst v4;
	v4 =	vadd.f32 v52, v51  }
0x556: {  	[tilespmem:$0x121B0] =	vst v6;
	v6 =	vadd.f32 v54, v53  }
0x557: {  	[tilespmem:$0x121C0] =	vst v4;
	v4 =	vadd.f32 v56, v55  }
0x558: {  	s14 =	sld [smem:$0x7F8];
	[tilespmem:$0x121D0] =	vst v6;
	v5 =	vadd.f32 v5, v57  }
0x559: {  	[tilespmem:$0x121E0] =	vst v4  }
0x55a: {  	[tilespmem:$0x121F0] =	vst v5  }
0x55b: {  	[tilespmem:s30], [sflag:$0x3] =	stream.linear.gather [spmem:s14], $0x100, $0x38;
	[tilespmem:$0x13380] =	vst v63  }
0x55c: {  	_ =	swait.ge [sflag:s28], $0x100  }
0x55d: {  	[sflag:s28] =	ssyncset.done $0x0  }
0x55e: {  	[sflag:s28] =	ssyncadd.s32 $0xFFFFFF00  }
0x55f: {  	v4 =	vld [tilespmem:$0x12100]  }
0x560: {  	v5 =	vld [tilespmem:$0x12000]  }
0x561: {  	v6 =	vld [tilespmem:$0x12110]  }
0x562: {  	v7 =	vld [tilespmem:$0x12010]  }
0x563: {  	v58 =	vld [tilespmem:$0x12120]  }
0x564: {  	v59 =	vld [tilespmem:$0x12020]  }
0x565: {  	v60 =	vld [tilespmem:$0x12130]  }
0x566: {  	v61 =	vld [tilespmem:$0x12030]  }
0x567: {  	v62 =	vld [tilespmem:$0x12140]  }
0x568: {  	v63 =	vld [tilespmem:$0x12040]  }
0x569: {  	v28 =	vld [tilespmem:$0x12150]  }
0x56a: {  	v29 =	vld [tilespmem:$0x12050]  }
0x56b: {  	v30 =	vld [tilespmem:$0x12160]  }
0x56c: {  	v31 =	vld [tilespmem:$0x12060]  }
0x56d: {  	v32 =	vld [tilespmem:$0x12170]  }
0x56e: {  	v33 =	vld [tilespmem:$0x12070]  }
0x56f: {  	v34 =	vld [tilespmem:$0x12180]  }
0x570: {  	v35 =	vld [tilespmem:$0x12080]  }
0x571: {  	v36 =	vld [tilespmem:$0x12190]  }
0x572: {  	v37 =	vld [tilespmem:$0x12090]  }
0x573: {  	v38 =	vld [tilespmem:$0x121A0]  }
0x574: {  	v39 =	vld [tilespmem:$0x120B0];
	v4 =	vadd.f32 v5, v4  }
0x575: {  	v40 =	vld [tilespmem:$0x121C0];
	v6 =	vadd.f32 v7, v6  }
0x576: {  	v41 =	vld [tilespmem:$0x120C0];
	[tilespmem:$0x12100] =	vst v4;
	v4 =	vadd.f32 v59, v58  }
0x577: {  	v42 =	vld [tilespmem:$0x121D0];
	[tilespmem:$0x12110] =	vst v6;
	v6 =	vadd.f32 v61, v60  }
0x578: {  	v43 =	vld [tilespmem:$0x120D0];
	[tilespmem:$0x12120] =	vst v4;
	v4 =	vadd.f32 v63, v62  }
0x579: {  	v5 =	vld [tilespmem:$0x120A0];
	[tilespmem:$0x12130] =	vst v6;
	v6 =	vadd.f32 v29, v28  }
0x57a: {  	v7 =	vld [tilespmem:$0x121B0];
	[tilespmem:$0x12140] =	vst v4;
	v4 =	vadd.f32 v31, v30  }
0x57b: {  	v44 =	vld [tilespmem:$0x121E0];
	[tilespmem:$0x12150] =	vst v6;
	v6 =	vadd.f32 v33, v32  }
0x57c: {  	v45 =	vld [tilespmem:$0x120E0];
	[tilespmem:$0x12160] =	vst v4;
	v4 =	vadd.f32 v35, v34  }
0x57d: {  	v46 =	vld [tilespmem:$0x121F0];
	[tilespmem:$0x12170] =	vst v6;
	v6 =	vadd.f32 v37, v36  }
0x57e: {  	[tilespmem:$0x12180] =	vst v4;
	v4 =	vadd.f32 v5, v38;
	v5 =	vld [tilespmem:$0x120F0]  }
0x57f: {  	[tilespmem:$0x12190] =	vst v6;
	v6 =	vadd.f32 v39, v7  }
0x580: {  	[tilespmem:$0x121A0] =	vst v4;
	v4 =	vadd.f32 v41, v40  }
0x581: {  	[tilespmem:$0x121B0] =	vst v6;
	v6 =	vadd.f32 v43, v42  }
0x582: {  	[tilespmem:$0x121C0] =	vst v4;
	v4 =	vadd.f32 v45, v44  }
0x583: {  	s15 =	sld [smem:$0x7F9];
	[tilespmem:$0x121D0] =	vst v6;
	v5 =	vadd.f32 v5, v46  }
0x584: {  	[tilespmem:$0x121E0] =	vst v4  }
0x585: {  	[tilespmem:$0x121F0] =	vst v5  }
0x586: {  	[tilespmem:s30], [sflag:$0x3] =	stream.linear.gather [spmem:s15], $0x100, $0x38;
	[tilespmem:$0x13380] =	vst v63  }
0x587: {  	_ =	swait.ge [sflag:s28], $0x100  }
0x588: {  	[sflag:s28] =	ssyncset.done $0x0  }
0x589: {  	[sflag:s28] =	ssyncadd.s32 $0xFFFFFF00  }
0x58a: {  	v4 =	vld [tilespmem:$0x12100]  }
0x58b: {  	v5 =	vld [tilespmem:$0x12000]  }
0x58c: {  	v6 =	vld [tilespmem:$0x12110]  }
0x58d: {  	v7 =	vld [tilespmem:$0x12010]  }
0x58e: {  	v47 =	vld [tilespmem:$0x12120]  }
0x58f: {  	v48 =	vld [tilespmem:$0x12020]  }
0x590: {  	v49 =	vld [tilespmem:$0x12130]  }
0x591: {  	v50 =	vld [tilespmem:$0x12030]  }
0x592: {  	v51 =	vld [tilespmem:$0x12140]  }
0x593: {  	v52 =	vld [tilespmem:$0x12040]  }
0x594: {  	v53 =	vld [tilespmem:$0x12150]  }
0x595: {  	v54 =	vld [tilespmem:$0x12050]  }
0x596: {  	v55 =	vld [tilespmem:$0x12160]  }
0x597: {  	v56 =	vld [tilespmem:$0x12060]  }
0x598: {  	v57 =	vld [tilespmem:$0x12170]  }
0x599: {  	v58 =	vld [tilespmem:$0x12070]  }
0x59a: {  	v59 =	vld [tilespmem:$0x12180]  }
0x59b: {  	v60 =	vld [tilespmem:$0x12080]  }
0x59c: {  	v61 =	vld [tilespmem:$0x12190]  }
0x59d: {  	v62 =	vld [tilespmem:$0x12090]  }
0x59e: {  	v63 =	vld [tilespmem:$0x121A0]  }
0x59f: {  	v25 =	vld [tilespmem:$0x120B0];
	v4 =	vadd.f32 v5, v4  }
0x5a0: {  	v26 =	vld [tilespmem:$0x121C0];
	v6 =	vadd.f32 v7, v6  }
0x5a1: {  	v27 =	vld [tilespmem:$0x120C0];
	[tilespmem:$0x12100] =	vst v4;
	v4 =	vadd.f32 v48, v47  }
0x5a2: {  	v28 =	vld [tilespmem:$0x121D0];
	[tilespmem:$0x12110] =	vst v6;
	v6 =	vadd.f32 v50, v49  }
0x5a3: {  	v29 =	vld [tilespmem:$0x120D0];
	[tilespmem:$0x12120] =	vst v4;
	v4 =	vadd.f32 v52, v51  }
0x5a4: {  	v5 =	vld [tilespmem:$0x120A0];
	[tilespmem:$0x12130] =	vst v6;
	v6 =	vadd.f32 v54, v53  }
0x5a5: {  	v7 =	vld [tilespmem:$0x121B0];
	[tilespmem:$0x12140] =	vst v4;
	v4 =	vadd.f32 v56, v55  }
0x5a6: {  	v30 =	vld [tilespmem:$0x121E0];
	[tilespmem:$0x12150] =	vst v6;
	v6 =	vadd.f32 v58, v57  }
0x5a7: {  	v31 =	vld [tilespmem:$0x120E0];
	[tilespmem:$0x12160] =	vst v4;
	v4 =	vadd.f32 v60, v59  }
0x5a8: {  	v32 =	vld [tilespmem:$0x121F0];
	[tilespmem:$0x12170] =	vst v6;
	v6 =	vadd.f32 v62, v61  }
0x5a9: {  	[tilespmem:$0x12180] =	vst v4;
	v4 =	vadd.f32 v5, v63;
	v5 =	vld [tilespmem:$0x120F0]  }
0x5aa: {  	[tilespmem:$0x12190] =	vst v6;
	v6 =	vadd.f32 v25, v7  }
0x5ab: {  	[tilespmem:$0x121A0] =	vst v4;
	v4 =	vadd.f32 v27, v26  }
0x5ac: {  	[tilespmem:$0x121B0] =	vst v6;
	v6 =	vadd.f32 v29, v28  }
0x5ad: {  	[tilespmem:$0x121C0] =	vst v4;
	v4 =	vadd.f32 v31, v30  }
0x5ae: {  	s16 =	sld [smem:$0x7FA];
	[tilespmem:$0x121D0] =	vst v6;
	v5 =	vadd.f32 v5, v32  }
0x5af: {  	[tilespmem:$0x121E0] =	vst v4  }
0x5b0: {  	[tilespmem:$0x121F0] =	vst v5  }
0x5b1: {  	[tilespmem:s30], [sflag:$0x3] =	stream.linear.gather [spmem:s16], $0x100, $0x38;
	[tilespmem:$0x13380] =	vst v63  }
0x5b2: {  	_ =	swait.ge [sflag:s28], $0x100  }
0x5b3: {  	[sflag:s28] =	ssyncset.done $0x0  }
0x5b4: {  	[sflag:s28] =	ssyncadd.s32 $0xFFFFFF00  }
0x5b5: {  	v4 =	vld [tilespmem:$0x12100]  }
0x5b6: {  	v5 =	vld [tilespmem:$0x12000]  }
0x5b7: {  	v6 =	vld [tilespmem:$0x12110]  }
0x5b8: {  	v7 =	vld [tilespmem:$0x12010]  }
0x5b9: {  	v33 =	vld [tilespmem:$0x12120]  }
0x5ba: {  	v34 =	vld [tilespmem:$0x12020]  }
0x5bb: {  	v35 =	vld [tilespmem:$0x12130]  }
0x5bc: {  	v36 =	vld [tilespmem:$0x12030]  }
0x5bd: {  	v37 =	vld [tilespmem:$0x12140]  }
0x5be: {  	v38 =	vld [tilespmem:$0x12040]  }
0x5bf: {  	v39 =	vld [tilespmem:$0x12150]  }
0x5c0: {  	v40 =	vld [tilespmem:$0x12050]  }
0x5c1: {  	v41 =	vld [tilespmem:$0x12160]  }
0x5c2: {  	v42 =	vld [tilespmem:$0x12060]  }
0x5c3: {  	v43 =	vld [tilespmem:$0x12170]  }
0x5c4: {  	v44 =	vld [tilespmem:$0x12070]  }
0x5c5: {  	v45 =	vld [tilespmem:$0x12180]  }
0x5c6: {  	v46 =	vld [tilespmem:$0x12080]  }
0x5c7: {  	v47 =	vld [tilespmem:$0x12190]  }
0x5c8: {  	v48 =	vld [tilespmem:$0x12090]  }
0x5c9: {  	v49 =	vld [tilespmem:$0x121A0]  }
0x5ca: {  	v50 =	vld [tilespmem:$0x120B0];
	v4 =	vadd.f32 v5, v4  }
0x5cb: {  	v51 =	vld [tilespmem:$0x121C0];
	v6 =	vadd.f32 v7, v6  }
0x5cc: {  	v52 =	vld [tilespmem:$0x120C0];
	[tilespmem:$0x12100] =	vst v4;
	v4 =	vadd.f32 v34, v33  }
0x5cd: {  	v53 =	vld [tilespmem:$0x121D0];
	[tilespmem:$0x12110] =	vst v6;
	v6 =	vadd.f32 v36, v35  }
0x5ce: {  	v54 =	vld [tilespmem:$0x120D0];
	[tilespmem:$0x12120] =	vst v4;
	v4 =	vadd.f32 v38, v37  }
0x5cf: {  	v5 =	vld [tilespmem:$0x120A0];
	[tilespmem:$0x12130] =	vst v6;
	v6 =	vadd.f32 v40, v39  }
0x5d0: {  	v7 =	vld [tilespmem:$0x121B0];
	[tilespmem:$0x12140] =	vst v4;
	v4 =	vadd.f32 v42, v41  }
0x5d1: {  	v55 =	vld [tilespmem:$0x121E0];
	[tilespmem:$0x12150] =	vst v6;
	v6 =	vadd.f32 v44, v43  }
0x5d2: {  	v56 =	vld [tilespmem:$0x120E0];
	[tilespmem:$0x12160] =	vst v4;
	v4 =	vadd.f32 v46, v45  }
0x5d3: {  	v57 =	vld [tilespmem:$0x121F0];
	[tilespmem:$0x12170] =	vst v6;
	v6 =	vadd.f32 v48, v47  }
0x5d4: {  	[tilespmem:$0x12180] =	vst v4;
	v4 =	vadd.f32 v5, v49;
	v5 =	vld [tilespmem:$0x120F0]  }
0x5d5: {  	[tilespmem:$0x12190] =	vst v6;
	v6 =	vadd.f32 v50, v7  }
0x5d6: {  	[tilespmem:$0x121A0] =	vst v4;
	v4 =	vadd.f32 v52, v51  }
0x5d7: {  	[tilespmem:$0x121B0] =	vst v6;
	v6 =	vadd.f32 v54, v53  }
0x5d8: {  	[tilespmem:$0x121C0] =	vst v4;
	v4 =	vadd.f32 v56, v55  }
0x5d9: {  	s17 =	sld [smem:$0x7FB];
	[tilespmem:$0x121D0] =	vst v6;
	v5 =	vadd.f32 v5, v57  }
0x5da: {  	[tilespmem:$0x121E0] =	vst v4  }
0x5db: {  	[tilespmem:$0x121F0] =	vst v5  }
0x5dc: {  	[tilespmem:s30], [sflag:$0x3] =	stream.linear.gather [spmem:s17], $0x100, $0x38;
	[tilespmem:$0x13380] =	vst v63  }
0x5dd: {  	_ =	swait.ge [sflag:s28], $0x100  }
0x5de: {  	[sflag:s28] =	ssyncset.done $0x0  }
0x5df: {  	[sflag:s28] =	ssyncadd.s32 $0xFFFFFF00  }
0x5e0: {  	v4 =	vld [tilespmem:$0x12100]  }
0x5e1: {  	v5 =	vld [tilespmem:$0x12000]  }
0x5e2: {  	v6 =	vld [tilespmem:$0x12110]  }
0x5e3: {  	v7 =	vld [tilespmem:$0x12010]  }
0x5e4: {  	v58 =	vld [tilespmem:$0x12120]  }
0x5e5: {  	v59 =	vld [tilespmem:$0x12020]  }
0x5e6: {  	v60 =	vld [tilespmem:$0x12130]  }
0x5e7: {  	v61 =	vld [tilespmem:$0x12030]  }
0x5e8: {  	v62 =	vld [tilespmem:$0x12140]  }
0x5e9: {  	v63 =	vld [tilespmem:$0x12040]  }
0x5ea: {  	v28 =	vld [tilespmem:$0x12150]  }
0x5eb: {  	v29 =	vld [tilespmem:$0x12050]  }
0x5ec: {  	v30 =	vld [tilespmem:$0x12160]  }
0x5ed: {  	v31 =	vld [tilespmem:$0x12060]  }
0x5ee: {  	v32 =	vld [tilespmem:$0x12170]  }
0x5ef: {  	v33 =	vld [tilespmem:$0x12070]  }
0x5f0: {  	v34 =	vld [tilespmem:$0x12180]  }
0x5f1: {  	v35 =	vld [tilespmem:$0x12080]  }
0x5f2: {  	v36 =	vld [tilespmem:$0x12190]  }
0x5f3: {  	v37 =	vld [tilespmem:$0x12090]  }
0x5f4: {  	v38 =	vld [tilespmem:$0x121A0]  }
0x5f5: {  	v39 =	vld [tilespmem:$0x120B0];
	v4 =	vadd.f32 v5, v4  }
0x5f6: {  	v40 =	vld [tilespmem:$0x121C0];
	v6 =	vadd.f32 v7, v6  }
0x5f7: {  	v41 =	vld [tilespmem:$0x120C0];
	[tilespmem:$0x12100] =	vst v4;
	v4 =	vadd.f32 v59, v58  }
0x5f8: {  	v42 =	vld [tilespmem:$0x121D0];
	[tilespmem:$0x12110] =	vst v6;
	v6 =	vadd.f32 v61, v60  }
0x5f9: {  	v43 =	vld [tilespmem:$0x120D0];
	[tilespmem:$0x12120] =	vst v4;
	v4 =	vadd.f32 v63, v62  }
0x5fa: {  	v5 =	vld [tilespmem:$0x120A0];
	[tilespmem:$0x12130] =	vst v6;
	v6 =	vadd.f32 v29, v28  }
0x5fb: {  	v7 =	vld [tilespmem:$0x121B0];
	[tilespmem:$0x12140] =	vst v4;
	v4 =	vadd.f32 v31, v30  }
0x5fc: {  	v44 =	vld [tilespmem:$0x121E0];
	[tilespmem:$0x12150] =	vst v6;
	v6 =	vadd.f32 v33, v32  }
0x5fd: {  	v45 =	vld [tilespmem:$0x120E0];
	[tilespmem:$0x12160] =	vst v4;
	v4 =	vadd.f32 v35, v34  }
0x5fe: {  	v46 =	vld [tilespmem:$0x121F0];
	[tilespmem:$0x12170] =	vst v6;
	v6 =	vadd.f32 v37, v36  }
0x5ff: {  	[tilespmem:$0x12180] =	vst v4;
	v4 =	vadd.f32 v5, v38;
	v5 =	vld [tilespmem:$0x120F0]  }
0x600: {  	[tilespmem:$0x12190] =	vst v6;
	v6 =	vadd.f32 v39, v7  }
0x601: {  	[tilespmem:$0x121A0] =	vst v4;
	v4 =	vadd.f32 v41, v40  }
0x602: {  	[tilespmem:$0x121B0] =	vst v6;
	v6 =	vadd.f32 v43, v42  }
0x603: {  	[tilespmem:$0x121C0] =	vst v4;
	v4 =	vadd.f32 v45, v44  }
0x604: {  	s18 =	sld [smem:$0x7FC];
	[tilespmem:$0x121D0] =	vst v6;
	v5 =	vadd.f32 v5, v46  }
0x605: {  	[tilespmem:$0x121E0] =	vst v4  }
0x606: {  	[tilespmem:$0x121F0] =	vst v5  }
0x607: {  	[tilespmem:s30], [sflag:$0x3] =	stream.linear.gather [spmem:s18], $0x100, $0x38;
	[tilespmem:$0x13380] =	vst v63  }
0x608: {  	_ =	swait.ge [sflag:s28], $0x100  }
0x609: {  	[sflag:s28] =	ssyncset.done $0x0  }
0x60a: {  	[sflag:s28] =	ssyncadd.s32 $0xFFFFFF00  }
0x60b: {  	v4 =	vld [tilespmem:$0x12100]  }
0x60c: {  	v5 =	vld [tilespmem:$0x12000]  }
0x60d: {  	v6 =	vld [tilespmem:$0x12110]  }
0x60e: {  	v7 =	vld [tilespmem:$0x12010]  }
0x60f: {  	v47 =	vld [tilespmem:$0x12120]  }
0x610: {  	v48 =	vld [tilespmem:$0x12020]  }
0x611: {  	v49 =	vld [tilespmem:$0x12130]  }
0x612: {  	v50 =	vld [tilespmem:$0x12030]  }
0x613: {  	v51 =	vld [tilespmem:$0x12140]  }
0x614: {  	v52 =	vld [tilespmem:$0x12040]  }
0x615: {  	v53 =	vld [tilespmem:$0x12150]  }
0x616: {  	v54 =	vld [tilespmem:$0x12050]  }
0x617: {  	v55 =	vld [tilespmem:$0x12160]  }
0x618: {  	v56 =	vld [tilespmem:$0x12060]  }
0x619: {  	v57 =	vld [tilespmem:$0x12170]  }
0x61a: {  	v58 =	vld [tilespmem:$0x12070]  }
0x61b: {  	v59 =	vld [tilespmem:$0x12180]  }
0x61c: {  	v60 =	vld [tilespmem:$0x12080]  }
0x61d: {  	v61 =	vld [tilespmem:$0x12190]  }
0x61e: {  	v62 =	vld [tilespmem:$0x12090]  }
0x61f: {  	v63 =	vld [tilespmem:$0x121A0]  }
0x620: {  	v28 =	vld [tilespmem:$0x120B0];
	v4 =	vadd.f32 v5, v4  }
0x621: {  	v29 =	vld [tilespmem:$0x121C0];
	v6 =	vadd.f32 v7, v6  }
0x622: {  	v30 =	vld [tilespmem:$0x120C0];
	[tilespmem:$0x12100] =	vst v4;
	v4 =	vadd.f32 v48, v47  }
0x623: {  	v31 =	vld [tilespmem:$0x121D0];
	[tilespmem:$0x12110] =	vst v6;
	v6 =	vadd.f32 v50, v49  }
0x624: {  	v32 =	vld [tilespmem:$0x120D0];
	[tilespmem:$0x12120] =	vst v4;
	v4 =	vadd.f32 v52, v51  }
0x625: {  	v5 =	vld [tilespmem:$0x120A0];
	[tilespmem:$0x12130] =	vst v6;
	v6 =	vadd.f32 v54, v53  }
0x626: {  	v7 =	vld [tilespmem:$0x121B0];
	[tilespmem:$0x12140] =	vst v4;
	v4 =	vadd.f32 v56, v55  }
0x627: {  	v33 =	vld [tilespmem:$0x121E0];
	[tilespmem:$0x12150] =	vst v6;
	v6 =	vadd.f32 v58, v57  }
0x628: {  	v34 =	vld [tilespmem:$0x120E0];
	[tilespmem:$0x12160] =	vst v4;
	v4 =	vadd.f32 v60, v59  }
0x629: {  	v35 =	vld [tilespmem:$0x121F0];
	[tilespmem:$0x12170] =	vst v6;
	v6 =	vadd.f32 v62, v61  }
0x62a: {  	[tilespmem:$0x12180] =	vst v4;
	v4 =	vadd.f32 v5, v63;
	v5 =	vld [tilespmem:$0x120F0]  }
0x62b: {  	[tilespmem:$0x12190] =	vst v6;
	v6 =	vadd.f32 v28, v7  }
0x62c: {  	[tilespmem:$0x121A0] =	vst v4;
	v4 =	vadd.f32 v30, v29  }
0x62d: {  	[tilespmem:$0x121B0] =	vst v6;
	v6 =	vadd.f32 v32, v31  }
0x62e: {  	[tilespmem:$0x121C0] =	vst v4;
	v4 =	vadd.f32 v34, v33  }
0x62f: {  	s21 =	sld [smem:$0x7FD];
	[tilespmem:$0x121D0] =	vst v6;
	v5 =	vadd.f32 v5, v35  }
0x630: {  	[tilespmem:$0x121E0] =	vst v4  }
0x631: {  	[tilespmem:$0x121F0] =	vst v5  }
0x632: {  	[tilespmem:s30], [sflag:$0x3] =	stream.linear.gather [spmem:s21], $0x100, $0x38;
	[tilespmem:$0x13380] =	vst v63  }
0x633: {  	_ =	swait.ge [sflag:s28], $0x100  }
0x634: {  	[sflag:s28] =	ssyncset.done $0x0  }
0x635: {  	[sflag:s28] =	ssyncadd.s32 $0xFFFFFF00  }
0x636: {  	v4 =	vld [tilespmem:$0x12100]  }
0x637: {  	v5 =	vld [tilespmem:$0x12000]  }
0x638: {  	v6 =	vld [tilespmem:$0x12110]  }
0x639: {  	v7 =	vld [tilespmem:$0x12010]  }
0x63a: {  	v36 =	vld [tilespmem:$0x12120]  }
0x63b: {  	v37 =	vld [tilespmem:$0x12020]  }
0x63c: {  	v38 =	vld [tilespmem:$0x12130]  }
0x63d: {  	v39 =	vld [tilespmem:$0x12030]  }
0x63e: {  	v40 =	vld [tilespmem:$0x12140]  }
0x63f: {  	v41 =	vld [tilespmem:$0x12040]  }
0x640: {  	v42 =	vld [tilespmem:$0x12150]  }
0x641: {  	v43 =	vld [tilespmem:$0x12050]  }
0x642: {  	v44 =	vld [tilespmem:$0x12160]  }
0x643: {  	v45 =	vld [tilespmem:$0x12060]  }
0x644: {  	v46 =	vld [tilespmem:$0x12170]  }
0x645: {  	v47 =	vld [tilespmem:$0x12070]  }
0x646: {  	v48 =	vld [tilespmem:$0x12180]  }
0x647: {  	v49 =	vld [tilespmem:$0x12080]  }
0x648: {  	v50 =	vld [tilespmem:$0x12190]  }
0x649: {  	v51 =	vld [tilespmem:$0x12090]  }
0x64a: {  	v52 =	vld [tilespmem:$0x121A0]  }
0x64b: {  	v53 =	vld [tilespmem:$0x120B0];
	v4 =	vadd.f32 v5, v4  }
0x64c: {  	v54 =	vld [tilespmem:$0x121C0];
	v6 =	vadd.f32 v7, v6  }
0x64d: {  	v55 =	vld [tilespmem:$0x120C0];
	[tilespmem:$0x12100] =	vst v4;
	v4 =	vadd.f32 v37, v36  }
0x64e: {  	v56 =	vld [tilespmem:$0x121D0];
	[tilespmem:$0x12110] =	vst v6;
	v6 =	vadd.f32 v39, v38  }
0x64f: {  	v57 =	vld [tilespmem:$0x120D0];
	[tilespmem:$0x12120] =	vst v4;
	v4 =	vadd.f32 v41, v40  }
0x650: {  	v5 =	vld [tilespmem:$0x120A0];
	[tilespmem:$0x12130] =	vst v6;
	v6 =	vadd.f32 v43, v42  }
0x651: {  	v7 =	vld [tilespmem:$0x121B0];
	[tilespmem:$0x12140] =	vst v4;
	v4 =	vadd.f32 v45, v44  }
0x652: {  	v58 =	vld [tilespmem:$0x121E0];
	[tilespmem:$0x12150] =	vst v6;
	v6 =	vadd.f32 v47, v46  }
0x653: {  	v59 =	vld [tilespmem:$0x120E0];
	[tilespmem:$0x12160] =	vst v4;
	v4 =	vadd.f32 v49, v48  }
0x654: {  	v60 =	vld [tilespmem:$0x121F0];
	[tilespmem:$0x12170] =	vst v6;
	v6 =	vadd.f32 v51, v50  }
0x655: {  	[tilespmem:$0x12180] =	vst v4;
	v4 =	vadd.f32 v5, v52;
	v5 =	vld [tilespmem:$0x120F0]  }
0x656: {  	[tilespmem:$0x12190] =	vst v6;
	v6 =	vadd.f32 v53, v7  }
0x657: {  	[tilespmem:$0x121A0] =	vst v4;
	v4 =	vadd.f32 v55, v54  }
0x658: {  	[tilespmem:$0x121B0] =	vst v6;
	v6 =	vadd.f32 v57, v56  }
0x659: {  	[tilespmem:$0x121C0] =	vst v4;
	v4 =	vadd.f32 v59, v58  }
0x65a: {  	[tilespmem:$0x121D0] =	vst v6;
	v5 =	vadd.f32 v5, v60  }
0x65b: {  	[tilespmem:$0x121E0] =	vst v4  }
0x65c: {  	s1 =	rddreg [dreg:$0x12];
	[tilespmem:$0x121F0] =	vst v5  }
0x65d: {  	[spmem:s1] =	stream.linear.scatter [tilespmem:s29], [sflag:$0x3], $0x100, $0x38;
	[tilespmem:$0x13380] =	vst v63  }
0x65e: {  	_ =	swait.ge [sflag:s28], $0x100  }
0x65f: {  	[sflag:s28] =	ssyncset.done $0x0  }
0x660: {  	[sflag:s28] =	ssyncadd.s32 $0xFFFFFF00  }
0x661: {  	[bflag:$0x0] =	sbarrier.arrive $0xFFFF  }
0x662: {  	[tilespmem:s20], [sflag:$0x3] =	stream.linear.gather [spmem:s19], $0x1000, $0x38;
	[tilespmem:$0x13380] =	vst v63  }
0x663: {  	_ =	swait.ge [sflag:s28], $0x1000  }
0x664: {  	[sflag:s28] =	ssyncset.done $0x0  }
0x665: {  	s2 =	simm.s32 $0x117F0;
	[sflag:s28] =	ssyncadd.s32 $0xFFFFF000  }
0x666: {  	v4 =	vld [tilespmem:s2+$0x0];
	_ =	sdelay $0x1  }
0x667: {  	s4 =	simm.s32 $0x7F0  }
0x668: {  	s0 =	sand.u32 $0x7F0, s4  }
0x669: {  	s11 =	simm.s32 $0x117E0;
	v5 =	vld [tilespmem:s0+$0x11800]  }
0x66a: {  	(xrf2) =	vadd.scan.msk.f32 $0xffff, v4;
	v4 =	vld [tilespmem:s11+$0x0]  }
0x66b: {  	s12 =	simm.s32 $0x7E0  }
0x66c: {  	s0 =	sand.u32 $0x7F0, s12  }
0x66d: {  	v6 =	vld [tilespmem:s0+$0x11800]  }
0x66e: {  	(xrf2) =	vadd.scan.msk.f32 $0xffff, v5  }
0x66f: {  	(xrf2) =	vadd.scan.msk.f32 $0xffff, v4;
	_ =	sdelay $0x2  }
0x670: {  	(xrf2) =	vadd.scan.msk.f32 $0xffff, v6;
	_ =	sdelay $0x4  }
0x671: {  	s13 =	simm.s32 $0x7D0;
	s1 =	simm.s32 $0x117D0;
	v4, _, _ =	vpop (xrf2)  }
0x672: {  	s0 =	sand.u32 $0x7F0, s13;
	v5 =	vld [tilespmem:s1+$0x0];
	(v2sf) =	vpush v4, $0xF;
	v4, _, _ =	vpop (xrf2)  }
0x673: {  	s14 =	simm.s32 $0x7C0;
	s15 =	simm.s32 $0x117C0;
	v6 =	vld [tilespmem:s0+$0x11800];
	(v2sf) =	vpush v4, $0xF;
	v4, _, _ =	vpop (xrf2)  }
0x674: {  	s16 =	sand.u32 $0x7F0, s14;
	(v2sf) =	vpush v4, $0xF;
	v4 =	vld [tilespmem:s15+$0x0]  }
0x675: {  	s17 =	simm.s32 $0x117B0;
	v7 =	vld [tilespmem:s16+$0x11800]  }
0x676: {  	v62 =	vld [tilespmem:s17+$0x0];
	v61, _, _ =	vpop (xrf2)  }
0x677: {  	(xrf2) =	vadd.scan.msk.f32 $0xffff, v5;
	(v2sf) =	vpush v61, $0xF  }
0x678: {  	(xrf2) =	vadd.scan.msk.f32 $0xffff, v6  }
0x679: {  	(xrf2) =	vadd.scan.msk.f32 $0xffff, v4  }
0x67a: {  	(xrf2) =	vadd.scan.msk.f32 $0xffff, v7  }
0x67b: {  	(xrf2) =	vadd.scan.msk.f32 $0xffff, v62  }
0x67c: {  	s18 =	simm.s32 $0x7B0  }
0x67d: {  	s1 =	sand.u32 $0x7F0, s18  }
0x67e: {  	v4 =	vld [tilespmem:s1+$0x11800]  }
0x67f: {  	s4 =	simm.s32 $0x117A0  }
0x680: {  	v5 =	vld [tilespmem:s4+$0x0]  }
0x681: {  	v7, _, _ =	vpop (xrf2)  }
0x682: {  	s8 =	smov.u32 s19;
	(v2sf) =	vpush v7, $0xF;
	v7, _, _ =	vpop (xrf2)  }
0x683: {  	s19 =	simm.s32 $0x7A0;
	s0 =	simm.f32 $0.0e+00;
	s2 =	spop (v2sf);
	(v2sf) =	vpush v7, $0xF;
	(xrf2) =	vadd.scan.msk.f32 $0xffff, v4;
	v4, _, _ =	vpop (xrf2)  }
0x684: {  	s11 =	sadd.f32 s2, s0;
	s2 =	sand.u32 $0x7F0, s19;
	s13 =	spop (v2sf);
	(v2sf) =	vpush v4, $0xF;
	v4, _, _ =	vpop (xrf2)  }
0x685: {  	s12 =	simm.s32 $0x11790;
	(xrf2) =	vadd.scan.msk.f32 $0xffff, v5;
	v6 =	vld [tilespmem:s2+$0x11800];
	s20 =	spop (v2sf);
	(v2sf) =	vpush v4, $0xF;
	v5, _, _ =	vpop (xrf2)  }
0x686: {  	v63 =	vld [tilespmem:s12+$0x0];
	s16 =	spop (v2sf);
	(v2sf) =	vpush v5, $0xF;
	_ =	sdelay $0x1  }
0x687: {  	p2 =	por $0x1, $0x1;
	p1 =	sge.f32 s11, $6.291450000e+05  }
0x688: {  	s14 =	simm.s32 $0x780;
	s4 =	simm.f32 $1.000000000e+00;
	s15 =	simm.s32 $0x790  }
0x689: {  	s1 =	simm.s32 $0xFFFFFFFF;
	s13 =	sadd.f32 s13, s0;
	p1 =	por !p2, !p1;
	(xrf2) =	vadd.scan.msk.f32 $0xffff, v6  }
0x68a: {  	s2 =	simm.s32 $0x7F;
	p1 =	por !p1, !p1;
	s12 =	sadd.f32 s20, s11;
	(xrf2) =	vadd.scan.msk.f32 $0xffff, v63  }
0x68b: {  	s21 =	sand.u32 $0x7F0, s15;
	s15 =	simm.s32 $0x11780;
	s1 =	smov.u32 @p1 s2  }
0x68c: {  	s4 =	smov.u32 @p1 s11;
	s0 =	smov.u32 @p1 s13;
	v4 =	vld [tilespmem:s21+$0x11800];
	p1 =	sge.f32 s12, $6.291450000e+05  }
0x68d: {  	s11 =	sadd.f32 s16, s13;
	p3 =	slt.s32 s1, $0x0;
	s13 =	smov.u32 s12  }
.LBB2_24:
0x68e: {  	p2 =	sne.s32 s14, $0x0;
	p1 =	por !p3, !p1  }
0x68f: {  	v5 =	vld [tilespmem:s15+$0x0];
	v6, _, _ =	vpop (xrf2);
	s16 =	smov.u32 s14;
	s14 =	sadd.s32 $0xFFFFFFF0, s14;
	s2 =	sadd.s32 $0xFFFFFFFF, s2  }
.Ltmp11:
0x690: {  	(v2sf) =	vpush v6, $0xF;
	s17 =	spop (v2sf);
	p1 =	por !p1, !p1;
	(pc) =	sbr.rel @p2 .LBB2_24-.Ltmp11, $4  }
0x691: {  	s16 =	sand.u32 $0x7F0, s16;
	(xrf2) =	vadd.scan.msk.f32 $0xffff, v4;
	s12 =	sadd.f32 s17, s12;
	s1 =	smov.u32 @p1 s2  }
0x692: {  	s4 =	smov.u32 @p1 s13;
	s0 =	smov.u32 @p1 s11;
	v4 =	vld [tilespmem:s16+$0x11800];
	v6, _, _ =	vpop (xrf2)  }
0x693: {  	(v2sf) =	vpush v6, $0xF;
	p1 =	sge.f32 s12, $6.291450000e+05;
	s16 =	spop (v2sf);
	s13 =	smov.u32 s12  }
0x694: {  	s15 =	sadd.s32 $0xFFFFFFF0, s15;
	p3 =	slt.s32 s1, $0x0;
	(xrf2) =	vadd.scan.msk.f32 $0xffff, v5;
	s11 =	sadd.f32 s16, s11  }
0x695: {  	_ =	sdelay $0x3  }
0x696: {  	v5, _, _ =	vpop (xrf2)  }
0x697: {  	(v2sf) =	vpush v5, $0xF;
	v5, _, _ =	vpop (xrf2)  }
0x698: {  	(v2sf) =	vpush v5, $0xF;
	_ =	sdelay $0x1  }
0x699: {  	v5, _, _ =	vpop (xrf2)  }
0x69a: {  	s14 =	spop (v2sf);
	(v2sf) =	vpush v5, $0xF;
	v5, _, _ =	vpop (xrf2)  }
0x69b: {  	p1 =	por !p3, !p1;
	s12 =	sadd.f32 s14, s12;
	(v2sf) =	vpush v5, $0xF  }
0x69c: {  	s2 =	sadd.s32 $0xFFFFFFFF, s2;
	p1 =	por !p1, !p1  }
0x69d: {  	s14 =	spop (v2sf);
	s1 =	smov.u32 @p1 s2;
	p2 =	sge.f32 s12, $6.291450000e+05  }
0x69e: {  	s15 =	spop (v2sf);
	p4 =	slt.s32 s1, $0x0  }
0x69f: {  	(xrf2) =	vadd.scan.msk.f32 $0xffff, v4;
	s15 =	sadd.f32 s15, s12;
	p2 =	por !p4, !p2  }
0x6a0: {  	s2 =	sadd.s32 $0xFFFFFFFF, s2;
	p2 =	por !p2, !p2  }
0x6a1: {  	p5 =	sge.f32 s15, $6.291450000e+05;
	s1 =	smov.u32 @p2 s2;
	s16 =	spop (v2sf)  }
0x6a2: {  	p4 =	slt.s32 s1, $0x0;
	s17 =	spop (v2sf)  }
0x6a3: {  	p3 =	por !p4, !p5;
	s17 =	sadd.f32 s17, s15  }
0x6a4: {  	s2 =	sadd.s32 $0xFFFFFFFF, s2;
	p3 =	por !p3, !p3  }
0x6a5: {  	s1 =	smov.u32 @p3 s2;
	p6 =	sge.f32 s17, $6.291450000e+05;
	s18 =	spop (v2sf)  }
0x6a6: {  	p5 =	slt.s32 s1, $0x0;
	s19 =	spop (v2sf)  }
0x6a7: {  	p4 =	por !p5, !p6;
	s19 =	sadd.f32 s19, s17  }
0x6a8: {  	s2 =	sadd.s32 $0xFFFFFFFF, s2;
	p4 =	por !p4, !p4  }
0x6a9: {  	v4, _, _ =	vpop (xrf2);
	s1 =	smov.u32 @p4 s2;
	p0 =	sge.f32 s19, $6.291450000e+05;
	s20 =	spop (v2sf)  }
0x6aa: {  	s4 =	smov.u32 @p1 s13;
	(v2sf) =	vpush v4, $0xF;
	p6 =	slt.s32 s1, $0x0;
	s21 =	spop (v2sf)  }
0x6ab: {  	s4 =	smov.u32 @p2 s12;
	p5 =	por !p6, !p0;
	s13 =	sadd.f32 s21, s19  }
0x6ac: {  	s4 =	smov.u32 @p3 s15;
	s2 =	sadd.s32 $0xFFFFFFFF, s2;
	p5 =	por !p5, !p5  }
0x6ad: {  	s4 =	smov.u32 @p4 s17;
	s1 =	smov.u32 @p5 s2;
	p6 =	sge.f32 s13, $6.291450000e+05  }
0x6ae: {  	s4 =	smov.u32 @p5 s19;
	p0 =	slt.s32 s1, $0x0;
	s19 =	sld [smem:$0x7F6]  }
0x6af: {  	p0 =	por !p0, !p6  }
0x6b0: {  	p6 =	por !p0, !p0  }
0x6b1: {  	p0 =	seq.s32 s19, $0x1;
	s4 =	smov.u32 @p6 s13  }
0x6b2: {  	s1 =	sadd.f32 s14, s11;
	v4 =	vmov @!p0 s4  }
0x6b3: {  	(erf) = vrcp.f32 @!p0 v4  }
0x6b4: {  	s2 =	sadd.f32 s16, s1;
	_ =	sdelay $0x1  }
0x6b5: {  	s4 =	sadd.f32 s18, s2  }
0x6b6: {  	s0 =	smov.u32 @p1 s11  }
0x6b7: {  	s0 =	smov.u32 @p2 s1;
	s1 =	sadd.f32 s20, s4  }
0x6b8: {  	s0 =	smov.u32 @p3 s2;
	s20 =	spop (v2sf)  }
0x6b9: {  	s0 =	smov.u32 @p4 s4;
	s2 =	sadd.f32 s20, s1  }
0x6ba: {  	s0 =	smov.u32 @p5 s1  }
0x6bb: {  	s0 =	smov.u32 @p6 s2;
	v4 =	vpop @!p0 (erf)  }
0x6bc: {  	v4 =	vmul.f32 @!p0 s0, v4;
	_ =	sdelay $0x1  }
0x6bd: {  	s1 =	simm.s32 @!p0 $0x12200;
	s2 =	rddreg [dreg:$0x1];
	s0 =	simm.s32 @!p0 $0x0;
	[tilespmem:$0x12200] =	vst @!p0 v4  }
0x6be: {  	[hbm4b:s2+s0] =	stream.linear.scatter @!p0 [tilespmem:s1], [sflag:$0x3], $0x80, $0x38;
	[tilespmem:$0x13380] =	vst v63  }
0x6bf: {  	s0 =	simm.s32 @!p0 $0x3  }
0x6c0: {  	_ =	swait.ge @!p0 [sflag:s0], $0x80  }
0x6c1: {  	s31 =	sadd.s32 $0x1, s31;
	s21 =	rddreg [dreg:$0x13]  }
0x6c2: {  	p1 =	sne.s32 s31, s21  }
.Ltmp12:
0x6c3: {  	_ = 	snop;
	(pc) =	sbr.rel @p1 .LBB2_1-.Ltmp12, $3  }
0x6c4: {  	_ =	sdelay $0x1  }
0x6c5: {  	[sflag:s0] =	ssyncset.done @!p0 $0x0  }
0x6c6: {  	s19 =	smov.u32 s8;
	s20 =	simm.s32 $0x11000;
	[sflag:s0] =	ssyncadd.s32 @!p0 $0xFFFFFF80  }
0x6c7: {  	_ =	sfence.sel $0x180000  }
0x6c8: {  	[bflag:$0x0] =	sbarrier.arrive $0xFFFF  }
0x6c9: {  	_ =	strace $0x90000047  }
0x6ca: {  	s0 =	stileid.u32;
	[bflag:$0x2] =	sbarrier.arrive $0xFFFF  }
0x6cb: {  	p0 =	sne.s32 s0, $0x0;
	s0 =	rddreg [dreg:$0x4]  }
0x6cc: {  	s0 =	sadd.s32 @!p0 $0x100000, s0  }
0x6cd: {  	[sflag:s0] =	ssyncadd.tile.s32 @!p0 $0x1;
	_ =	shalt  }
.Lfunc_end2:
_tile_overlayer_lowered:
.L_overlay_start_2:
0x6ce: {  	(tag) =	ssettag $0x2  }
0x6cf: {  	s0 =	rddreg [dreg:$0x0];
	s2 =	stileid.u32  }
0x6d0: {  	s1 =	rddreg [dreg:$0x1];
	p0 =	sne.s32 s2, $0x0  }
0x6d1: {  	s3 =	rddreg [dreg:$0x2];
	[bflag:$0x3] =	sbarrier.arrive $0xFFFF;
	s2 =	simm.s32 @!p0 $0x1C03  }
0x6d2: {  	[timem:s3], [sflag:s2] =	dma.local @!p0 [hbm:s0], s1  }
0x6d3: {  	s0 =	simm.s32 @!p0 $0x3  }
0x6d4: {  	_ =	swait.ge @!p0 [sflag:s0], s1  }
0x6d5: {  	s1 =	ssub.s32 @!p0 $0x0, s1;
	[sflag:s0] =	ssyncset.done @!p0 $0x0  }
0x6d6: {  	[sflag:s0] =	ssyncadd.s32 @!p0 s1  }
0x6d7: {  	[bflag:$0x3] =	sbarrier.arrive $0xFFFF  }
0x6d8: {  	_ =	shalt  }

</sc_bundles>
